<compile_context>
chip_gen: v7x
topology: tpu7x:2x2x1
jax: 0.10.2.dev20260603
libtpu: 0.0.44.dev20260713+nightly
codegen_flags: <defaults>
</compile_context>

<pallas_src>
import functools

import jax
import jax.numpy as jnp
from jax import lax
from jax.experimental import pallas as pl
from jax.experimental.pallas import tpu as pltpu
from jax.experimental.pallas import tpu_sc as plsc

_N = 10000
_E = 320000
_D = 128
_DE = 16
_H = 128
_NG = 64

_NC = 2
_NS = 16
_NW = _NC * _NS
_EW = _E // _NW
_C = 80
_NCHUNK = _EW // _C
_NP = 10240
_RT = _NP // _NS
_ZR = 32



_BE = 2000


def _edge_feat_body(ea_ref, w_ref, b_ref, e_ref):
    ea = ea_ref[...]
    e_ref[...] = jnp.dot(ea, w_ref[...], preferred_element_type=jnp.float32) + b_ref[...]


def _edge_feats(edge_attr, w, b):
    grid = (_E // _BE,)
    return pl.pallas_call(
        _edge_feat_body,
        grid=grid,
        in_specs=[
            pl.BlockSpec((_BE, _DE), lambda i: (i, 0)),
            pl.BlockSpec((_DE, _D), lambda i: (0, 0)),
            pl.BlockSpec((1, _D), lambda i: (0, 0)),
        ],
        out_specs=pl.BlockSpec((_BE, _D), lambda i: (i, 0)),
        out_shape=jax.ShapeDtypeStruct((_E, _D), jnp.float32),
    )(edge_attr, w, b.reshape(1, _D))




def _sc_gather_relu(x, e, src):
    mesh = plsc.VectorSubcoreMesh(core_axis_name="c", subcore_axis_name="s")

    @functools.partial(
        pl.kernel,
        out_type=jax.ShapeDtypeStruct((_E, _D), jnp.float32),
        mesh=mesh,
        scratch_types=[
            [pltpu.VMEM((_C,), jnp.int32)] * 2,
            [pltpu.VMEM((_C, _D), jnp.float32)] * 2,
            [pltpu.VMEM((_C, _D), jnp.float32)] * 2,
            [pltpu.SemaphoreType.DMA] * 2,
            [pltpu.SemaphoreType.DMA] * 2,
        ],
    )
    def k(x_hbm, e_hbm, src_hbm, out_hbm, src_v, xr_v, e_v, sem_e, sem_g):
        c = lax.axis_index("c")
        s = lax.axis_index("s")
        w = c * _NS + s

        def _issue(i, b):
            base = w * _EW + i * _C
            pltpu.sync_copy(src_hbm.at[pl.ds(base, _C)], src_v[b])
            cp_e = pltpu.async_copy(e_hbm.at[pl.ds(base, _C)], e_v[b], sem_e[b])
            cp_x = pltpu.async_copy(x_hbm.at[src_v[b]], xr_v[b], sem_g[b])
            return cp_e, cp_x

        def _compute_store(i, b):
            pltpu.make_async_copy(e_hbm.at[pl.ds(0, _C)], e_v[b], sem_e[b]).wait()
            pltpu.make_async_copy(x_hbm.at[pl.ds(0, _C)], xr_v[b], sem_g[b]).wait()

            def _row(r, rc):
                for j in range(_D // 16):
                    v = xr_v[b][r, pl.ds(j * 16, 16)] + e_v[b][r, pl.ds(j * 16, 16)]
                    e_v[b][r, pl.ds(j * 16, 16)] = jnp.maximum(v, 0.0)
                return rc

            lax.fori_loop(0, _C, _row, 0)
            base = w * _EW + i * _C
            pltpu.sync_copy(e_v[b], out_hbm.at[pl.ds(base, _C)])

        _issue(0, 0)
        _compute_store(0, 0)
        _issue(1, 0)

        def _pair(kk, carry):
            a = 2 * kk + 1
            _issue(a + 1, 1)
            _compute_store(a, 0)

            @pl.when(kk < (_NCHUNK - 1) // 2 - 1)
            def _():
                _issue(a + 2, 0)

            _compute_store(a + 1, 1)
            return carry

        lax.fori_loop(0, (_NCHUNK - 1) // 2, _pair, 0)

    return k(x, e, src)




def _sc_messages(x, e, src, dst):
    mesh = plsc.VectorSubcoreMesh(core_axis_name="c", subcore_axis_name="s")

    @functools.partial(
        pl.kernel,
        out_type=jax.ShapeDtypeStruct((_NC, _NP, _D), jnp.float32),
        mesh=mesh,
        scratch_types=[
            pltpu.VMEM_SHARED((_NP, _D), jnp.float32),
            [pltpu.VMEM((_C,), jnp.int32)] * 2,
            [pltpu.VMEM((_C,), jnp.int32)] * 2,
            [pltpu.VMEM((_C, _D), jnp.float32)] * 2,
            [pltpu.VMEM((_C, _D), jnp.float32)] * 2,
            pltpu.VMEM((_ZR, _D), jnp.float32),
            [pltpu.SemaphoreType.DMA] * 2,
            [pltpu.SemaphoreType.DMA] * 2,
        ],
    )
    def k(x_hbm, e_hbm, src_hbm, dst_hbm, out_hbm,
          aggr_sh, src_v, dst_v, xr_v, e_v, zb_v, sem_e, sem_g):
        c = lax.axis_index("c")
        s = lax.axis_index("s")
        w = c * _NS + s

        def _zrow(i, carry):
            for j in range(_D // 16):
                zb_v[i, pl.ds(j * 16, 16)] = jnp.zeros((16,), jnp.float32)
            return carry

        lax.fori_loop(0, _ZR, _zrow, 0)
        for b in range(_RT // _ZR):
            pltpu.sync_copy(zb_v, aggr_sh.at[pl.ds(s * _RT + b * _ZR, _ZR)])
        plsc.subcore_barrier()

        def _issue(i, b):
            base = w * _EW + i * _C
            pltpu.sync_copy(src_hbm.at[pl.ds(base, _C)], src_v[b])
            pltpu.sync_copy(dst_hbm.at[pl.ds(base, _C)], dst_v[b])
            pltpu.async_copy(e_hbm.at[pl.ds(base, _C)], e_v[b], sem_e[b])
            pltpu.async_copy(x_hbm.at[src_v[b]], xr_v[b], sem_g[b])

        def _compute_scatter(i, b):
            pltpu.make_async_copy(e_hbm.at[pl.ds(0, _C)], e_v[b], sem_e[b]).wait()
            pltpu.make_async_copy(x_hbm.at[pl.ds(0, _C)], xr_v[b], sem_g[b]).wait()

            def _row(r, rc):
                for j in range(_D // 16):
                    v = xr_v[b][r, pl.ds(j * 16, 16)] + e_v[b][r, pl.ds(j * 16, 16)]
                    e_v[b][r, pl.ds(j * 16, 16)] = jnp.maximum(v, 0.0)
                return rc

            lax.fori_loop(0, _C, _row, 0)
            pltpu.sync_copy(e_v[b], aggr_sh.at[dst_v[b]], add=True)

        _issue(0, 0)
        _compute_scatter(0, 0)
        _issue(1, 0)

        def _pair(kk, carry):
            a = 2 * kk + 1
            _issue(a + 1, 1)
            _compute_scatter(a, 0)

            @pl.when(kk < (_NCHUNK - 1) // 2 - 1)
            def _():
                _issue(a + 2, 0)

            _compute_scatter(a + 1, 1)
            return carry

        lax.fori_loop(0, (_NCHUNK - 1) // 2, _pair, 0)
        plsc.subcore_barrier()

        pltpu.sync_copy(aggr_sh.at[pl.ds(s * _RT, _RT)],
                        out_hbm.at[c, pl.ds(s * _RT, _RT)])

    return k(x, e, src, dst)



_BN = 1000


def _mlp_body(eps_ref, x_ref, a0_ref, wa_ref, ba_ref, wb_ref, bb_ref, o_ref):
    hin = x_ref[...] * eps_ref[0, 0] + a0_ref[...]
    t = jnp.maximum(jnp.dot(hin, wa_ref[...], preferred_element_type=jnp.float32)
                    + ba_ref[...], 0.0)
    h = jnp.maximum(jnp.dot(t, wb_ref[...], preferred_element_type=jnp.float32)
                    + bb_ref[...], 0.0)
    o_ref[...] = h


def _mlp1(x, a0, eps, wa, ba, wb, bb):
    grid = (_N // _BN,)
    return pl.pallas_call(
        _mlp_body,
        grid=grid,
        in_specs=[
            pl.BlockSpec(memory_space=pltpu.SMEM),
            pl.BlockSpec((_BN, _D), lambda i: (i, 0)),
            pl.BlockSpec((_BN, _D), lambda i: (i, 0)),
            pl.BlockSpec((_D, _H), lambda i: (0, 0)),
            pl.BlockSpec((1, _H), lambda i: (0, 0)),
            pl.BlockSpec((_H, _H), lambda i: (0, 0)),
            pl.BlockSpec((1, _H), lambda i: (0, 0)),
        ],
        out_specs=pl.BlockSpec((_BN, _H), lambda i: (i, 0)),
        out_shape=jax.ShapeDtypeStruct((_N, _H), jnp.float32),
    )((1.0 + eps).reshape(1, 1), x, a0, wa, ba.reshape(1, _H), wb, bb.reshape(1, _H))




def _mlp2_body(eps_ref, bf2_ref, x_ref, a0_ref, a1_ref, wa_ref, ba_ref, wb_ref,
               bb_ref, batch_ref, wf1_ref, bf1_ref, wf2_ref, o_ref, pooled_ref):
    i = pl.program_id(0)
    hin = x_ref[...] * eps_ref[0, 0] + a0_ref[...] + a1_ref[...]
    t = jnp.maximum(jnp.dot(hin, wa_ref[...], preferred_element_type=jnp.float32)
                    + ba_ref[...], 0.0)
    h = jnp.maximum(jnp.dot(t, wb_ref[...], preferred_element_type=jnp.float32)
                    + bb_ref[...], 0.0)
    ids = batch_ref[0]
    seg = lax.broadcasted_iota(jnp.int32, (_NG, _BN), 0)
    oh = (seg == ids).astype(jnp.float32)
    part = jnp.dot(oh, h, preferred_element_type=jnp.float32,
                   precision=lax.Precision.HIGHEST)

    @pl.when(i == 0)
    def _():
        pooled_ref[...] = part

    @pl.when(i > 0)
    def _():
        pooled_ref[...] = pooled_ref[...] + part

    @pl.when(i == (_N // _BN) - 1)
    def _():
        p = pooled_ref[...]
        f = jnp.maximum(jnp.dot(p, wf1_ref[...], preferred_element_type=jnp.float32)
                        + bf1_ref[...], 0.0)
        o_ref[...] = jnp.dot(f, wf2_ref[...], preferred_element_type=jnp.float32) \
            + bf2_ref[0, 0]


def _mlp2_pool_fc(x, a0, a1, eps, wa, ba, wb, bb, batch, wf1, bf1, wf2, bf2):
    grid = (_N // _BN,)
    wf2p = jnp.pad(wf2, ((0, 0), (0, _D - wf2.shape[1])))
    batch3 = batch.reshape(_N // _BN, 1, _BN)
    out = pl.pallas_call(
        _mlp2_body,
        grid=grid,
        in_specs=[
            pl.BlockSpec(memory_space=pltpu.SMEM),
            pl.BlockSpec(memory_space=pltpu.SMEM),
            pl.BlockSpec((_BN, _H), lambda i: (i, 0)),
            pl.BlockSpec((_BN, _H), lambda i: (i, 0)),
            pl.BlockSpec((_BN, _H), lambda i: (i, 0)),
            pl.BlockSpec((_H, _H), lambda i: (0, 0)),
            pl.BlockSpec((1, _H), lambda i: (0, 0)),
            pl.BlockSpec((_H, _H), lambda i: (0, 0)),
            pl.BlockSpec((1, _H), lambda i: (0, 0)),
            pl.BlockSpec((1, 1, _BN), lambda i: (i, 0, 0)),
            pl.BlockSpec((_H, 2 * _H), lambda i: (0, 0)),
            pl.BlockSpec((1, 2 * _H), lambda i: (0, 0)),
            pl.BlockSpec((2 * _H, _D), lambda i: (0, 0)),
        ],
        out_specs=pl.BlockSpec((_NG, _D), lambda i: (0, 0)),
        out_shape=jax.ShapeDtypeStruct((_NG, _D), jnp.float32),
        scratch_shapes=[pltpu.VMEM((_NG, _H), jnp.float32)],
    )((1.0 + eps).reshape(1, 1), bf2.reshape(1, 1), x, a0, a1, wa,
      ba.reshape(1, _H), wb, bb.reshape(1, _H), batch3, wf1,
      bf1.reshape(1, 2 * _H), wf2p)
    return out[:, :1]


def kernel(x, edge_index, edge_attr, batch,
           lin1_w, lin1_b, eps1, W1a, b1a, W1b, b1b,
           lin2_w, lin2_b, eps2, W2a, b2a, W2b, b2b,
           Wf1, bf1, Wf2, bf2):
    src = edge_index[0]
    dst = edge_index[1]
    e1 = _edge_feats(edge_attr, lin1_w, lin1_b)
    e2 = _edge_feats(edge_attr, lin2_w, lin2_b)

    m1 = _sc_gather_relu(x, e1, src)
    aggr1 = jnp.zeros((_N, _D), jnp.float32).at[dst].add(m1)
    h1 = _mlp1(x, aggr1, eps1, W1a, b1a, W1b, b1b)

    aggr2 = _sc_messages(h1, e2, src, dst)
    return _mlp2_pool_fc(h1, aggr2[0, :_N], aggr2[1, :_N], eps2, W2a, b2a, W2b, b2b,
                         batch, Wf1, bf1, Wf2, bf2)

# --- scband reference (transcript-rebuilt; emitter-appended) ---
"""Pipeline reference for scband-gine-893353197705 (READ-ONLY COPY).

The authoritative reference and input builder live on the scoring server;
editing this copy changes nothing except your own understanding.
"""

import jax, jax.numpy as jnp
import numpy as np

N = 10000
E = 320000
D = 128
DE = 16
H = 128
OUT = 1
NG = 64


def setup_inputs(seed: int = 0) -> dict:
    key = jax.random.key(seed)
    ks = jax.random.split(key, 24)
    s = 0.05
    inp = {}
    inp["x"] = jax.random.normal(ks[0], (N, D), dtype=jnp.float32)
    inp["edge_index"] = jax.random.randint(ks[1], (2, E), 0, N, dtype=jnp.int32)
    inp["edge_attr"] = jax.random.normal(ks[2], (E, DE), dtype=jnp.float32)
    inp["batch"] = jnp.sort(jax.random.randint(ks[3], (N,), 0, NG, dtype=jnp.int32))
    # conv1 params
    inp["lin1_w"] = jax.random.normal(ks[4], (DE, D), dtype=jnp.float32) * s
    inp["lin1_b"] = jnp.zeros((D,), dtype=jnp.float32)
    inp["eps1"] = jnp.zeros((), dtype=jnp.float32)
    inp["W1a"] = jax.random.normal(ks[5], (D, H), dtype=jnp.float32) * s
    inp["b1a"] = jnp.zeros((H,), dtype=jnp.float32)
    inp["W1b"] = jax.random.normal(ks[6], (H, H), dtype=jnp.float32) * s
    inp["b1b"] = jnp.zeros((H,), dtype=jnp.float32)
    # conv2 params
    inp["lin2_w"] = jax.random.normal(ks[7], (DE, H), dtype=jnp.float32) * s
    inp["lin2_b"] = jnp.zeros((H,), dtype=jnp.float32)
    inp["eps2"] = jnp.zeros((), dtype=jnp.float32)
    inp["W2a"] = jax.random.normal(ks[8], (H, H), dtype=jnp.float32) * s
    inp["b2a"] = jnp.zeros((H,), dtype=jnp.float32)
    inp["W2b"] = jax.random.normal(ks[9], (H, H), dtype=jnp.float32) * s
    inp["b2b"] = jnp.zeros((H,), dtype=jnp.float32)
    # fc block
    inp["Wf1"] = jax.random.normal(ks[10], (H, 2 * H), dtype=jnp.float32) * s
    inp["bf1"] = jnp.zeros((2 * H,), dtype=jnp.float32)
    inp["Wf2"] = jax.random.normal(ks[11], (2 * H, OUT), dtype=jnp.float32) * s
    inp["bf2"] = jnp.zeros((OUT,), dtype=jnp.float32)
    return inp


def _gine_conv(x, edge_index, edge_attr, lin_w, lin_b, eps, Wa, ba, Wb, bb):
    src = edge_index[0]
    dst = edge_index[1]
    e = edge_attr @ lin_w + lin_b
    m = jax.nn.relu(x[src] + e)
    aggr = jnp.zeros_like(x).at[dst].add(m)
    h = (1.0 + eps) * x + aggr
    h = jax.nn.relu(h @ Wa + ba) @ Wb + bb
    return h


def reference(x, edge_index, edge_attr, batch,
              lin1_w, lin1_b, eps1, W1a, b1a, W1b, b1b,
              lin2_w, lin2_b, eps2, W2a, b2a, W2b, b2b,
              Wf1, bf1, Wf2, bf2):
    # conv1 + relu (dropout is identity in eval)
    h = jax.nn.relu(_gine_conv(x, edge_index, edge_attr, lin1_w, lin1_b, eps1, W1a, b1a, W1b, b1b))
    # conv2 + relu
    h = jax.nn.relu(_gine_conv(h, edge_index, edge_attr, lin2_w, lin2_b, eps2, W2a, b2a, W2b, b2b))
    # global add pool
    pooled = jax.ops.segment_sum(h, batch, num_segments=NG)
    # fc block (dropout identity in eval)
    out = jax.nn.relu(pooled @ Wf1 + bf1) @ Wf2 + bf2
    return out

if __name__ == "__main__":
    import jax
    _d = setup_inputs()
    print(jax.jit(kernel)(*tuple(_d.values())))

</pallas_src>

<mosaic_0001>
#map = affine_map<(d0, d1) -> (0, 0)>
#map1 = affine_map<(d0, d1) -> (0)>
module attributes {stable_mosaic.version = 14 : i64} {
  func.func @k(%arg0: i32, %arg1: i32, %arg2: memref<10000x128xf32, #tpu.memory_space<hbm>>, %arg3: memref<320000x128xf32, #tpu.memory_space<hbm>>, %arg4: memref<320000xi32, #tpu.memory_space<hbm>>, %arg5: memref<320000x128xf32, #tpu.memory_space<hbm>>, %arg6: memref<80xi32, #tpu.memory_space<vmem>>, %arg7: memref<80xi32, #tpu.memory_space<vmem>>, %arg8: memref<80x128xf32, #tpu.memory_space<vmem>>, %arg9: memref<80x128xf32, #tpu.memory_space<vmem>>, %arg10: memref<80x128xf32, #tpu.memory_space<vmem>>, %arg11: memref<80x128xf32, #tpu.memory_space<vmem>>, %arg12: memref<!tpu.dma_semaphore, #tpu.memory_space<semaphore_mem>>, %arg13: memref<!tpu.dma_semaphore, #tpu.memory_space<semaphore_mem>>, %arg14: memref<!tpu.dma_semaphore, #tpu.memory_space<semaphore_mem>>, %arg15: memref<!tpu.dma_semaphore, #tpu.memory_space<semaphore_mem>>) attributes {dimension_semantics = [#tpu.dimension_semantics<core_parallel>, #tpu.dimension_semantics<subcore_parallel>], iteration_bounds = array<i64: 2, 16>, scalar_prefetch = 0 : i64, scratch_operands = 10 : i64, tpu.core_type = #tpu.core_type<sc_vector_subcore>, window_params = [{transform_indices = #map}, {transform_indices = #map}, {transform_indices = #map1}, {transform_indices = #map}]} {
    %mul3A = arith.constant 16 : i32
    %mul3A_0 = arith.muli %arg0, %mul3A : i32
    %add3A = arith.addi %mul3A_0, %arg1 : i32
    %mul3A_1 = arith.constant 10000 : i32
    %mul3A_2 = arith.muli %add3A, %mul3A_1 : i32
    %add3A_3 = arith.constant 0 : i32
    %add3A_4 = arith.addi %mul3A_2, %add3A_3 : i32
    "tpu.region"() ({
      %run_scoped3A = tpu.sem_alloc : memref<!tpu.dma_semaphore, #tpu.memory_space<semaphore_mem>>
      %dma_start3A_48 = tpu.memref_slice %arg4[%add3A_4] : memref<320000xi32, #tpu.memory_space<hbm>> -> memref<80xi32, #tpu.memory_space<hbm>>
      %dma_start3A_49 = tpu.memref_slice %arg4[%add3A_4] : memref<320000xi32, #tpu.memory_space<hbm>> -> memref<80xi32, #tpu.memory_space<hbm>>
      tpu.enqueue_dma source(%dma_start3A_49 : memref<80xi32, #tpu.memory_space<hbm>>) target(%arg6 : memref<80xi32, #tpu.memory_space<vmem>>) target_semaphore(%run_scoped3A : memref<!tpu.dma_semaphore, #tpu.memory_space<semaphore_mem>>)
      %dma_wait3A_50 = tpu.memref_slice %arg4[%add3A_4] : memref<320000xi32, #tpu.memory_space<hbm>> -> memref<80xi32, #tpu.memory_space<hbm>>
      %dma_wait3A_51 = tpu.memref_slice %arg4[%add3A_4] : memref<320000xi32, #tpu.memory_space<hbm>> -> memref<80xi32, #tpu.memory_space<hbm>>
      tpu.wait_dma2 semaphore(%run_scoped3A : memref<!tpu.dma_semaphore, #tpu.memory_space<semaphore_mem>>) src(%dma_wait3A_51 : memref<80xi32, #tpu.memory_space<hbm>>) dst(%arg6 : memref<80xi32, #tpu.memory_space<vmem>>)
      tpu.yield
    }) : () -> ()
    %dma_start3A = arith.constant 0 : i32
    %dma_start3A_5 = tpu.memref_slice %arg3[%add3A_4, %dma_start3A] : memref<320000x128xf32, #tpu.memory_space<hbm>> -> memref<80x128xf32, #tpu.memory_space<hbm>>
    %dma_start3A_6 = arith.constant 0 : i32
    %dma_start3A_7 = tpu.memref_slice %arg3[%add3A_4, %dma_start3A_6] : memref<320000x128xf32, #tpu.memory_space<hbm>> -> memref<80x128xf32, #tpu.memory_space<hbm>>
    tpu.enqueue_dma source(%dma_start3A_7 : memref<80x128xf32, #tpu.memory_space<hbm>>) target(%arg10 : memref<80x128xf32, #tpu.memory_space<vmem>>) target_semaphore(%arg12 : memref<!tpu.dma_semaphore, #tpu.memory_space<semaphore_mem>>)
    %dma_start3A_8 = arith.constant 0 : i32
    %dma_start3A_9 = arith.constant 0 : i32
    %dma_start3A_10 = tpu.memref_slice %arg2[%dma_start3A_8, %dma_start3A_9] : memref<10000x128xf32, #tpu.memory_space<hbm>> -> memref<10000x128xf32, #tpu.memory_space<hbm>>
    tpu.enqueue_indirect_dma source(%dma_start3A_10 : memref<10000x128xf32, #tpu.memory_space<hbm>>) target(%arg8 : memref<80x128xf32, #tpu.memory_space<vmem>>) offsets(%arg6 : memref<80xi32, #tpu.memory_space<vmem>>) semaphore(%arg14 : memref<!tpu.dma_semaphore, #tpu.memory_space<semaphore_mem>>)
    %dma_wait3A = arith.constant 0 : i32
    %dma_wait3A_11 = arith.constant 0 : i32
    %dma_wait3A_12 = tpu.memref_slice %arg3[%dma_wait3A, %dma_wait3A_11] : memref<320000x128xf32, #tpu.memory_space<hbm>> -> memref<80x128xf32, #tpu.memory_space<hbm>>
    %dma_wait3A_13 = arith.constant 0 : i32
    %dma_wait3A_14 = arith.constant 0 : i32
    %dma_wait3A_15 = tpu.memref_slice %arg3[%dma_wait3A_13, %dma_wait3A_14] : memref<320000x128xf32, #tpu.memory_space<hbm>> -> memref<80x128xf32, #tpu.memory_space<hbm>>
    tpu.wait_dma2 semaphore(%arg12 : memref<!tpu.dma_semaphore, #tpu.memory_space<semaphore_mem>>) src(%dma_wait3A_15 : memref<80x128xf32, #tpu.memory_space<hbm>>) dst(%arg10 : memref<80x128xf32, #tpu.memory_space<vmem>>)
    %dma_wait3A_16 = arith.constant 0 : i32
    %dma_wait3A_17 = arith.constant 0 : i32
    %dma_wait3A_18 = tpu.memref_slice %arg2[%dma_wait3A_16, %dma_wait3A_17] : memref<10000x128xf32, #tpu.memory_space<hbm>> -> memref<80x128xf32, #tpu.memory_space<hbm>>
    %dma_wait3A_19 = arith.constant 0 : i32
    %dma_wait3A_20 = arith.constant 0 : i32
    %dma_wait3A_21 = tpu.memref_slice %arg2[%dma_wait3A_19, %dma_wait3A_20] : memref<10000x128xf32, #tpu.memory_space<hbm>> -> memref<80x128xf32, #tpu.memory_space<hbm>>
    tpu.wait_dma2 semaphore(%arg14 : memref<!tpu.dma_semaphore, #tpu.memory_space<semaphore_mem>>) src(%dma_wait3A_21 : memref<80x128xf32, #tpu.memory_space<hbm>>) dst(%arg8 : memref<80x128xf32, #tpu.memory_space<vmem>>)
    %scan3A = arith.constant 0 : i32
    %scan3A_22 = arith.constant 0 : i32
    %scan3A_23 = arith.constant 80 : i32
    %scan3A_24 = arith.addi %scan3A_22, %scan3A_23 : i32
    %scan3A_25 = arith.constant 1 : i32
    scf.for %scan3A_48 = %scan3A_22 to %scan3A_24 step %scan3A_25  : i32 {
      %get3A = arith.index_cast %scan3A_48 : i32 to index
      %get3A_49 = arith.constant 0 : index
      %get3A_50 = tpu.vector_load %arg8[%get3A, %get3A_49] {strides = array<i32>} : memref<80x128xf32, #tpu.memory_space<vmem>>, vector<1x16xf32>,
      %get3A_51 = vector.shape_cast %get3A_50 : vector<1x16xf32> to vector<16xf32>
      %get3A_52 = arith.index_cast %scan3A_48 : i32 to index
      %get3A_53 = arith.constant 0 : index
      %get3A_54 = tpu.vector_load %arg10[%get3A_52, %get3A_53] {strides = array<i32>} : memref<80x128xf32, #tpu.memory_space<vmem>>, vector<1x16xf32>,
      %get3A_55 = vector.shape_cast %get3A_54 : vector<1x16xf32> to vector<16xf32>
      %add3A_56 = arith.addf %get3A_51, %get3A_55 : vector<16xf32>
      %max3A = arith.constant 0.000000e+00 : f32
      %max3A_57 = vector.broadcast %max3A : f32 to vector<16xf32>
      %max3A_58 = arith.maximumf %add3A_56, %max3A_57 : vector<16xf32>
      %swap3A = arith.index_cast %scan3A_48 : i32 to index
      %swap3A_59 = arith.constant 0 : index
      %swap3A_60 = tpu.vector_load %arg10[%swap3A, %swap3A_59] {strides = array<i32>} : memref<80x128xf32, #tpu.memory_space<vmem>>, vector<1x16xf32>,
      %swap3A_61 = vector.shape_cast %swap3A_60 : vector<1x16xf32> to vector<16xf32>
      %swap3A_62 = vector.shape_cast %max3A_58 : vector<16xf32> to vector<1x16xf32>
      tpu.vector_store %arg10[%swap3A, %swap3A_59], %swap3A_62 {strides = array<i32>} : memref<80x128xf32, #tpu.memory_space<vmem>>, vector<1x16xf32>,
      %get3A_63 = arith.index_cast %scan3A_48 : i32 to index
      %get3A_64 = arith.constant 16 : index
      %get3A_65 = tpu.vector_load %arg8[%get3A_63, %get3A_64] {strides = array<i32>} : memref<80x128xf32, #tpu.memory_space<vmem>>, vector<1x16xf32>,
      %get3A_66 = vector.shape_cast %get3A_65 : vector<1x16xf32> to vector<16xf32>
      %get3A_67 = arith.index_cast %scan3A_48 : i32 to index
      %get3A_68 = arith.constant 16 : index
      %get3A_69 = tpu.vector_load %arg10[%get3A_67, %get3A_68] {strides = array<i32>} : memref<80x128xf32, #tpu.memory_space<vmem>>, vector<1x16xf32>,
      %get3A_70 = vector.shape_cast %get3A_69 : vector<1x16xf32> to vector<16xf32>
      %add3A_71 = arith.addf %get3A_66, %get3A_70 : vector<16xf32>
      %max3A_72 = arith.constant 0.000000e+00 : f32
      %max3A_73 = vector.broadcast %max3A_72 : f32 to vector<16xf32>
      %max3A_74 = arith.maximumf %add3A_71, %max3A_73 : vector<16xf32>
      %swap3A_75 = arith.index_cast %scan3A_48 : i32 to index
      %swap3A_76 = arith.constant 16 : index
      %swap3A_77 = tpu.vector_load %arg10[%swap3A_75, %swap3A_76] {strides = array<i32>} : memref<80x128xf32, #tpu.memory_space<vmem>>, vector<1x16xf32>,
      %swap3A_78 = vector.shape_cast %swap3A_77 : vector<1x16xf32> to vector<16xf32>
      %swap3A_79 = vector.shape_cast %max3A_74 : vector<16xf32> to vector<1x16xf32>
      tpu.vector_store %arg10[%swap3A_75, %swap3A_76], %swap3A_79 {strides = array<i32>} : memref<80x128xf32, #tpu.memory_space<vmem>>, vector<1x16xf32>,
      %get3A_80 = arith.index_cast %scan3A_48 : i32 to index
      %get3A_81 = arith.constant 32 : index
      %get3A_82 = tpu.vector_load %arg8[%get3A_80, %get3A_81] {strides = array<i32>} : memref<80x128xf32, #tpu.memory_space<vmem>>, vector<1x16xf32>,
      %get3A_83 = vector.shape_cast %get3A_82 : vector<1x16xf32> to vector<16xf32>
      %get3A_84 = arith.index_cast %scan3A_48 : i32 to index
      %get3A_85 = arith.constant 32 : index
      %get3A_86 = tpu.vector_load %arg10[%get3A_84, %get3A_85] {strides = array<i32>} : memref<80x128xf32, #tpu.memory_space<vmem>>, vector<1x16xf32>,
      %get3A_87 = vector.shape_cast %get3A_86 : vector<1x16xf32> to vector<16xf32>
      %add3A_88 = arith.addf %get3A_83, %get3A_87 : vector<16xf32>
      %max3A_89 = arith.constant 0.000000e+00 : f32
      %max3A_90 = vector.broadcast %max3A_89 : f32 to vector<16xf32>
      %max3A_91 = arith.maximumf %add3A_88, %max3A_90 : vector<16xf32>
      %swap3A_92 = arith.index_cast %scan3A_48 : i32 to index
      %swap3A_93 = arith.constant 32 : index
      %swap3A_94 = tpu.vector_load %arg10[%swap3A_92, %swap3A_93] {strides = array<i32>} : memref<80x128xf32, #tpu.memory_space<vmem>>, vector<1x16xf32>,
      %swap3A_95 = vector.shape_cast %swap3A_94 : vector<1x16xf32> to vector<16xf32>
      %swap3A_96 = vector.shape_cast %max3A_91 : vector<16xf32> to vector<1x16xf32>
      tpu.vector_store %arg10[%swap3A_92, %swap3A_93], %swap3A_96 {strides = array<i32>} : memref<80x128xf32, #tpu.memory_space<vmem>>, vector<1x16xf32>,
      %get3A_97 = arith.index_cast %scan3A_48 : i32 to index
      %get3A_98 = arith.constant 48 : index
      %get3A_99 = tpu.vector_load %arg8[%get3A_97, %get3A_98] {strides = array<i32>} : memref<80x128xf32, #tpu.memory_space<vmem>>, vector<1x16xf32>,
      %get3A_100 = vector.shape_cast %get3A_99 : vector<1x16xf32> to vector<16xf32>
      %get3A_101 = arith.index_cast %scan3A_48 : i32 to index
      %get3A_102 = arith.constant 48 : index
      %get3A_103 = tpu.vector_load %arg10[%get3A_101, %get3A_102] {strides = array<i32>} : memref<80x128xf32, #tpu.memory_space<vmem>>, vector<1x16xf32>,
      %get3A_104 = vector.shape_cast %get3A_103 : vector<1x16xf32> to vector<16xf32>
      %add3A_105 = arith.addf %get3A_100, %get3A_104 : vector<16xf32>
      %max3A_106 = arith.constant 0.000000e+00 : f32
      %max3A_107 = vector.broadcast %max3A_106 : f32 to vector<16xf32>
      %max3A_108 = arith.maximumf %add3A_105, %max3A_107 : vector<16xf32>
      %swap3A_109 = arith.index_cast %scan3A_48 : i32 to index
      %swap3A_110 = arith.constant 48 : index
      %swap3A_111 = tpu.vector_load %arg10[%swap3A_109, %swap3A_110] {strides = array<i32>} : memref<80x128xf32, #tpu.memory_space<vmem>>, vector<1x16xf32>,
      %swap3A_112 = vector.shape_cast %swap3A_111 : vector<1x16xf32> to vector<16xf32>
      %swap3A_113 = vector.shape_cast %max3A_108 : vector<16xf32> to vector<1x16xf32>
      tpu.vector_store %arg10[%swap3A_109, %swap3A_110], %swap3A_113 {strides = array<i32>} : memref<80x128xf32, #tpu.memory_space<vmem>>, vector<1x16xf32>,
      %get3A_114 = arith.index_cast %scan3A_48 : i32 to index
      %get3A_115 = arith.constant 64 : index
      %get3A_116 = tpu.vector_load %arg8[%get3A_114, %get3A_115] {strides = array<i32>} : memref<80x128xf32, #tpu.memory_space<vmem>>, vector<1x16xf32>,
      %get3A_117 = vector.shape_cast %get3A_116 : vector<1x16xf32> to vector<16xf32>
      %get3A_118 = arith.index_cast %scan3A_48 : i32 to index
      %get3A_119 = arith.constant 64 : index
      %get3A_120 = tpu.vector_load %arg10[%get3A_118, %get3A_119] {strides = array<i32>} : memref<80x128xf32, #tpu.memory_space<vmem>>, vector<1x16xf32>,
      %get3A_121 = vector.shape_cast %get3A_120 : vector<1x16xf32> to vector<16xf32>
      %add3A_122 = arith.addf %get3A_117, %get3A_121 : vector<16xf32>
      %max3A_123 = arith.constant 0.000000e+00 : f32
      %max3A_124 = vector.broadcast %max3A_123 : f32 to vector<16xf32>
      %max3A_125 = arith.maximumf %add3A_122, %max3A_124 : vector<16xf32>
      %swap3A_126 = arith.index_cast %scan3A_48 : i32 to index
      %swap3A_127 = arith.constant 64 : index
      %swap3A_128 = tpu.vector_load %arg10[%swap3A_126, %swap3A_127] {strides = array<i32>} : memref<80x128xf32, #tpu.memory_space<vmem>>, vector<1x16xf32>,
      %swap3A_129 = vector.shape_cast %swap3A_128 : vector<1x16xf32> to vector<16xf32>
      %swap3A_130 = vector.shape_cast %max3A_125 : vector<16xf32> to vector<1x16xf32>
      tpu.vector_store %arg10[%swap3A_126, %swap3A_127], %swap3A_130 {strides = array<i32>} : memref<80x128xf32, #tpu.memory_space<vmem>>, vector<1x16xf32>,
      %get3A_131 = arith.index_cast %scan3A_48 : i32 to index
      %get3A_132 = arith.constant 80 : index
      %get3A_133 = tpu.vector_load %arg8[%get3A_131, %get3A_132] {strides = array<i32>} : memref<80x128xf32, #tpu.memory_space<vmem>>, vector<1x16xf32>,
      %get3A_134 = vector.shape_cast %get3A_133 : vector<1x16xf32> to vector<16xf32>
      %get3A_135 = arith.index_cast %scan3A_48 : i32 to index
      %get3A_136 = arith.constant 80 : index
      %get3A_137 = tpu.vector_load %arg10[%get3A_135, %get3A_136] {strides = array<i32>} : memref<80x128xf32, #tpu.memory_space<vmem>>, vector<1x16xf32>,
      %get3A_138 = vector.shape_cast %get3A_137 : vector<1x16xf32> to vector<16xf32>
      %add3A_139 = arith.addf %get3A_134, %get3A_138 : vector<16xf32>
      %max3A_140 = arith.constant 0.000000e+00 : f32
      %max3A_141 = vector.broadcast %max3A_140 : f32 to vector<16xf32>
      %max3A_142 = arith.maximumf %add3A_139, %max3A_141 : vector<16xf32>
      %swap3A_143 = arith.index_cast %scan3A_48 : i32 to index
      %swap3A_144 = arith.constant 80 : index
      %swap3A_145 = tpu.vector_load %arg10[%swap3A_143, %swap3A_144] {strides = array<i32>} : memref<80x128xf32, #tpu.memory_space<vmem>>, vector<1x16xf32>,
      %swap3A_146 = vector.shape_cast %swap3A_145 : vector<1x16xf32> to vector<16xf32>
      %swap3A_147 = vector.shape_cast %max3A_142 : vector<16xf32> to vector<1x16xf32>
      tpu.vector_store %arg10[%swap3A_143, %swap3A_144], %swap3A_147 {strides = array<i32>} : memref<80x128xf32, #tpu.memory_space<vmem>>, vector<1x16xf32>,
      %get3A_148 = arith.index_cast %scan3A_48 : i32 to index
      %get3A_149 = arith.constant 96 : index
      %get3A_150 = tpu.vector_load %arg8[%get3A_148, %get3A_149] {strides = array<i32>} : memref<80x128xf32, #tpu.memory_space<vmem>>, vector<1x16xf32>,
      %get3A_151 = vector.shape_cast %get3A_150 : vector<1x16xf32> to vector<16xf32>
      %get3A_152 = arith.index_cast %scan3A_48 : i32 to index
      %get3A_153 = arith.constant 96 : index
      %get3A_154 = tpu.vector_load %arg10[%get3A_152, %get3A_153] {strides = array<i32>} : memref<80x128xf32, #tpu.memory_space<vmem>>, vector<1x16xf32>,
      %get3A_155 = vector.shape_cast %get3A_154 : vector<1x16xf32> to vector<16xf32>
      %add3A_156 = arith.addf %get3A_151, %get3A_155 : vector<16xf32>
      %max3A_157 = arith.constant 0.000000e+00 : f32
      %max3A_158 = vector.broadcast %max3A_157 : f32 to vector<16xf32>
      %max3A_159 = arith.maximumf %add3A_156, %max3A_158 : vector<16xf32>
      %swap3A_160 = arith.index_cast %scan3A_48 : i32 to index
      %swap3A_161 = arith.constant 96 : index
      %swap3A_162 = tpu.vector_load %arg10[%swap3A_160, %swap3A_161] {strides = array<i32>} : memref<80x128xf32, #tpu.memory_space<vmem>>, vector<1x16xf32>,
      %swap3A_163 = vector.shape_cast %swap3A_162 : vector<1x16xf32> to vector<16xf32>
      %swap3A_164 = vector.shape_cast %max3A_159 : vector<16xf32> to vector<1x16xf32>
      tpu.vector_store %arg10[%swap3A_160, %swap3A_161], %swap3A_164 {strides = array<i32>} : memref<80x128xf32, #tpu.memory_space<vmem>>, vector<1x16xf32>,
      %get3A_165 = arith.index_cast %scan3A_48 : i32 to index
      %get3A_166 = arith.constant 112 : index
      %get3A_167 = tpu.vector_load %arg8[%get3A_165, %get3A_166] {strides = array<i32>} : memref<80x128xf32, #tpu.memory_space<vmem>>, vector<1x16xf32>,
      %get3A_168 = vector.shape_cast %get3A_167 : vector<1x16xf32> to vector<16xf32>
      %get3A_169 = arith.index_cast %scan3A_48 : i32 to index
      %get3A_170 = arith.constant 112 : index
      %get3A_171 = tpu.vector_load %arg10[%get3A_169, %get3A_170] {strides = array<i32>} : memref<80x128xf32, #tpu.memory_space<vmem>>, vector<1x16xf32>,
      %get3A_172 = vector.shape_cast %get3A_171 : vector<1x16xf32> to vector<16xf32>
      %add3A_173 = arith.addf %get3A_168, %get3A_172 : vector<16xf32>
      %max3A_174 = arith.constant 0.000000e+00 : f32
      %max3A_175 = vector.broadcast %max3A_174 : f32 to vector<16xf32>
      %max3A_176 = arith.maximumf %add3A_173, %max3A_175 : vector<16xf32>
      %swap3A_177 = arith.index_cast %scan3A_48 : i32 to index
      %swap3A_178 = arith.constant 112 : index
      %swap3A_179 = tpu.vector_load %arg10[%swap3A_177, %swap3A_178] {strides = array<i32>} : memref<80x128xf32, #tpu.memory_space<vmem>>, vector<1x16xf32>,
      %swap3A_180 = vector.shape_cast %swap3A_179 : vector<1x16xf32> to vector<16xf32>
      %swap3A_181 = vector.shape_cast %max3A_176 : vector<16xf32> to vector<1x16xf32>
      tpu.vector_store %arg10[%swap3A_177, %swap3A_178], %swap3A_181 {strides = array<i32>} : memref<80x128xf32, #tpu.memory_space<vmem>>, vector<1x16xf32>,
    }
    %scan3A_26 = arith.constant 80 : i32
    %mul3A_27 = arith.constant 10000 : i32
    %mul3A_28 = arith.muli %add3A, %mul3A_27 : i32
    %add3A_29 = arith.constant 0 : i32
    %add3A_30 = arith.addi %mul3A_28, %add3A_29 : i32
    "tpu.region"() ({
      %run_scoped3A = tpu.sem_alloc : memref<!tpu.dma_semaphore, #tpu.memory_space<semaphore_mem>>
      %dma_start3A_48 = arith.constant 0 : i32
      %dma_start3A_49 = tpu.memref_slice %arg5[%add3A_30, %dma_start3A_48] : memref<320000x128xf32, #tpu.memory_space<hbm>> -> memref<80x128xf32, #tpu.memory_space<hbm>>
      %dma_start3A_50 = arith.constant 0 : i32
      %dma_start3A_51 = tpu.memref_slice %arg5[%add3A_30, %dma_start3A_50] : memref<320000x128xf32, #tpu.memory_space<hbm>> -> memref<80x128xf32, #tpu.memory_space<hbm>>
      tpu.enqueue_dma source(%arg10 : memref<80x128xf32, #tpu.memory_space<vmem>>) target(%dma_start3A_51 : memref<80x128xf32, #tpu.memory_space<hbm>>) target_semaphore(%run_scoped3A : memref<!tpu.dma_semaphore, #tpu.memory_space<semaphore_mem>>)
      %dma_wait3A_52 = arith.constant 0 : i32
      %dma_wait3A_53 = tpu.memref_slice %arg5[%add3A_30, %dma_wait3A_52] : memref<320000x128xf32, #tpu.memory_space<hbm>> -> memref<80x128xf32, #tpu.memory_space<hbm>>
      %dma_wait3A_54 = arith.constant 0 : i32
      %dma_wait3A_55 = tpu.memref_slice %arg5[%add3A_30, %dma_wait3A_54] : memref<320000x128xf32, #tpu.memory_space<hbm>> -> memref<80x128xf32, #tpu.memory_space<hbm>>
      tpu.wait_dma2 semaphore(%run_scoped3A : memref<!tpu.dma_semaphore, #tpu.memory_space<semaphore_mem>>) src(%arg10 : memref<80x128xf32, #tpu.memory_space<vmem>>) dst(%dma_wait3A_55 : memref<80x128xf32, #tpu.memory_space<hbm>>)
      tpu.yield
    }) : () -> ()
    %mul3A_31 = arith.constant 10000 : i32
    %mul3A_32 = arith.muli %add3A, %mul3A_31 : i32
    %add3A_33 = arith.constant 80 : i32
    %add3A_34 = arith.addi %mul3A_32, %add3A_33 : i32
    "tpu.region"() ({
      %run_scoped3A = tpu.sem_alloc : memref<!tpu.dma_semaphore, #tpu.memory_space<semaphore_mem>>
      %dma_start3A_48 = tpu.memref_slice %arg4[%add3A_34] : memref<320000xi32, #tpu.memory_space<hbm>> -> memref<80xi32, #tpu.memory_space<hbm>>
      %dma_start3A_49 = tpu.memref_slice %arg4[%add3A_34] : memref<320000xi32, #tpu.memory_space<hbm>> -> memref<80xi32, #tpu.memory_space<hbm>>
      tpu.enqueue_dma source(%dma_start3A_49 : memref<80xi32, #tpu.memory_space<hbm>>) target(%arg6 : memref<80xi32, #tpu.memory_space<vmem>>) target_semaphore(%run_scoped3A : memref<!tpu.dma_semaphore, #tpu.memory_space<semaphore_mem>>)
      %dma_wait3A_50 = tpu.memref_slice %arg4[%add3A_34] : memref<320000xi32, #tpu.memory_space<hbm>> -> memref<80xi32, #tpu.memory_space<hbm>>
      %dma_wait3A_51 = tpu.memref_slice %arg4[%add3A_34] : memref<320000xi32, #tpu.memory_space<hbm>> -> memref<80xi32, #tpu.memory_space<hbm>>
      tpu.wait_dma2 semaphore(%run_scoped3A : memref<!tpu.dma_semaphore, #tpu.memory_space<semaphore_mem>>) src(%dma_wait3A_51 : memref<80xi32, #tpu.memory_space<hbm>>) dst(%arg6 : memref<80xi32, #tpu.memory_space<vmem>>)
      tpu.yield
    }) : () -> ()
    %dma_start3A_35 = arith.constant 0 : i32
    %dma_start3A_36 = tpu.memref_slice %arg3[%add3A_34, %dma_start3A_35] : memref<320000x128xf32, #tpu.memory_space<hbm>> -> memref<80x128xf32, #tpu.memory_space<hbm>>
    %dma_start3A_37 = arith.constant 0 : i32
    %dma_start3A_38 = tpu.memref_slice %arg3[%add3A_34, %dma_start3A_37] : memref<320000x128xf32, #tpu.memory_space<hbm>> -> memref<80x128xf32, #tpu.memory_space<hbm>>
    tpu.enqueue_dma source(%dma_start3A_38 : memref<80x128xf32, #tpu.memory_space<hbm>>) target(%arg10 : memref<80x128xf32, #tpu.memory_space<vmem>>) target_semaphore(%arg12 : memref<!tpu.dma_semaphore, #tpu.memory_space<semaphore_mem>>)
    %dma_start3A_39 = arith.constant 0 : i32
    %dma_start3A_40 = arith.constant 0 : i32
    %dma_start3A_41 = tpu.memref_slice %arg2[%dma_start3A_39, %dma_start3A_40] : memref<10000x128xf32, #tpu.memory_space<hbm>> -> memref<10000x128xf32, #tpu.memory_space<hbm>>
    tpu.enqueue_indirect_dma source(%dma_start3A_41 : memref<10000x128xf32, #tpu.memory_space<hbm>>) target(%arg8 : memref<80x128xf32, #tpu.memory_space<vmem>>) offsets(%arg6 : memref<80xi32, #tpu.memory_space<vmem>>) semaphore(%arg14 : memref<!tpu.dma_semaphore, #tpu.memory_space<semaphore_mem>>)
    %scan3A_42 = arith.constant 0 : i32
    %scan3A_43 = arith.constant 0 : i32
    %scan3A_44 = arith.constant 62 : i32
    %scan3A_45 = arith.addi %scan3A_43, %scan3A_44 : i32
    %scan3A_46 = arith.constant 1 : i32
    scf.for %scan3A_48 = %scan3A_43 to %scan3A_45 step %scan3A_46  : i32 {
      %mul3A_49 = arith.constant 2 : i32
      %mul3A_50 = arith.muli %mul3A_49, %scan3A_48 : i32
      %add3A_51 = arith.constant 1 : i32
      %add3A_52 = arith.addi %mul3A_50, %add3A_51 : i32
      %add3A_53 = arith.constant 1 : i32
      %add3A_54 = arith.addi %add3A_52, %add3A_53 : i32
      %mul3A_55 = arith.constant 10000 : i32
      %mul3A_56 = arith.muli %add3A, %mul3A_55 : i32
      %mul3A_57 = arith.constant 80 : i32
      %mul3A_58 = arith.muli %add3A_54, %mul3A_57 : i32
      %add3A_59 = arith.addi %mul3A_56, %mul3A_58 : i32
      "tpu.region"() ({
        %run_scoped3A = tpu.sem_alloc : memref<!tpu.dma_semaphore, #tpu.memory_space<semaphore_mem>>
        %dma_start3A_117 = tpu.memref_slice %arg4[%add3A_59] : memref<320000xi32, #tpu.memory_space<hbm>> -> memref<80xi32, #tpu.memory_space<hbm>>
        %dma_start3A_118 = tpu.memref_slice %arg4[%add3A_59] : memref<320000xi32, #tpu.memory_space<hbm>> -> memref<80xi32, #tpu.memory_space<hbm>>
        tpu.enqueue_dma source(%dma_start3A_118 : memref<80xi32, #tpu.memory_space<hbm>>) target(%arg7 : memref<80xi32, #tpu.memory_space<vmem>>) target_semaphore(%run_scoped3A : memref<!tpu.dma_semaphore, #tpu.memory_space<semaphore_mem>>)
        %dma_wait3A_119 = tpu.memref_slice %arg4[%add3A_59] : memref<320000xi32, #tpu.memory_space<hbm>> -> memref<80xi32, #tpu.memory_space<hbm>>
        %dma_wait3A_120 = tpu.memref_slice %arg4[%add3A_59] : memref<320000xi32, #tpu.memory_space<hbm>> -> memref<80xi32, #tpu.memory_space<hbm>>
        tpu.wait_dma2 semaphore(%run_scoped3A : memref<!tpu.dma_semaphore, #tpu.memory_space<semaphore_mem>>) src(%dma_wait3A_120 : memref<80xi32, #tpu.memory_space<hbm>>) dst(%arg7 : memref<80xi32, #tpu.memory_space<vmem>>)
        tpu.yield
      }) : () -> ()
      %dma_start3A_60 = arith.constant 0 : i32
      %dma_start3A_61 = tpu.memref_slice %arg3[%add3A_59, %dma_start3A_60] : memref<320000x128xf32, #tpu.memory_space<hbm>> -> memref<80x128xf32, #tpu.memory_space<hbm>>
      %dma_start3A_62 = arith.constant 0 : i32
      %dma_start3A_63 = tpu.memref_slice %arg3[%add3A_59, %dma_start3A_62] : memref<320000x128xf32, #tpu.memory_space<hbm>> -> memref<80x128xf32, #tpu.memory_space<hbm>>
      tpu.enqueue_dma source(%dma_start3A_63 : memref<80x128xf32, #tpu.memory_space<hbm>>) target(%arg11 : memref<80x128xf32, #tpu.memory_space<vmem>>) target_semaphore(%arg13 : memref<!tpu.dma_semaphore, #tpu.memory_space<semaphore_mem>>)
      %dma_start3A_64 = arith.constant 0 : i32
      %dma_start3A_65 = arith.constant 0 : i32
      %dma_start3A_66 = tpu.memref_slice %arg2[%dma_start3A_64, %dma_start3A_65] : memref<10000x128xf32, #tpu.memory_space<hbm>> -> memref<10000x128xf32, #tpu.memory_space<hbm>>
      tpu.enqueue_indirect_dma source(%dma_start3A_66 : memref<10000x128xf32, #tpu.memory_space<hbm>>) target(%arg9 : memref<80x128xf32, #tpu.memory_space<vmem>>) offsets(%arg7 : memref<80xi32, #tpu.memory_space<vmem>>) semaphore(%arg15 : memref<!tpu.dma_semaphore, #tpu.memory_space<semaphore_mem>>)
      %dma_wait3A_67 = arith.constant 0 : i32
      %dma_wait3A_68 = arith.constant 0 : i32
      %dma_wait3A_69 = tpu.memref_slice %arg3[%dma_wait3A_67, %dma_wait3A_68] : memref<320000x128xf32, #tpu.memory_space<hbm>> -> memref<80x128xf32, #tpu.memory_space<hbm>>
      %dma_wait3A_70 = arith.constant 0 : i32
      %dma_wait3A_71 = arith.constant 0 : i32
      %dma_wait3A_72 = tpu.memref_slice %arg3[%dma_wait3A_70, %dma_wait3A_71] : memref<320000x128xf32, #tpu.memory_space<hbm>> -> memref<80x128xf32, #tpu.memory_space<hbm>>
      tpu.wait_dma2 semaphore(%arg12 : memref<!tpu.dma_semaphore, #tpu.memory_space<semaphore_mem>>) src(%dma_wait3A_72 : memref<80x128xf32, #tpu.memory_space<hbm>>) dst(%arg10 : memref<80x128xf32, #tpu.memory_space<vmem>>)
      %dma_wait3A_73 = arith.constant 0 : i32
      %dma_wait3A_74 = arith.constant 0 : i32
      %dma_wait3A_75 = tpu.memref_slice %arg2[%dma_wait3A_73, %dma_wait3A_74] : memref<10000x128xf32, #tpu.memory_space<hbm>> -> memref<80x128xf32, #tpu.memory_space<hbm>>
      %dma_wait3A_76 = arith.constant 0 : i32
      %dma_wait3A_77 = arith.constant 0 : i32
      %dma_wait3A_78 = tpu.memref_slice %arg2[%dma_wait3A_76, %dma_wait3A_77] : memref<10000x128xf32, #tpu.memory_space<hbm>> -> memref<80x128xf32, #tpu.memory_space<hbm>>
      tpu.wait_dma2 semaphore(%arg14 : memref<!tpu.dma_semaphore, #tpu.memory_space<semaphore_mem>>) src(%dma_wait3A_78 : memref<80x128xf32, #tpu.memory_space<hbm>>) dst(%arg8 : memref<80x128xf32, #tpu.memory_space<vmem>>)
      %scan3A_79 = arith.constant 0 : i32
      %scan3A_80 = arith.constant 0 : i32
      %scan3A_81 = arith.constant 80 : i32
      %scan3A_82 = arith.addi %scan3A_80, %scan3A_81 : i32
      %scan3A_83 = arith.constant 1 : i32
      scf.for %scan3A_117 = %scan3A_80 to %scan3A_82 step %scan3A_83  : i32 {
        %get3A = arith.index_cast %scan3A_117 : i32 to index
        %get3A_118 = arith.constant 0 : index
        %get3A_119 = tpu.vector_load %arg8[%get3A, %get3A_118] {strides = array<i32>} : memref<80x128xf32, #tpu.memory_space<vmem>>, vector<1x16xf32>,
        %get3A_120 = vector.shape_cast %get3A_119 : vector<1x16xf32> to vector<16xf32>
        %get3A_121 = arith.index_cast %scan3A_117 : i32 to index
        %get3A_122 = arith.constant 0 : index
        %get3A_123 = tpu.vector_load %arg10[%get3A_121, %get3A_122] {strides = array<i32>} : memref<80x128xf32, #tpu.memory_space<vmem>>, vector<1x16xf32>,
        %get3A_124 = vector.shape_cast %get3A_123 : vector<1x16xf32> to vector<16xf32>
        %add3A_125 = arith.addf %get3A_120, %get3A_124 : vector<16xf32>
        %max3A = arith.constant 0.000000e+00 : f32
        %max3A_126 = vector.broadcast %max3A : f32 to vector<16xf32>
        %max3A_127 = arith.maximumf %add3A_125, %max3A_126 : vector<16xf32>
        %swap3A = arith.index_cast %scan3A_117 : i32 to index
        %swap3A_128 = arith.constant 0 : index
        %swap3A_129 = tpu.vector_load %arg10[%swap3A, %swap3A_128] {strides = array<i32>} : memref<80x128xf32, #tpu.memory_space<vmem>>, vector<1x16xf32>,
        %swap3A_130 = vector.shape_cast %swap3A_129 : vector<1x16xf32> to vector<16xf32>
        %swap3A_131 = vector.shape_cast %max3A_127 : vector<16xf32> to vector<1x16xf32>
        tpu.vector_store %arg10[%swap3A, %swap3A_128], %swap3A_131 {strides = array<i32>} : memref<80x128xf32, #tpu.memory_space<vmem>>, vector<1x16xf32>,
        %get3A_132 = arith.index_cast %scan3A_117 : i32 to index
        %get3A_133 = arith.constant 16 : index
        %get3A_134 = tpu.vector_load %arg8[%get3A_132, %get3A_133] {strides = array<i32>} : memref<80x128xf32, #tpu.memory_space<vmem>>, vector<1x16xf32>,
        %get3A_135 = vector.shape_cast %get3A_134 : vector<1x16xf32> to vector<16xf32>
        %get3A_136 = arith.index_cast %scan3A_117 : i32 to index
        %get3A_137 = arith.constant 16 : index
        %get3A_138 = tpu.vector_load %arg10[%get3A_136, %get3A_137] {strides = array<i32>} : memref<80x128xf32, #tpu.memory_space<vmem>>, vector<1x16xf32>,
        %get3A_139 = vector.shape_cast %get3A_138 : vector<1x16xf32> to vector<16xf32>
        %add3A_140 = arith.addf %get3A_135, %get3A_139 : vector<16xf32>
        %max3A_141 = arith.constant 0.000000e+00 : f32
        %max3A_142 = vector.broadcast %max3A_141 : f32 to vector<16xf32>
        %max3A_143 = arith.maximumf %add3A_140, %max3A_142 : vector<16xf32>
        %swap3A_144 = arith.index_cast %scan3A_117 : i32 to index
        %swap3A_145 = arith.constant 16 : index
        %swap3A_146 = tpu.vector_load %arg10[%swap3A_144, %swap3A_145] {strides = array<i32>} : memref<80x128xf32, #tpu.memory_space<vmem>>, vector<1x16xf32>,
        %swap3A_147 = vector.shape_cast %swap3A_146 : vector<1x16xf32> to vector<16xf32>
        %swap3A_148 = vector.shape_cast %max3A_143 : vector<16xf32> to vector<1x16xf32>
        tpu.vector_store %arg10[%swap3A_144, %swap3A_145], %swap3A_148 {strides = array<i32>} : memref<80x128xf32, #tpu.memory_space<vmem>>, vector<1x16xf32>,
        %get3A_149 = arith.index_cast %scan3A_117 : i32 to index
        %get3A_150 = arith.constant 32 : index
        %get3A_151 = tpu.vector_load %arg8[%get3A_149, %get3A_150] {strides = array<i32>} : memref<80x128xf32, #tpu.memory_space<vmem>>, vector<1x16xf32>,
        %get3A_152 = vector.shape_cast %get3A_151 : vector<1x16xf32> to vector<16xf32>
        %get3A_153 = arith.index_cast %scan3A_117 : i32 to index
        %get3A_154 = arith.constant 32 : index
        %get3A_155 = tpu.vector_load %arg10[%get3A_153, %get3A_154] {strides = array<i32>} : memref<80x128xf32, #tpu.memory_space<vmem>>, vector<1x16xf32>,
        %get3A_156 = vector.shape_cast %get3A_155 : vector<1x16xf32> to vector<16xf32>
        %add3A_157 = arith.addf %get3A_152, %get3A_156 : vector<16xf32>
        %max3A_158 = arith.constant 0.000000e+00 : f32
        %max3A_159 = vector.broadcast %max3A_158 : f32 to vector<16xf32>
        %max3A_160 = arith.maximumf %add3A_157, %max3A_159 : vector<16xf32>
        %swap3A_161 = arith.index_cast %scan3A_117 : i32 to index
        %swap3A_162 = arith.constant 32 : index
        %swap3A_163 = tpu.vector_load %arg10[%swap3A_161, %swap3A_162] {strides = array<i32>} : memref<80x128xf32, #tpu.memory_space<vmem>>, vector<1x16xf32>,
        %swap3A_164 = vector.shape_cast %swap3A_163 : vector<1x16xf32> to vector<16xf32>
        %swap3A_165 = vector.shape_cast %max3A_160 : vector<16xf32> to vector<1x16xf32>
        tpu.vector_store %arg10[%swap3A_161, %swap3A_162], %swap3A_165 {strides = array<i32>} : memref<80x128xf32, #tpu.memory_space<vmem>>, vector<1x16xf32>,
        %get3A_166 = arith.index_cast %scan3A_117 : i32 to index
        %get3A_167 = arith.constant 48 : index
        %get3A_168 = tpu.vector_load %arg8[%get3A_166, %get3A_167] {strides = array<i32>} : memref<80x128xf32, #tpu.memory_space<vmem>>, vector<1x16xf32>,
        %get3A_169 = vector.shape_cast %get3A_168 : vector<1x16xf32> to vector<16xf32>
        %get3A_170 = arith.index_cast %scan3A_117 : i32 to index
        %get3A_171 = arith.constant 48 : index
        %get3A_172 = tpu.vector_load %arg10[%get3A_170, %get3A_171] {strides = array<i32>} : memref<80x128xf32, #tpu.memory_space<vmem>>, vector<1x16xf32>,
        %get3A_173 = vector.shape_cast %get3A_172 : vector<1x16xf32> to vector<16xf32>
        %add3A_174 = arith.addf %get3A_169, %get3A_173 : vector<16xf32>
        %max3A_175 = arith.constant 0.000000e+00 : f32
        %max3A_176 = vector.broadcast %max3A_175 : f32 to vector<16xf32>
        %max3A_177 = arith.maximumf %add3A_174, %max3A_176 : vector<16xf32>
        %swap3A_178 = arith.index_cast %scan3A_117 : i32 to index
        %swap3A_179 = arith.constant 48 : index
        %swap3A_180 = tpu.vector_load %arg10[%swap3A_178, %swap3A_179] {strides = array<i32>} : memref<80x128xf32, #tpu.memory_space<vmem>>, vector<1x16xf32>,
        %swap3A_181 = vector.shape_cast %swap3A_180 : vector<1x16xf32> to vector<16xf32>
        %swap3A_182 = vector.shape_cast %max3A_177 : vector<16xf32> to vector<1x16xf32>
        tpu.vector_store %arg10[%swap3A_178, %swap3A_179], %swap3A_182 {strides = array<i32>} : memref<80x128xf32, #tpu.memory_space<vmem>>, vector<1x16xf32>,
        %get3A_183 = arith.index_cast %scan3A_117 : i32 to index
        %get3A_184 = arith.constant 64 : index
        %get3A_185 = tpu.vector_load %arg8[%get3A_183, %get3A_184] {strides = array<i32>} : memref<80x128xf32, #tpu.memory_space<vmem>>, vector<1x16xf32>,
        %get3A_186 = vector.shape_cast %get3A_185 : vector<1x16xf32> to vector<16xf32>
        %get3A_187 = arith.index_cast %scan3A_117 : i32 to index
        %get3A_188 = arith.constant 64 : index
        %get3A_189 = tpu.vector_load %arg10[%get3A_187, %get3A_188] {strides = array<i32>} : memref<80x128xf32, #tpu.memory_space<vmem>>, vector<1x16xf32>,
        %get3A_190 = vector.shape_cast %get3A_189 : vector<1x16xf32> to vector<16xf32>
        %add3A_191 = arith.addf %get3A_186, %get3A_190 : vector<16xf32>
        %max3A_192 = arith.constant 0.000000e+00 : f32
        %max3A_193 = vector.broadcast %max3A_192 : f32 to vector<16xf32>
        %max3A_194 = arith.maximumf %add3A_191, %max3A_193 : vector<16xf32>
        %swap3A_195 = arith.index_cast %scan3A_117 : i32 to index
        %swap3A_196 = arith.constant 64 : index
        %swap3A_197 = tpu.vector_load %arg10[%swap3A_195, %swap3A_196] {strides = array<i32>} : memref<80x128xf32, #tpu.memory_space<vmem>>, vector<1x16xf32>,
        %swap3A_198 = vector.shape_cast %swap3A_197 : vector<1x16xf32> to vector<16xf32>
        %swap3A_199 = vector.shape_cast %max3A_194 : vector<16xf32> to vector<1x16xf32>
        tpu.vector_store %arg10[%swap3A_195, %swap3A_196], %swap3A_199 {strides = array<i32>} : memref<80x128xf32, #tpu.memory_space<vmem>>, vector<1x16xf32>,
        %get3A_200 = arith.index_cast %scan3A_117 : i32 to index
        %get3A_201 = arith.constant 80 : index
        %get3A_202 = tpu.vector_load %arg8[%get3A_200, %get3A_201] {strides = array<i32>} : memref<80x128xf32, #tpu.memory_space<vmem>>, vector<1x16xf32>,
        %get3A_203 = vector.shape_cast %get3A_202 : vector<1x16xf32> to vector<16xf32>
        %get3A_204 = arith.index_cast %scan3A_117 : i32 to index
        %get3A_205 = arith.constant 80 : index
        %get3A_206 = tpu.vector_load %arg10[%get3A_204, %get3A_205] {strides = array<i32>} : memref<80x128xf32, #tpu.memory_space<vmem>>, vector<1x16xf32>,
        %get3A_207 = vector.shape_cast %get3A_206 : vector<1x16xf32> to vector<16xf32>
        %add3A_208 = arith.addf %get3A_203, %get3A_207 : vector<16xf32>
        %max3A_209 = arith.constant 0.000000e+00 : f32
        %max3A_210 = vector.broadcast %max3A_209 : f32 to vector<16xf32>
        %max3A_211 = arith.maximumf %add3A_208, %max3A_210 : vector<16xf32>
        %swap3A_212 = arith.index_cast %scan3A_117 : i32 to index
        %swap3A_213 = arith.constant 80 : index
        %swap3A_214 = tpu.vector_load %arg10[%swap3A_212, %swap3A_213] {strides = array<i32>} : memref<80x128xf32, #tpu.memory_space<vmem>>, vector<1x16xf32>,
        %swap3A_215 = vector.shape_cast %swap3A_214 : vector<1x16xf32> to vector<16xf32>
        %swap3A_216 = vector.shape_cast %max3A_211 : vector<16xf32> to vector<1x16xf32>
        tpu.vector_store %arg10[%swap3A_212, %swap3A_213], %swap3A_216 {strides = array<i32>} : memref<80x128xf32, #tpu.memory_space<vmem>>, vector<1x16xf32>,
        %get3A_217 = arith.index_cast %scan3A_117 : i32 to index
        %get3A_218 = arith.constant 96 : index
        %get3A_219 = tpu.vector_load %arg8[%get3A_217, %get3A_218] {strides = array<i32>} : memref<80x128xf32, #tpu.memory_space<vmem>>, vector<1x16xf32>,
        %get3A_220 = vector.shape_cast %get3A_219 : vector<1x16xf32> to vector<16xf32>
        %get3A_221 = arith.index_cast %scan3A_117 : i32 to index
        %get3A_222 = arith.constant 96 : index
        %get3A_223 = tpu.vector_load %arg10[%get3A_221, %get3A_222] {strides = array<i32>} : memref<80x128xf32, #tpu.memory_space<vmem>>, vector<1x16xf32>,
        %get3A_224 = vector.shape_cast %get3A_223 : vector<1x16xf32> to vector<16xf32>
        %add3A_225 = arith.addf %get3A_220, %get3A_224 : vector<16xf32>
        %max3A_226 = arith.constant 0.000000e+00 : f32
        %max3A_227 = vector.broadcast %max3A_226 : f32 to vector<16xf32>
        %max3A_228 = arith.maximumf %add3A_225, %max3A_227 : vector<16xf32>
        %swap3A_229 = arith.index_cast %scan3A_117 : i32 to index
        %swap3A_230 = arith.constant 96 : index
        %swap3A_231 = tpu.vector_load %arg10[%swap3A_229, %swap3A_230] {strides = array<i32>} : memref<80x128xf32, #tpu.memory_space<vmem>>, vector<1x16xf32>,
        %swap3A_232 = vector.shape_cast %swap3A_231 : vector<1x16xf32> to vector<16xf32>
        %swap3A_233 = vector.shape_cast %max3A_228 : vector<16xf32> to vector<1x16xf32>
        tpu.vector_store %arg10[%swap3A_229, %swap3A_230], %swap3A_233 {strides = array<i32>} : memref<80x128xf32, #tpu.memory_space<vmem>>, vector<1x16xf32>,
        %get3A_234 = arith.index_cast %scan3A_117 : i32 to index
        %get3A_235 = arith.constant 112 : index
        %get3A_236 = tpu.vector_load %arg8[%get3A_234, %get3A_235] {strides = array<i32>} : memref<80x128xf32, #tpu.memory_space<vmem>>, vector<1x16xf32>,
        %get3A_237 = vector.shape_cast %get3A_236 : vector<1x16xf32> to vector<16xf32>
        %get3A_238 = arith.index_cast %scan3A_117 : i32 to index
        %get3A_239 = arith.constant 112 : index
        %get3A_240 = tpu.vector_load %arg10[%get3A_238, %get3A_239] {strides = array<i32>} : memref<80x128xf32, #tpu.memory_space<vmem>>, vector<1x16xf32>,
        %get3A_241 = vector.shape_cast %get3A_240 : vector<1x16xf32> to vector<16xf32>
        %add3A_242 = arith.addf %get3A_237, %get3A_241 : vector<16xf32>
        %max3A_243 = arith.constant 0.000000e+00 : f32
        %max3A_244 = vector.broadcast %max3A_243 : f32 to vector<16xf32>
        %max3A_245 = arith.maximumf %add3A_242, %max3A_244 : vector<16xf32>
        %swap3A_246 = arith.index_cast %scan3A_117 : i32 to index
        %swap3A_247 = arith.constant 112 : index
        %swap3A_248 = tpu.vector_load %arg10[%swap3A_246, %swap3A_247] {strides = array<i32>} : memref<80x128xf32, #tpu.memory_space<vmem>>, vector<1x16xf32>,
        %swap3A_249 = vector.shape_cast %swap3A_248 : vector<1x16xf32> to vector<16xf32>
        %swap3A_250 = vector.shape_cast %max3A_245 : vector<16xf32> to vector<1x16xf32>
        tpu.vector_store %arg10[%swap3A_246, %swap3A_247], %swap3A_250 {strides = array<i32>} : memref<80x128xf32, #tpu.memory_space<vmem>>, vector<1x16xf32>,
      }
      %scan3A_84 = arith.constant 80 : i32
      %mul3A_85 = arith.constant 10000 : i32
      %mul3A_86 = arith.muli %add3A, %mul3A_85 : i32
      %mul3A_87 = arith.constant 80 : i32
      %mul3A_88 = arith.muli %add3A_52, %mul3A_87 : i32
      %add3A_89 = arith.addi %mul3A_86, %mul3A_88 : i32
      "tpu.region"() ({
        %run_scoped3A = tpu.sem_alloc : memref<!tpu.dma_semaphore, #tpu.memory_space<semaphore_mem>>
        %dma_start3A_117 = arith.constant 0 : i32
        %dma_start3A_118 = tpu.memref_slice %arg5[%add3A_89, %dma_start3A_117] : memref<320000x128xf32, #tpu.memory_space<hbm>> -> memref<80x128xf32, #tpu.memory_space<hbm>>
        %dma_start3A_119 = arith.constant 0 : i32
        %dma_start3A_120 = tpu.memref_slice %arg5[%add3A_89, %dma_start3A_119] : memref<320000x128xf32, #tpu.memory_space<hbm>> -> memref<80x128xf32, #tpu.memory_space<hbm>>
        tpu.enqueue_dma source(%arg10 : memref<80x128xf32, #tpu.memory_space<vmem>>) target(%dma_start3A_120 : memref<80x128xf32, #tpu.memory_space<hbm>>) target_semaphore(%run_scoped3A : memref<!tpu.dma_semaphore, #tpu.memory_space<semaphore_mem>>)
        %dma_wait3A_121 = arith.constant 0 : i32
        %dma_wait3A_122 = tpu.memref_slice %arg5[%add3A_89, %dma_wait3A_121] : memref<320000x128xf32, #tpu.memory_space<hbm>> -> memref<80x128xf32, #tpu.memory_space<hbm>>
        %dma_wait3A_123 = arith.constant 0 : i32
        %dma_wait3A_124 = tpu.memref_slice %arg5[%add3A_89, %dma_wait3A_123] : memref<320000x128xf32, #tpu.memory_space<hbm>> -> memref<80x128xf32, #tpu.memory_space<hbm>>
        tpu.wait_dma2 semaphore(%run_scoped3A : memref<!tpu.dma_semaphore, #tpu.memory_space<semaphore_mem>>) src(%arg10 : memref<80x128xf32, #tpu.memory_space<vmem>>) dst(%dma_wait3A_124 : memref<80x128xf32, #tpu.memory_space<hbm>>)
        tpu.yield
      }) : () -> ()
      %lt3A = arith.constant 61 : i32
      %lt3A_90 = arith.cmpi slt, %scan3A_48, %lt3A : i32
      %convert_element_type3A = arith.extui %lt3A_90 : i1 to i32
      %cond3A = arith.constant 0 : i32
      %cond3A_91 = arith.cmpi ne, %convert_element_type3A, %cond3A : i32
      scf.if %cond3A_91 {
        %add3A_117 = arith.constant 2 : i32
        %add3A_118 = arith.addi %add3A_52, %add3A_117 : i32
        %mul3A_119 = arith.constant 10000 : i32
        %mul3A_120 = arith.muli %add3A, %mul3A_119 : i32
        %mul3A_121 = arith.constant 80 : i32
        %mul3A_122 = arith.muli %add3A_118, %mul3A_121 : i32
        %add3A_123 = arith.addi %mul3A_120, %mul3A_122 : i32
        "tpu.region"() ({
          %run_scoped3A = tpu.sem_alloc : memref<!tpu.dma_semaphore, #tpu.memory_space<semaphore_mem>>
          %dma_start3A_131 = tpu.memref_slice %arg4[%add3A_123] : memref<320000xi32, #tpu.memory_space<hbm>> -> memref<80xi32, #tpu.memory_space<hbm>>
          %dma_start3A_132 = tpu.memref_slice %arg4[%add3A_123] : memref<320000xi32, #tpu.memory_space<hbm>> -> memref<80xi32, #tpu.memory_space<hbm>>
          tpu.enqueue_dma source(%dma_start3A_132 : memref<80xi32, #tpu.memory_space<hbm>>) target(%arg6 : memref<80xi32, #tpu.memory_space<vmem>>) target_semaphore(%run_scoped3A : memref<!tpu.dma_semaphore, #tpu.memory_space<semaphore_mem>>)
          %dma_wait3A_133 = tpu.memref_slice %arg4[%add3A_123] : memref<320000xi32, #tpu.memory_space<hbm>> -> memref<80xi32, #tpu.memory_space<hbm>>
          %dma_wait3A_134 = tpu.memref_slice %arg4[%add3A_123] : memref<320000xi32, #tpu.memory_space<hbm>> -> memref<80xi32, #tpu.memory_space<hbm>>
          tpu.wait_dma2 semaphore(%run_scoped3A : memref<!tpu.dma_semaphore, #tpu.memory_space<semaphore_mem>>) src(%dma_wait3A_134 : memref<80xi32, #tpu.memory_space<hbm>>) dst(%arg6 : memref<80xi32, #tpu.memory_space<vmem>>)
          tpu.yield
        }) : () -> ()
        %dma_start3A_124 = arith.constant 0 : i32
        %dma_start3A_125 = tpu.memref_slice %arg3[%add3A_123, %dma_start3A_124] : memref<320000x128xf32, #tpu.memory_space<hbm>> -> memref<80x128xf32, #tpu.memory_space<hbm>>
        %dma_start3A_126 = arith.constant 0 : i32
        %dma_start3A_127 = tpu.memref_slice %arg3[%add3A_123, %dma_start3A_126] : memref<320000x128xf32, #tpu.memory_space<hbm>> -> memref<80x128xf32, #tpu.memory_space<hbm>>
        tpu.enqueue_dma source(%dma_start3A_127 : memref<80x128xf32, #tpu.memory_space<hbm>>) target(%arg10 : memref<80x128xf32, #tpu.memory_space<vmem>>) target_semaphore(%arg12 : memref<!tpu.dma_semaphore, #tpu.memory_space<semaphore_mem>>)
        %dma_start3A_128 = arith.constant 0 : i32
        %dma_start3A_129 = arith.constant 0 : i32
        %dma_start3A_130 = tpu.memref_slice %arg2[%dma_start3A_128, %dma_start3A_129] : memref<10000x128xf32, #tpu.memory_space<hbm>> -> memref<10000x128xf32, #tpu.memory_space<hbm>>
        tpu.enqueue_indirect_dma source(%dma_start3A_130 : memref<10000x128xf32, #tpu.memory_space<hbm>>) target(%arg8 : memref<80x128xf32, #tpu.memory_space<vmem>>) offsets(%arg6 : memref<80xi32, #tpu.memory_space<vmem>>) semaphore(%arg14 : memref<!tpu.dma_semaphore, #tpu.memory_space<semaphore_mem>>)
      } else {
      }
      %add3A_92 = arith.constant 1 : i32
      %add3A_93 = arith.addi %add3A_52, %add3A_92 : i32
      %dma_wait3A_94 = arith.constant 0 : i32
      %dma_wait3A_95 = arith.constant 0 : i32
      %dma_wait3A_96 = tpu.memref_slice %arg3[%dma_wait3A_94, %dma_wait3A_95] : memref<320000x128xf32, #tpu.memory_space<hbm>> -> memref<80x128xf32, #tpu.memory_space<hbm>>
      %dma_wait3A_97 = arith.constant 0 : i32
      %dma_wait3A_98 = arith.constant 0 : i32
      %dma_wait3A_99 = tpu.memref_slice %arg3[%dma_wait3A_97, %dma_wait3A_98] : memref<320000x128xf32, #tpu.memory_space<hbm>> -> memref<80x128xf32, #tpu.memory_space<hbm>>
      tpu.wait_dma2 semaphore(%arg13 : memref<!tpu.dma_semaphore, #tpu.memory_space<semaphore_mem>>) src(%dma_wait3A_99 : memref<80x128xf32, #tpu.memory_space<hbm>>) dst(%arg11 : memref<80x128xf32, #tpu.memory_space<vmem>>)
      %dma_wait3A_100 = arith.constant 0 : i32
      %dma_wait3A_101 = arith.constant 0 : i32
      %dma_wait3A_102 = tpu.memref_slice %arg2[%dma_wait3A_100, %dma_wait3A_101] : memref<10000x128xf32, #tpu.memory_space<hbm>> -> memref<80x128xf32, #tpu.memory_space<hbm>>
      %dma_wait3A_103 = arith.constant 0 : i32
      %dma_wait3A_104 = arith.constant 0 : i32
      %dma_wait3A_105 = tpu.memref_slice %arg2[%dma_wait3A_103, %dma_wait3A_104] : memref<10000x128xf32, #tpu.memory_space<hbm>> -> memref<80x128xf32, #tpu.memory_space<hbm>>
      tpu.wait_dma2 semaphore(%arg15 : memref<!tpu.dma_semaphore, #tpu.memory_space<semaphore_mem>>) src(%dma_wait3A_105 : memref<80x128xf32, #tpu.memory_space<hbm>>) dst(%arg9 : memref<80x128xf32, #tpu.memory_space<vmem>>)
      %scan3A_106 = arith.constant 0 : i32
      %scan3A_107 = arith.constant 0 : i32
      %scan3A_108 = arith.constant 80 : i32
      %scan3A_109 = arith.addi %scan3A_107, %scan3A_108 : i32
      %scan3A_110 = arith.constant 1 : i32
      scf.for %scan3A_117 = %scan3A_107 to %scan3A_109 step %scan3A_110  : i32 {
        %get3A = arith.index_cast %scan3A_117 : i32 to index
        %get3A_118 = arith.constant 0 : index
        %get3A_119 = tpu.vector_load %arg9[%get3A, %get3A_118] {strides = array<i32>} : memref<80x128xf32, #tpu.memory_space<vmem>>, vector<1x16xf32>,
        %get3A_120 = vector.shape_cast %get3A_119 : vector<1x16xf32> to vector<16xf32>
        %get3A_121 = arith.index_cast %scan3A_117 : i32 to index
        %get3A_122 = arith.constant 0 : index
        %get3A_123 = tpu.vector_load %arg11[%get3A_121, %get3A_122] {strides = array<i32>} : memref<80x128xf32, #tpu.memory_space<vmem>>, vector<1x16xf32>,
        %get3A_124 = vector.shape_cast %get3A_123 : vector<1x16xf32> to vector<16xf32>
        %add3A_125 = arith.addf %get3A_120, %get3A_124 : vector<16xf32>
        %max3A = arith.constant 0.000000e+00 : f32
        %max3A_126 = vector.broadcast %max3A : f32 to vector<16xf32>
        %max3A_127 = arith.maximumf %add3A_125, %max3A_126 : vector<16xf32>
        %swap3A = arith.index_cast %scan3A_117 : i32 to index
        %swap3A_128 = arith.constant 0 : index
        %swap3A_129 = tpu.vector_load %arg11[%swap3A, %swap3A_128] {strides = array<i32>} : memref<80x128xf32, #tpu.memory_space<vmem>>, vector<1x16xf32>,
        %swap3A_130 = vector.shape_cast %swap3A_129 : vector<1x16xf32> to vector<16xf32>
        %swap3A_131 = vector.shape_cast %max3A_127 : vector<16xf32> to vector<1x16xf32>
        tpu.vector_store %arg11[%swap3A, %swap3A_128], %swap3A_131 {strides = array<i32>} : memref<80x128xf32, #tpu.memory_space<vmem>>, vector<1x16xf32>,
        %get3A_132 = arith.index_cast %scan3A_117 : i32 to index
        %get3A_133 = arith.constant 16 : index
        %get3A_134 = tpu.vector_load %arg9[%get3A_132, %get3A_133] {strides = array<i32>} : memref<80x128xf32, #tpu.memory_space<vmem>>, vector<1x16xf32>,
        %get3A_135 = vector.shape_cast %get3A_134 : vector<1x16xf32> to vector<16xf32>
        %get3A_136 = arith.index_cast %scan3A_117 : i32 to index
        %get3A_137 = arith.constant 16 : index
        %get3A_138 = tpu.vector_load %arg11[%get3A_136, %get3A_137] {strides = array<i32>} : memref<80x128xf32, #tpu.memory_space<vmem>>, vector<1x16xf32>,
        %get3A_139 = vector.shape_cast %get3A_138 : vector<1x16xf32> to vector<16xf32>
        %add3A_140 = arith.addf %get3A_135, %get3A_139 : vector<16xf32>
        %max3A_141 = arith.constant 0.000000e+00 : f32
        %max3A_142 = vector.broadcast %max3A_141 : f32 to vector<16xf32>
        %max3A_143 = arith.maximumf %add3A_140, %max3A_142 : vector<16xf32>
        %swap3A_144 = arith.index_cast %scan3A_117 : i32 to index
        %swap3A_145 = arith.constant 16 : index
        %swap3A_146 = tpu.vector_load %arg11[%swap3A_144, %swap3A_145] {strides = array<i32>} : memref<80x128xf32, #tpu.memory_space<vmem>>, vector<1x16xf32>,
        %swap3A_147 = vector.shape_cast %swap3A_146 : vector<1x16xf32> to vector<16xf32>
        %swap3A_148 = vector.shape_cast %max3A_143 : vector<16xf32> to vector<1x16xf32>
        tpu.vector_store %arg11[%swap3A_144, %swap3A_145], %swap3A_148 {strides = array<i32>} : memref<80x128xf32, #tpu.memory_space<vmem>>, vector<1x16xf32>,
        %get3A_149 = arith.index_cast %scan3A_117 : i32 to index
        %get3A_150 = arith.constant 32 : index
        %get3A_151 = tpu.vector_load %arg9[%get3A_149, %get3A_150] {strides = array<i32>} : memref<80x128xf32, #tpu.memory_space<vmem>>, vector<1x16xf32>,
        %get3A_152 = vector.shape_cast %get3A_151 : vector<1x16xf32> to vector<16xf32>
        %get3A_153 = arith.index_cast %scan3A_117 : i32 to index
        %get3A_154 = arith.constant 32 : index
        %get3A_155 = tpu.vector_load %arg11[%get3A_153, %get3A_154] {strides = array<i32>} : memref<80x128xf32, #tpu.memory_space<vmem>>, vector<1x16xf32>,
        %get3A_156 = vector.shape_cast %get3A_155 : vector<1x16xf32> to vector<16xf32>
        %add3A_157 = arith.addf %get3A_152, %get3A_156 : vector<16xf32>
        %max3A_158 = arith.constant 0.000000e+00 : f32
        %max3A_159 = vector.broadcast %max3A_158 : f32 to vector<16xf32>
        %max3A_160 = arith.maximumf %add3A_157, %max3A_159 : vector<16xf32>
        %swap3A_161 = arith.index_cast %scan3A_117 : i32 to index
        %swap3A_162 = arith.constant 32 : index
        %swap3A_163 = tpu.vector_load %arg11[%swap3A_161, %swap3A_162] {strides = array<i32>} : memref<80x128xf32, #tpu.memory_space<vmem>>, vector<1x16xf32>,
        %swap3A_164 = vector.shape_cast %swap3A_163 : vector<1x16xf32> to vector<16xf32>
        %swap3A_165 = vector.shape_cast %max3A_160 : vector<16xf32> to vector<1x16xf32>
        tpu.vector_store %arg11[%swap3A_161, %swap3A_162], %swap3A_165 {strides = array<i32>} : memref<80x128xf32, #tpu.memory_space<vmem>>, vector<1x16xf32>,
        %get3A_166 = arith.index_cast %scan3A_117 : i32 to index
        %get3A_167 = arith.constant 48 : index
        %get3A_168 = tpu.vector_load %arg9[%get3A_166, %get3A_167] {strides = array<i32>} : memref<80x128xf32, #tpu.memory_space<vmem>>, vector<1x16xf32>,
        %get3A_169 = vector.shape_cast %get3A_168 : vector<1x16xf32> to vector<16xf32>
        %get3A_170 = arith.index_cast %scan3A_117 : i32 to index
        %get3A_171 = arith.constant 48 : index
        %get3A_172 = tpu.vector_load %arg11[%get3A_170, %get3A_171] {strides = array<i32>} : memref<80x128xf32, #tpu.memory_space<vmem>>, vector<1x16xf32>,
        %get3A_173 = vector.shape_cast %get3A_172 : vector<1x16xf32> to vector<16xf32>
        %add3A_174 = arith.addf %get3A_169, %get3A_173 : vector<16xf32>
        %max3A_175 = arith.constant 0.000000e+00 : f32
        %max3A_176 = vector.broadcast %max3A_175 : f32 to vector<16xf32>
        %max3A_177 = arith.maximumf %add3A_174, %max3A_176 : vector<16xf32>
        %swap3A_178 = arith.index_cast %scan3A_117 : i32 to index
        %swap3A_179 = arith.constant 48 : index
        %swap3A_180 = tpu.vector_load %arg11[%swap3A_178, %swap3A_179] {strides = array<i32>} : memref<80x128xf32, #tpu.memory_space<vmem>>, vector<1x16xf32>,
        %swap3A_181 = vector.shape_cast %swap3A_180 : vector<1x16xf32> to vector<16xf32>
        %swap3A_182 = vector.shape_cast %max3A_177 : vector<16xf32> to vector<1x16xf32>
        tpu.vector_store %arg11[%swap3A_178, %swap3A_179], %swap3A_182 {strides = array<i32>} : memref<80x128xf32, #tpu.memory_space<vmem>>, vector<1x16xf32>,
        %get3A_183 = arith.index_cast %scan3A_117 : i32 to index
        %get3A_184 = arith.constant 64 : index
        %get3A_185 = tpu.vector_load %arg9[%get3A_183, %get3A_184] {strides = array<i32>} : memref<80x128xf32, #tpu.memory_space<vmem>>, vector<1x16xf32>,
        %get3A_186 = vector.shape_cast %get3A_185 : vector<1x16xf32> to vector<16xf32>
        %get3A_187 = arith.index_cast %scan3A_117 : i32 to index
        %get3A_188 = arith.constant 64 : index
        %get3A_189 = tpu.vector_load %arg11[%get3A_187, %get3A_188] {strides = array<i32>} : memref<80x128xf32, #tpu.memory_space<vmem>>, vector<1x16xf32>,
        %get3A_190 = vector.shape_cast %get3A_189 : vector<1x16xf32> to vector<16xf32>
        %add3A_191 = arith.addf %get3A_186, %get3A_190 : vector<16xf32>
        %max3A_192 = arith.constant 0.000000e+00 : f32
        %max3A_193 = vector.broadcast %max3A_192 : f32 to vector<16xf32>
        %max3A_194 = arith.maximumf %add3A_191, %max3A_193 : vector<16xf32>
        %swap3A_195 = arith.index_cast %scan3A_117 : i32 to index
        %swap3A_196 = arith.constant 64 : index
        %swap3A_197 = tpu.vector_load %arg11[%swap3A_195, %swap3A_196] {strides = array<i32>} : memref<80x128xf32, #tpu.memory_space<vmem>>, vector<1x16xf32>,
        %swap3A_198 = vector.shape_cast %swap3A_197 : vector<1x16xf32> to vector<16xf32>
        %swap3A_199 = vector.shape_cast %max3A_194 : vector<16xf32> to vector<1x16xf32>
        tpu.vector_store %arg11[%swap3A_195, %swap3A_196], %swap3A_199 {strides = array<i32>} : memref<80x128xf32, #tpu.memory_space<vmem>>, vector<1x16xf32>,
        %get3A_200 = arith.index_cast %scan3A_117 : i32 to index
        %get3A_201 = arith.constant 80 : index
        %get3A_202 = tpu.vector_load %arg9[%get3A_200, %get3A_201] {strides = array<i32>} : memref<80x128xf32, #tpu.memory_space<vmem>>, vector<1x16xf32>,
        %get3A_203 = vector.shape_cast %get3A_202 : vector<1x16xf32> to vector<16xf32>
        %get3A_204 = arith.index_cast %scan3A_117 : i32 to index
        %get3A_205 = arith.constant 80 : index
        %get3A_206 = tpu.vector_load %arg11[%get3A_204, %get3A_205] {strides = array<i32>} : memref<80x128xf32, #tpu.memory_space<vmem>>, vector<1x16xf32>,
        %get3A_207 = vector.shape_cast %get3A_206 : vector<1x16xf32> to vector<16xf32>
        %add3A_208 = arith.addf %get3A_203, %get3A_207 : vector<16xf32>
        %max3A_209 = arith.constant 0.000000e+00 : f32
        %max3A_210 = vector.broadcast %max3A_209 : f32 to vector<16xf32>
        %max3A_211 = arith.maximumf %add3A_208, %max3A_210 : vector<16xf32>
        %swap3A_212 = arith.index_cast %scan3A_117 : i32 to index
        %swap3A_213 = arith.constant 80 : index
        %swap3A_214 = tpu.vector_load %arg11[%swap3A_212, %swap3A_213] {strides = array<i32>} : memref<80x128xf32, #tpu.memory_space<vmem>>, vector<1x16xf32>,
        %swap3A_215 = vector.shape_cast %swap3A_214 : vector<1x16xf32> to vector<16xf32>
        %swap3A_216 = vector.shape_cast %max3A_211 : vector<16xf32> to vector<1x16xf32>
        tpu.vector_store %arg11[%swap3A_212, %swap3A_213], %swap3A_216 {strides = array<i32>} : memref<80x128xf32, #tpu.memory_space<vmem>>, vector<1x16xf32>,
        %get3A_217 = arith.index_cast %scan3A_117 : i32 to index
        %get3A_218 = arith.constant 96 : index
        %get3A_219 = tpu.vector_load %arg9[%get3A_217, %get3A_218] {strides = array<i32>} : memref<80x128xf32, #tpu.memory_space<vmem>>, vector<1x16xf32>,
        %get3A_220 = vector.shape_cast %get3A_219 : vector<1x16xf32> to vector<16xf32>
        %get3A_221 = arith.index_cast %scan3A_117 : i32 to index
        %get3A_222 = arith.constant 96 : index
        %get3A_223 = tpu.vector_load %arg11[%get3A_221, %get3A_222] {strides = array<i32>} : memref<80x128xf32, #tpu.memory_space<vmem>>, vector<1x16xf32>,
        %get3A_224 = vector.shape_cast %get3A_223 : vector<1x16xf32> to vector<16xf32>
        %add3A_225 = arith.addf %get3A_220, %get3A_224 : vector<16xf32>
        %max3A_226 = arith.constant 0.000000e+00 : f32
        %max3A_227 = vector.broadcast %max3A_226 : f32 to vector<16xf32>
        %max3A_228 = arith.maximumf %add3A_225, %max3A_227 : vector<16xf32>
        %swap3A_229 = arith.index_cast %scan3A_117 : i32 to index
        %swap3A_230 = arith.constant 96 : index
        %swap3A_231 = tpu.vector_load %arg11[%swap3A_229, %swap3A_230] {strides = array<i32>} : memref<80x128xf32, #tpu.memory_space<vmem>>, vector<1x16xf32>,
        %swap3A_232 = vector.shape_cast %swap3A_231 : vector<1x16xf32> to vector<16xf32>
        %swap3A_233 = vector.shape_cast %max3A_228 : vector<16xf32> to vector<1x16xf32>
        tpu.vector_store %arg11[%swap3A_229, %swap3A_230], %swap3A_233 {strides = array<i32>} : memref<80x128xf32, #tpu.memory_space<vmem>>, vector<1x16xf32>,
        %get3A_234 = arith.index_cast %scan3A_117 : i32 to index
        %get3A_235 = arith.constant 112 : index
        %get3A_236 = tpu.vector_load %arg9[%get3A_234, %get3A_235] {strides = array<i32>} : memref<80x128xf32, #tpu.memory_space<vmem>>, vector<1x16xf32>,
        %get3A_237 = vector.shape_cast %get3A_236 : vector<1x16xf32> to vector<16xf32>
        %get3A_238 = arith.index_cast %scan3A_117 : i32 to index
        %get3A_239 = arith.constant 112 : index
        %get3A_240 = tpu.vector_load %arg11[%get3A_238, %get3A_239] {strides = array<i32>} : memref<80x128xf32, #tpu.memory_space<vmem>>, vector<1x16xf32>,
        %get3A_241 = vector.shape_cast %get3A_240 : vector<1x16xf32> to vector<16xf32>
        %add3A_242 = arith.addf %get3A_237, %get3A_241 : vector<16xf32>
        %max3A_243 = arith.constant 0.000000e+00 : f32
        %max3A_244 = vector.broadcast %max3A_243 : f32 to vector<16xf32>
        %max3A_245 = arith.maximumf %add3A_242, %max3A_244 : vector<16xf32>
        %swap3A_246 = arith.index_cast %scan3A_117 : i32 to index
        %swap3A_247 = arith.constant 112 : index
        %swap3A_248 = tpu.vector_load %arg11[%swap3A_246, %swap3A_247] {strides = array<i32>} : memref<80x128xf32, #tpu.memory_space<vmem>>, vector<1x16xf32>,
        %swap3A_249 = vector.shape_cast %swap3A_248 : vector<1x16xf32> to vector<16xf32>
        %swap3A_250 = vector.shape_cast %max3A_245 : vector<16xf32> to vector<1x16xf32>
        tpu.vector_store %arg11[%swap3A_246, %swap3A_247], %swap3A_250 {strides = array<i32>} : memref<80x128xf32, #tpu.memory_space<vmem>>, vector<1x16xf32>,
      }
      %scan3A_111 = arith.constant 80 : i32
      %mul3A_112 = arith.constant 10000 : i32
      %mul3A_113 = arith.muli %add3A, %mul3A_112 : i32
      %mul3A_114 = arith.constant 80 : i32
      %mul3A_115 = arith.muli %add3A_93, %mul3A_114 : i32
      %add3A_116 = arith.addi %mul3A_113, %mul3A_115 : i32
      "tpu.region"() ({
        %run_scoped3A = tpu.sem_alloc : memref<!tpu.dma_semaphore, #tpu.memory_space<semaphore_mem>>
        %dma_start3A_117 = arith.constant 0 : i32
        %dma_start3A_118 = tpu.memref_slice %arg5[%add3A_116, %dma_start3A_117] : memref<320000x128xf32, #tpu.memory_space<hbm>> -> memref<80x128xf32, #tpu.memory_space<hbm>>
        %dma_start3A_119 = arith.constant 0 : i32
        %dma_start3A_120 = tpu.memref_slice %arg5[%add3A_116, %dma_start3A_119] : memref<320000x128xf32, #tpu.memory_space<hbm>> -> memref<80x128xf32, #tpu.memory_space<hbm>>
        tpu.enqueue_dma source(%arg11 : memref<80x128xf32, #tpu.memory_space<vmem>>) target(%dma_start3A_120 : memref<80x128xf32, #tpu.memory_space<hbm>>) target_semaphore(%run_scoped3A : memref<!tpu.dma_semaphore, #tpu.memory_space<semaphore_mem>>)
        %dma_wait3A_121 = arith.constant 0 : i32
        %dma_wait3A_122 = tpu.memref_slice %arg5[%add3A_116, %dma_wait3A_121] : memref<320000x128xf32, #tpu.memory_space<hbm>> -> memref<80x128xf32, #tpu.memory_space<hbm>>
        %dma_wait3A_123 = arith.constant 0 : i32
        %dma_wait3A_124 = tpu.memref_slice %arg5[%add3A_116, %dma_wait3A_123] : memref<320000x128xf32, #tpu.memory_space<hbm>> -> memref<80x128xf32, #tpu.memory_space<hbm>>
        tpu.wait_dma2 semaphore(%run_scoped3A : memref<!tpu.dma_semaphore, #tpu.memory_space<semaphore_mem>>) src(%arg11 : memref<80x128xf32, #tpu.memory_space<vmem>>) dst(%dma_wait3A_124 : memref<80x128xf32, #tpu.memory_space<hbm>>)
        tpu.yield
      }) : () -> ()
    }
    %scan3A_47 = arith.constant 62 : i32
    return
  }
}

#map = affine_map<(d0, d1) -> (0, 0)>
#map1 = affine_map<(d0, d1) -> (0)>
#map2 = affine_map<(d0, d1) -> (0, 0, 0)>
module attributes {stable_mosaic.version = 14 : i64} {
  func.func @k(%arg0: i32, %arg1: i32, %arg2: memref<10000x128xf32, #tpu.memory_space<hbm>>, %arg3: memref<320000x128xf32, #tpu.memory_space<hbm>>, %arg4: memref<320000xi32, #tpu.memory_space<hbm>>, %arg5: memref<320000xi32, #tpu.memory_space<hbm>>, %arg6: memref<2x10240x128xf32, #tpu.memory_space<hbm>>, %arg7: memref<10240x128xf32, #tpu.memory_space<vmem_shared>>, %arg8: memref<80xi32, #tpu.memory_space<vmem>>, %arg9: memref<80xi32, #tpu.memory_space<vmem>>, %arg10: memref<80xi32, #tpu.memory_space<vmem>>, %arg11: memref<80xi32, #tpu.memory_space<vmem>>, %arg12: memref<80x128xf32, #tpu.memory_space<vmem>>, %arg13: memref<80x128xf32, #tpu.memory_space<vmem>>, %arg14: memref<80x128xf32, #tpu.memory_space<vmem>>, %arg15: memref<80x128xf32, #tpu.memory_space<vmem>>, %arg16: memref<32x128xf32, #tpu.memory_space<vmem>>, %arg17: memref<!tpu.dma_semaphore, #tpu.memory_space<semaphore_mem>>, %arg18: memref<!tpu.dma_semaphore, #tpu.memory_space<semaphore_mem>>, %arg19: memref<!tpu.dma_semaphore, #tpu.memory_space<semaphore_mem>>, %arg20: memref<!tpu.dma_semaphore, #tpu.memory_space<semaphore_mem>>) attributes {dimension_semantics = [#tpu.dimension_semantics<core_parallel>, #tpu.dimension_semantics<subcore_parallel>], iteration_bounds = array<i64: 2, 16>, scalar_prefetch = 0 : i64, scratch_operands = 14 : i64, tpu.core_type = #tpu.core_type<sc_vector_subcore>, window_params = [{transform_indices = #map}, {transform_indices = #map}, {transform_indices = #map1}, {transform_indices = #map1}, {transform_indices = #map2}]} {
    %mul3A = arith.constant 16 : i32
    %mul3A_0 = arith.muli %arg0, %mul3A : i32
    %add3A = arith.addi %mul3A_0, %arg1 : i32
    %scan3A = arith.constant 0 : i32
    %scan3A_1 = arith.constant 0 : i32
    %scan3A_2 = arith.constant 32 : i32
    %scan3A_3 = arith.addi %scan3A_1, %scan3A_2 : i32
    %scan3A_4 = arith.constant 1 : i32
    scf.for %scan3A_135 = %scan3A_1 to %scan3A_3 step %scan3A_4  : i32 {
      %broadcast_in_dim3A = arith.constant 0.000000e+00 : f32
      %broadcast_in_dim3A_136 = vector.broadcast %broadcast_in_dim3A : f32 to vector<16xf32>
      %swap3A = arith.index_cast %scan3A_135 : i32 to index
      %swap3A_137 = arith.constant 0 : index
      %swap3A_138 = tpu.vector_load %arg16[%swap3A, %swap3A_137] {strides = array<i32>} : memref<32x128xf32, #tpu.memory_space<vmem>>, vector<1x16xf32>,
      %swap3A_139 = vector.shape_cast %swap3A_138 : vector<1x16xf32> to vector<16xf32>
      %swap3A_140 = vector.shape_cast %broadcast_in_dim3A_136 : vector<16xf32> to vector<1x16xf32>
      tpu.vector_store %arg16[%swap3A, %swap3A_137], %swap3A_140 {strides = array<i32>} : memref<32x128xf32, #tpu.memory_space<vmem>>, vector<1x16xf32>,
      %broadcast_in_dim3A_141 = arith.constant 0.000000e+00 : f32
      %broadcast_in_dim3A_142 = vector.broadcast %broadcast_in_dim3A_141 : f32 to vector<16xf32>
      %swap3A_143 = arith.index_cast %scan3A_135 : i32 to index
      %swap3A_144 = arith.constant 16 : index
      %swap3A_145 = tpu.vector_load %arg16[%swap3A_143, %swap3A_144] {strides = array<i32>} : memref<32x128xf32, #tpu.memory_space<vmem>>, vector<1x16xf32>,
      %swap3A_146 = vector.shape_cast %swap3A_145 : vector<1x16xf32> to vector<16xf32>
      %swap3A_147 = vector.shape_cast %broadcast_in_dim3A_142 : vector<16xf32> to vector<1x16xf32>
      tpu.vector_store %arg16[%swap3A_143, %swap3A_144], %swap3A_147 {strides = array<i32>} : memref<32x128xf32, #tpu.memory_space<vmem>>, vector<1x16xf32>,
      %broadcast_in_dim3A_148 = arith.constant 0.000000e+00 : f32
      %broadcast_in_dim3A_149 = vector.broadcast %broadcast_in_dim3A_148 : f32 to vector<16xf32>
      %swap3A_150 = arith.index_cast %scan3A_135 : i32 to index
      %swap3A_151 = arith.constant 32 : index
      %swap3A_152 = tpu.vector_load %arg16[%swap3A_150, %swap3A_151] {strides = array<i32>} : memref<32x128xf32, #tpu.memory_space<vmem>>, vector<1x16xf32>,
      %swap3A_153 = vector.shape_cast %swap3A_152 : vector<1x16xf32> to vector<16xf32>
      %swap3A_154 = vector.shape_cast %broadcast_in_dim3A_149 : vector<16xf32> to vector<1x16xf32>
      tpu.vector_store %arg16[%swap3A_150, %swap3A_151], %swap3A_154 {strides = array<i32>} : memref<32x128xf32, #tpu.memory_space<vmem>>, vector<1x16xf32>,
      %broadcast_in_dim3A_155 = arith.constant 0.000000e+00 : f32
      %broadcast_in_dim3A_156 = vector.broadcast %broadcast_in_dim3A_155 : f32 to vector<16xf32>
      %swap3A_157 = arith.index_cast %scan3A_135 : i32 to index
      %swap3A_158 = arith.constant 48 : index
      %swap3A_159 = tpu.vector_load %arg16[%swap3A_157, %swap3A_158] {strides = array<i32>} : memref<32x128xf32, #tpu.memory_space<vmem>>, vector<1x16xf32>,
      %swap3A_160 = vector.shape_cast %swap3A_159 : vector<1x16xf32> to vector<16xf32>
      %swap3A_161 = vector.shape_cast %broadcast_in_dim3A_156 : vector<16xf32> to vector<1x16xf32>
      tpu.vector_store %arg16[%swap3A_157, %swap3A_158], %swap3A_161 {strides = array<i32>} : memref<32x128xf32, #tpu.memory_space<vmem>>, vector<1x16xf32>,
      %broadcast_in_dim3A_162 = arith.constant 0.000000e+00 : f32
      %broadcast_in_dim3A_163 = vector.broadcast %broadcast_in_dim3A_162 : f32 to vector<16xf32>
      %swap3A_164 = arith.index_cast %scan3A_135 : i32 to index
      %swap3A_165 = arith.constant 64 : index
      %swap3A_166 = tpu.vector_load %arg16[%swap3A_164, %swap3A_165] {strides = array<i32>} : memref<32x128xf32, #tpu.memory_space<vmem>>, vector<1x16xf32>,
      %swap3A_167 = vector.shape_cast %swap3A_166 : vector<1x16xf32> to vector<16xf32>
      %swap3A_168 = vector.shape_cast %broadcast_in_dim3A_163 : vector<16xf32> to vector<1x16xf32>
      tpu.vector_store %arg16[%swap3A_164, %swap3A_165], %swap3A_168 {strides = array<i32>} : memref<32x128xf32, #tpu.memory_space<vmem>>, vector<1x16xf32>,
      %broadcast_in_dim3A_169 = arith.constant 0.000000e+00 : f32
      %broadcast_in_dim3A_170 = vector.broadcast %broadcast_in_dim3A_169 : f32 to vector<16xf32>
      %swap3A_171 = arith.index_cast %scan3A_135 : i32 to index
      %swap3A_172 = arith.constant 80 : index
      %swap3A_173 = tpu.vector_load %arg16[%swap3A_171, %swap3A_172] {strides = array<i32>} : memref<32x128xf32, #tpu.memory_space<vmem>>, vector<1x16xf32>,
      %swap3A_174 = vector.shape_cast %swap3A_173 : vector<1x16xf32> to vector<16xf32>
      %swap3A_175 = vector.shape_cast %broadcast_in_dim3A_170 : vector<16xf32> to vector<1x16xf32>
      tpu.vector_store %arg16[%swap3A_171, %swap3A_172], %swap3A_175 {strides = array<i32>} : memref<32x128xf32, #tpu.memory_space<vmem>>, vector<1x16xf32>,
      %broadcast_in_dim3A_176 = arith.constant 0.000000e+00 : f32
      %broadcast_in_dim3A_177 = vector.broadcast %broadcast_in_dim3A_176 : f32 to vector<16xf32>
      %swap3A_178 = arith.index_cast %scan3A_135 : i32 to index
      %swap3A_179 = arith.constant 96 : index
      %swap3A_180 = tpu.vector_load %arg16[%swap3A_178, %swap3A_179] {strides = array<i32>} : memref<32x128xf32, #tpu.memory_space<vmem>>, vector<1x16xf32>,
      %swap3A_181 = vector.shape_cast %swap3A_180 : vector<1x16xf32> to vector<16xf32>
      %swap3A_182 = vector.shape_cast %broadcast_in_dim3A_177 : vector<16xf32> to vector<1x16xf32>
      tpu.vector_store %arg16[%swap3A_178, %swap3A_179], %swap3A_182 {strides = array<i32>} : memref<32x128xf32, #tpu.memory_space<vmem>>, vector<1x16xf32>,
      %broadcast_in_dim3A_183 = arith.constant 0.000000e+00 : f32
      %broadcast_in_dim3A_184 = vector.broadcast %broadcast_in_dim3A_183 : f32 to vector<16xf32>
      %swap3A_185 = arith.index_cast %scan3A_135 : i32 to index
      %swap3A_186 = arith.constant 112 : index
      %swap3A_187 = tpu.vector_load %arg16[%swap3A_185, %swap3A_186] {strides = array<i32>} : memref<32x128xf32, #tpu.memory_space<vmem>>, vector<1x16xf32>,
      %swap3A_188 = vector.shape_cast %swap3A_187 : vector<1x16xf32> to vector<16xf32>
      %swap3A_189 = vector.shape_cast %broadcast_in_dim3A_184 : vector<16xf32> to vector<1x16xf32>
      tpu.vector_store %arg16[%swap3A_185, %swap3A_186], %swap3A_189 {strides = array<i32>} : memref<32x128xf32, #tpu.memory_space<vmem>>, vector<1x16xf32>,
    }
    %scan3A_5 = arith.constant 32 : i32
    %mul3A_6 = arith.constant 640 : i32
    %mul3A_7 = arith.muli %arg1, %mul3A_6 : i32
    %add3A_8 = arith.constant 0 : i32
    %add3A_9 = arith.addi %mul3A_7, %add3A_8 : i32
    "tpu.region"() ({
      %run_scoped3A = tpu.sem_alloc : memref<!tpu.dma_semaphore, #tpu.memory_space<semaphore_mem>>
      %dma_start3A_135 = arith.constant 0 : i32
      %dma_start3A_136 = tpu.memref_slice %arg7[%add3A_9, %dma_start3A_135] : memref<10240x128xf32, #tpu.memory_space<vmem_shared>> -> memref<32x128xf32, #tpu.memory_space<vmem_shared>>
      %dma_start3A_137 = arith.constant 0 : i32
      %dma_start3A_138 = tpu.memref_slice %arg7[%add3A_9, %dma_start3A_137] : memref<10240x128xf32, #tpu.memory_space<vmem_shared>> -> memref<32x128xf32, #tpu.memory_space<vmem_shared>>
      tpu.enqueue_dma source(%arg16 : memref<32x128xf32, #tpu.memory_space<vmem>>) target(%dma_start3A_138 : memref<32x128xf32, #tpu.memory_space<vmem_shared>>) target_semaphore(%run_scoped3A : memref<!tpu.dma_semaphore, #tpu.memory_space<semaphore_mem>>)
      %dma_wait3A_139 = arith.constant 0 : i32
      %dma_wait3A_140 = tpu.memref_slice %arg7[%add3A_9, %dma_wait3A_139] : memref<10240x128xf32, #tpu.memory_space<vmem_shared>> -> memref<32x128xf32, #tpu.memory_space<vmem_shared>>
      %dma_wait3A_141 = arith.constant 0 : i32
      %dma_wait3A_142 = tpu.memref_slice %arg7[%add3A_9, %dma_wait3A_141] : memref<10240x128xf32, #tpu.memory_space<vmem_shared>> -> memref<32x128xf32, #tpu.memory_space<vmem_shared>>
      tpu.wait_dma2 semaphore(%run_scoped3A : memref<!tpu.dma_semaphore, #tpu.memory_space<semaphore_mem>>) src(%arg16 : memref<32x128xf32, #tpu.memory_space<vmem>>) dst(%dma_wait3A_142 : memref<32x128xf32, #tpu.memory_space<vmem_shared>>)
      tpu.yield
    }) : () -> ()
    %mul3A_10 = arith.constant 640 : i32
    %mul3A_11 = arith.muli %arg1, %mul3A_10 : i32
    %add3A_12 = arith.constant 32 : i32
    %add3A_13 = arith.addi %mul3A_11, %add3A_12 : i32
    "tpu.region"() ({
      %run_scoped3A = tpu.sem_alloc : memref<!tpu.dma_semaphore, #tpu.memory_space<semaphore_mem>>
      %dma_start3A_135 = arith.constant 0 : i32
      %dma_start3A_136 = tpu.memref_slice %arg7[%add3A_13, %dma_start3A_135] : memref<10240x128xf32, #tpu.memory_space<vmem_shared>> -> memref<32x128xf32, #tpu.memory_space<vmem_shared>>
      %dma_start3A_137 = arith.constant 0 : i32
      %dma_start3A_138 = tpu.memref_slice %arg7[%add3A_13, %dma_start3A_137] : memref<10240x128xf32, #tpu.memory_space<vmem_shared>> -> memref<32x128xf32, #tpu.memory_space<vmem_shared>>
      tpu.enqueue_dma source(%arg16 : memref<32x128xf32, #tpu.memory_space<vmem>>) target(%dma_start3A_138 : memref<32x128xf32, #tpu.memory_space<vmem_shared>>) target_semaphore(%run_scoped3A : memref<!tpu.dma_semaphore, #tpu.memory_space<semaphore_mem>>)
      %dma_wait3A_139 = arith.constant 0 : i32
      %dma_wait3A_140 = tpu.memref_slice %arg7[%add3A_13, %dma_wait3A_139] : memref<10240x128xf32, #tpu.memory_space<vmem_shared>> -> memref<32x128xf32, #tpu.memory_space<vmem_shared>>
      %dma_wait3A_141 = arith.constant 0 : i32
      %dma_wait3A_142 = tpu.memref_slice %arg7[%add3A_13, %dma_wait3A_141] : memref<10240x128xf32, #tpu.memory_space<vmem_shared>> -> memref<32x128xf32, #tpu.memory_space<vmem_shared>>
      tpu.wait_dma2 semaphore(%run_scoped3A : memref<!tpu.dma_semaphore, #tpu.memory_space<semaphore_mem>>) src(%arg16 : memref<32x128xf32, #tpu.memory_space<vmem>>) dst(%dma_wait3A_142 : memref<32x128xf32, #tpu.memory_space<vmem_shared>>)
      tpu.yield
    }) : () -> ()
    %mul3A_14 = arith.constant 640 : i32
    %mul3A_15 = arith.muli %arg1, %mul3A_14 : i32
    %add3A_16 = arith.constant 64 : i32
    %add3A_17 = arith.addi %mul3A_15, %add3A_16 : i32
    "tpu.region"() ({
      %run_scoped3A = tpu.sem_alloc : memref<!tpu.dma_semaphore, #tpu.memory_space<semaphore_mem>>
      %dma_start3A_135 = arith.constant 0 : i32
      %dma_start3A_136 = tpu.memref_slice %arg7[%add3A_17, %dma_start3A_135] : memref<10240x128xf32, #tpu.memory_space<vmem_shared>> -> memref<32x128xf32, #tpu.memory_space<vmem_shared>>
      %dma_start3A_137 = arith.constant 0 : i32
      %dma_start3A_138 = tpu.memref_slice %arg7[%add3A_17, %dma_start3A_137] : memref<10240x128xf32, #tpu.memory_space<vmem_shared>> -> memref<32x128xf32, #tpu.memory_space<vmem_shared>>
      tpu.enqueue_dma source(%arg16 : memref<32x128xf32, #tpu.memory_space<vmem>>) target(%dma_start3A_138 : memref<32x128xf32, #tpu.memory_space<vmem_shared>>) target_semaphore(%run_scoped3A : memref<!tpu.dma_semaphore, #tpu.memory_space<semaphore_mem>>)
      %dma_wait3A_139 = arith.constant 0 : i32
      %dma_wait3A_140 = tpu.memref_slice %arg7[%add3A_17, %dma_wait3A_139] : memref<10240x128xf32, #tpu.memory_space<vmem_shared>> -> memref<32x128xf32, #tpu.memory_space<vmem_shared>>
      %dma_wait3A_141 = arith.constant 0 : i32
      %dma_wait3A_142 = tpu.memref_slice %arg7[%add3A_17, %dma_wait3A_141] : memref<10240x128xf32, #tpu.memory_space<vmem_shared>> -> memref<32x128xf32, #tpu.memory_space<vmem_shared>>
      tpu.wait_dma2 semaphore(%run_scoped3A : memref<!tpu.dma_semaphore, #tpu.memory_space<semaphore_mem>>) src(%arg16 : memref<32x128xf32, #tpu.memory_space<vmem>>) dst(%dma_wait3A_142 : memref<32x128xf32, #tpu.memory_space<vmem_shared>>)
      tpu.yield
    }) : () -> ()
    %mul3A_18 = arith.constant 640 : i32
    %mul3A_19 = arith.muli %arg1, %mul3A_18 : i32
    %add3A_20 = arith.constant 96 : i32
    %add3A_21 = arith.addi %mul3A_19, %add3A_20 : i32
    "tpu.region"() ({
      %run_scoped3A = tpu.sem_alloc : memref<!tpu.dma_semaphore, #tpu.memory_space<semaphore_mem>>
      %dma_start3A_135 = arith.constant 0 : i32
      %dma_start3A_136 = tpu.memref_slice %arg7[%add3A_21, %dma_start3A_135] : memref<10240x128xf32, #tpu.memory_space<vmem_shared>> -> memref<32x128xf32, #tpu.memory_space<vmem_shared>>
      %dma_start3A_137 = arith.constant 0 : i32
      %dma_start3A_138 = tpu.memref_slice %arg7[%add3A_21, %dma_start3A_137] : memref<10240x128xf32, #tpu.memory_space<vmem_shared>> -> memref<32x128xf32, #tpu.memory_space<vmem_shared>>
      tpu.enqueue_dma source(%arg16 : memref<32x128xf32, #tpu.memory_space<vmem>>) target(%dma_start3A_138 : memref<32x128xf32, #tpu.memory_space<vmem_shared>>) target_semaphore(%run_scoped3A : memref<!tpu.dma_semaphore, #tpu.memory_space<semaphore_mem>>)
      %dma_wait3A_139 = arith.constant 0 : i32
      %dma_wait3A_140 = tpu.memref_slice %arg7[%add3A_21, %dma_wait3A_139] : memref<10240x128xf32, #tpu.memory_space<vmem_shared>> -> memref<32x128xf32, #tpu.memory_space<vmem_shared>>
      %dma_wait3A_141 = arith.constant 0 : i32
      %dma_wait3A_142 = tpu.memref_slice %arg7[%add3A_21, %dma_wait3A_141] : memref<10240x128xf32, #tpu.memory_space<vmem_shared>> -> memref<32x128xf32, #tpu.memory_space<vmem_shared>>
      tpu.wait_dma2 semaphore(%run_scoped3A : memref<!tpu.dma_semaphore, #tpu.memory_space<semaphore_mem>>) src(%arg16 : memref<32x128xf32, #tpu.memory_space<vmem>>) dst(%dma_wait3A_142 : memref<32x128xf32, #tpu.memory_space<vmem_shared>>)
      tpu.yield
    }) : () -> ()
    %mul3A_22 = arith.constant 640 : i32
    %mul3A_23 = arith.muli %arg1, %mul3A_22 : i32
    %add3A_24 = arith.constant 128 : i32
    %add3A_25 = arith.addi %mul3A_23, %add3A_24 : i32
    "tpu.region"() ({
      %run_scoped3A = tpu.sem_alloc : memref<!tpu.dma_semaphore, #tpu.memory_space<semaphore_mem>>
      %dma_start3A_135 = arith.constant 0 : i32
      %dma_start3A_136 = tpu.memref_slice %arg7[%add3A_25, %dma_start3A_135] : memref<10240x128xf32, #tpu.memory_space<vmem_shared>> -> memref<32x128xf32, #tpu.memory_space<vmem_shared>>
      %dma_start3A_137 = arith.constant 0 : i32
      %dma_start3A_138 = tpu.memref_slice %arg7[%add3A_25, %dma_start3A_137] : memref<10240x128xf32, #tpu.memory_space<vmem_shared>> -> memref<32x128xf32, #tpu.memory_space<vmem_shared>>
      tpu.enqueue_dma source(%arg16 : memref<32x128xf32, #tpu.memory_space<vmem>>) target(%dma_start3A_138 : memref<32x128xf32, #tpu.memory_space<vmem_shared>>) target_semaphore(%run_scoped3A : memref<!tpu.dma_semaphore, #tpu.memory_space<semaphore_mem>>)
      %dma_wait3A_139 = arith.constant 0 : i32
      %dma_wait3A_140 = tpu.memref_slice %arg7[%add3A_25, %dma_wait3A_139] : memref<10240x128xf32, #tpu.memory_space<vmem_shared>> -> memref<32x128xf32, #tpu.memory_space<vmem_shared>>
      %dma_wait3A_141 = arith.constant 0 : i32
      %dma_wait3A_142 = tpu.memref_slice %arg7[%add3A_25, %dma_wait3A_141] : memref<10240x128xf32, #tpu.memory_space<vmem_shared>> -> memref<32x128xf32, #tpu.memory_space<vmem_shared>>
      tpu.wait_dma2 semaphore(%run_scoped3A : memref<!tpu.dma_semaphore, #tpu.memory_space<semaphore_mem>>) src(%arg16 : memref<32x128xf32, #tpu.memory_space<vmem>>) dst(%dma_wait3A_142 : memref<32x128xf32, #tpu.memory_space<vmem_shared>>)
      tpu.yield
    }) : () -> ()
    %mul3A_26 = arith.constant 640 : i32
    %mul3A_27 = arith.muli %arg1, %mul3A_26 : i32
    %add3A_28 = arith.constant 160 : i32
    %add3A_29 = arith.addi %mul3A_27, %add3A_28 : i32
    "tpu.region"() ({
      %run_scoped3A = tpu.sem_alloc : memref<!tpu.dma_semaphore, #tpu.memory_space<semaphore_mem>>
      %dma_start3A_135 = arith.constant 0 : i32
      %dma_start3A_136 = tpu.memref_slice %arg7[%add3A_29, %dma_start3A_135] : memref<10240x128xf32, #tpu.memory_space<vmem_shared>> -> memref<32x128xf32, #tpu.memory_space<vmem_shared>>
      %dma_start3A_137 = arith.constant 0 : i32
      %dma_start3A_138 = tpu.memref_slice %arg7[%add3A_29, %dma_start3A_137] : memref<10240x128xf32, #tpu.memory_space<vmem_shared>> -> memref<32x128xf32, #tpu.memory_space<vmem_shared>>
      tpu.enqueue_dma source(%arg16 : memref<32x128xf32, #tpu.memory_space<vmem>>) target(%dma_start3A_138 : memref<32x128xf32, #tpu.memory_space<vmem_shared>>) target_semaphore(%run_scoped3A : memref<!tpu.dma_semaphore, #tpu.memory_space<semaphore_mem>>)
      %dma_wait3A_139 = arith.constant 0 : i32
      %dma_wait3A_140 = tpu.memref_slice %arg7[%add3A_29, %dma_wait3A_139] : memref<10240x128xf32, #tpu.memory_space<vmem_shared>> -> memref<32x128xf32, #tpu.memory_space<vmem_shared>>
      %dma_wait3A_141 = arith.constant 0 : i32
      %dma_wait3A_142 = tpu.memref_slice %arg7[%add3A_29, %dma_wait3A_141] : memref<10240x128xf32, #tpu.memory_space<vmem_shared>> -> memref<32x128xf32, #tpu.memory_space<vmem_shared>>
      tpu.wait_dma2 semaphore(%run_scoped3A : memref<!tpu.dma_semaphore, #tpu.memory_space<semaphore_mem>>) src(%arg16 : memref<32x128xf32, #tpu.memory_space<vmem>>) dst(%dma_wait3A_142 : memref<32x128xf32, #tpu.memory_space<vmem_shared>>)
      tpu.yield
    }) : () -> ()
    %mul3A_30 = arith.constant 640 : i32
    %mul3A_31 = arith.muli %arg1, %mul3A_30 : i32
    %add3A_32 = arith.constant 192 : i32
    %add3A_33 = arith.addi %mul3A_31, %add3A_32 : i32
    "tpu.region"() ({
      %run_scoped3A = tpu.sem_alloc : memref<!tpu.dma_semaphore, #tpu.memory_space<semaphore_mem>>
      %dma_start3A_135 = arith.constant 0 : i32
      %dma_start3A_136 = tpu.memref_slice %arg7[%add3A_33, %dma_start3A_135] : memref<10240x128xf32, #tpu.memory_space<vmem_shared>> -> memref<32x128xf32, #tpu.memory_space<vmem_shared>>
      %dma_start3A_137 = arith.constant 0 : i32
      %dma_start3A_138 = tpu.memref_slice %arg7[%add3A_33, %dma_start3A_137] : memref<10240x128xf32, #tpu.memory_space<vmem_shared>> -> memref<32x128xf32, #tpu.memory_space<vmem_shared>>
      tpu.enqueue_dma source(%arg16 : memref<32x128xf32, #tpu.memory_space<vmem>>) target(%dma_start3A_138 : memref<32x128xf32, #tpu.memory_space<vmem_shared>>) target_semaphore(%run_scoped3A : memref<!tpu.dma_semaphore, #tpu.memory_space<semaphore_mem>>)
      %dma_wait3A_139 = arith.constant 0 : i32
      %dma_wait3A_140 = tpu.memref_slice %arg7[%add3A_33, %dma_wait3A_139] : memref<10240x128xf32, #tpu.memory_space<vmem_shared>> -> memref<32x128xf32, #tpu.memory_space<vmem_shared>>
      %dma_wait3A_141 = arith.constant 0 : i32
      %dma_wait3A_142 = tpu.memref_slice %arg7[%add3A_33, %dma_wait3A_141] : memref<10240x128xf32, #tpu.memory_space<vmem_shared>> -> memref<32x128xf32, #tpu.memory_space<vmem_shared>>
      tpu.wait_dma2 semaphore(%run_scoped3A : memref<!tpu.dma_semaphore, #tpu.memory_space<semaphore_mem>>) src(%arg16 : memref<32x128xf32, #tpu.memory_space<vmem>>) dst(%dma_wait3A_142 : memref<32x128xf32, #tpu.memory_space<vmem_shared>>)
      tpu.yield
    }) : () -> ()
    %mul3A_34 = arith.constant 640 : i32
    %mul3A_35 = arith.muli %arg1, %mul3A_34 : i32
    %add3A_36 = arith.constant 224 : i32
    %add3A_37 = arith.addi %mul3A_35, %add3A_36 : i32
    "tpu.region"() ({
      %run_scoped3A = tpu.sem_alloc : memref<!tpu.dma_semaphore, #tpu.memory_space<semaphore_mem>>
      %dma_start3A_135 = arith.constant 0 : i32
      %dma_start3A_136 = tpu.memref_slice %arg7[%add3A_37, %dma_start3A_135] : memref<10240x128xf32, #tpu.memory_space<vmem_shared>> -> memref<32x128xf32, #tpu.memory_space<vmem_shared>>
      %dma_start3A_137 = arith.constant 0 : i32
      %dma_start3A_138 = tpu.memref_slice %arg7[%add3A_37, %dma_start3A_137] : memref<10240x128xf32, #tpu.memory_space<vmem_shared>> -> memref<32x128xf32, #tpu.memory_space<vmem_shared>>
      tpu.enqueue_dma source(%arg16 : memref<32x128xf32, #tpu.memory_space<vmem>>) target(%dma_start3A_138 : memref<32x128xf32, #tpu.memory_space<vmem_shared>>) target_semaphore(%run_scoped3A : memref<!tpu.dma_semaphore, #tpu.memory_space<semaphore_mem>>)
      %dma_wait3A_139 = arith.constant 0 : i32
      %dma_wait3A_140 = tpu.memref_slice %arg7[%add3A_37, %dma_wait3A_139] : memref<10240x128xf32, #tpu.memory_space<vmem_shared>> -> memref<32x128xf32, #tpu.memory_space<vmem_shared>>
      %dma_wait3A_141 = arith.constant 0 : i32
      %dma_wait3A_142 = tpu.memref_slice %arg7[%add3A_37, %dma_wait3A_141] : memref<10240x128xf32, #tpu.memory_space<vmem_shared>> -> memref<32x128xf32, #tpu.memory_space<vmem_shared>>
      tpu.wait_dma2 semaphore(%run_scoped3A : memref<!tpu.dma_semaphore, #tpu.memory_space<semaphore_mem>>) src(%arg16 : memref<32x128xf32, #tpu.memory_space<vmem>>) dst(%dma_wait3A_142 : memref<32x128xf32, #tpu.memory_space<vmem_shared>>)
      tpu.yield
    }) : () -> ()
    %mul3A_38 = arith.constant 640 : i32
    %mul3A_39 = arith.muli %arg1, %mul3A_38 : i32
    %add3A_40 = arith.constant 256 : i32
    %add3A_41 = arith.addi %mul3A_39, %add3A_40 : i32
    "tpu.region"() ({
      %run_scoped3A = tpu.sem_alloc : memref<!tpu.dma_semaphore, #tpu.memory_space<semaphore_mem>>
      %dma_start3A_135 = arith.constant 0 : i32
      %dma_start3A_136 = tpu.memref_slice %arg7[%add3A_41, %dma_start3A_135] : memref<10240x128xf32, #tpu.memory_space<vmem_shared>> -> memref<32x128xf32, #tpu.memory_space<vmem_shared>>
      %dma_start3A_137 = arith.constant 0 : i32
      %dma_start3A_138 = tpu.memref_slice %arg7[%add3A_41, %dma_start3A_137] : memref<10240x128xf32, #tpu.memory_space<vmem_shared>> -> memref<32x128xf32, #tpu.memory_space<vmem_shared>>
      tpu.enqueue_dma source(%arg16 : memref<32x128xf32, #tpu.memory_space<vmem>>) target(%dma_start3A_138 : memref<32x128xf32, #tpu.memory_space<vmem_shared>>) target_semaphore(%run_scoped3A : memref<!tpu.dma_semaphore, #tpu.memory_space<semaphore_mem>>)
      %dma_wait3A_139 = arith.constant 0 : i32
      %dma_wait3A_140 = tpu.memref_slice %arg7[%add3A_41, %dma_wait3A_139] : memref<10240x128xf32, #tpu.memory_space<vmem_shared>> -> memref<32x128xf32, #tpu.memory_space<vmem_shared>>
      %dma_wait3A_141 = arith.constant 0 : i32
      %dma_wait3A_142 = tpu.memref_slice %arg7[%add3A_41, %dma_wait3A_141] : memref<10240x128xf32, #tpu.memory_space<vmem_shared>> -> memref<32x128xf32, #tpu.memory_space<vmem_shared>>
      tpu.wait_dma2 semaphore(%run_scoped3A : memref<!tpu.dma_semaphore, #tpu.memory_space<semaphore_mem>>) src(%arg16 : memref<32x128xf32, #tpu.memory_space<vmem>>) dst(%dma_wait3A_142 : memref<32x128xf32, #tpu.memory_space<vmem_shared>>)
      tpu.yield
    }) : () -> ()
    %mul3A_42 = arith.constant 640 : i32
    %mul3A_43 = arith.muli %arg1, %mul3A_42 : i32
    %add3A_44 = arith.constant 288 : i32
    %add3A_45 = arith.addi %mul3A_43, %add3A_44 : i32
    "tpu.region"() ({
      %run_scoped3A = tpu.sem_alloc : memref<!tpu.dma_semaphore, #tpu.memory_space<semaphore_mem>>
      %dma_start3A_135 = arith.constant 0 : i32
      %dma_start3A_136 = tpu.memref_slice %arg7[%add3A_45, %dma_start3A_135] : memref<10240x128xf32, #tpu.memory_space<vmem_shared>> -> memref<32x128xf32, #tpu.memory_space<vmem_shared>>
      %dma_start3A_137 = arith.constant 0 : i32
      %dma_start3A_138 = tpu.memref_slice %arg7[%add3A_45, %dma_start3A_137] : memref<10240x128xf32, #tpu.memory_space<vmem_shared>> -> memref<32x128xf32, #tpu.memory_space<vmem_shared>>
      tpu.enqueue_dma source(%arg16 : memref<32x128xf32, #tpu.memory_space<vmem>>) target(%dma_start3A_138 : memref<32x128xf32, #tpu.memory_space<vmem_shared>>) target_semaphore(%run_scoped3A : memref<!tpu.dma_semaphore, #tpu.memory_space<semaphore_mem>>)
      %dma_wait3A_139 = arith.constant 0 : i32
      %dma_wait3A_140 = tpu.memref_slice %arg7[%add3A_45, %dma_wait3A_139] : memref<10240x128xf32, #tpu.memory_space<vmem_shared>> -> memref<32x128xf32, #tpu.memory_space<vmem_shared>>
      %dma_wait3A_141 = arith.constant 0 : i32
      %dma_wait3A_142 = tpu.memref_slice %arg7[%add3A_45, %dma_wait3A_141] : memref<10240x128xf32, #tpu.memory_space<vmem_shared>> -> memref<32x128xf32, #tpu.memory_space<vmem_shared>>
      tpu.wait_dma2 semaphore(%run_scoped3A : memref<!tpu.dma_semaphore, #tpu.memory_space<semaphore_mem>>) src(%arg16 : memref<32x128xf32, #tpu.memory_space<vmem>>) dst(%dma_wait3A_142 : memref<32x128xf32, #tpu.memory_space<vmem_shared>>)
      tpu.yield
    }) : () -> ()
    %mul3A_46 = arith.constant 640 : i32
    %mul3A_47 = arith.muli %arg1, %mul3A_46 : i32
    %add3A_48 = arith.constant 320 : i32
    %add3A_49 = arith.addi %mul3A_47, %add3A_48 : i32
    "tpu.region"() ({
      %run_scoped3A = tpu.sem_alloc : memref<!tpu.dma_semaphore, #tpu.memory_space<semaphore_mem>>
      %dma_start3A_135 = arith.constant 0 : i32
      %dma_start3A_136 = tpu.memref_slice %arg7[%add3A_49, %dma_start3A_135] : memref<10240x128xf32, #tpu.memory_space<vmem_shared>> -> memref<32x128xf32, #tpu.memory_space<vmem_shared>>
      %dma_start3A_137 = arith.constant 0 : i32
      %dma_start3A_138 = tpu.memref_slice %arg7[%add3A_49, %dma_start3A_137] : memref<10240x128xf32, #tpu.memory_space<vmem_shared>> -> memref<32x128xf32, #tpu.memory_space<vmem_shared>>
      tpu.enqueue_dma source(%arg16 : memref<32x128xf32, #tpu.memory_space<vmem>>) target(%dma_start3A_138 : memref<32x128xf32, #tpu.memory_space<vmem_shared>>) target_semaphore(%run_scoped3A : memref<!tpu.dma_semaphore, #tpu.memory_space<semaphore_mem>>)
      %dma_wait3A_139 = arith.constant 0 : i32
      %dma_wait3A_140 = tpu.memref_slice %arg7[%add3A_49, %dma_wait3A_139] : memref<10240x128xf32, #tpu.memory_space<vmem_shared>> -> memref<32x128xf32, #tpu.memory_space<vmem_shared>>
      %dma_wait3A_141 = arith.constant 0 : i32
      %dma_wait3A_142 = tpu.memref_slice %arg7[%add3A_49, %dma_wait3A_141] : memref<10240x128xf32, #tpu.memory_space<vmem_shared>> -> memref<32x128xf32, #tpu.memory_space<vmem_shared>>
      tpu.wait_dma2 semaphore(%run_scoped3A : memref<!tpu.dma_semaphore, #tpu.memory_space<semaphore_mem>>) src(%arg16 : memref<32x128xf32, #tpu.memory_space<vmem>>) dst(%dma_wait3A_142 : memref<32x128xf32, #tpu.memory_space<vmem_shared>>)
      tpu.yield
    }) : () -> ()
    %mul3A_50 = arith.constant 640 : i32
    %mul3A_51 = arith.muli %arg1, %mul3A_50 : i32
    %add3A_52 = arith.constant 352 : i32
    %add3A_53 = arith.addi %mul3A_51, %add3A_52 : i32
    "tpu.region"() ({
      %run_scoped3A = tpu.sem_alloc : memref<!tpu.dma_semaphore, #tpu.memory_space<semaphore_mem>>
      %dma_start3A_135 = arith.constant 0 : i32
      %dma_start3A_136 = tpu.memref_slice %arg7[%add3A_53, %dma_start3A_135] : memref<10240x128xf32, #tpu.memory_space<vmem_shared>> -> memref<32x128xf32, #tpu.memory_space<vmem_shared>>
      %dma_start3A_137 = arith.constant 0 : i32
      %dma_start3A_138 = tpu.memref_slice %arg7[%add3A_53, %dma_start3A_137] : memref<10240x128xf32, #tpu.memory_space<vmem_shared>> -> memref<32x128xf32, #tpu.memory_space<vmem_shared>>
      tpu.enqueue_dma source(%arg16 : memref<32x128xf32, #tpu.memory_space<vmem>>) target(%dma_start3A_138 : memref<32x128xf32, #tpu.memory_space<vmem_shared>>) target_semaphore(%run_scoped3A : memref<!tpu.dma_semaphore, #tpu.memory_space<semaphore_mem>>)
      %dma_wait3A_139 = arith.constant 0 : i32
      %dma_wait3A_140 = tpu.memref_slice %arg7[%add3A_53, %dma_wait3A_139] : memref<10240x128xf32, #tpu.memory_space<vmem_shared>> -> memref<32x128xf32, #tpu.memory_space<vmem_shared>>
      %dma_wait3A_141 = arith.constant 0 : i32
      %dma_wait3A_142 = tpu.memref_slice %arg7[%add3A_53, %dma_wait3A_141] : memref<10240x128xf32, #tpu.memory_space<vmem_shared>> -> memref<32x128xf32, #tpu.memory_space<vmem_shared>>
      tpu.wait_dma2 semaphore(%run_scoped3A : memref<!tpu.dma_semaphore, #tpu.memory_space<semaphore_mem>>) src(%arg16 : memref<32x128xf32, #tpu.memory_space<vmem>>) dst(%dma_wait3A_142 : memref<32x128xf32, #tpu.memory_space<vmem_shared>>)
      tpu.yield
    }) : () -> ()
    %mul3A_54 = arith.constant 640 : i32
    %mul3A_55 = arith.muli %arg1, %mul3A_54 : i32
    %add3A_56 = arith.constant 384 : i32
    %add3A_57 = arith.addi %mul3A_55, %add3A_56 : i32
    "tpu.region"() ({
      %run_scoped3A = tpu.sem_alloc : memref<!tpu.dma_semaphore, #tpu.memory_space<semaphore_mem>>
      %dma_start3A_135 = arith.constant 0 : i32
      %dma_start3A_136 = tpu.memref_slice %arg7[%add3A_57, %dma_start3A_135] : memref<10240x128xf32, #tpu.memory_space<vmem_shared>> -> memref<32x128xf32, #tpu.memory_space<vmem_shared>>
      %dma_start3A_137 = arith.constant 0 : i32
      %dma_start3A_138 = tpu.memref_slice %arg7[%add3A_57, %dma_start3A_137] : memref<10240x128xf32, #tpu.memory_space<vmem_shared>> -> memref<32x128xf32, #tpu.memory_space<vmem_shared>>
      tpu.enqueue_dma source(%arg16 : memref<32x128xf32, #tpu.memory_space<vmem>>) target(%dma_start3A_138 : memref<32x128xf32, #tpu.memory_space<vmem_shared>>) target_semaphore(%run_scoped3A : memref<!tpu.dma_semaphore, #tpu.memory_space<semaphore_mem>>)
      %dma_wait3A_139 = arith.constant 0 : i32
      %dma_wait3A_140 = tpu.memref_slice %arg7[%add3A_57, %dma_wait3A_139] : memref<10240x128xf32, #tpu.memory_space<vmem_shared>> -> memref<32x128xf32, #tpu.memory_space<vmem_shared>>
      %dma_wait3A_141 = arith.constant 0 : i32
      %dma_wait3A_142 = tpu.memref_slice %arg7[%add3A_57, %dma_wait3A_141] : memref<10240x128xf32, #tpu.memory_space<vmem_shared>> -> memref<32x128xf32, #tpu.memory_space<vmem_shared>>
      tpu.wait_dma2 semaphore(%run_scoped3A : memref<!tpu.dma_semaphore, #tpu.memory_space<semaphore_mem>>) src(%arg16 : memref<32x128xf32, #tpu.memory_space<vmem>>) dst(%dma_wait3A_142 : memref<32x128xf32, #tpu.memory_space<vmem_shared>>)
      tpu.yield
    }) : () -> ()
    %mul3A_58 = arith.constant 640 : i32
    %mul3A_59 = arith.muli %arg1, %mul3A_58 : i32
    %add3A_60 = arith.constant 416 : i32
    %add3A_61 = arith.addi %mul3A_59, %add3A_60 : i32
    "tpu.region"() ({
      %run_scoped3A = tpu.sem_alloc : memref<!tpu.dma_semaphore, #tpu.memory_space<semaphore_mem>>
      %dma_start3A_135 = arith.constant 0 : i32
      %dma_start3A_136 = tpu.memref_slice %arg7[%add3A_61, %dma_start3A_135] : memref<10240x128xf32, #tpu.memory_space<vmem_shared>> -> memref<32x128xf32, #tpu.memory_space<vmem_shared>>
      %dma_start3A_137 = arith.constant 0 : i32
      %dma_start3A_138 = tpu.memref_slice %arg7[%add3A_61, %dma_start3A_137] : memref<10240x128xf32, #tpu.memory_space<vmem_shared>> -> memref<32x128xf32, #tpu.memory_space<vmem_shared>>
      tpu.enqueue_dma source(%arg16 : memref<32x128xf32, #tpu.memory_space<vmem>>) target(%dma_start3A_138 : memref<32x128xf32, #tpu.memory_space<vmem_shared>>) target_semaphore(%run_scoped3A : memref<!tpu.dma_semaphore, #tpu.memory_space<semaphore_mem>>)
      %dma_wait3A_139 = arith.constant 0 : i32
      %dma_wait3A_140 = tpu.memref_slice %arg7[%add3A_61, %dma_wait3A_139] : memref<10240x128xf32, #tpu.memory_space<vmem_shared>> -> memref<32x128xf32, #tpu.memory_space<vmem_shared>>
      %dma_wait3A_141 = arith.constant 0 : i32
      %dma_wait3A_142 = tpu.memref_slice %arg7[%add3A_61, %dma_wait3A_141] : memref<10240x128xf32, #tpu.memory_space<vmem_shared>> -> memref<32x128xf32, #tpu.memory_space<vmem_shared>>
      tpu.wait_dma2 semaphore(%run_scoped3A : memref<!tpu.dma_semaphore, #tpu.memory_space<semaphore_mem>>) src(%arg16 : memref<32x128xf32, #tpu.memory_space<vmem>>) dst(%dma_wait3A_142 : memref<32x128xf32, #tpu.memory_space<vmem_shared>>)
      tpu.yield
    }) : () -> ()
    %mul3A_62 = arith.constant 640 : i32
    %mul3A_63 = arith.muli %arg1, %mul3A_62 : i32
    %add3A_64 = arith.constant 448 : i32
    %add3A_65 = arith.addi %mul3A_63, %add3A_64 : i32
    "tpu.region"() ({
      %run_scoped3A = tpu.sem_alloc : memref<!tpu.dma_semaphore, #tpu.memory_space<semaphore_mem>>
      %dma_start3A_135 = arith.constant 0 : i32
      %dma_start3A_136 = tpu.memref_slice %arg7[%add3A_65, %dma_start3A_135] : memref<10240x128xf32, #tpu.memory_space<vmem_shared>> -> memref<32x128xf32, #tpu.memory_space<vmem_shared>>
      %dma_start3A_137 = arith.constant 0 : i32
      %dma_start3A_138 = tpu.memref_slice %arg7[%add3A_65, %dma_start3A_137] : memref<10240x128xf32, #tpu.memory_space<vmem_shared>> -> memref<32x128xf32, #tpu.memory_space<vmem_shared>>
      tpu.enqueue_dma source(%arg16 : memref<32x128xf32, #tpu.memory_space<vmem>>) target(%dma_start3A_138 : memref<32x128xf32, #tpu.memory_space<vmem_shared>>) target_semaphore(%run_scoped3A : memref<!tpu.dma_semaphore, #tpu.memory_space<semaphore_mem>>)
      %dma_wait3A_139 = arith.constant 0 : i32
      %dma_wait3A_140 = tpu.memref_slice %arg7[%add3A_65, %dma_wait3A_139] : memref<10240x128xf32, #tpu.memory_space<vmem_shared>> -> memref<32x128xf32, #tpu.memory_space<vmem_shared>>
      %dma_wait3A_141 = arith.constant 0 : i32
      %dma_wait3A_142 = tpu.memref_slice %arg7[%add3A_65, %dma_wait3A_141] : memref<10240x128xf32, #tpu.memory_space<vmem_shared>> -> memref<32x128xf32, #tpu.memory_space<vmem_shared>>
      tpu.wait_dma2 semaphore(%run_scoped3A : memref<!tpu.dma_semaphore, #tpu.memory_space<semaphore_mem>>) src(%arg16 : memref<32x128xf32, #tpu.memory_space<vmem>>) dst(%dma_wait3A_142 : memref<32x128xf32, #tpu.memory_space<vmem_shared>>)
      tpu.yield
    }) : () -> ()
    %mul3A_66 = arith.constant 640 : i32
    %mul3A_67 = arith.muli %arg1, %mul3A_66 : i32
    %add3A_68 = arith.constant 480 : i32
    %add3A_69 = arith.addi %mul3A_67, %add3A_68 : i32
    "tpu.region"() ({
      %run_scoped3A = tpu.sem_alloc : memref<!tpu.dma_semaphore, #tpu.memory_space<semaphore_mem>>
      %dma_start3A_135 = arith.constant 0 : i32
      %dma_start3A_136 = tpu.memref_slice %arg7[%add3A_69, %dma_start3A_135] : memref<10240x128xf32, #tpu.memory_space<vmem_shared>> -> memref<32x128xf32, #tpu.memory_space<vmem_shared>>
      %dma_start3A_137 = arith.constant 0 : i32
      %dma_start3A_138 = tpu.memref_slice %arg7[%add3A_69, %dma_start3A_137] : memref<10240x128xf32, #tpu.memory_space<vmem_shared>> -> memref<32x128xf32, #tpu.memory_space<vmem_shared>>
      tpu.enqueue_dma source(%arg16 : memref<32x128xf32, #tpu.memory_space<vmem>>) target(%dma_start3A_138 : memref<32x128xf32, #tpu.memory_space<vmem_shared>>) target_semaphore(%run_scoped3A : memref<!tpu.dma_semaphore, #tpu.memory_space<semaphore_mem>>)
      %dma_wait3A_139 = arith.constant 0 : i32
      %dma_wait3A_140 = tpu.memref_slice %arg7[%add3A_69, %dma_wait3A_139] : memref<10240x128xf32, #tpu.memory_space<vmem_shared>> -> memref<32x128xf32, #tpu.memory_space<vmem_shared>>
      %dma_wait3A_141 = arith.constant 0 : i32
      %dma_wait3A_142 = tpu.memref_slice %arg7[%add3A_69, %dma_wait3A_141] : memref<10240x128xf32, #tpu.memory_space<vmem_shared>> -> memref<32x128xf32, #tpu.memory_space<vmem_shared>>
      tpu.wait_dma2 semaphore(%run_scoped3A : memref<!tpu.dma_semaphore, #tpu.memory_space<semaphore_mem>>) src(%arg16 : memref<32x128xf32, #tpu.memory_space<vmem>>) dst(%dma_wait3A_142 : memref<32x128xf32, #tpu.memory_space<vmem_shared>>)
      tpu.yield
    }) : () -> ()
    %mul3A_70 = arith.constant 640 : i32
    %mul3A_71 = arith.muli %arg1, %mul3A_70 : i32
    %add3A_72 = arith.constant 512 : i32
    %add3A_73 = arith.addi %mul3A_71, %add3A_72 : i32
    "tpu.region"() ({
      %run_scoped3A = tpu.sem_alloc : memref<!tpu.dma_semaphore, #tpu.memory_space<semaphore_mem>>
      %dma_start3A_135 = arith.constant 0 : i32
      %dma_start3A_136 = tpu.memref_slice %arg7[%add3A_73, %dma_start3A_135] : memref<10240x128xf32, #tpu.memory_space<vmem_shared>> -> memref<32x128xf32, #tpu.memory_space<vmem_shared>>
      %dma_start3A_137 = arith.constant 0 : i32
      %dma_start3A_138 = tpu.memref_slice %arg7[%add3A_73, %dma_start3A_137] : memref<10240x128xf32, #tpu.memory_space<vmem_shared>> -> memref<32x128xf32, #tpu.memory_space<vmem_shared>>
      tpu.enqueue_dma source(%arg16 : memref<32x128xf32, #tpu.memory_space<vmem>>) target(%dma_start3A_138 : memref<32x128xf32, #tpu.memory_space<vmem_shared>>) target_semaphore(%run_scoped3A : memref<!tpu.dma_semaphore, #tpu.memory_space<semaphore_mem>>)
      %dma_wait3A_139 = arith.constant 0 : i32
      %dma_wait3A_140 = tpu.memref_slice %arg7[%add3A_73, %dma_wait3A_139] : memref<10240x128xf32, #tpu.memory_space<vmem_shared>> -> memref<32x128xf32, #tpu.memory_space<vmem_shared>>
      %dma_wait3A_141 = arith.constant 0 : i32
      %dma_wait3A_142 = tpu.memref_slice %arg7[%add3A_73, %dma_wait3A_141] : memref<10240x128xf32, #tpu.memory_space<vmem_shared>> -> memref<32x128xf32, #tpu.memory_space<vmem_shared>>
      tpu.wait_dma2 semaphore(%run_scoped3A : memref<!tpu.dma_semaphore, #tpu.memory_space<semaphore_mem>>) src(%arg16 : memref<32x128xf32, #tpu.memory_space<vmem>>) dst(%dma_wait3A_142 : memref<32x128xf32, #tpu.memory_space<vmem_shared>>)
      tpu.yield
    }) : () -> ()
    %mul3A_74 = arith.constant 640 : i32
    %mul3A_75 = arith.muli %arg1, %mul3A_74 : i32
    %add3A_76 = arith.constant 544 : i32
    %add3A_77 = arith.addi %mul3A_75, %add3A_76 : i32
    "tpu.region"() ({
      %run_scoped3A = tpu.sem_alloc : memref<!tpu.dma_semaphore, #tpu.memory_space<semaphore_mem>>
      %dma_start3A_135 = arith.constant 0 : i32
      %dma_start3A_136 = tpu.memref_slice %arg7[%add3A_77, %dma_start3A_135] : memref<10240x128xf32, #tpu.memory_space<vmem_shared>> -> memref<32x128xf32, #tpu.memory_space<vmem_shared>>
      %dma_start3A_137 = arith.constant 0 : i32
      %dma_start3A_138 = tpu.memref_slice %arg7[%add3A_77, %dma_start3A_137] : memref<10240x128xf32, #tpu.memory_space<vmem_shared>> -> memref<32x128xf32, #tpu.memory_space<vmem_shared>>
      tpu.enqueue_dma source(%arg16 : memref<32x128xf32, #tpu.memory_space<vmem>>) target(%dma_start3A_138 : memref<32x128xf32, #tpu.memory_space<vmem_shared>>) target_semaphore(%run_scoped3A : memref<!tpu.dma_semaphore, #tpu.memory_space<semaphore_mem>>)
      %dma_wait3A_139 = arith.constant 0 : i32
      %dma_wait3A_140 = tpu.memref_slice %arg7[%add3A_77, %dma_wait3A_139] : memref<10240x128xf32, #tpu.memory_space<vmem_shared>> -> memref<32x128xf32, #tpu.memory_space<vmem_shared>>
      %dma_wait3A_141 = arith.constant 0 : i32
      %dma_wait3A_142 = tpu.memref_slice %arg7[%add3A_77, %dma_wait3A_141] : memref<10240x128xf32, #tpu.memory_space<vmem_shared>> -> memref<32x128xf32, #tpu.memory_space<vmem_shared>>
      tpu.wait_dma2 semaphore(%run_scoped3A : memref<!tpu.dma_semaphore, #tpu.memory_space<semaphore_mem>>) src(%arg16 : memref<32x128xf32, #tpu.memory_space<vmem>>) dst(%dma_wait3A_142 : memref<32x128xf32, #tpu.memory_space<vmem_shared>>)
      tpu.yield
    }) : () -> ()
    %mul3A_78 = arith.constant 640 : i32
    %mul3A_79 = arith.muli %arg1, %mul3A_78 : i32
    %add3A_80 = arith.constant 576 : i32
    %add3A_81 = arith.addi %mul3A_79, %add3A_80 : i32
    "tpu.region"() ({
      %run_scoped3A = tpu.sem_alloc : memref<!tpu.dma_semaphore, #tpu.memory_space<semaphore_mem>>
      %dma_start3A_135 = arith.constant 0 : i32
      %dma_start3A_136 = tpu.memref_slice %arg7[%add3A_81, %dma_start3A_135] : memref<10240x128xf32, #tpu.memory_space<vmem_shared>> -> memref<32x128xf32, #tpu.memory_space<vmem_shared>>
      %dma_start3A_137 = arith.constant 0 : i32
      %dma_start3A_138 = tpu.memref_slice %arg7[%add3A_81, %dma_start3A_137] : memref<10240x128xf32, #tpu.memory_space<vmem_shared>> -> memref<32x128xf32, #tpu.memory_space<vmem_shared>>
      tpu.enqueue_dma source(%arg16 : memref<32x128xf32, #tpu.memory_space<vmem>>) target(%dma_start3A_138 : memref<32x128xf32, #tpu.memory_space<vmem_shared>>) target_semaphore(%run_scoped3A : memref<!tpu.dma_semaphore, #tpu.memory_space<semaphore_mem>>)
      %dma_wait3A_139 = arith.constant 0 : i32
      %dma_wait3A_140 = tpu.memref_slice %arg7[%add3A_81, %dma_wait3A_139] : memref<10240x128xf32, #tpu.memory_space<vmem_shared>> -> memref<32x128xf32, #tpu.memory_space<vmem_shared>>
      %dma_wait3A_141 = arith.constant 0 : i32
      %dma_wait3A_142 = tpu.memref_slice %arg7[%add3A_81, %dma_wait3A_141] : memref<10240x128xf32, #tpu.memory_space<vmem_shared>> -> memref<32x128xf32, #tpu.memory_space<vmem_shared>>
      tpu.wait_dma2 semaphore(%run_scoped3A : memref<!tpu.dma_semaphore, #tpu.memory_space<semaphore_mem>>) src(%arg16 : memref<32x128xf32, #tpu.memory_space<vmem>>) dst(%dma_wait3A_142 : memref<32x128xf32, #tpu.memory_space<vmem_shared>>)
      tpu.yield
    }) : () -> ()
    %mul3A_82 = arith.constant 640 : i32
    %mul3A_83 = arith.muli %arg1, %mul3A_82 : i32
    %add3A_84 = arith.constant 608 : i32
    %add3A_85 = arith.addi %mul3A_83, %add3A_84 : i32
    "tpu.region"() ({
      %run_scoped3A = tpu.sem_alloc : memref<!tpu.dma_semaphore, #tpu.memory_space<semaphore_mem>>
      %dma_start3A_135 = arith.constant 0 : i32
      %dma_start3A_136 = tpu.memref_slice %arg7[%add3A_85, %dma_start3A_135] : memref<10240x128xf32, #tpu.memory_space<vmem_shared>> -> memref<32x128xf32, #tpu.memory_space<vmem_shared>>
      %dma_start3A_137 = arith.constant 0 : i32
      %dma_start3A_138 = tpu.memref_slice %arg7[%add3A_85, %dma_start3A_137] : memref<10240x128xf32, #tpu.memory_space<vmem_shared>> -> memref<32x128xf32, #tpu.memory_space<vmem_shared>>
      tpu.enqueue_dma source(%arg16 : memref<32x128xf32, #tpu.memory_space<vmem>>) target(%dma_start3A_138 : memref<32x128xf32, #tpu.memory_space<vmem_shared>>) target_semaphore(%run_scoped3A : memref<!tpu.dma_semaphore, #tpu.memory_space<semaphore_mem>>)
      %dma_wait3A_139 = arith.constant 0 : i32
      %dma_wait3A_140 = tpu.memref_slice %arg7[%add3A_85, %dma_wait3A_139] : memref<10240x128xf32, #tpu.memory_space<vmem_shared>> -> memref<32x128xf32, #tpu.memory_space<vmem_shared>>
      %dma_wait3A_141 = arith.constant 0 : i32
      %dma_wait3A_142 = tpu.memref_slice %arg7[%add3A_85, %dma_wait3A_141] : memref<10240x128xf32, #tpu.memory_space<vmem_shared>> -> memref<32x128xf32, #tpu.memory_space<vmem_shared>>
      tpu.wait_dma2 semaphore(%run_scoped3A : memref<!tpu.dma_semaphore, #tpu.memory_space<semaphore_mem>>) src(%arg16 : memref<32x128xf32, #tpu.memory_space<vmem>>) dst(%dma_wait3A_142 : memref<32x128xf32, #tpu.memory_space<vmem_shared>>)
      tpu.yield
    }) : () -> ()
    %barrier3A = arith.constant 0 : index
    tpu.barrier barrier_id(%barrier3A)
    %mul3A_86 = arith.constant 10000 : i32
    %mul3A_87 = arith.muli %add3A, %mul3A_86 : i32
    %add3A_88 = arith.constant 0 : i32
    %add3A_89 = arith.addi %mul3A_87, %add3A_88 : i32
    "tpu.region"() ({
      %run_scoped3A = tpu.sem_alloc : memref<!tpu.dma_semaphore, #tpu.memory_space<semaphore_mem>>
      %dma_start3A_135 = tpu.memref_slice %arg4[%add3A_89] : memref<320000xi32, #tpu.memory_space<hbm>> -> memref<80xi32, #tpu.memory_space<hbm>>
      %dma_start3A_136 = tpu.memref_slice %arg4[%add3A_89] : memref<320000xi32, #tpu.memory_space<hbm>> -> memref<80xi32, #tpu.memory_space<hbm>>
      tpu.enqueue_dma source(%dma_start3A_136 : memref<80xi32, #tpu.memory_space<hbm>>) target(%arg8 : memref<80xi32, #tpu.memory_space<vmem>>) target_semaphore(%run_scoped3A : memref<!tpu.dma_semaphore, #tpu.memory_space<semaphore_mem>>)
      %dma_wait3A_137 = tpu.memref_slice %arg4[%add3A_89] : memref<320000xi32, #tpu.memory_space<hbm>> -> memref<80xi32, #tpu.memory_space<hbm>>
      %dma_wait3A_138 = tpu.memref_slice %arg4[%add3A_89] : memref<320000xi32, #tpu.memory_space<hbm>> -> memref<80xi32, #tpu.memory_space<hbm>>
      tpu.wait_dma2 semaphore(%run_scoped3A : memref<!tpu.dma_semaphore, #tpu.memory_space<semaphore_mem>>) src(%dma_wait3A_138 : memref<80xi32, #tpu.memory_space<hbm>>) dst(%arg8 : memref<80xi32, #tpu.memory_space<vmem>>)
      tpu.yield
    }) : () -> ()
    "tpu.region"() ({
      %run_scoped3A = tpu.sem_alloc : memref<!tpu.dma_semaphore, #tpu.memory_space<semaphore_mem>>
      %dma_start3A_135 = tpu.memref_slice %arg5[%add3A_89] : memref<320000xi32, #tpu.memory_space<hbm>> -> memref<80xi32, #tpu.memory_space<hbm>>
      %dma_start3A_136 = tpu.memref_slice %arg5[%add3A_89] : memref<320000xi32, #tpu.memory_space<hbm>> -> memref<80xi32, #tpu.memory_space<hbm>>
      tpu.enqueue_dma source(%dma_start3A_136 : memref<80xi32, #tpu.memory_space<hbm>>) target(%arg10 : memref<80xi32, #tpu.memory_space<vmem>>) target_semaphore(%run_scoped3A : memref<!tpu.dma_semaphore, #tpu.memory_space<semaphore_mem>>)
      %dma_wait3A_137 = tpu.memref_slice %arg5[%add3A_89] : memref<320000xi32, #tpu.memory_space<hbm>> -> memref<80xi32, #tpu.memory_space<hbm>>
      %dma_wait3A_138 = tpu.memref_slice %arg5[%add3A_89] : memref<320000xi32, #tpu.memory_space<hbm>> -> memref<80xi32, #tpu.memory_space<hbm>>
      tpu.wait_dma2 semaphore(%run_scoped3A : memref<!tpu.dma_semaphore, #tpu.memory_space<semaphore_mem>>) src(%dma_wait3A_138 : memref<80xi32, #tpu.memory_space<hbm>>) dst(%arg10 : memref<80xi32, #tpu.memory_space<vmem>>)
      tpu.yield
    }) : () -> ()
    %dma_start3A = arith.constant 0 : i32
    %dma_start3A_90 = tpu.memref_slice %arg3[%add3A_89, %dma_start3A] : memref<320000x128xf32, #tpu.memory_space<hbm>> -> memref<80x128xf32, #tpu.memory_space<hbm>>
    %dma_start3A_91 = arith.constant 0 : i32
    %dma_start3A_92 = tpu.memref_slice %arg3[%add3A_89, %dma_start3A_91] : memref<320000x128xf32, #tpu.memory_space<hbm>> -> memref<80x128xf32, #tpu.memory_space<hbm>>
    tpu.enqueue_dma source(%dma_start3A_92 : memref<80x128xf32, #tpu.memory_space<hbm>>) target(%arg14 : memref<80x128xf32, #tpu.memory_space<vmem>>) target_semaphore(%arg17 : memref<!tpu.dma_semaphore, #tpu.memory_space<semaphore_mem>>)
    %dma_start3A_93 = arith.constant 0 : i32
    %dma_start3A_94 = arith.constant 0 : i32
    %dma_start3A_95 = tpu.memref_slice %arg2[%dma_start3A_93, %dma_start3A_94] : memref<10000x128xf32, #tpu.memory_space<hbm>> -> memref<10000x128xf32, #tpu.memory_space<hbm>>
    tpu.enqueue_indirect_dma source(%dma_start3A_95 : memref<10000x128xf32, #tpu.memory_space<hbm>>) target(%arg12 : memref<80x128xf32, #tpu.memory_space<vmem>>) offsets(%arg8 : memref<80xi32, #tpu.memory_space<vmem>>) semaphore(%arg19 : memref<!tpu.dma_semaphore, #tpu.memory_space<semaphore_mem>>)
    %dma_wait3A = arith.constant 0 : i32
    %dma_wait3A_96 = arith.constant 0 : i32
    %dma_wait3A_97 = tpu.memref_slice %arg3[%dma_wait3A, %dma_wait3A_96] : memref<320000x128xf32, #tpu.memory_space<hbm>> -> memref<80x128xf32, #tpu.memory_space<hbm>>
    %dma_wait3A_98 = arith.constant 0 : i32
    %dma_wait3A_99 = arith.constant 0 : i32
    %dma_wait3A_100 = tpu.memref_slice %arg3[%dma_wait3A_98, %dma_wait3A_99] : memref<320000x128xf32, #tpu.memory_space<hbm>> -> memref<80x128xf32, #tpu.memory_space<hbm>>
    tpu.wait_dma2 semaphore(%arg17 : memref<!tpu.dma_semaphore, #tpu.memory_space<semaphore_mem>>) src(%dma_wait3A_100 : memref<80x128xf32, #tpu.memory_space<hbm>>) dst(%arg14 : memref<80x128xf32, #tpu.memory_space<vmem>>)
    %dma_wait3A_101 = arith.constant 0 : i32
    %dma_wait3A_102 = arith.constant 0 : i32
    %dma_wait3A_103 = tpu.memref_slice %arg2[%dma_wait3A_101, %dma_wait3A_102] : memref<10000x128xf32, #tpu.memory_space<hbm>> -> memref<80x128xf32, #tpu.memory_space<hbm>>
    %dma_wait3A_104 = arith.constant 0 : i32
    %dma_wait3A_105 = arith.constant 0 : i32
    %dma_wait3A_106 = tpu.memref_slice %arg2[%dma_wait3A_104, %dma_wait3A_105] : memref<10000x128xf32, #tpu.memory_space<hbm>> -> memref<80x128xf32, #tpu.memory_space<hbm>>
    tpu.wait_dma2 semaphore(%arg19 : memref<!tpu.dma_semaphore, #tpu.memory_space<semaphore_mem>>) src(%dma_wait3A_106 : memref<80x128xf32, #tpu.memory_space<hbm>>) dst(%arg12 : memref<80x128xf32, #tpu.memory_space<vmem>>)
    %scan3A_107 = arith.constant 0 : i32
    %scan3A_108 = arith.constant 0 : i32
    %scan3A_109 = arith.constant 80 : i32
    %scan3A_110 = arith.addi %scan3A_108, %scan3A_109 : i32
    %scan3A_111 = arith.constant 1 : i32
    scf.for %scan3A_135 = %scan3A_108 to %scan3A_110 step %scan3A_111  : i32 {
      %get3A = arith.index_cast %scan3A_135 : i32 to index
      %get3A_136 = arith.constant 0 : index
      %get3A_137 = tpu.vector_load %arg12[%get3A, %get3A_136] {strides = array<i32>} : memref<80x128xf32, #tpu.memory_space<vmem>>, vector<1x16xf32>,
      %get3A_138 = vector.shape_cast %get3A_137 : vector<1x16xf32> to vector<16xf32>
      %get3A_139 = arith.index_cast %scan3A_135 : i32 to index
      %get3A_140 = arith.constant 0 : index
      %get3A_141 = tpu.vector_load %arg14[%get3A_139, %get3A_140] {strides = array<i32>} : memref<80x128xf32, #tpu.memory_space<vmem>>, vector<1x16xf32>,
      %get3A_142 = vector.shape_cast %get3A_141 : vector<1x16xf32> to vector<16xf32>
      %add3A_143 = arith.addf %get3A_138, %get3A_142 : vector<16xf32>
      %max3A = arith.constant 0.000000e+00 : f32
      %max3A_144 = vector.broadcast %max3A : f32 to vector<16xf32>
      %max3A_145 = arith.maximumf %add3A_143, %max3A_144 : vector<16xf32>
      %swap3A = arith.index_cast %scan3A_135 : i32 to index
      %swap3A_146 = arith.constant 0 : index
      %swap3A_147 = tpu.vector_load %arg14[%swap3A, %swap3A_146] {strides = array<i32>} : memref<80x128xf32, #tpu.memory_space<vmem>>, vector<1x16xf32>,
      %swap3A_148 = vector.shape_cast %swap3A_147 : vector<1x16xf32> to vector<16xf32>
      %swap3A_149 = vector.shape_cast %max3A_145 : vector<16xf32> to vector<1x16xf32>
      tpu.vector_store %arg14[%swap3A, %swap3A_146], %swap3A_149 {strides = array<i32>} : memref<80x128xf32, #tpu.memory_space<vmem>>, vector<1x16xf32>,
      %get3A_150 = arith.index_cast %scan3A_135 : i32 to index
      %get3A_151 = arith.constant 16 : index
      %get3A_152 = tpu.vector_load %arg12[%get3A_150, %get3A_151] {strides = array<i32>} : memref<80x128xf32, #tpu.memory_space<vmem>>, vector<1x16xf32>,
      %get3A_153 = vector.shape_cast %get3A_152 : vector<1x16xf32> to vector<16xf32>
      %get3A_154 = arith.index_cast %scan3A_135 : i32 to index
      %get3A_155 = arith.constant 16 : index
      %get3A_156 = tpu.vector_load %arg14[%get3A_154, %get3A_155] {strides = array<i32>} : memref<80x128xf32, #tpu.memory_space<vmem>>, vector<1x16xf32>,
      %get3A_157 = vector.shape_cast %get3A_156 : vector<1x16xf32> to vector<16xf32>
      %add3A_158 = arith.addf %get3A_153, %get3A_157 : vector<16xf32>
      %max3A_159 = arith.constant 0.000000e+00 : f32
      %max3A_160 = vector.broadcast %max3A_159 : f32 to vector<16xf32>
      %max3A_161 = arith.maximumf %add3A_158, %max3A_160 : vector<16xf32>
      %swap3A_162 = arith.index_cast %scan3A_135 : i32 to index
      %swap3A_163 = arith.constant 16 : index
      %swap3A_164 = tpu.vector_load %arg14[%swap3A_162, %swap3A_163] {strides = array<i32>} : memref<80x128xf32, #tpu.memory_space<vmem>>, vector<1x16xf32>,
      %swap3A_165 = vector.shape_cast %swap3A_164 : vector<1x16xf32> to vector<16xf32>
      %swap3A_166 = vector.shape_cast %max3A_161 : vector<16xf32> to vector<1x16xf32>
      tpu.vector_store %arg14[%swap3A_162, %swap3A_163], %swap3A_166 {strides = array<i32>} : memref<80x128xf32, #tpu.memory_space<vmem>>, vector<1x16xf32>,
      %get3A_167 = arith.index_cast %scan3A_135 : i32 to index
      %get3A_168 = arith.constant 32 : index
      %get3A_169 = tpu.vector_load %arg12[%get3A_167, %get3A_168] {strides = array<i32>} : memref<80x128xf32, #tpu.memory_space<vmem>>, vector<1x16xf32>,
      %get3A_170 = vector.shape_cast %get3A_169 : vector<1x16xf32> to vector<16xf32>
      %get3A_171 = arith.index_cast %scan3A_135 : i32 to index
      %get3A_172 = arith.constant 32 : index
      %get3A_173 = tpu.vector_load %arg14[%get3A_171, %get3A_172] {strides = array<i32>} : memref<80x128xf32, #tpu.memory_space<vmem>>, vector<1x16xf32>,
      %get3A_174 = vector.shape_cast %get3A_173 : vector<1x16xf32> to vector<16xf32>
      %add3A_175 = arith.addf %get3A_170, %get3A_174 : vector<16xf32>
      %max3A_176 = arith.constant 0.000000e+00 : f32
      %max3A_177 = vector.broadcast %max3A_176 : f32 to vector<16xf32>
      %max3A_178 = arith.maximumf %add3A_175, %max3A_177 : vector<16xf32>
      %swap3A_179 = arith.index_cast %scan3A_135 : i32 to index
      %swap3A_180 = arith.constant 32 : index
      %swap3A_181 = tpu.vector_load %arg14[%swap3A_179, %swap3A_180] {strides = array<i32>} : memref<80x128xf32, #tpu.memory_space<vmem>>, vector<1x16xf32>,
      %swap3A_182 = vector.shape_cast %swap3A_181 : vector<1x16xf32> to vector<16xf32>
      %swap3A_183 = vector.shape_cast %max3A_178 : vector<16xf32> to vector<1x16xf32>
      tpu.vector_store %arg14[%swap3A_179, %swap3A_180], %swap3A_183 {strides = array<i32>} : memref<80x128xf32, #tpu.memory_space<vmem>>, vector<1x16xf32>,
      %get3A_184 = arith.index_cast %scan3A_135 : i32 to index
      %get3A_185 = arith.constant 48 : index
      %get3A_186 = tpu.vector_load %arg12[%get3A_184, %get3A_185] {strides = array<i32>} : memref<80x128xf32, #tpu.memory_space<vmem>>, vector<1x16xf32>,
      %get3A_187 = vector.shape_cast %get3A_186 : vector<1x16xf32> to vector<16xf32>
      %get3A_188 = arith.index_cast %scan3A_135 : i32 to index
      %get3A_189 = arith.constant 48 : index
      %get3A_190 = tpu.vector_load %arg14[%get3A_188, %get3A_189] {strides = array<i32>} : memref<80x128xf32, #tpu.memory_space<vmem>>, vector<1x16xf32>,
      %get3A_191 = vector.shape_cast %get3A_190 : vector<1x16xf32> to vector<16xf32>
      %add3A_192 = arith.addf %get3A_187, %get3A_191 : vector<16xf32>
      %max3A_193 = arith.constant 0.000000e+00 : f32
      %max3A_194 = vector.broadcast %max3A_193 : f32 to vector<16xf32>
      %max3A_195 = arith.maximumf %add3A_192, %max3A_194 : vector<16xf32>
      %swap3A_196 = arith.index_cast %scan3A_135 : i32 to index
      %swap3A_197 = arith.constant 48 : index
      %swap3A_198 = tpu.vector_load %arg14[%swap3A_196, %swap3A_197] {strides = array<i32>} : memref<80x128xf32, #tpu.memory_space<vmem>>, vector<1x16xf32>,
      %swap3A_199 = vector.shape_cast %swap3A_198 : vector<1x16xf32> to vector<16xf32>
      %swap3A_200 = vector.shape_cast %max3A_195 : vector<16xf32> to vector<1x16xf32>
      tpu.vector_store %arg14[%swap3A_196, %swap3A_197], %swap3A_200 {strides = array<i32>} : memref<80x128xf32, #tpu.memory_space<vmem>>, vector<1x16xf32>,
      %get3A_201 = arith.index_cast %scan3A_135 : i32 to index
      %get3A_202 = arith.constant 64 : index
      %get3A_203 = tpu.vector_load %arg12[%get3A_201, %get3A_202] {strides = array<i32>} : memref<80x128xf32, #tpu.memory_space<vmem>>, vector<1x16xf32>,
      %get3A_204 = vector.shape_cast %get3A_203 : vector<1x16xf32> to vector<16xf32>
      %get3A_205 = arith.index_cast %scan3A_135 : i32 to index
      %get3A_206 = arith.constant 64 : index
      %get3A_207 = tpu.vector_load %arg14[%get3A_205, %get3A_206] {strides = array<i32>} : memref<80x128xf32, #tpu.memory_space<vmem>>, vector<1x16xf32>,
      %get3A_208 = vector.shape_cast %get3A_207 : vector<1x16xf32> to vector<16xf32>
      %add3A_209 = arith.addf %get3A_204, %get3A_208 : vector<16xf32>
      %max3A_210 = arith.constant 0.000000e+00 : f32
      %max3A_211 = vector.broadcast %max3A_210 : f32 to vector<16xf32>
      %max3A_212 = arith.maximumf %add3A_209, %max3A_211 : vector<16xf32>
      %swap3A_213 = arith.index_cast %scan3A_135 : i32 to index
      %swap3A_214 = arith.constant 64 : index
      %swap3A_215 = tpu.vector_load %arg14[%swap3A_213, %swap3A_214] {strides = array<i32>} : memref<80x128xf32, #tpu.memory_space<vmem>>, vector<1x16xf32>,
      %swap3A_216 = vector.shape_cast %swap3A_215 : vector<1x16xf32> to vector<16xf32>
      %swap3A_217 = vector.shape_cast %max3A_212 : vector<16xf32> to vector<1x16xf32>
      tpu.vector_store %arg14[%swap3A_213, %swap3A_214], %swap3A_217 {strides = array<i32>} : memref<80x128xf32, #tpu.memory_space<vmem>>, vector<1x16xf32>,
      %get3A_218 = arith.index_cast %scan3A_135 : i32 to index
      %get3A_219 = arith.constant 80 : index
      %get3A_220 = tpu.vector_load %arg12[%get3A_218, %get3A_219] {strides = array<i32>} : memref<80x128xf32, #tpu.memory_space<vmem>>, vector<1x16xf32>,
      %get3A_221 = vector.shape_cast %get3A_220 : vector<1x16xf32> to vector<16xf32>
      %get3A_222 = arith.index_cast %scan3A_135 : i32 to index
      %get3A_223 = arith.constant 80 : index
      %get3A_224 = tpu.vector_load %arg14[%get3A_222, %get3A_223] {strides = array<i32>} : memref<80x128xf32, #tpu.memory_space<vmem>>, vector<1x16xf32>,
      %get3A_225 = vector.shape_cast %get3A_224 : vector<1x16xf32> to vector<16xf32>
      %add3A_226 = arith.addf %get3A_221, %get3A_225 : vector<16xf32>
      %max3A_227 = arith.constant 0.000000e+00 : f32
      %max3A_228 = vector.broadcast %max3A_227 : f32 to vector<16xf32>
      %max3A_229 = arith.maximumf %add3A_226, %max3A_228 : vector<16xf32>
      %swap3A_230 = arith.index_cast %scan3A_135 : i32 to index
      %swap3A_231 = arith.constant 80 : index
      %swap3A_232 = tpu.vector_load %arg14[%swap3A_230, %swap3A_231] {strides = array<i32>} : memref<80x128xf32, #tpu.memory_space<vmem>>, vector<1x16xf32>,
      %swap3A_233 = vector.shape_cast %swap3A_232 : vector<1x16xf32> to vector<16xf32>
      %swap3A_234 = vector.shape_cast %max3A_229 : vector<16xf32> to vector<1x16xf32>
      tpu.vector_store %arg14[%swap3A_230, %swap3A_231], %swap3A_234 {strides = array<i32>} : memref<80x128xf32, #tpu.memory_space<vmem>>, vector<1x16xf32>,
      %get3A_235 = arith.index_cast %scan3A_135 : i32 to index
      %get3A_236 = arith.constant 96 : index
      %get3A_237 = tpu.vector_load %arg12[%get3A_235, %get3A_236] {strides = array<i32>} : memref<80x128xf32, #tpu.memory_space<vmem>>, vector<1x16xf32>,
      %get3A_238 = vector.shape_cast %get3A_237 : vector<1x16xf32> to vector<16xf32>
      %get3A_239 = arith.index_cast %scan3A_135 : i32 to index
      %get3A_240 = arith.constant 96 : index
      %get3A_241 = tpu.vector_load %arg14[%get3A_239, %get3A_240] {strides = array<i32>} : memref<80x128xf32, #tpu.memory_space<vmem>>, vector<1x16xf32>,
      %get3A_242 = vector.shape_cast %get3A_241 : vector<1x16xf32> to vector<16xf32>
      %add3A_243 = arith.addf %get3A_238, %get3A_242 : vector<16xf32>
      %max3A_244 = arith.constant 0.000000e+00 : f32
      %max3A_245 = vector.broadcast %max3A_244 : f32 to vector<16xf32>
      %max3A_246 = arith.maximumf %add3A_243, %max3A_245 : vector<16xf32>
      %swap3A_247 = arith.index_cast %scan3A_135 : i32 to index
      %swap3A_248 = arith.constant 96 : index
      %swap3A_249 = tpu.vector_load %arg14[%swap3A_247, %swap3A_248] {strides = array<i32>} : memref<80x128xf32, #tpu.memory_space<vmem>>, vector<1x16xf32>,
      %swap3A_250 = vector.shape_cast %swap3A_249 : vector<1x16xf32> to vector<16xf32>
      %swap3A_251 = vector.shape_cast %max3A_246 : vector<16xf32> to vector<1x16xf32>
      tpu.vector_store %arg14[%swap3A_247, %swap3A_248], %swap3A_251 {strides = array<i32>} : memref<80x128xf32, #tpu.memory_space<vmem>>, vector<1x16xf32>,
      %get3A_252 = arith.index_cast %scan3A_135 : i32 to index
      %get3A_253 = arith.constant 112 : index
      %get3A_254 = tpu.vector_load %arg12[%get3A_252, %get3A_253] {strides = array<i32>} : memref<80x128xf32, #tpu.memory_space<vmem>>, vector<1x16xf32>,
      %get3A_255 = vector.shape_cast %get3A_254 : vector<1x16xf32> to vector<16xf32>
      %get3A_256 = arith.index_cast %scan3A_135 : i32 to index
      %get3A_257 = arith.constant 112 : index
      %get3A_258 = tpu.vector_load %arg14[%get3A_256, %get3A_257] {strides = array<i32>} : memref<80x128xf32, #tpu.memory_space<vmem>>, vector<1x16xf32>,
      %get3A_259 = vector.shape_cast %get3A_258 : vector<1x16xf32> to vector<16xf32>
      %add3A_260 = arith.addf %get3A_255, %get3A_259 : vector<16xf32>
      %max3A_261 = arith.constant 0.000000e+00 : f32
      %max3A_262 = vector.broadcast %max3A_261 : f32 to vector<16xf32>
      %max3A_263 = arith.maximumf %add3A_260, %max3A_262 : vector<16xf32>
      %swap3A_264 = arith.index_cast %scan3A_135 : i32 to index
      %swap3A_265 = arith.constant 112 : index
      %swap3A_266 = tpu.vector_load %arg14[%swap3A_264, %swap3A_265] {strides = array<i32>} : memref<80x128xf32, #tpu.memory_space<vmem>>, vector<1x16xf32>,
      %swap3A_267 = vector.shape_cast %swap3A_266 : vector<1x16xf32> to vector<16xf32>
      %swap3A_268 = vector.shape_cast %max3A_263 : vector<16xf32> to vector<1x16xf32>
      tpu.vector_store %arg14[%swap3A_264, %swap3A_265], %swap3A_268 {strides = array<i32>} : memref<80x128xf32, #tpu.memory_space<vmem>>, vector<1x16xf32>,
    }
    %scan3A_112 = arith.constant 80 : i32
    "tpu.region"() ({
      %run_scoped3A = tpu.sem_alloc : memref<!tpu.dma_semaphore, #tpu.memory_space<semaphore_mem>>
      %dma_start3A_135 = arith.constant 0 : i32
      %dma_start3A_136 = arith.constant 0 : i32
      %dma_start3A_137 = tpu.memref_slice %arg7[%dma_start3A_135, %dma_start3A_136] : memref<10240x128xf32, #tpu.memory_space<vmem_shared>> -> memref<10240x128xf32, #tpu.memory_space<vmem_shared>>
      tpu.enqueue_indirect_dma source(%arg14 : memref<80x128xf32, #tpu.memory_space<vmem>>) target(%dma_start3A_137 : memref<10240x128xf32, #tpu.memory_space<vmem_shared>>) offsets(%arg10 : memref<80xi32, #tpu.memory_space<vmem>>) semaphore(%run_scoped3A : memref<!tpu.dma_semaphore, #tpu.memory_space<semaphore_mem>>) {add = true}
      %dma_wait3A_138 = arith.constant 0 : i32
      %dma_wait3A_139 = arith.constant 0 : i32
      %dma_wait3A_140 = tpu.memref_slice %arg7[%dma_wait3A_138, %dma_wait3A_139] : memref<10240x128xf32, #tpu.memory_space<vmem_shared>> -> memref<10240x128xf32, #tpu.memory_space<vmem_shared>>
      tpu.wait_indirect_dma semaphore(%run_scoped3A : memref<!tpu.dma_semaphore, #tpu.memory_space<semaphore_mem>>) src(%arg14 : memref<80x128xf32, #tpu.memory_space<vmem>>) dst(%dma_wait3A_140 : memref<10240x128xf32, #tpu.memory_space<vmem_shared>>)
      tpu.yield
    }) : () -> ()
    %mul3A_113 = arith.constant 10000 : i32
    %mul3A_114 = arith.muli %add3A, %mul3A_113 : i32
    %add3A_115 = arith.constant 80 : i32
    %add3A_116 = arith.addi %mul3A_114, %add3A_115 : i32
    "tpu.region"() ({
      %run_scoped3A = tpu.sem_alloc : memref<!tpu.dma_semaphore, #tpu.memory_space<semaphore_mem>>
      %dma_start3A_135 = tpu.memref_slice %arg4[%add3A_116] : memref<320000xi32, #tpu.memory_space<hbm>> -> memref<80xi32, #tpu.memory_space<hbm>>
      %dma_start3A_136 = tpu.memref_slice %arg4[%add3A_116] : memref<320000xi32, #tpu.memory_space<hbm>> -> memref<80xi32, #tpu.memory_space<hbm>>
      tpu.enqueue_dma source(%dma_start3A_136 : memref<80xi32, #tpu.memory_space<hbm>>) target(%arg8 : memref<80xi32, #tpu.memory_space<vmem>>) target_semaphore(%run_scoped3A : memref<!tpu.dma_semaphore, #tpu.memory_space<semaphore_mem>>)
      %dma_wait3A_137 = tpu.memref_slice %arg4[%add3A_116] : memref<320000xi32, #tpu.memory_space<hbm>> -> memref<80xi32, #tpu.memory_space<hbm>>
      %dma_wait3A_138 = tpu.memref_slice %arg4[%add3A_116] : memref<320000xi32, #tpu.memory_space<hbm>> -> memref<80xi32, #tpu.memory_space<hbm>>
      tpu.wait_dma2 semaphore(%run_scoped3A : memref<!tpu.dma_semaphore, #tpu.memory_space<semaphore_mem>>) src(%dma_wait3A_138 : memref<80xi32, #tpu.memory_space<hbm>>) dst(%arg8 : memref<80xi32, #tpu.memory_space<vmem>>)
      tpu.yield
    }) : () -> ()
    "tpu.region"() ({
      %run_scoped3A = tpu.sem_alloc : memref<!tpu.dma_semaphore, #tpu.memory_space<semaphore_mem>>
      %dma_start3A_135 = tpu.memref_slice %arg5[%add3A_116] : memref<320000xi32, #tpu.memory_space<hbm>> -> memref<80xi32, #tpu.memory_space<hbm>>
      %dma_start3A_136 = tpu.memref_slice %arg5[%add3A_116] : memref<320000xi32, #tpu.memory_space<hbm>> -> memref<80xi32, #tpu.memory_space<hbm>>
      tpu.enqueue_dma source(%dma_start3A_136 : memref<80xi32, #tpu.memory_space<hbm>>) target(%arg10 : memref<80xi32, #tpu.memory_space<vmem>>) target_semaphore(%run_scoped3A : memref<!tpu.dma_semaphore, #tpu.memory_space<semaphore_mem>>)
      %dma_wait3A_137 = tpu.memref_slice %arg5[%add3A_116] : memref<320000xi32, #tpu.memory_space<hbm>> -> memref<80xi32, #tpu.memory_space<hbm>>
      %dma_wait3A_138 = tpu.memref_slice %arg5[%add3A_116] : memref<320000xi32, #tpu.memory_space<hbm>> -> memref<80xi32, #tpu.memory_space<hbm>>
      tpu.wait_dma2 semaphore(%run_scoped3A : memref<!tpu.dma_semaphore, #tpu.memory_space<semaphore_mem>>) src(%dma_wait3A_138 : memref<80xi32, #tpu.memory_space<hbm>>) dst(%arg10 : memref<80xi32, #tpu.memory_space<vmem>>)
      tpu.yield
    }) : () -> ()
    %dma_start3A_117 = arith.constant 0 : i32
    %dma_start3A_118 = tpu.memref_slice %arg3[%add3A_116, %dma_start3A_117] : memref<320000x128xf32, #tpu.memory_space<hbm>> -> memref<80x128xf32, #tpu.memory_space<hbm>>
    %dma_start3A_119 = arith.constant 0 : i32
    %dma_start3A_120 = tpu.memref_slice %arg3[%add3A_116, %dma_start3A_119] : memref<320000x128xf32, #tpu.memory_space<hbm>> -> memref<80x128xf32, #tpu.memory_space<hbm>>
    tpu.enqueue_dma source(%dma_start3A_120 : memref<80x128xf32, #tpu.memory_space<hbm>>) target(%arg14 : memref<80x128xf32, #tpu.memory_space<vmem>>) target_semaphore(%arg17 : memref<!tpu.dma_semaphore, #tpu.memory_space<semaphore_mem>>)
    %dma_start3A_121 = arith.constant 0 : i32
    %dma_start3A_122 = arith.constant 0 : i32
    %dma_start3A_123 = tpu.memref_slice %arg2[%dma_start3A_121, %dma_start3A_122] : memref<10000x128xf32, #tpu.memory_space<hbm>> -> memref<10000x128xf32, #tpu.memory_space<hbm>>
    tpu.enqueue_indirect_dma source(%dma_start3A_123 : memref<10000x128xf32, #tpu.memory_space<hbm>>) target(%arg12 : memref<80x128xf32, #tpu.memory_space<vmem>>) offsets(%arg8 : memref<80xi32, #tpu.memory_space<vmem>>) semaphore(%arg19 : memref<!tpu.dma_semaphore, #tpu.memory_space<semaphore_mem>>)
    %scan3A_124 = arith.constant 0 : i32
    %scan3A_125 = arith.constant 0 : i32
    %scan3A_126 = arith.constant 62 : i32
    %scan3A_127 = arith.addi %scan3A_125, %scan3A_126 : i32
    %scan3A_128 = arith.constant 1 : i32
    scf.for %scan3A_135 = %scan3A_125 to %scan3A_127 step %scan3A_128  : i32 {
      %mul3A_136 = arith.constant 2 : i32
      %mul3A_137 = arith.muli %mul3A_136, %scan3A_135 : i32
      %add3A_138 = arith.constant 1 : i32
      %add3A_139 = arith.addi %mul3A_137, %add3A_138 : i32
      %add3A_140 = arith.constant 1 : i32
      %add3A_141 = arith.addi %add3A_139, %add3A_140 : i32
      %mul3A_142 = arith.constant 10000 : i32
      %mul3A_143 = arith.muli %add3A, %mul3A_142 : i32
      %mul3A_144 = arith.constant 80 : i32
      %mul3A_145 = arith.muli %add3A_141, %mul3A_144 : i32
      %add3A_146 = arith.addi %mul3A_143, %mul3A_145 : i32
      "tpu.region"() ({
        %run_scoped3A = tpu.sem_alloc : memref<!tpu.dma_semaphore, #tpu.memory_space<semaphore_mem>>
        %dma_start3A_194 = tpu.memref_slice %arg4[%add3A_146] : memref<320000xi32, #tpu.memory_space<hbm>> -> memref<80xi32, #tpu.memory_space<hbm>>
        %dma_start3A_195 = tpu.memref_slice %arg4[%add3A_146] : memref<320000xi32, #tpu.memory_space<hbm>> -> memref<80xi32, #tpu.memory_space<hbm>>
        tpu.enqueue_dma source(%dma_start3A_195 : memref<80xi32, #tpu.memory_space<hbm>>) target(%arg9 : memref<80xi32, #tpu.memory_space<vmem>>) target_semaphore(%run_scoped3A : memref<!tpu.dma_semaphore, #tpu.memory_space<semaphore_mem>>)
        %dma_wait3A_196 = tpu.memref_slice %arg4[%add3A_146] : memref<320000xi32, #tpu.memory_space<hbm>> -> memref<80xi32, #tpu.memory_space<hbm>>
        %dma_wait3A_197 = tpu.memref_slice %arg4[%add3A_146] : memref<320000xi32, #tpu.memory_space<hbm>> -> memref<80xi32, #tpu.memory_space<hbm>>
        tpu.wait_dma2 semaphore(%run_scoped3A : memref<!tpu.dma_semaphore, #tpu.memory_space<semaphore_mem>>) src(%dma_wait3A_197 : memref<80xi32, #tpu.memory_space<hbm>>) dst(%arg9 : memref<80xi32, #tpu.memory_space<vmem>>)
        tpu.yield
      }) : () -> ()
      "tpu.region"() ({
        %run_scoped3A = tpu.sem_alloc : memref<!tpu.dma_semaphore, #tpu.memory_space<semaphore_mem>>
        %dma_start3A_194 = tpu.memref_slice %arg5[%add3A_146] : memref<320000xi32, #tpu.memory_space<hbm>> -> memref<80xi32, #tpu.memory_space<hbm>>
        %dma_start3A_195 = tpu.memref_slice %arg5[%add3A_146] : memref<320000xi32, #tpu.memory_space<hbm>> -> memref<80xi32, #tpu.memory_space<hbm>>
        tpu.enqueue_dma source(%dma_start3A_195 : memref<80xi32, #tpu.memory_space<hbm>>) target(%arg11 : memref<80xi32, #tpu.memory_space<vmem>>) target_semaphore(%run_scoped3A : memref<!tpu.dma_semaphore, #tpu.memory_space<semaphore_mem>>)
        %dma_wait3A_196 = tpu.memref_slice %arg5[%add3A_146] : memref<320000xi32, #tpu.memory_space<hbm>> -> memref<80xi32, #tpu.memory_space<hbm>>
        %dma_wait3A_197 = tpu.memref_slice %arg5[%add3A_146] : memref<320000xi32, #tpu.memory_space<hbm>> -> memref<80xi32, #tpu.memory_space<hbm>>
        tpu.wait_dma2 semaphore(%run_scoped3A : memref<!tpu.dma_semaphore, #tpu.memory_space<semaphore_mem>>) src(%dma_wait3A_197 : memref<80xi32, #tpu.memory_space<hbm>>) dst(%arg11 : memref<80xi32, #tpu.memory_space<vmem>>)
        tpu.yield
      }) : () -> ()
      %dma_start3A_147 = arith.constant 0 : i32
      %dma_start3A_148 = tpu.memref_slice %arg3[%add3A_146, %dma_start3A_147] : memref<320000x128xf32, #tpu.memory_space<hbm>> -> memref<80x128xf32, #tpu.memory_space<hbm>>
      %dma_start3A_149 = arith.constant 0 : i32
      %dma_start3A_150 = tpu.memref_slice %arg3[%add3A_146, %dma_start3A_149] : memref<320000x128xf32, #tpu.memory_space<hbm>> -> memref<80x128xf32, #tpu.memory_space<hbm>>
      tpu.enqueue_dma source(%dma_start3A_150 : memref<80x128xf32, #tpu.memory_space<hbm>>) target(%arg15 : memref<80x128xf32, #tpu.memory_space<vmem>>) target_semaphore(%arg18 : memref<!tpu.dma_semaphore, #tpu.memory_space<semaphore_mem>>)
      %dma_start3A_151 = arith.constant 0 : i32
      %dma_start3A_152 = arith.constant 0 : i32
      %dma_start3A_153 = tpu.memref_slice %arg2[%dma_start3A_151, %dma_start3A_152] : memref<10000x128xf32, #tpu.memory_space<hbm>> -> memref<10000x128xf32, #tpu.memory_space<hbm>>
      tpu.enqueue_indirect_dma source(%dma_start3A_153 : memref<10000x128xf32, #tpu.memory_space<hbm>>) target(%arg13 : memref<80x128xf32, #tpu.memory_space<vmem>>) offsets(%arg9 : memref<80xi32, #tpu.memory_space<vmem>>) semaphore(%arg20 : memref<!tpu.dma_semaphore, #tpu.memory_space<semaphore_mem>>)
      %dma_wait3A_154 = arith.constant 0 : i32
      %dma_wait3A_155 = arith.constant 0 : i32
      %dma_wait3A_156 = tpu.memref_slice %arg3[%dma_wait3A_154, %dma_wait3A_155] : memref<320000x128xf32, #tpu.memory_space<hbm>> -> memref<80x128xf32, #tpu.memory_space<hbm>>
      %dma_wait3A_157 = arith.constant 0 : i32
      %dma_wait3A_158 = arith.constant 0 : i32
      %dma_wait3A_159 = tpu.memref_slice %arg3[%dma_wait3A_157, %dma_wait3A_158] : memref<320000x128xf32, #tpu.memory_space<hbm>> -> memref<80x128xf32, #tpu.memory_space<hbm>>
      tpu.wait_dma2 semaphore(%arg17 : memref<!tpu.dma_semaphore, #tpu.memory_space<semaphore_mem>>) src(%dma_wait3A_159 : memref<80x128xf32, #tpu.memory_space<hbm>>) dst(%arg14 : memref<80x128xf32, #tpu.memory_space<vmem>>)
      %dma_wait3A_160 = arith.constant 0 : i32
      %dma_wait3A_161 = arith.constant 0 : i32
      %dma_wait3A_162 = tpu.memref_slice %arg2[%dma_wait3A_160, %dma_wait3A_161] : memref<10000x128xf32, #tpu.memory_space<hbm>> -> memref<80x128xf32, #tpu.memory_space<hbm>>
      %dma_wait3A_163 = arith.constant 0 : i32
      %dma_wait3A_164 = arith.constant 0 : i32
      %dma_wait3A_165 = tpu.memref_slice %arg2[%dma_wait3A_163, %dma_wait3A_164] : memref<10000x128xf32, #tpu.memory_space<hbm>> -> memref<80x128xf32, #tpu.memory_space<hbm>>
      tpu.wait_dma2 semaphore(%arg19 : memref<!tpu.dma_semaphore, #tpu.memory_space<semaphore_mem>>) src(%dma_wait3A_165 : memref<80x128xf32, #tpu.memory_space<hbm>>) dst(%arg12 : memref<80x128xf32, #tpu.memory_space<vmem>>)
      %scan3A_166 = arith.constant 0 : i32
      %scan3A_167 = arith.constant 0 : i32
      %scan3A_168 = arith.constant 80 : i32
      %scan3A_169 = arith.addi %scan3A_167, %scan3A_168 : i32
      %scan3A_170 = arith.constant 1 : i32
      scf.for %scan3A_194 = %scan3A_167 to %scan3A_169 step %scan3A_170  : i32 {
        %get3A = arith.index_cast %scan3A_194 : i32 to index
        %get3A_195 = arith.constant 0 : index
        %get3A_196 = tpu.vector_load %arg12[%get3A, %get3A_195] {strides = array<i32>} : memref<80x128xf32, #tpu.memory_space<vmem>>, vector<1x16xf32>,
        %get3A_197 = vector.shape_cast %get3A_196 : vector<1x16xf32> to vector<16xf32>
        %get3A_198 = arith.index_cast %scan3A_194 : i32 to index
        %get3A_199 = arith.constant 0 : index
        %get3A_200 = tpu.vector_load %arg14[%get3A_198, %get3A_199] {strides = array<i32>} : memref<80x128xf32, #tpu.memory_space<vmem>>, vector<1x16xf32>,
        %get3A_201 = vector.shape_cast %get3A_200 : vector<1x16xf32> to vector<16xf32>
        %add3A_202 = arith.addf %get3A_197, %get3A_201 : vector<16xf32>
        %max3A = arith.constant 0.000000e+00 : f32
        %max3A_203 = vector.broadcast %max3A : f32 to vector<16xf32>
        %max3A_204 = arith.maximumf %add3A_202, %max3A_203 : vector<16xf32>
        %swap3A = arith.index_cast %scan3A_194 : i32 to index
        %swap3A_205 = arith.constant 0 : index
        %swap3A_206 = tpu.vector_load %arg14[%swap3A, %swap3A_205] {strides = array<i32>} : memref<80x128xf32, #tpu.memory_space<vmem>>, vector<1x16xf32>,
        %swap3A_207 = vector.shape_cast %swap3A_206 : vector<1x16xf32> to vector<16xf32>
        %swap3A_208 = vector.shape_cast %max3A_204 : vector<16xf32> to vector<1x16xf32>
        tpu.vector_store %arg14[%swap3A, %swap3A_205], %swap3A_208 {strides = array<i32>} : memref<80x128xf32, #tpu.memory_space<vmem>>, vector<1x16xf32>,
        %get3A_209 = arith.index_cast %scan3A_194 : i32 to index
        %get3A_210 = arith.constant 16 : index
        %get3A_211 = tpu.vector_load %arg12[%get3A_209, %get3A_210] {strides = array<i32>} : memref<80x128xf32, #tpu.memory_space<vmem>>, vector<1x16xf32>,
        %get3A_212 = vector.shape_cast %get3A_211 : vector<1x16xf32> to vector<16xf32>
        %get3A_213 = arith.index_cast %scan3A_194 : i32 to index
        %get3A_214 = arith.constant 16 : index
        %get3A_215 = tpu.vector_load %arg14[%get3A_213, %get3A_214] {strides = array<i32>} : memref<80x128xf32, #tpu.memory_space<vmem>>, vector<1x16xf32>,
        %get3A_216 = vector.shape_cast %get3A_215 : vector<1x16xf32> to vector<16xf32>
        %add3A_217 = arith.addf %get3A_212, %get3A_216 : vector<16xf32>
        %max3A_218 = arith.constant 0.000000e+00 : f32
        %max3A_219 = vector.broadcast %max3A_218 : f32 to vector<16xf32>
        %max3A_220 = arith.maximumf %add3A_217, %max3A_219 : vector<16xf32>
        %swap3A_221 = arith.index_cast %scan3A_194 : i32 to index
        %swap3A_222 = arith.constant 16 : index
        %swap3A_223 = tpu.vector_load %arg14[%swap3A_221, %swap3A_222] {strides = array<i32>} : memref<80x128xf32, #tpu.memory_space<vmem>>, vector<1x16xf32>,
        %swap3A_224 = vector.shape_cast %swap3A_223 : vector<1x16xf32> to vector<16xf32>
        %swap3A_225 = vector.shape_cast %max3A_220 : vector<16xf32> to vector<1x16xf32>
        tpu.vector_store %arg14[%swap3A_221, %swap3A_222], %swap3A_225 {strides = array<i32>} : memref<80x128xf32, #tpu.memory_space<vmem>>, vector<1x16xf32>,
        %get3A_226 = arith.index_cast %scan3A_194 : i32 to index
        %get3A_227 = arith.constant 32 : index
        %get3A_228 = tpu.vector_load %arg12[%get3A_226, %get3A_227] {strides = array<i32>} : memref<80x128xf32, #tpu.memory_space<vmem>>, vector<1x16xf32>,
        %get3A_229 = vector.shape_cast %get3A_228 : vector<1x16xf32> to vector<16xf32>
        %get3A_230 = arith.index_cast %scan3A_194 : i32 to index
        %get3A_231 = arith.constant 32 : index
        %get3A_232 = tpu.vector_load %arg14[%get3A_230, %get3A_231] {strides = array<i32>} : memref<80x128xf32, #tpu.memory_space<vmem>>, vector<1x16xf32>,
        %get3A_233 = vector.shape_cast %get3A_232 : vector<1x16xf32> to vector<16xf32>
        %add3A_234 = arith.addf %get3A_229, %get3A_233 : vector<16xf32>
        %max3A_235 = arith.constant 0.000000e+00 : f32
        %max3A_236 = vector.broadcast %max3A_235 : f32 to vector<16xf32>
        %max3A_237 = arith.maximumf %add3A_234, %max3A_236 : vector<16xf32>
        %swap3A_238 = arith.index_cast %scan3A_194 : i32 to index
        %swap3A_239 = arith.constant 32 : index
        %swap3A_240 = tpu.vector_load %arg14[%swap3A_238, %swap3A_239] {strides = array<i32>} : memref<80x128xf32, #tpu.memory_space<vmem>>, vector<1x16xf32>,
        %swap3A_241 = vector.shape_cast %swap3A_240 : vector<1x16xf32> to vector<16xf32>
        %swap3A_242 = vector.shape_cast %max3A_237 : vector<16xf32> to vector<1x16xf32>
        tpu.vector_store %arg14[%swap3A_238, %swap3A_239], %swap3A_242 {strides = array<i32>} : memref<80x128xf32, #tpu.memory_space<vmem>>, vector<1x16xf32>,
        %get3A_243 = arith.index_cast %scan3A_194 : i32 to index
        %get3A_244 = arith.constant 48 : index
        %get3A_245 = tpu.vector_load %arg12[%get3A_243, %get3A_244] {strides = array<i32>} : memref<80x128xf32, #tpu.memory_space<vmem>>, vector<1x16xf32>,
        %get3A_246 = vector.shape_cast %get3A_245 : vector<1x16xf32> to vector<16xf32>
        %get3A_247 = arith.index_cast %scan3A_194 : i32 to index
        %get3A_248 = arith.constant 48 : index
        %get3A_249 = tpu.vector_load %arg14[%get3A_247, %get3A_248] {strides = array<i32>} : memref<80x128xf32, #tpu.memory_space<vmem>>, vector<1x16xf32>,
        %get3A_250 = vector.shape_cast %get3A_249 : vector<1x16xf32> to vector<16xf32>
        %add3A_251 = arith.addf %get3A_246, %get3A_250 : vector<16xf32>
        %max3A_252 = arith.constant 0.000000e+00 : f32
        %max3A_253 = vector.broadcast %max3A_252 : f32 to vector<16xf32>
        %max3A_254 = arith.maximumf %add3A_251, %max3A_253 : vector<16xf32>
        %swap3A_255 = arith.index_cast %scan3A_194 : i32 to index
        %swap3A_256 = arith.constant 48 : index
        %swap3A_257 = tpu.vector_load %arg14[%swap3A_255, %swap3A_256] {strides = array<i32>} : memref<80x128xf32, #tpu.memory_space<vmem>>, vector<1x16xf32>,
        %swap3A_258 = vector.shape_cast %swap3A_257 : vector<1x16xf32> to vector<16xf32>
        %swap3A_259 = vector.shape_cast %max3A_254 : vector<16xf32> to vector<1x16xf32>
        tpu.vector_store %arg14[%swap3A_255, %swap3A_256], %swap3A_259 {strides = array<i32>} : memref<80x128xf32, #tpu.memory_space<vmem>>, vector<1x16xf32>,
        %get3A_260 = arith.index_cast %scan3A_194 : i32 to index
        %get3A_261 = arith.constant 64 : index
        %get3A_262 = tpu.vector_load %arg12[%get3A_260, %get3A_261] {strides = array<i32>} : memref<80x128xf32, #tpu.memory_space<vmem>>, vector<1x16xf32>,
        %get3A_263 = vector.shape_cast %get3A_262 : vector<1x16xf32> to vector<16xf32>
        %get3A_264 = arith.index_cast %scan3A_194 : i32 to index
        %get3A_265 = arith.constant 64 : index
        %get3A_266 = tpu.vector_load %arg14[%get3A_264, %get3A_265] {strides = array<i32>} : memref<80x128xf32, #tpu.memory_space<vmem>>, vector<1x16xf32>,
        %get3A_267 = vector.shape_cast %get3A_266 : vector<1x16xf32> to vector<16xf32>
        %add3A_268 = arith.addf %get3A_263, %get3A_267 : vector<16xf32>
        %max3A_269 = arith.constant 0.000000e+00 : f32
        %max3A_270 = vector.broadcast %max3A_269 : f32 to vector<16xf32>
        %max3A_271 = arith.maximumf %add3A_268, %max3A_270 : vector<16xf32>
        %swap3A_272 = arith.index_cast %scan3A_194 : i32 to index
        %swap3A_273 = arith.constant 64 : index
        %swap3A_274 = tpu.vector_load %arg14[%swap3A_272, %swap3A_273] {strides = array<i32>} : memref<80x128xf32, #tpu.memory_space<vmem>>, vector<1x16xf32>,
        %swap3A_275 = vector.shape_cast %swap3A_274 : vector<1x16xf32> to vector<16xf32>
        %swap3A_276 = vector.shape_cast %max3A_271 : vector<16xf32> to vector<1x16xf32>
        tpu.vector_store %arg14[%swap3A_272, %swap3A_273], %swap3A_276 {strides = array<i32>} : memref<80x128xf32, #tpu.memory_space<vmem>>, vector<1x16xf32>,
        %get3A_277 = arith.index_cast %scan3A_194 : i32 to index
        %get3A_278 = arith.constant 80 : index
        %get3A_279 = tpu.vector_load %arg12[%get3A_277, %get3A_278] {strides = array<i32>} : memref<80x128xf32, #tpu.memory_space<vmem>>, vector<1x16xf32>,
        %get3A_280 = vector.shape_cast %get3A_279 : vector<1x16xf32> to vector<16xf32>
        %get3A_281 = arith.index_cast %scan3A_194 : i32 to index
        %get3A_282 = arith.constant 80 : index
        %get3A_283 = tpu.vector_load %arg14[%get3A_281, %get3A_282] {strides = array<i32>} : memref<80x128xf32, #tpu.memory_space<vmem>>, vector<1x16xf32>,
        %get3A_284 = vector.shape_cast %get3A_283 : vector<1x16xf32> to vector<16xf32>
        %add3A_285 = arith.addf %get3A_280, %get3A_284 : vector<16xf32>
        %max3A_286 = arith.constant 0.000000e+00 : f32
        %max3A_287 = vector.broadcast %max3A_286 : f32 to vector<16xf32>
        %max3A_288 = arith.maximumf %add3A_285, %max3A_287 : vector<16xf32>
        %swap3A_289 = arith.index_cast %scan3A_194 : i32 to index
        %swap3A_290 = arith.constant 80 : index
        %swap3A_291 = tpu.vector_load %arg14[%swap3A_289, %swap3A_290] {strides = array<i32>} : memref<80x128xf32, #tpu.memory_space<vmem>>, vector<1x16xf32>,
        %swap3A_292 = vector.shape_cast %swap3A_291 : vector<1x16xf32> to vector<16xf32>
        %swap3A_293 = vector.shape_cast %max3A_288 : vector<16xf32> to vector<1x16xf32>
        tpu.vector_store %arg14[%swap3A_289, %swap3A_290], %swap3A_293 {strides = array<i32>} : memref<80x128xf32, #tpu.memory_space<vmem>>, vector<1x16xf32>,
        %get3A_294 = arith.index_cast %scan3A_194 : i32 to index
        %get3A_295 = arith.constant 96 : index
        %get3A_296 = tpu.vector_load %arg12[%get3A_294, %get3A_295] {strides = array<i32>} : memref<80x128xf32, #tpu.memory_space<vmem>>, vector<1x16xf32>,
        %get3A_297 = vector.shape_cast %get3A_296 : vector<1x16xf32> to vector<16xf32>
        %get3A_298 = arith.index_cast %scan3A_194 : i32 to index
        %get3A_299 = arith.constant 96 : index
        %get3A_300 = tpu.vector_load %arg14[%get3A_298, %get3A_299] {strides = array<i32>} : memref<80x128xf32, #tpu.memory_space<vmem>>, vector<1x16xf32>,
        %get3A_301 = vector.shape_cast %get3A_300 : vector<1x16xf32> to vector<16xf32>
        %add3A_302 = arith.addf %get3A_297, %get3A_301 : vector<16xf32>
        %max3A_303 = arith.constant 0.000000e+00 : f32
        %max3A_304 = vector.broadcast %max3A_303 : f32 to vector<16xf32>
        %max3A_305 = arith.maximumf %add3A_302, %max3A_304 : vector<16xf32>
        %swap3A_306 = arith.index_cast %scan3A_194 : i32 to index
        %swap3A_307 = arith.constant 96 : index
        %swap3A_308 = tpu.vector_load %arg14[%swap3A_306, %swap3A_307] {strides = array<i32>} : memref<80x128xf32, #tpu.memory_space<vmem>>, vector<1x16xf32>,
        %swap3A_309 = vector.shape_cast %swap3A_308 : vector<1x16xf32> to vector<16xf32>
        %swap3A_310 = vector.shape_cast %max3A_305 : vector<16xf32> to vector<1x16xf32>
        tpu.vector_store %arg14[%swap3A_306, %swap3A_307], %swap3A_310 {strides = array<i32>} : memref<80x128xf32, #tpu.memory_space<vmem>>, vector<1x16xf32>,
        %get3A_311 = arith.index_cast %scan3A_194 : i32 to index
        %get3A_312 = arith.constant 112 : index
        %get3A_313 = tpu.vector_load %arg12[%get3A_311, %get3A_312] {strides = array<i32>} : memref<80x128xf32, #tpu.memory_space<vmem>>, vector<1x16xf32>,
        %get3A_314 = vector.shape_cast %get3A_313 : vector<1x16xf32> to vector<16xf32>
        %get3A_315 = arith.index_cast %scan3A_194 : i32 to index
        %get3A_316 = arith.constant 112 : index
        %get3A_317 = tpu.vector_load %arg14[%get3A_315, %get3A_316] {strides = array<i32>} : memref<80x128xf32, #tpu.memory_space<vmem>>, vector<1x16xf32>,
        %get3A_318 = vector.shape_cast %get3A_317 : vector<1x16xf32> to vector<16xf32>
        %add3A_319 = arith.addf %get3A_314, %get3A_318 : vector<16xf32>
        %max3A_320 = arith.constant 0.000000e+00 : f32
        %max3A_321 = vector.broadcast %max3A_320 : f32 to vector<16xf32>
        %max3A_322 = arith.maximumf %add3A_319, %max3A_321 : vector<16xf32>
        %swap3A_323 = arith.index_cast %scan3A_194 : i32 to index
        %swap3A_324 = arith.constant 112 : index
        %swap3A_325 = tpu.vector_load %arg14[%swap3A_323, %swap3A_324] {strides = array<i32>} : memref<80x128xf32, #tpu.memory_space<vmem>>, vector<1x16xf32>,
        %swap3A_326 = vector.shape_cast %swap3A_325 : vector<1x16xf32> to vector<16xf32>
        %swap3A_327 = vector.shape_cast %max3A_322 : vector<16xf32> to vector<1x16xf32>
        tpu.vector_store %arg14[%swap3A_323, %swap3A_324], %swap3A_327 {strides = array<i32>} : memref<80x128xf32, #tpu.memory_space<vmem>>, vector<1x16xf32>,
      }
      %scan3A_171 = arith.constant 80 : i32
      "tpu.region"() ({
        %run_scoped3A = tpu.sem_alloc : memref<!tpu.dma_semaphore, #tpu.memory_space<semaphore_mem>>
        %dma_start3A_194 = arith.constant 0 : i32
        %dma_start3A_195 = arith.constant 0 : i32
        %dma_start3A_196 = tpu.memref_slice %arg7[%dma_start3A_194, %dma_start3A_195] : memref<10240x128xf32, #tpu.memory_space<vmem_shared>> -> memref<10240x128xf32, #tpu.memory_space<vmem_shared>>
        tpu.enqueue_indirect_dma source(%arg14 : memref<80x128xf32, #tpu.memory_space<vmem>>) target(%dma_start3A_196 : memref<10240x128xf32, #tpu.memory_space<vmem_shared>>) offsets(%arg10 : memref<80xi32, #tpu.memory_space<vmem>>) semaphore(%run_scoped3A : memref<!tpu.dma_semaphore, #tpu.memory_space<semaphore_mem>>) {add = true}
        %dma_wait3A_197 = arith.constant 0 : i32
        %dma_wait3A_198 = arith.constant 0 : i32
        %dma_wait3A_199 = tpu.memref_slice %arg7[%dma_wait3A_197, %dma_wait3A_198] : memref<10240x128xf32, #tpu.memory_space<vmem_shared>> -> memref<10240x128xf32, #tpu.memory_space<vmem_shared>>
        tpu.wait_indirect_dma semaphore(%run_scoped3A : memref<!tpu.dma_semaphore, #tpu.memory_space<semaphore_mem>>) src(%arg14 : memref<80x128xf32, #tpu.memory_space<vmem>>) dst(%dma_wait3A_199 : memref<10240x128xf32, #tpu.memory_space<vmem_shared>>)
        tpu.yield
      }) : () -> ()
      %lt3A = arith.constant 61 : i32
      %lt3A_172 = arith.cmpi slt, %scan3A_135, %lt3A : i32
      %convert_element_type3A = arith.extui %lt3A_172 : i1 to i32
      %cond3A = arith.constant 0 : i32
      %cond3A_173 = arith.cmpi ne, %convert_element_type3A, %cond3A : i32
      scf.if %cond3A_173 {
        %add3A_194 = arith.constant 2 : i32
        %add3A_195 = arith.addi %add3A_139, %add3A_194 : i32
        %mul3A_196 = arith.constant 10000 : i32
        %mul3A_197 = arith.muli %add3A, %mul3A_196 : i32
        %mul3A_198 = arith.constant 80 : i32
        %mul3A_199 = arith.muli %add3A_195, %mul3A_198 : i32
        %add3A_200 = arith.addi %mul3A_197, %mul3A_199 : i32
        "tpu.region"() ({
          %run_scoped3A = tpu.sem_alloc : memref<!tpu.dma_semaphore, #tpu.memory_space<semaphore_mem>>
          %dma_start3A_208 = tpu.memref_slice %arg4[%add3A_200] : memref<320000xi32, #tpu.memory_space<hbm>> -> memref<80xi32, #tpu.memory_space<hbm>>
          %dma_start3A_209 = tpu.memref_slice %arg4[%add3A_200] : memref<320000xi32, #tpu.memory_space<hbm>> -> memref<80xi32, #tpu.memory_space<hbm>>
          tpu.enqueue_dma source(%dma_start3A_209 : memref<80xi32, #tpu.memory_space<hbm>>) target(%arg8 : memref<80xi32, #tpu.memory_space<vmem>>) target_semaphore(%run_scoped3A : memref<!tpu.dma_semaphore, #tpu.memory_space<semaphore_mem>>)
          %dma_wait3A_210 = tpu.memref_slice %arg4[%add3A_200] : memref<320000xi32, #tpu.memory_space<hbm>> -> memref<80xi32, #tpu.memory_space<hbm>>
          %dma_wait3A_211 = tpu.memref_slice %arg4[%add3A_200] : memref<320000xi32, #tpu.memory_space<hbm>> -> memref<80xi32, #tpu.memory_space<hbm>>
          tpu.wait_dma2 semaphore(%run_scoped3A : memref<!tpu.dma_semaphore, #tpu.memory_space<semaphore_mem>>) src(%dma_wait3A_211 : memref<80xi32, #tpu.memory_space<hbm>>) dst(%arg8 : memref<80xi32, #tpu.memory_space<vmem>>)
          tpu.yield
        }) : () -> ()
        "tpu.region"() ({
          %run_scoped3A = tpu.sem_alloc : memref<!tpu.dma_semaphore, #tpu.memory_space<semaphore_mem>>
          %dma_start3A_208 = tpu.memref_slice %arg5[%add3A_200] : memref<320000xi32, #tpu.memory_space<hbm>> -> memref<80xi32, #tpu.memory_space<hbm>>
          %dma_start3A_209 = tpu.memref_slice %arg5[%add3A_200] : memref<320000xi32, #tpu.memory_space<hbm>> -> memref<80xi32, #tpu.memory_space<hbm>>
          tpu.enqueue_dma source(%dma_start3A_209 : memref<80xi32, #tpu.memory_space<hbm>>) target(%arg10 : memref<80xi32, #tpu.memory_space<vmem>>) target_semaphore(%run_scoped3A : memref<!tpu.dma_semaphore, #tpu.memory_space<semaphore_mem>>)
          %dma_wait3A_210 = tpu.memref_slice %arg5[%add3A_200] : memref<320000xi32, #tpu.memory_space<hbm>> -> memref<80xi32, #tpu.memory_space<hbm>>
          %dma_wait3A_211 = tpu.memref_slice %arg5[%add3A_200] : memref<320000xi32, #tpu.memory_space<hbm>> -> memref<80xi32, #tpu.memory_space<hbm>>
          tpu.wait_dma2 semaphore(%run_scoped3A : memref<!tpu.dma_semaphore, #tpu.memory_space<semaphore_mem>>) src(%dma_wait3A_211 : memref<80xi32, #tpu.memory_space<hbm>>) dst(%arg10 : memref<80xi32, #tpu.memory_space<vmem>>)
          tpu.yield
        }) : () -> ()
        %dma_start3A_201 = arith.constant 0 : i32
        %dma_start3A_202 = tpu.memref_slice %arg3[%add3A_200, %dma_start3A_201] : memref<320000x128xf32, #tpu.memory_space<hbm>> -> memref<80x128xf32, #tpu.memory_space<hbm>>
        %dma_start3A_203 = arith.constant 0 : i32
        %dma_start3A_204 = tpu.memref_slice %arg3[%add3A_200, %dma_start3A_203] : memref<320000x128xf32, #tpu.memory_space<hbm>> -> memref<80x128xf32, #tpu.memory_space<hbm>>
        tpu.enqueue_dma source(%dma_start3A_204 : memref<80x128xf32, #tpu.memory_space<hbm>>) target(%arg14 : memref<80x128xf32, #tpu.memory_space<vmem>>) target_semaphore(%arg17 : memref<!tpu.dma_semaphore, #tpu.memory_space<semaphore_mem>>)
        %dma_start3A_205 = arith.constant 0 : i32
        %dma_start3A_206 = arith.constant 0 : i32
        %dma_start3A_207 = tpu.memref_slice %arg2[%dma_start3A_205, %dma_start3A_206] : memref<10000x128xf32, #tpu.memory_space<hbm>> -> memref<10000x128xf32, #tpu.memory_space<hbm>>
        tpu.enqueue_indirect_dma source(%dma_start3A_207 : memref<10000x128xf32, #tpu.memory_space<hbm>>) target(%arg12 : memref<80x128xf32, #tpu.memory_space<vmem>>) offsets(%arg8 : memref<80xi32, #tpu.memory_space<vmem>>) semaphore(%arg19 : memref<!tpu.dma_semaphore, #tpu.memory_space<semaphore_mem>>)
      } else {
      }
      %add3A_174 = arith.constant 1 : i32
      %add3A_175 = arith.addi %add3A_139, %add3A_174 : i32
      %dma_wait3A_176 = arith.constant 0 : i32
      %dma_wait3A_177 = arith.constant 0 : i32
      %dma_wait3A_178 = tpu.memref_slice %arg3[%dma_wait3A_176, %dma_wait3A_177] : memref<320000x128xf32, #tpu.memory_space<hbm>> -> memref<80x128xf32, #tpu.memory_space<hbm>>
      %dma_wait3A_179 = arith.constant 0 : i32
      %dma_wait3A_180 = arith.constant 0 : i32
      %dma_wait3A_181 = tpu.memref_slice %arg3[%dma_wait3A_179, %dma_wait3A_180] : memref<320000x128xf32, #tpu.memory_space<hbm>> -> memref<80x128xf32, #tpu.memory_space<hbm>>
      tpu.wait_dma2 semaphore(%arg18 : memref<!tpu.dma_semaphore, #tpu.memory_space<semaphore_mem>>) src(%dma_wait3A_181 : memref<80x128xf32, #tpu.memory_space<hbm>>) dst(%arg15 : memref<80x128xf32, #tpu.memory_space<vmem>>)
      %dma_wait3A_182 = arith.constant 0 : i32
      %dma_wait3A_183 = arith.constant 0 : i32
      %dma_wait3A_184 = tpu.memref_slice %arg2[%dma_wait3A_182, %dma_wait3A_183] : memref<10000x128xf32, #tpu.memory_space<hbm>> -> memref<80x128xf32, #tpu.memory_space<hbm>>
      %dma_wait3A_185 = arith.constant 0 : i32
      %dma_wait3A_186 = arith.constant 0 : i32
      %dma_wait3A_187 = tpu.memref_slice %arg2[%dma_wait3A_185, %dma_wait3A_186] : memref<10000x128xf32, #tpu.memory_space<hbm>> -> memref<80x128xf32, #tpu.memory_space<hbm>>
      tpu.wait_dma2 semaphore(%arg20 : memref<!tpu.dma_semaphore, #tpu.memory_space<semaphore_mem>>) src(%dma_wait3A_187 : memref<80x128xf32, #tpu.memory_space<hbm>>) dst(%arg13 : memref<80x128xf32, #tpu.memory_space<vmem>>)
      %scan3A_188 = arith.constant 0 : i32
      %scan3A_189 = arith.constant 0 : i32
      %scan3A_190 = arith.constant 80 : i32
      %scan3A_191 = arith.addi %scan3A_189, %scan3A_190 : i32
      %scan3A_192 = arith.constant 1 : i32
      scf.for %scan3A_194 = %scan3A_189 to %scan3A_191 step %scan3A_192  : i32 {
        %get3A = arith.index_cast %scan3A_194 : i32 to index
        %get3A_195 = arith.constant 0 : index
        %get3A_196 = tpu.vector_load %arg13[%get3A, %get3A_195] {strides = array<i32>} : memref<80x128xf32, #tpu.memory_space<vmem>>, vector<1x16xf32>,
        %get3A_197 = vector.shape_cast %get3A_196 : vector<1x16xf32> to vector<16xf32>
        %get3A_198 = arith.index_cast %scan3A_194 : i32 to index
        %get3A_199 = arith.constant 0 : index
        %get3A_200 = tpu.vector_load %arg15[%get3A_198, %get3A_199] {strides = array<i32>} : memref<80x128xf32, #tpu.memory_space<vmem>>, vector<1x16xf32>,
        %get3A_201 = vector.shape_cast %get3A_200 : vector<1x16xf32> to vector<16xf32>
        %add3A_202 = arith.addf %get3A_197, %get3A_201 : vector<16xf32>
        %max3A = arith.constant 0.000000e+00 : f32
        %max3A_203 = vector.broadcast %max3A : f32 to vector<16xf32>
        %max3A_204 = arith.maximumf %add3A_202, %max3A_203 : vector<16xf32>
        %swap3A = arith.index_cast %scan3A_194 : i32 to index
        %swap3A_205 = arith.constant 0 : index
        %swap3A_206 = tpu.vector_load %arg15[%swap3A, %swap3A_205] {strides = array<i32>} : memref<80x128xf32, #tpu.memory_space<vmem>>, vector<1x16xf32>,
        %swap3A_207 = vector.shape_cast %swap3A_206 : vector<1x16xf32> to vector<16xf32>
        %swap3A_208 = vector.shape_cast %max3A_204 : vector<16xf32> to vector<1x16xf32>
        tpu.vector_store %arg15[%swap3A, %swap3A_205], %swap3A_208 {strides = array<i32>} : memref<80x128xf32, #tpu.memory_space<vmem>>, vector<1x16xf32>,
        %get3A_209 = arith.index_cast %scan3A_194 : i32 to index
        %get3A_210 = arith.constant 16 : index
        %get3A_211 = tpu.vector_load %arg13[%get3A_209, %get3A_210] {strides = array<i32>} : memref<80x128xf32, #tpu.memory_space<vmem>>, vector<1x16xf32>,
        %get3A_212 = vector.shape_cast %get3A_211 : vector<1x16xf32> to vector<16xf32>
        %get3A_213 = arith.index_cast %scan3A_194 : i32 to index
        %get3A_214 = arith.constant 16 : index
        %get3A_215 = tpu.vector_load %arg15[%get3A_213, %get3A_214] {strides = array<i32>} : memref<80x128xf32, #tpu.memory_space<vmem>>, vector<1x16xf32>,
        %get3A_216 = vector.shape_cast %get3A_215 : vector<1x16xf32> to vector<16xf32>
        %add3A_217 = arith.addf %get3A_212, %get3A_216 : vector<16xf32>
        %max3A_218 = arith.constant 0.000000e+00 : f32
        %max3A_219 = vector.broadcast %max3A_218 : f32 to vector<16xf32>
        %max3A_220 = arith.maximumf %add3A_217, %max3A_219 : vector<16xf32>
        %swap3A_221 = arith.index_cast %scan3A_194 : i32 to index
        %swap3A_222 = arith.constant 16 : index
        %swap3A_223 = tpu.vector_load %arg15[%swap3A_221, %swap3A_222] {strides = array<i32>} : memref<80x128xf32, #tpu.memory_space<vmem>>, vector<1x16xf32>,
        %swap3A_224 = vector.shape_cast %swap3A_223 : vector<1x16xf32> to vector<16xf32>
        %swap3A_225 = vector.shape_cast %max3A_220 : vector<16xf32> to vector<1x16xf32>
        tpu.vector_store %arg15[%swap3A_221, %swap3A_222], %swap3A_225 {strides = array<i32>} : memref<80x128xf32, #tpu.memory_space<vmem>>, vector<1x16xf32>,
        %get3A_226 = arith.index_cast %scan3A_194 : i32 to index
        %get3A_227 = arith.constant 32 : index
        %get3A_228 = tpu.vector_load %arg13[%get3A_226, %get3A_227] {strides = array<i32>} : memref<80x128xf32, #tpu.memory_space<vmem>>, vector<1x16xf32>,
        %get3A_229 = vector.shape_cast %get3A_228 : vector<1x16xf32> to vector<16xf32>
        %get3A_230 = arith.index_cast %scan3A_194 : i32 to index
        %get3A_231 = arith.constant 32 : index
        %get3A_232 = tpu.vector_load %arg15[%get3A_230, %get3A_231] {strides = array<i32>} : memref<80x128xf32, #tpu.memory_space<vmem>>, vector<1x16xf32>,
        %get3A_233 = vector.shape_cast %get3A_232 : vector<1x16xf32> to vector<16xf32>
        %add3A_234 = arith.addf %get3A_229, %get3A_233 : vector<16xf32>
        %max3A_235 = arith.constant 0.000000e+00 : f32
        %max3A_236 = vector.broadcast %max3A_235 : f32 to vector<16xf32>
        %max3A_237 = arith.maximumf %add3A_234, %max3A_236 : vector<16xf32>
        %swap3A_238 = arith.index_cast %scan3A_194 : i32 to index
        %swap3A_239 = arith.constant 32 : index
        %swap3A_240 = tpu.vector_load %arg15[%swap3A_238, %swap3A_239] {strides = array<i32>} : memref<80x128xf32, #tpu.memory_space<vmem>>, vector<1x16xf32>,
        %swap3A_241 = vector.shape_cast %swap3A_240 : vector<1x16xf32> to vector<16xf32>
        %swap3A_242 = vector.shape_cast %max3A_237 : vector<16xf32> to vector<1x16xf32>
        tpu.vector_store %arg15[%swap3A_238, %swap3A_239], %swap3A_242 {strides = array<i32>} : memref<80x128xf32, #tpu.memory_space<vmem>>, vector<1x16xf32>,
        %get3A_243 = arith.index_cast %scan3A_194 : i32 to index
        %get3A_244 = arith.constant 48 : index
        %get3A_245 = tpu.vector_load %arg13[%get3A_243, %get3A_244] {strides = array<i32>} : memref<80x128xf32, #tpu.memory_space<vmem>>, vector<1x16xf32>,
        %get3A_246 = vector.shape_cast %get3A_245 : vector<1x16xf32> to vector<16xf32>
        %get3A_247 = arith.index_cast %scan3A_194 : i32 to index
        %get3A_248 = arith.constant 48 : index
        %get3A_249 = tpu.vector_load %arg15[%get3A_247, %get3A_248] {strides = array<i32>} : memref<80x128xf32, #tpu.memory_space<vmem>>, vector<1x16xf32>,
        %get3A_250 = vector.shape_cast %get3A_249 : vector<1x16xf32> to vector<16xf32>
        %add3A_251 = arith.addf %get3A_246, %get3A_250 : vector<16xf32>
        %max3A_252 = arith.constant 0.000000e+00 : f32
        %max3A_253 = vector.broadcast %max3A_252 : f32 to vector<16xf32>
        %max3A_254 = arith.maximumf %add3A_251, %max3A_253 : vector<16xf32>
        %swap3A_255 = arith.index_cast %scan3A_194 : i32 to index
        %swap3A_256 = arith.constant 48 : index
        %swap3A_257 = tpu.vector_load %arg15[%swap3A_255, %swap3A_256] {strides = array<i32>} : memref<80x128xf32, #tpu.memory_space<vmem>>, vector<1x16xf32>,
        %swap3A_258 = vector.shape_cast %swap3A_257 : vector<1x16xf32> to vector<16xf32>
        %swap3A_259 = vector.shape_cast %max3A_254 : vector<16xf32> to vector<1x16xf32>
        tpu.vector_store %arg15[%swap3A_255, %swap3A_256], %swap3A_259 {strides = array<i32>} : memref<80x128xf32, #tpu.memory_space<vmem>>, vector<1x16xf32>,
        %get3A_260 = arith.index_cast %scan3A_194 : i32 to index
        %get3A_261 = arith.constant 64 : index
        %get3A_262 = tpu.vector_load %arg13[%get3A_260, %get3A_261] {strides = array<i32>} : memref<80x128xf32, #tpu.memory_space<vmem>>, vector<1x16xf32>,
        %get3A_263 = vector.shape_cast %get3A_262 : vector<1x16xf32> to vector<16xf32>
        %get3A_264 = arith.index_cast %scan3A_194 : i32 to index
        %get3A_265 = arith.constant 64 : index
        %get3A_266 = tpu.vector_load %arg15[%get3A_264, %get3A_265] {strides = array<i32>} : memref<80x128xf32, #tpu.memory_space<vmem>>, vector<1x16xf32>,
        %get3A_267 = vector.shape_cast %get3A_266 : vector<1x16xf32> to vector<16xf32>
        %add3A_268 = arith.addf %get3A_263, %get3A_267 : vector<16xf32>
        %max3A_269 = arith.constant 0.000000e+00 : f32
        %max3A_270 = vector.broadcast %max3A_269 : f32 to vector<16xf32>
        %max3A_271 = arith.maximumf %add3A_268, %max3A_270 : vector<16xf32>
        %swap3A_272 = arith.index_cast %scan3A_194 : i32 to index
        %swap3A_273 = arith.constant 64 : index
        %swap3A_274 = tpu.vector_load %arg15[%swap3A_272, %swap3A_273] {strides = array<i32>} : memref<80x128xf32, #tpu.memory_space<vmem>>, vector<1x16xf32>,
        %swap3A_275 = vector.shape_cast %swap3A_274 : vector<1x16xf32> to vector<16xf32>
        %swap3A_276 = vector.shape_cast %max3A_271 : vector<16xf32> to vector<1x16xf32>
        tpu.vector_store %arg15[%swap3A_272, %swap3A_273], %swap3A_276 {strides = array<i32>} : memref<80x128xf32, #tpu.memory_space<vmem>>, vector<1x16xf32>,
        %get3A_277 = arith.index_cast %scan3A_194 : i32 to index
        %get3A_278 = arith.constant 80 : index
        %get3A_279 = tpu.vector_load %arg13[%get3A_277, %get3A_278] {strides = array<i32>} : memref<80x128xf32, #tpu.memory_space<vmem>>, vector<1x16xf32>,
        %get3A_280 = vector.shape_cast %get3A_279 : vector<1x16xf32> to vector<16xf32>
        %get3A_281 = arith.index_cast %scan3A_194 : i32 to index
        %get3A_282 = arith.constant 80 : index
        %get3A_283 = tpu.vector_load %arg15[%get3A_281, %get3A_282] {strides = array<i32>} : memref<80x128xf32, #tpu.memory_space<vmem>>, vector<1x16xf32>,
        %get3A_284 = vector.shape_cast %get3A_283 : vector<1x16xf32> to vector<16xf32>
        %add3A_285 = arith.addf %get3A_280, %get3A_284 : vector<16xf32>
        %max3A_286 = arith.constant 0.000000e+00 : f32
        %max3A_287 = vector.broadcast %max3A_286 : f32 to vector<16xf32>
        %max3A_288 = arith.maximumf %add3A_285, %max3A_287 : vector<16xf32>
        %swap3A_289 = arith.index_cast %scan3A_194 : i32 to index
        %swap3A_290 = arith.constant 80 : index
        %swap3A_291 = tpu.vector_load %arg15[%swap3A_289, %swap3A_290] {strides = array<i32>} : memref<80x128xf32, #tpu.memory_space<vmem>>, vector<1x16xf32>,
        %swap3A_292 = vector.shape_cast %swap3A_291 : vector<1x16xf32> to vector<16xf32>
        %swap3A_293 = vector.shape_cast %max3A_288 : vector<16xf32> to vector<1x16xf32>
        tpu.vector_store %arg15[%swap3A_289, %swap3A_290], %swap3A_293 {strides = array<i32>} : memref<80x128xf32, #tpu.memory_space<vmem>>, vector<1x16xf32>,
        %get3A_294 = arith.index_cast %scan3A_194 : i32 to index
        %get3A_295 = arith.constant 96 : index
        %get3A_296 = tpu.vector_load %arg13[%get3A_294, %get3A_295] {strides = array<i32>} : memref<80x128xf32, #tpu.memory_space<vmem>>, vector<1x16xf32>,
        %get3A_297 = vector.shape_cast %get3A_296 : vector<1x16xf32> to vector<16xf32>
        %get3A_298 = arith.index_cast %scan3A_194 : i32 to index
        %get3A_299 = arith.constant 96 : index
        %get3A_300 = tpu.vector_load %arg15[%get3A_298, %get3A_299] {strides = array<i32>} : memref<80x128xf32, #tpu.memory_space<vmem>>, vector<1x16xf32>,
        %get3A_301 = vector.shape_cast %get3A_300 : vector<1x16xf32> to vector<16xf32>
        %add3A_302 = arith.addf %get3A_297, %get3A_301 : vector<16xf32>
        %max3A_303 = arith.constant 0.000000e+00 : f32
        %max3A_304 = vector.broadcast %max3A_303 : f32 to vector<16xf32>
        %max3A_305 = arith.maximumf %add3A_302, %max3A_304 : vector<16xf32>
        %swap3A_306 = arith.index_cast %scan3A_194 : i32 to index
        %swap3A_307 = arith.constant 96 : index
        %swap3A_308 = tpu.vector_load %arg15[%swap3A_306, %swap3A_307] {strides = array<i32>} : memref<80x128xf32, #tpu.memory_space<vmem>>, vector<1x16xf32>,
        %swap3A_309 = vector.shape_cast %swap3A_308 : vector<1x16xf32> to vector<16xf32>
        %swap3A_310 = vector.shape_cast %max3A_305 : vector<16xf32> to vector<1x16xf32>
        tpu.vector_store %arg15[%swap3A_306, %swap3A_307], %swap3A_310 {strides = array<i32>} : memref<80x128xf32, #tpu.memory_space<vmem>>, vector<1x16xf32>,
        %get3A_311 = arith.index_cast %scan3A_194 : i32 to index
        %get3A_312 = arith.constant 112 : index
        %get3A_313 = tpu.vector_load %arg13[%get3A_311, %get3A_312] {strides = array<i32>} : memref<80x128xf32, #tpu.memory_space<vmem>>, vector<1x16xf32>,
        %get3A_314 = vector.shape_cast %get3A_313 : vector<1x16xf32> to vector<16xf32>
        %get3A_315 = arith.index_cast %scan3A_194 : i32 to index
        %get3A_316 = arith.constant 112 : index
        %get3A_317 = tpu.vector_load %arg15[%get3A_315, %get3A_316] {strides = array<i32>} : memref<80x128xf32, #tpu.memory_space<vmem>>, vector<1x16xf32>,
        %get3A_318 = vector.shape_cast %get3A_317 : vector<1x16xf32> to vector<16xf32>
        %add3A_319 = arith.addf %get3A_314, %get3A_318 : vector<16xf32>
        %max3A_320 = arith.constant 0.000000e+00 : f32
        %max3A_321 = vector.broadcast %max3A_320 : f32 to vector<16xf32>
        %max3A_322 = arith.maximumf %add3A_319, %max3A_321 : vector<16xf32>
        %swap3A_323 = arith.index_cast %scan3A_194 : i32 to index
        %swap3A_324 = arith.constant 112 : index
        %swap3A_325 = tpu.vector_load %arg15[%swap3A_323, %swap3A_324] {strides = array<i32>} : memref<80x128xf32, #tpu.memory_space<vmem>>, vector<1x16xf32>,
        %swap3A_326 = vector.shape_cast %swap3A_325 : vector<1x16xf32> to vector<16xf32>
        %swap3A_327 = vector.shape_cast %max3A_322 : vector<16xf32> to vector<1x16xf32>
        tpu.vector_store %arg15[%swap3A_323, %swap3A_324], %swap3A_327 {strides = array<i32>} : memref<80x128xf32, #tpu.memory_space<vmem>>, vector<1x16xf32>,
      }
      %scan3A_193 = arith.constant 80 : i32
      "tpu.region"() ({
        %run_scoped3A = tpu.sem_alloc : memref<!tpu.dma_semaphore, #tpu.memory_space<semaphore_mem>>
        %dma_start3A_194 = arith.constant 0 : i32
        %dma_start3A_195 = arith.constant 0 : i32
        %dma_start3A_196 = tpu.memref_slice %arg7[%dma_start3A_194, %dma_start3A_195] : memref<10240x128xf32, #tpu.memory_space<vmem_shared>> -> memref<10240x128xf32, #tpu.memory_space<vmem_shared>>
        tpu.enqueue_indirect_dma source(%arg15 : memref<80x128xf32, #tpu.memory_space<vmem>>) target(%dma_start3A_196 : memref<10240x128xf32, #tpu.memory_space<vmem_shared>>) offsets(%arg11 : memref<80xi32, #tpu.memory_space<vmem>>) semaphore(%run_scoped3A : memref<!tpu.dma_semaphore, #tpu.memory_space<semaphore_mem>>) {add = true}
        %dma_wait3A_197 = arith.constant 0 : i32
        %dma_wait3A_198 = arith.constant 0 : i32
        %dma_wait3A_199 = tpu.memref_slice %arg7[%dma_wait3A_197, %dma_wait3A_198] : memref<10240x128xf32, #tpu.memory_space<vmem_shared>> -> memref<10240x128xf32, #tpu.memory_space<vmem_shared>>
        tpu.wait_indirect_dma semaphore(%run_scoped3A : memref<!tpu.dma_semaphore, #tpu.memory_space<semaphore_mem>>) src(%arg15 : memref<80x128xf32, #tpu.memory_space<vmem>>) dst(%dma_wait3A_199 : memref<10240x128xf32, #tpu.memory_space<vmem_shared>>)
        tpu.yield
      }) : () -> ()
    }
    %scan3A_129 = arith.constant 62 : i32
    %barrier3A_130 = arith.constant 0 : index
    tpu.barrier barrier_id(%barrier3A_130)
    %mul3A_131 = arith.constant 640 : i32
    %mul3A_132 = arith.muli %arg1, %mul3A_131 : i32
    %mul3A_133 = arith.constant 640 : i32
    %mul3A_134 = arith.muli %arg1, %mul3A_133 : i32
    "tpu.region"() ({
      %run_scoped3A = tpu.sem_alloc : memref<!tpu.dma_semaphore, #tpu.memory_space<semaphore_mem>>
      %dma_start3A_135 = arith.constant 0 : i32
      %dma_start3A_136 = tpu.memref_slice %arg6[%arg0, %mul3A_134, %dma_start3A_135] : memref<2x10240x128xf32, #tpu.memory_space<hbm>> -> memref<1x640x128xf32, #tpu.memory_space<hbm>>
      %dma_start3A_137 = tpu.memref_squeeze %dma_start3A_136 : memref<1x640x128xf32, #tpu.memory_space<hbm>> -> memref<640x128xf32, #tpu.memory_space<hbm>>
      %dma_start3A_138 = arith.constant 0 : i32
      %dma_start3A_139 = tpu.memref_slice %arg7[%mul3A_132, %dma_start3A_138] : memref<10240x128xf32, #tpu.memory_space<vmem_shared>> -> memref<640x128xf32, #tpu.memory_space<vmem_shared>>
      tpu.enqueue_dma source(%dma_start3A_139 : memref<640x128xf32, #tpu.memory_space<vmem_shared>>) target(%dma_start3A_137 : memref<640x128xf32, #tpu.memory_space<hbm>>) target_semaphore(%run_scoped3A : memref<!tpu.dma_semaphore, #tpu.memory_space<semaphore_mem>>)
      %dma_wait3A_140 = arith.constant 0 : i32
      %dma_wait3A_141 = tpu.memref_slice %arg6[%arg0, %mul3A_134, %dma_wait3A_140] : memref<2x10240x128xf32, #tpu.memory_space<hbm>> -> memref<1x640x128xf32, #tpu.memory_space<hbm>>
      %dma_wait3A_142 = tpu.memref_squeeze %dma_wait3A_141 : memref<1x640x128xf32, #tpu.memory_space<hbm>> -> memref<640x128xf32, #tpu.memory_space<hbm>>
      %dma_wait3A_143 = arith.constant 0 : i32
      %dma_wait3A_144 = tpu.memref_slice %arg7[%mul3A_132, %dma_wait3A_143] : memref<10240x128xf32, #tpu.memory_space<vmem_shared>> -> memref<640x128xf32, #tpu.memory_space<vmem_shared>>
      tpu.wait_dma2 semaphore(%run_scoped3A : memref<!tpu.dma_semaphore, #tpu.memory_space<semaphore_mem>>) src(%dma_wait3A_144 : memref<640x128xf32, #tpu.memory_space<vmem_shared>>) dst(%dma_wait3A_142 : memref<640x128xf32, #tpu.memory_space<hbm>>)
      tpu.yield
    }) : () -> ()
    return
  }
}

module attributes {stable_mosaic.version = 14 : i64} {
  func.func @_edge_feat_body(%arg0: i32, %arg1: memref<2000x16xf32, #tpu.memory_space<vmem>>, %arg2: memref<16x128xf32, #tpu.memory_space<vmem>>, %arg3: memref<1x128xf32, #tpu.memory_space<vmem>>, %arg4: memref<2000x128xf32, #tpu.memory_space<vmem>>) attributes {dimension_semantics = [#tpu.dimension_semantics<arbitrary>], iteration_bounds = array<i64: 160>, scalar_prefetch = 0 : i64, scratch_operands = 0 : i64, tpu.core_type = #tpu.core_type<tc>, window_params = [{transform_indices = @transform_0, window_bounds = array<i64: 2000, 16>}, {pipeline_mode = #tpu.pipeline_mode<synchronous>, transform_indices = @transform_1, window_bounds = array<i64: 16, 128>}, {pipeline_mode = #tpu.pipeline_mode<synchronous>, transform_indices = @transform_2, window_bounds = array<i64: 1, 128>}, {transform_indices = @transform_3, window_bounds = array<i64: 2000, 128>}]} {
    %get3A = arith.constant 0 : index
    %get3A_0 = arith.constant 0 : index
    %get3A_1 = vector.load %arg1[%get3A, %get3A_0] : memref<2000x16xf32, #tpu.memory_space<vmem>>, vector<2000x16xf32>
    %get3A_2 = arith.constant 0 : index
    %get3A_3 = arith.constant 0 : index
    %get3A_4 = vector.load %arg2[%get3A_2, %get3A_3] : memref<16x128xf32, #tpu.memory_space<vmem>>, vector<16x128xf32>
    %dot_general3A = arith.constant dense<0.000000e+00> : vector<2000x128xf32>
    %dot_general3A_5 = tpu.matmul %get3A_1, %get3A_4, %dot_general3A {dimension_numbers = #tpu.dot_dimension_numbers<[1], [0], [0], [1], [0, 0, 1, 1], [], []>, transpose_lhs_hint = false} : vector<2000x16xf32>, vector<16x128xf32>, vector<2000x128xf32> -> vector<2000x128xf32>
    %get3A_6 = arith.constant 0 : index
    %get3A_7 = arith.constant 0 : index
    %get3A_8 = vector.load %arg3[%get3A_6, %get3A_7] : memref<1x128xf32, #tpu.memory_space<vmem>>, vector<1x128xf32>
    %add3A = vector.broadcast %get3A_8 : vector<1x128xf32> to vector<2000x128xf32>
    %add3A_9 = arith.addf %dot_general3A_5, %add3A : vector<2000x128xf32>
    %swap3A = arith.constant 0 : index
    %swap3A_10 = arith.constant 0 : index
    %swap3A_11 = vector.load %arg4[%swap3A, %swap3A_10] : memref<2000x128xf32, #tpu.memory_space<vmem>>, vector<2000x128xf32>
    tpu.vector_store %arg4[%swap3A, %swap3A_10], %add3A_9 {strides = array<i32>} : memref<2000x128xf32, #tpu.memory_space<vmem>>, vector<2000x128xf32>,
    return
  }
  func.func @transform_0(%arg0: i32) -> (i32, i32) {
    %c0_i32 = arith.constant 0 : i32
    %c0_i32_0 = arith.constant 0 : i32
    return %arg0, %c0_i32 : i32, i32
  }
  func.func @transform_1(%arg0: i32) -> (i32, i32) {
    %c0_i32 = arith.constant 0 : i32
    %c0_i32_0 = arith.constant 0 : i32
    %c0_i32_1 = arith.constant 0 : i32
    return %c0_i32, %c0_i32_0 : i32, i32
  }
  func.func @transform_2(%arg0: i32) -> (i32, i32) {
    %c0_i32 = arith.constant 0 : i32
    %c0_i32_0 = arith.constant 0 : i32
    %c0_i32_1 = arith.constant 0 : i32
    return %c0_i32, %c0_i32_0 : i32, i32
  }
  func.func @transform_3(%arg0: i32) -> (i32, i32) {
    %c0_i32 = arith.constant 0 : i32
    %c0_i32_0 = arith.constant 0 : i32
    return %arg0, %c0_i32 : i32, i32
  }
}

module attributes {stable_mosaic.version = 14 : i64} {
  func.func @_mlp_body(%arg0: i32, %arg1: memref<1x1xf32, #tpu.memory_space<smem>>, %arg2: memref<1000x128xf32, #tpu.memory_space<vmem>>, %arg3: memref<1000x128xf32, #tpu.memory_space<vmem>>, %arg4: memref<128x128xf32, #tpu.memory_space<vmem>>, %arg5: memref<1x128xf32, #tpu.memory_space<vmem>>, %arg6: memref<128x128xf32, #tpu.memory_space<vmem>>, %arg7: memref<1x128xf32, #tpu.memory_space<vmem>>, %arg8: memref<1000x128xf32, #tpu.memory_space<vmem>>) attributes {dimension_semantics = [#tpu.dimension_semantics<arbitrary>], iteration_bounds = array<i64: 10>, scalar_prefetch = 0 : i64, scratch_operands = 0 : i64, tpu.core_type = #tpu.core_type<tc>, window_params = [{transform_indices = @transform_0, window_bounds = array<i64: 1, 1>}, {transform_indices = @transform_1, window_bounds = array<i64: 1000, 128>}, {transform_indices = @transform_2, window_bounds = array<i64: 1000, 128>}, {pipeline_mode = #tpu.pipeline_mode<synchronous>, transform_indices = @transform_3, window_bounds = array<i64: 128, 128>}, {pipeline_mode = #tpu.pipeline_mode<synchronous>, transform_indices = @transform_4, window_bounds = array<i64: 1, 128>}, {pipeline_mode = #tpu.pipeline_mode<synchronous>, transform_indices = @transform_5, window_bounds = array<i64: 128, 128>}, {pipeline_mode = #tpu.pipeline_mode<synchronous>, transform_indices = @transform_6, window_bounds = array<i64: 1, 128>}, {transform_indices = @transform_7, window_bounds = array<i64: 1000, 128>}]} {
    %get3A = arith.constant 0 : index
    %get3A_0 = arith.constant 0 : index
    %get3A_1 = vector.load %arg2[%get3A, %get3A_0] : memref<1000x128xf32, #tpu.memory_space<vmem>>, vector<1000x128xf32>
    %get3A_2 = arith.constant 0 : index
    %get3A_3 = arith.constant 0 : index
    %get3A_4 = memref.load %arg1[%get3A_2, %get3A_3] : memref<1x1xf32, #tpu.memory_space<smem>>
    %mul3A = vector.broadcast %get3A_4 : f32 to vector<1000x128xf32>
    %mul3A_5 = arith.mulf %get3A_1, %mul3A : vector<1000x128xf32>
    %get3A_6 = arith.constant 0 : index
    %get3A_7 = arith.constant 0 : index
    %get3A_8 = vector.load %arg3[%get3A_6, %get3A_7] : memref<1000x128xf32, #tpu.memory_space<vmem>>, vector<1000x128xf32>
    %add3A = arith.addf %mul3A_5, %get3A_8 : vector<1000x128xf32>
    %get3A_9 = arith.constant 0 : index
    %get3A_10 = arith.constant 0 : index
    %get3A_11 = vector.load %arg4[%get3A_9, %get3A_10] : memref<128x128xf32, #tpu.memory_space<vmem>>, vector<128x128xf32>
    %dot_general3A = arith.constant dense<0.000000e+00> : vector<1000x128xf32>
    %dot_general3A_12 = tpu.matmul %add3A, %get3A_11, %dot_general3A {dimension_numbers = #tpu.dot_dimension_numbers<[1], [0], [0], [1], [0, 0, 1, 1], [], []>, transpose_lhs_hint = false} : vector<1000x128xf32>, vector<128x128xf32>, vector<1000x128xf32> -> vector<1000x128xf32>
    %get3A_13 = arith.constant 0 : index
    %get3A_14 = arith.constant 0 : index
    %get3A_15 = vector.load %arg5[%get3A_13, %get3A_14] : memref<1x128xf32, #tpu.memory_space<vmem>>, vector<1x128xf32>
    %add3A_16 = vector.broadcast %get3A_15 : vector<1x128xf32> to vector<1000x128xf32>
    %add3A_17 = arith.addf %dot_general3A_12, %add3A_16 : vector<1000x128xf32>
    %max3A = arith.constant 0.000000e+00 : f32
    %max3A_18 = vector.broadcast %max3A : f32 to vector<1000x128xf32>
    %max3A_19 = arith.maximumf %add3A_17, %max3A_18 : vector<1000x128xf32>
    %get3A_20 = arith.constant 0 : index
    %get3A_21 = arith.constant 0 : index
    %get3A_22 = vector.load %arg6[%get3A_20, %get3A_21] : memref<128x128xf32, #tpu.memory_space<vmem>>, vector<128x128xf32>
    %dot_general3A_23 = arith.constant dense<0.000000e+00> : vector<1000x128xf32>
    %dot_general3A_24 = tpu.matmul %max3A_19, %get3A_22, %dot_general3A_23 {dimension_numbers = #tpu.dot_dimension_numbers<[1], [0], [0], [1], [0, 0, 1, 1], [], []>, transpose_lhs_hint = false} : vector<1000x128xf32>, vector<128x128xf32>, vector<1000x128xf32> -> vector<1000x128xf32>
    %get3A_25 = arith.constant 0 : index
    %get3A_26 = arith.constant 0 : index
    %get3A_27 = vector.load %arg7[%get3A_25, %get3A_26] : memref<1x128xf32, #tpu.memory_space<vmem>>, vector<1x128xf32>
    %add3A_28 = vector.broadcast %get3A_27 : vector<1x128xf32> to vector<1000x128xf32>
    %add3A_29 = arith.addf %dot_general3A_24, %add3A_28 : vector<1000x128xf32>
    %max3A_30 = arith.constant 0.000000e+00 : f32
    %max3A_31 = vector.broadcast %max3A_30 : f32 to vector<1000x128xf32>
    %max3A_32 = arith.maximumf %add3A_29, %max3A_31 : vector<1000x128xf32>
    %swap3A = arith.constant 0 : index
    %swap3A_33 = arith.constant 0 : index
    %swap3A_34 = vector.load %arg8[%swap3A, %swap3A_33] : memref<1000x128xf32, #tpu.memory_space<vmem>>, vector<1000x128xf32>
    tpu.vector_store %arg8[%swap3A, %swap3A_33], %max3A_32 {strides = array<i32>} : memref<1000x128xf32, #tpu.memory_space<vmem>>, vector<1000x128xf32>,
    return
  }
  func.func @transform_0(%arg0: i32) -> (i32, i32) {
    %c0_i32 = arith.constant 0 : i32
    %c0_i32_0 = arith.constant 0 : i32
    %c0_i32_1 = arith.constant 0 : i32
    return %c0_i32, %c0_i32_0 : i32, i32
  }
  func.func @transform_1(%arg0: i32) -> (i32, i32) {
    %c0_i32 = arith.constant 0 : i32
    %c0_i32_0 = arith.constant 0 : i32
    return %arg0, %c0_i32 : i32, i32
  }
  func.func @transform_2(%arg0: i32) -> (i32, i32) {
    %c0_i32 = arith.constant 0 : i32
    %c0_i32_0 = arith.constant 0 : i32
    return %arg0, %c0_i32 : i32, i32
  }
  func.func @transform_3(%arg0: i32) -> (i32, i32) {
    %c0_i32 = arith.constant 0 : i32
    %c0_i32_0 = arith.constant 0 : i32
    %c0_i32_1 = arith.constant 0 : i32
    return %c0_i32, %c0_i32_0 : i32, i32
  }
  func.func @transform_4(%arg0: i32) -> (i32, i32) {
    %c0_i32 = arith.constant 0 : i32
    %c0_i32_0 = arith.constant 0 : i32
    %c0_i32_1 = arith.constant 0 : i32
    return %c0_i32, %c0_i32_0 : i32, i32
  }
  func.func @transform_5(%arg0: i32) -> (i32, i32) {
    %c0_i32 = arith.constant 0 : i32
    %c0_i32_0 = arith.constant 0 : i32
    %c0_i32_1 = arith.constant 0 : i32
    return %c0_i32, %c0_i32_0 : i32, i32
  }
  func.func @transform_6(%arg0: i32) -> (i32, i32) {
    %c0_i32 = arith.constant 0 : i32
    %c0_i32_0 = arith.constant 0 : i32
    %c0_i32_1 = arith.constant 0 : i32
    return %c0_i32, %c0_i32_0 : i32, i32
  }
  func.func @transform_7(%arg0: i32) -> (i32, i32) {
    %c0_i32 = arith.constant 0 : i32
    %c0_i32_0 = arith.constant 0 : i32
    return %arg0, %c0_i32 : i32, i32
  }
}

module attributes {stable_mosaic.version = 14 : i64} {
  func.func @_mlp2_body(%arg0: i32, %arg1: memref<1x1xf32, #tpu.memory_space<smem>>, %arg2: memref<1x1xf32, #tpu.memory_space<smem>>, %arg3: memref<1000x128xf32, #tpu.memory_space<vmem>>, %arg4: memref<1000x128xf32, #tpu.memory_space<vmem>>, %arg5: memref<1000x128xf32, #tpu.memory_space<vmem>>, %arg6: memref<128x128xf32, #tpu.memory_space<vmem>>, %arg7: memref<1x128xf32, #tpu.memory_space<vmem>>, %arg8: memref<128x128xf32, #tpu.memory_space<vmem>>, %arg9: memref<1x128xf32, #tpu.memory_space<vmem>>, %arg10: memref<1x1x1000xi32, #tpu.memory_space<vmem>>, %arg11: memref<128x256xf32, #tpu.memory_space<vmem>>, %arg12: memref<1x256xf32, #tpu.memory_space<vmem>>, %arg13: memref<256x128xf32, #tpu.memory_space<vmem>>, %arg14: memref<64x128xf32, #tpu.memory_space<vmem>>, %arg15: memref<64x128xf32, #tpu.memory_space<vmem>>) attributes {dimension_semantics = [#tpu.dimension_semantics<arbitrary>], iteration_bounds = array<i64: 10>, scalar_prefetch = 0 : i64, scratch_operands = 1 : i64, tpu.core_type = #tpu.core_type<tc>, window_params = [{transform_indices = @transform_0, window_bounds = array<i64: 1, 1>}, {transform_indices = @transform_1, window_bounds = array<i64: 1, 1>}, {transform_indices = @transform_2, window_bounds = array<i64: 1000, 128>}, {transform_indices = @transform_3, window_bounds = array<i64: 1000, 128>}, {transform_indices = @transform_4, window_bounds = array<i64: 1000, 128>}, {pipeline_mode = #tpu.pipeline_mode<synchronous>, transform_indices = @transform_5, window_bounds = array<i64: 128, 128>}, {pipeline_mode = #tpu.pipeline_mode<synchronous>, transform_indices = @transform_6, window_bounds = array<i64: 1, 128>}, {pipeline_mode = #tpu.pipeline_mode<synchronous>, transform_indices = @transform_7, window_bounds = array<i64: 128, 128>}, {pipeline_mode = #tpu.pipeline_mode<synchronous>, transform_indices = @transform_8, window_bounds = array<i64: 1, 128>}, {transform_indices = @transform_9, window_bounds = array<i64: 1, 1, 1000>}, {pipeline_mode = #tpu.pipeline_mode<synchronous>, transform_indices = @transform_10, window_bounds = array<i64: 128, 256>}, {pipeline_mode = #tpu.pipeline_mode<synchronous>, transform_indices = @transform_11, window_bounds = array<i64: 1, 256>}, {pipeline_mode = #tpu.pipeline_mode<synchronous>, transform_indices = @transform_12, window_bounds = array<i64: 256, 128>}, {pipeline_mode = #tpu.pipeline_mode<synchronous>, transform_indices = @transform_13, window_bounds = array<i64: 64, 128>}]} {
    %get3A = arith.constant 0 : index
    %get3A_0 = arith.constant 0 : index
    %get3A_1 = vector.load %arg3[%get3A, %get3A_0] : memref<1000x128xf32, #tpu.memory_space<vmem>>, vector<1000x128xf32>
    %get3A_2 = arith.constant 0 : index
    %get3A_3 = arith.constant 0 : index
    %get3A_4 = memref.load %arg1[%get3A_2, %get3A_3] : memref<1x1xf32, #tpu.memory_space<smem>>
    %mul3A = vector.broadcast %get3A_4 : f32 to vector<1000x128xf32>
    %mul3A_5 = arith.mulf %get3A_1, %mul3A : vector<1000x128xf32>
    %get3A_6 = arith.constant 0 : index
    %get3A_7 = arith.constant 0 : index
    %get3A_8 = vector.load %arg4[%get3A_6, %get3A_7] : memref<1000x128xf32, #tpu.memory_space<vmem>>, vector<1000x128xf32>
    %add3A = arith.addf %mul3A_5, %get3A_8 : vector<1000x128xf32>
    %get3A_9 = arith.constant 0 : index
    %get3A_10 = arith.constant 0 : index
    %get3A_11 = vector.load %arg5[%get3A_9, %get3A_10] : memref<1000x128xf32, #tpu.memory_space<vmem>>, vector<1000x128xf32>
    %add3A_12 = arith.addf %add3A, %get3A_11 : vector<1000x128xf32>
    %get3A_13 = arith.constant 0 : index
    %get3A_14 = arith.constant 0 : index
    %get3A_15 = vector.load %arg6[%get3A_13, %get3A_14] : memref<128x128xf32, #tpu.memory_space<vmem>>, vector<128x128xf32>
    %dot_general3A = arith.constant dense<0.000000e+00> : vector<1000x128xf32>
    %dot_general3A_16 = tpu.matmul %add3A_12, %get3A_15, %dot_general3A {dimension_numbers = #tpu.dot_dimension_numbers<[1], [0], [0], [1], [0, 0, 1, 1], [], []>, transpose_lhs_hint = false} : vector<1000x128xf32>, vector<128x128xf32>, vector<1000x128xf32> -> vector<1000x128xf32>
    %get3A_17 = arith.constant 0 : index
    %get3A_18 = arith.constant 0 : index
    %get3A_19 = vector.load %arg7[%get3A_17, %get3A_18] : memref<1x128xf32, #tpu.memory_space<vmem>>, vector<1x128xf32>
    %add3A_20 = vector.broadcast %get3A_19 : vector<1x128xf32> to vector<1000x128xf32>
    %add3A_21 = arith.addf %dot_general3A_16, %add3A_20 : vector<1000x128xf32>
    %max3A = arith.constant 0.000000e+00 : f32
    %max3A_22 = vector.broadcast %max3A : f32 to vector<1000x128xf32>
    %max3A_23 = arith.maximumf %add3A_21, %max3A_22 : vector<1000x128xf32>
    %get3A_24 = arith.constant 0 : index
    %get3A_25 = arith.constant 0 : index
    %get3A_26 = vector.load %arg8[%get3A_24, %get3A_25] : memref<128x128xf32, #tpu.memory_space<vmem>>, vector<128x128xf32>
    %dot_general3A_27 = arith.constant dense<0.000000e+00> : vector<1000x128xf32>
    %dot_general3A_28 = tpu.matmul %max3A_23, %get3A_26, %dot_general3A_27 {dimension_numbers = #tpu.dot_dimension_numbers<[1], [0], [0], [1], [0, 0, 1, 1], [], []>, transpose_lhs_hint = false} : vector<1000x128xf32>, vector<128x128xf32>, vector<1000x128xf32> -> vector<1000x128xf32>
    %get3A_29 = arith.constant 0 : index
    %get3A_30 = arith.constant 0 : index
    %get3A_31 = vector.load %arg9[%get3A_29, %get3A_30] : memref<1x128xf32, #tpu.memory_space<vmem>>, vector<1x128xf32>
    %add3A_32 = vector.broadcast %get3A_31 : vector<1x128xf32> to vector<1000x128xf32>
    %add3A_33 = arith.addf %dot_general3A_28, %add3A_32 : vector<1000x128xf32>
    %max3A_34 = arith.constant 0.000000e+00 : f32
    %max3A_35 = vector.broadcast %max3A_34 : f32 to vector<1000x128xf32>
    %max3A_36 = arith.maximumf %add3A_33, %max3A_35 : vector<1000x128xf32>
    %get3A_37 = arith.constant 0 : index
    %get3A_38 = arith.constant 0 : index
    %get3A_39 = arith.constant 0 : index
    %get3A_40 = vector.load %arg10[%get3A_37, %get3A_38, %get3A_39] : memref<1x1x1000xi32, #tpu.memory_space<vmem>>, vector<1x1x1000xi32>
    %get3A_41 = vector.shape_cast %get3A_40 : vector<1x1x1000xi32> to vector<1x1000xi32>
    %iota3A = tpu.iota {dimensions = array<i32: 0>} : vector<64x1000xi32>
    %eq3A = vector.broadcast %get3A_41 : vector<1x1000xi32> to vector<64x1000xi32>
    %eq3A_42 = arith.cmpi eq, %iota3A, %eq3A : vector<64x1000xi32>
    %convert_element_type3A = arith.extui %eq3A_42 : vector<64x1000xi1> to vector<64x1000xi32>
    %convert_element_type3A_43 = arith.sitofp %convert_element_type3A : vector<64x1000xi32> to vector<64x1000xf32>
    %dot_general3A_44 = arith.constant dense<0.000000e+00> : vector<64x128xf32>
    %dot_general3A_45 = tpu.matmul %convert_element_type3A_43, %max3A_36, %dot_general3A_44 {dimension_numbers = #tpu.dot_dimension_numbers<[1], [0], [0], [1], [0, 0, 1, 1], [], []>, precision = #tpu.contract_precision<fp32>, transpose_lhs_hint = false} : vector<64x1000xf32>, vector<1000x128xf32>, vector<64x128xf32> -> vector<64x128xf32>
    %eq3A_46 = arith.constant 0 : i32
    %eq3A_47 = arith.cmpi eq, %arg0, %eq3A_46 : i32
    %convert_element_type3A_48 = arith.extui %eq3A_47 : i1 to i32
    %cond3A = arith.constant 0 : i32
    %cond3A_49 = arith.cmpi ne, %convert_element_type3A_48, %cond3A : i32
    scf.if %cond3A_49 {
      %swap3A = arith.constant 0 : index
      %swap3A_59 = arith.constant 0 : index
      %swap3A_60 = vector.load %arg15[%swap3A, %swap3A_59] : memref<64x128xf32, #tpu.memory_space<vmem>>, vector<64x128xf32>
      tpu.vector_store %arg15[%swap3A, %swap3A_59], %dot_general3A_45 {strides = array<i32>} : memref<64x128xf32, #tpu.memory_space<vmem>>, vector<64x128xf32>,
    } else {
    }
    %gt3A = arith.constant 0 : i32
    %gt3A_50 = arith.cmpi sgt, %arg0, %gt3A : i32
    %convert_element_type3A_51 = arith.extui %gt3A_50 : i1 to i32
    %cond3A_52 = arith.constant 0 : i32
    %cond3A_53 = arith.cmpi ne, %convert_element_type3A_51, %cond3A_52 : i32
    scf.if %cond3A_53 {
      %get3A_59 = arith.constant 0 : index
      %get3A_60 = arith.constant 0 : index
      %get3A_61 = vector.load %arg15[%get3A_59, %get3A_60] : memref<64x128xf32, #tpu.memory_space<vmem>>, vector<64x128xf32>
      %add3A_62 = arith.addf %get3A_61, %dot_general3A_45 : vector<64x128xf32>
      %swap3A = arith.constant 0 : index
      %swap3A_63 = arith.constant 0 : index
      %swap3A_64 = vector.load %arg15[%swap3A, %swap3A_63] : memref<64x128xf32, #tpu.memory_space<vmem>>, vector<64x128xf32>
      tpu.vector_store %arg15[%swap3A, %swap3A_63], %add3A_62 {strides = array<i32>} : memref<64x128xf32, #tpu.memory_space<vmem>>, vector<64x128xf32>,
    } else {
    }
    %eq3A_54 = arith.constant 9 : i32
    %eq3A_55 = arith.cmpi eq, %arg0, %eq3A_54 : i32
    %convert_element_type3A_56 = arith.extui %eq3A_55 : i1 to i32
    %cond3A_57 = arith.constant 0 : i32
    %cond3A_58 = arith.cmpi ne, %convert_element_type3A_56, %cond3A_57 : i32
    scf.if %cond3A_58 {
      %get3A_59 = arith.constant 0 : index
      %get3A_60 = arith.constant 0 : index
      %get3A_61 = vector.load %arg15[%get3A_59, %get3A_60] : memref<64x128xf32, #tpu.memory_space<vmem>>, vector<64x128xf32>
      %get3A_62 = arith.constant 0 : index
      %get3A_63 = arith.constant 0 : index
      %get3A_64 = vector.load %arg11[%get3A_62, %get3A_63] : memref<128x256xf32, #tpu.memory_space<vmem>>, vector<128x256xf32>
      %dot_general3A_65 = arith.constant dense<0.000000e+00> : vector<64x256xf32>
      %dot_general3A_66 = tpu.matmul %get3A_61, %get3A_64, %dot_general3A_65 {dimension_numbers = #tpu.dot_dimension_numbers<[1], [0], [0], [1], [0, 0, 1, 1], [], []>, transpose_lhs_hint = false} : vector<64x128xf32>, vector<128x256xf32>, vector<64x256xf32> -> vector<64x256xf32>
      %get3A_67 = arith.constant 0 : index
      %get3A_68 = arith.constant 0 : index
      %get3A_69 = vector.load %arg12[%get3A_67, %get3A_68] : memref<1x256xf32, #tpu.memory_space<vmem>>, vector<1x256xf32>
      %add3A_70 = vector.broadcast %get3A_69 : vector<1x256xf32> to vector<64x256xf32>
      %add3A_71 = arith.addf %dot_general3A_66, %add3A_70 : vector<64x256xf32>
      %max3A_72 = arith.constant 0.000000e+00 : f32
      %max3A_73 = vector.broadcast %max3A_72 : f32 to vector<64x256xf32>
      %max3A_74 = arith.maximumf %add3A_71, %max3A_73 : vector<64x256xf32>
      %get3A_75 = arith.constant 0 : index
      %get3A_76 = arith.constant 0 : index
      %get3A_77 = vector.load %arg13[%get3A_75, %get3A_76] : memref<256x128xf32, #tpu.memory_space<vmem>>, vector<256x128xf32>
      %dot_general3A_78 = arith.constant dense<0.000000e+00> : vector<64x128xf32>
      %dot_general3A_79 = tpu.matmul %max3A_74, %get3A_77, %dot_general3A_78 {dimension_numbers = #tpu.dot_dimension_numbers<[1], [0], [0], [1], [0, 0, 1, 1], [], []>, transpose_lhs_hint = false} : vector<64x256xf32>, vector<256x128xf32>, vector<64x128xf32> -> vector<64x128xf32>
      %get3A_80 = arith.constant 0 : index
      %get3A_81 = arith.constant 0 : index
      %get3A_82 = memref.load %arg2[%get3A_80, %get3A_81] : memref<1x1xf32, #tpu.memory_space<smem>>
      %add3A_83 = vector.broadcast %get3A_82 : f32 to vector<64x128xf32>
      %add3A_84 = arith.addf %dot_general3A_79, %add3A_83 : vector<64x128xf32>
      %swap3A = arith.constant 0 : index
      %swap3A_85 = arith.constant 0 : index
      %swap3A_86 = vector.load %arg14[%swap3A, %swap3A_85] : memref<64x128xf32, #tpu.memory_space<vmem>>, vector<64x128xf32>
      tpu.vector_store %arg14[%swap3A, %swap3A_85], %add3A_84 {strides = array<i32>} : memref<64x128xf32, #tpu.memory_space<vmem>>, vector<64x128xf32>,
    } else {
    }
    return
  }
  func.func @transform_0(%arg0: i32) -> (i32, i32) {
    %c0_i32 = arith.constant 0 : i32
    %c0_i32_0 = arith.constant 0 : i32
    %c0_i32_1 = arith.constant 0 : i32
    return %c0_i32, %c0_i32_0 : i32, i32
  }
  func.func @transform_1(%arg0: i32) -> (i32, i32) {
    %c0_i32 = arith.constant 0 : i32
    %c0_i32_0 = arith.constant 0 : i32
    %c0_i32_1 = arith.constant 0 : i32
    return %c0_i32, %c0_i32_0 : i32, i32
  }
  func.func @transform_2(%arg0: i32) -> (i32, i32) {
    %c0_i32 = arith.constant 0 : i32
    %c0_i32_0 = arith.constant 0 : i32
    return %arg0, %c0_i32 : i32, i32
  }
  func.func @transform_3(%arg0: i32) -> (i32, i32) {
    %c0_i32 = arith.constant 0 : i32
    %c0_i32_0 = arith.constant 0 : i32
    return %arg0, %c0_i32 : i32, i32
  }
  func.func @transform_4(%arg0: i32) -> (i32, i32) {
    %c0_i32 = arith.constant 0 : i32
    %c0_i32_0 = arith.constant 0 : i32
    return %arg0, %c0_i32 : i32, i32
  }
  func.func @transform_5(%arg0: i32) -> (i32, i32) {
    %c0_i32 = arith.constant 0 : i32
    %c0_i32_0 = arith.constant 0 : i32
    %c0_i32_1 = arith.constant 0 : i32
    return %c0_i32, %c0_i32_0 : i32, i32
  }
  func.func @transform_6(%arg0: i32) -> (i32, i32) {
    %c0_i32 = arith.constant 0 : i32
    %c0_i32_0 = arith.constant 0 : i32
    %c0_i32_1 = arith.constant 0 : i32
    return %c0_i32, %c0_i32_0 : i32, i32
  }
  func.func @transform_7(%arg0: i32) -> (i32, i32) {
    %c0_i32 = arith.constant 0 : i32
    %c0_i32_0 = arith.constant 0 : i32
    %c0_i32_1 = arith.constant 0 : i32
    return %c0_i32, %c0_i32_0 : i32, i32
  }
  func.func @transform_8(%arg0: i32) -> (i32, i32) {
    %c0_i32 = arith.constant 0 : i32
    %c0_i32_0 = arith.constant 0 : i32
    %c0_i32_1 = arith.constant 0 : i32
    return %c0_i32, %c0_i32_0 : i32, i32
  }
  func.func @transform_9(%arg0: i32) -> (i32, i32, i32) {
    %c0_i32 = arith.constant 0 : i32
    %c0_i32_0 = arith.constant 0 : i32
    %c0_i32_1 = arith.constant 0 : i32
    return %arg0, %c0_i32, %c0_i32_0 : i32, i32, i32
  }
  func.func @transform_10(%arg0: i32) -> (i32, i32) {
    %c0_i32 = arith.constant 0 : i32
    %c0_i32_0 = arith.constant 0 : i32
    %c0_i32_1 = arith.constant 0 : i32
    return %c0_i32, %c0_i32_0 : i32, i32
  }
  func.func @transform_11(%arg0: i32) -> (i32, i32) {
    %c0_i32 = arith.constant 0 : i32
    %c0_i32_0 = arith.constant 0 : i32
    %c0_i32_1 = arith.constant 0 : i32
    return %c0_i32, %c0_i32_0 : i32, i32
  }
  func.func @transform_12(%arg0: i32) -> (i32, i32) {
    %c0_i32 = arith.constant 0 : i32
    %c0_i32_0 = arith.constant 0 : i32
    %c0_i32_1 = arith.constant 0 : i32
    return %c0_i32, %c0_i32_0 : i32, i32
  }
  func.func @transform_13(%arg0: i32) -> (i32, i32) {
    %c0_i32 = arith.constant 0 : i32
    %c0_i32_0 = arith.constant 0 : i32
    %c0_i32_1 = arith.constant 0 : i32
    return %c0_i32, %c0_i32_0 : i32, i32
  }
}

</mosaic_0001>

<sc_bundles>
// kernel: kernel.11.cloned.1.call-start
scs
__scs_entry_jumppad:
0x0: {  	(pc) =	sbr.rel $0x88, $3  }
0x1: {  	(tag) =	ssettag $0x0;
	lr =	simm.s32 $0x1  }
0x2: {  	[smem:$0x3F8B] =	sst lr;
	_ =	strace $0xD0000000  }
0x3: {  	_ = 	snop  }
0x4: {  	_ = 	snop  }
0x5: {  	_ = 	snop  }
0x6: {  	_ = 	snop  }
0x7: {  	_ = 	snop  }
__scs_overlays_trampoline_lowered:
0x8: {  	[smem:$0x3F9A] =	sst s0  }
0x9: {  	[smem:$0x3F9B] =	sst s1  }
0xa: {  	[smem:$0x3F9C] =	sst s2  }
0xb: {  	[smem:$0x3F9D] =	sst s3  }
0xc: {  	[smem:$0x3F9E] =	sst s4  }
0xd: {  	[smem:$0x3F9F] =	sst s5  }
0xe: {  	[smem:$0x3FA0] =	sst s6  }
0xf: {  	[smem:$0x3FA1] =	sst s7  }
0x10: {  	[smem:$0x3FA2] =	sst s8  }
0x11: {  	[smem:$0x3FA3] =	sst s9;
	s0 =	simm.s32 @!p0 $0x0  }
0x12: {  	s1 =	sld [smem:$0x3F89];
	s0 =	simm.s32 @p0 $0x1  }
0x13: {  	[smem:$0x3FA4] =	sst s0;
	s0 =	simm.s32 @!p1 $0x0  }
0x14: {  	s2 =	sld [smem:$0x3F88];
	s0 =	simm.s32 @p1 $0x1  }
0x15: {  	[smem:$0x3FA5] =	sst s0;
	s0 =	simm.s32 @!p2 $0x0  }
0x16: {  	s3 =	sld [smem:$0x3FDB];
	s0 =	simm.s32 @p2 $0x1  }
0x17: {  	s4 =	simm.s32 $0x1BF5;
	[smem:$0x3FA7] =	sst s0  }
0x18: {  	s0 =	sld [smem:$0x3F8A];
	_ =	swait.ge [sflag:s4], $0x0  }
0x19: {  	s7 =	sld [smem:$0x3F8B]  }
0x1a: {  	s8 =	sadd.s32 $0xFFFFE003, lr  }
0x1b: {  	s9 =	sadd.s32 $0xFFFFFEF7, lr;
	s5 =	simm.s32 $0xFFFFFFFF;
	p2 =	slt.u32 s8, $0xFFFFF086  }
0x1c: {  	p1 =	slt.u32 s9, $0xF7A;
	s5 =	simm.s32 @!p2 $0x0  }
0x1d: {  	s5 =	simm.s32 @p1 $0x1;
	p0 =	seq.s32 s7, s2  }
0x1e: {  	s7 =	smul.u32 @!p0 $0xF7A, s2;
	p2 =	seq.s32 @!p0 s5, $0x0  }
0x1f: {  	s9 =	smul.u32 $0xF7A, s1;
	s8 =	simm.s32 @!p0 $0x1BF5;
	p2 =	por !p2, p0  }
0x20: {  	[sflag:s8] =	ssyncset.s32 @!p0 $0xFFFFF086;
	s6 =	sadd.s32 @!p0 s3, s7;
	s7 =	simm.s32 @!p0 $0x108  }
0x21: {  	s3 =	sadd.s32 s3, s9;
	s6 =	sadd.s32 @!p0 $0x88, s6;
	s7 =	simm.s32 @p2 $0x1082  }
0x22: {  	[simem:s7], [sflag:s8] =	dma.local @!p0 [hbm:s6], $0xF7A  }
0x23: {  	s9 =	sor.u32 $0xD0000000, s2;
	s6 =	simm.s32 $0x108;
	_ =	swait.ge @!p0 [sflag:s8], $0x0  }
0x24: {  	s3 =	sadd.s32 $0x88, s3;
	s6 =	simm.s32 @!p1 $0x1082;
	[sflag:s4] =	ssyncset.s32 $0xFFFFF086  }
0x25: {  	[simem:s6], [sflag:s4] =	dma.local [hbm:s3], $0xF7A  }
0x26: {  	[smem:$0x3F8B] =	sst s1;
	(tag) =	ssettag s2;
	_ =	strace s9  }
0x27: {  	s1 =	sld [smem:$0x3F9B]  }
0x28: {  	s2 =	sld [smem:$0x3F9C]  }
0x29: {  	s4 =	sld [smem:$0x3F9E]  }
0x2a: {  	p0 =	seq.s32 s5, $0x0;
	s5 =	sld [smem:$0x3F9F]  }
0x2b: {  	s6 =	sld [smem:$0x3FA0]  }
0x2c: {  	s7 =	sld [smem:$0x3FA1]  }
0x2d: {  	s3 =	simm.s32 $0x108;
	s8 =	sld [smem:$0x3FA2]  }
0x2e: {  	s3 =	simm.s32 @!p0 $0x1082;
	s9 =	sld [smem:$0x3FA3]  }
0x2f: {  	lr =	sadd.s32 s0, s3;
	s0 =	sld [smem:$0x3F9A]  }
0x30: {  	s3 =	sld [smem:$0x3F9D]  }
0x31: {  	[smem:$0x3FA6] =	sst s10  }
0x32: {  	s10 =	sld [smem:$0x3FA4];
	_ =	sdelay $0x3  }
0x33: {  	p0 =	seq.s32 s10, $0x1;
	s10 =	sld [smem:$0x3FA6];
	_ =	sdelay $0x3  }
0x34: {  	[smem:$0x3FA6] =	sst s10  }
0x35: {  	s10 =	sld [smem:$0x3FA5];
	_ =	sdelay $0x3  }
0x36: {  	p1 =	seq.s32 s10, $0x1;
	s10 =	sld [smem:$0x3FA6];
	_ =	sdelay $0x3  }
0x37: {  	[smem:$0x3FA6] =	sst s10  }
0x38: {  	s10 =	sld [smem:$0x3FA7]  }
0x39: {  	_ = 	snop;
	(pc) =	sbr.ind lr, $3  }
0x3a: {  	_ = 	snop  }
0x3b: {  	_ = 	snop  }
0x3c: {  	p2 =	seq.s32 s10, $0x1;
	s10 =	sld [smem:$0x3FA6]  }
0x3d: {  	_ =	shalt  }
0x3e: {  	_ =	shalt  }
0x3f: {  	_ =	shalt  }
0x40: {  	_ =	shalt  }
0x41: {  	_ =	shalt  }
0x42: {  	_ =	shalt  }
0x43: {  	_ =	shalt  }
0x44: {  	_ =	shalt  }
0x45: {  	_ =	shalt  }
0x46: {  	_ =	shalt  }
0x47: {  	_ =	shalt  }
0x48: {  	_ =	shalt  }
0x49: {  	_ =	shalt  }
0x4a: {  	_ =	shalt  }
0x4b: {  	_ =	shalt  }
0x4c: {  	_ =	shalt  }
0x4d: {  	_ =	shalt  }
0x4e: {  	_ =	shalt  }
0x4f: {  	_ =	shalt  }
0x50: {  	_ =	shalt  }
0x51: {  	_ =	shalt  }
0x52: {  	_ =	shalt  }
0x53: {  	_ =	shalt  }
0x54: {  	_ =	shalt  }
0x55: {  	_ =	shalt  }
0x56: {  	_ =	shalt  }
0x57: {  	_ =	shalt  }
0x58: {  	_ =	shalt  }
0x59: {  	_ =	shalt  }
0x5a: {  	_ =	shalt  }
0x5b: {  	_ =	shalt  }
0x5c: {  	_ =	shalt  }
0x5d: {  	_ =	shalt  }
0x5e: {  	_ =	shalt  }
0x5f: {  	_ =	shalt  }
0x60: {  	_ =	shalt  }
0x61: {  	_ =	shalt  }
0x62: {  	_ =	shalt  }
0x63: {  	_ =	shalt  }
0x64: {  	_ =	shalt  }
0x65: {  	_ =	shalt  }
0x66: {  	_ =	shalt  }
0x67: {  	_ =	shalt  }
0x68: {  	_ =	shalt  }
0x69: {  	_ =	shalt  }
0x6a: {  	_ =	shalt  }
0x6b: {  	_ =	shalt  }
0x6c: {  	_ =	shalt  }
0x6d: {  	_ =	shalt  }
0x6e: {  	_ =	shalt  }
0x6f: {  	_ =	shalt  }
0x70: {  	_ =	shalt  }
0x71: {  	_ =	shalt  }
0x72: {  	_ =	shalt  }
0x73: {  	_ =	shalt  }
0x74: {  	_ =	shalt  }
0x75: {  	_ =	shalt  }
0x76: {  	_ =	shalt  }
0x77: {  	_ =	shalt  }
0x78: {  	_ =	shalt  }
0x79: {  	_ =	shalt  }
0x7a: {  	_ =	shalt  }
0x7b: {  	_ =	shalt  }
0x7c: {  	_ =	shalt  }
0x7d: {  	_ =	shalt  }
0x7e: {  	_ =	shalt  }
0x7f: {  	_ =	shalt  }
0x80: {  	_ =	shalt  }
0x81: {  	_ =	shalt  }
0x82: {  	_ =	shalt  }
0x83: {  	_ =	shalt  }
0x84: {  	_ =	shalt  }
0x85: {  	_ =	shalt  }
0x86: {  	_ =	shalt  }
0x87: {  	_ =	shalt  }
.Lfunc_end0:
.L_simem_size_0:
called_computation.2_lowered:
.L_overlay_start_0:
0x88: {  	s2 =	sld [smem:$0x3FD9]  }
0x89: {  	s3 =	sld [smem:$0x3FFE];
	_ =	sdelay $0x1  }
0x8a: {  	s1 =	srdreg.scid  }
0x8b: {  	s0 =	sand.u32 $0x1, s1  }
0x8c: {  	s16 =	sshll.u32 s0, $0xA;
	s2 =	sadd.s32 s3, s2  }
0x8d: {  	s2 =	sadd.s32 s2, s16  }
0x8e: {  	[smem:$0x3FB2] =	sst s2  }
0x8f: {  	_ = 	snop  }
0x90: {  	(tm) =	ssettm $0x1  }
0x91: {  	s17 =	sld [smem:$0x3FFB];
	_ =	sdelay $0x3  }
0x92: {  	_ =	strace s17  }
0x93: {  	s2 =	sld [smem:$0x3FFC];
	_ =	sdelay $0x3  }
0x94: {  	_ =	strace s2  }
0x95: {  	s2 =	sld [smem:$0x3FFD];
	_ =	sdelay $0x3  }
0x96: {  	_ =	strace s2  }
0x97: {  	_ =	strace $0x8FFFFFFF  }
0x98: {  	s18 =	sld [smem:$0x3FDB];
	_ =	sdelay $0x1  }
0x99: {  	s19 =	simm.s32 $_scs_section_size  }
0x9a: {  	s4 =	simm.s32 $_size__tile_overlayer_lowered;
	s5 =	simm.s32 $_tile_overlayer_lowered  }
0x9b: {  	s22 =	simm.s32 $0x1BFF;
	s21 =	sshll.u32 s5, $0x1;
	s2 =	sadd.s32 s19, s18  }
0x9c: {  	s6 =	simm.s32 $0x0;
	s20 =	sshll.u32 s4, $0x1;
	s4 =	sadd.s32 s21, s2  }
0x9d: {  	[timem:s6], [sflag:s22] =	dma.local [hbm:s4], s20  }
0x9e: {  	_ =	swait.ge [sflag:s22], s20  }
0x9f: {  	s3 =	ssub.s32 $0x0, s20;
	[sflag:s22] =	ssyncset.done $0x0  }
0xa0: {  	[sflag:s22] =	ssyncadd.s32 s3;
	_ =	sdelay $0x1  }
0xa1: {  	s23 =	simm.s32 $0x1B8B  }
0xa2: {  	_ =	swait.ge [sflag:s23], $0x1  }
0xa3: {  	[sflag:s23] =	ssyncset.done $0x0  }
0xa4: {  	s25 =	simm.s32 $0x1B8E;
	s24 =	sld [smem:$0x3FFE];
	[sflag:s23] =	ssyncadd.s32 $0xFFFFFFFF  }
0xa5: {  	s26 =	simm.s32 $execute0_lowered;
	[smem:$0x3FD2] =	sst s25  }
0xa6: {  	s4 =	sshll.u32 s26, $0x1;
	_ =	strace $0x8000004C;
	[dreg:$0x1] =	wrdreg $0xFFFFFFFF  }
0xa7: {  	s28 =	simm.s32 $_size_execute0_lowered;
	s2 =	sadd.s32 s2, s4;
	[dreg:$0x0] =	wrdreg $0x0  }
0xa8: {  	s4 =	sshll.u32 s28, $0x1;
	[dreg:$0x2] =	wrdreg s2  }
0xa9: {  	[dreg:$0x3] =	wrdreg s4  }
0xaa: {  	[dreg:$0x4] =	wrdreg $0xC0  }
0xab: {  	_ =	task [dreg:s6], $0x5FFFF  }
0xac: {  	[dreg:$0x1] =	wrdreg $0xFFFFFFFF  }
0xad: {  	[dreg:$0x0] =	wrdreg $0x60  }
0xae: {  	[dreg:$0x2] =	wrdreg s24  }
0xaf: {  	[dreg:$0x3] =	wrdreg $0x0  }
0xb0: {  	[dreg:$0x4] =	wrdreg $0x9  }
0xb1: {  	_ =	task.clear_ibuf [dreg:s6], $0x5FFFF;
	_ =	strace $0x9000004C  }
0xb2: {  	s29 =	simm.s32 $0x9;
	_ =	strace $0x8000004E  }
0xb3: {  	_ =	swait.ge [sflag:s29], $0x1  }
0xb4: {  	[sflag:s29] =	ssyncadd.s32 $0xFFFFFFFF  }
0xb5: {  	_ =	strace $0x9000004E  }
0xb6: {  	_ =	sfence  }
0xb7: {  	s30 =	sld [smem:$0x0];
	_ =	sdelay $0x2  }
0xb8: {  	s31 =	sshll.u32 s1, $0xD;
	s1 =	sshrl.u32 s1, $0x2  }
0xb9: {  	s3 =	sand.u32 $0x4000, s31;
	s1 =	sadd.s32 s1, s30  }
0xba: {  	s0 =	sor.u32 s3, s0;
	s1 =	sshll.u32 s1, $0x11  }
0xbb: {  	s0 =	sor.u32 s1, s0  }
0xbc: {  	s0 =	sadd.s32 $0x8F2B, s0  }
0xbd: {  	[sflag:s0] =	ssyncadd.remote.s32 $0x1  }
0xbe: {  	_ =	sfence.sel $0xFFFF  }
0xbf: {  	[dreg:$0x0] =	wrdreg $0xFFFFFFFF;
	(pc) =	sbr.abs _section_cstart, $3  }
0xc0: {  	[dreg:$0x1] =	wrdreg $0xFFFFFFFF  }
0xc1: {  	_ =	task.clear_ibuf [dreg:s6], $0x2FFFF;
	_ =	strace $0x9FFFFFFF  }
0xc2: {  	(tm) =	ssettm $0x7FFFFFFF  }
0xc3: {  	_ =	shalt  }
tec
execute0_lowered:
.L_overlay_start_1:
0x0: {  	(tag) =	ssettag $0x1  }
0x1: {  	s0 =	rddreg [dreg:$0x0]  }
0x2: {  	s1 =	rddreg [dreg:$0x1]  }
0x3: {  	s2 =	srdreg.scid;
	s11 =	stileid.u32  }
0x4: {  	s3 =	simm.s32 $0x0;
	s2 =	sand.u32 $0x1, s2;
	s8 =	smul.u32 $0x14000, s11  }
0x5: {  	s7 =	smul.u32 $0x140000, s2;
	s10 =	ssub.s32 $0x2, s2;
	s2 =	sshll.u32 s2, $0x4  }
0x6: {  	[smem:$0x7FF] =	sst s3;
	s9 =	smul.u32 $0x50000, s11;
	s2 =	sor.u32 s11, s2  }
0x7: {  	s4 =	sadd.s32 $0x15E00, s0;
	s5 =	sadd.s32 $0xECFA00, s0;
	s19 =	smul.u32 $0x2710, s2  }
0x8: {  	s6 =	sadd.s32 $0xC000, s0;
	s8 =	sadd.s32 s8, s7;
	s2 =	smul.u32 $0x27100, s2  }
0x9: {  	s9 =	sshrl.u32 s9, $0x2;
	s7 =	sadd.s32 $0x2200, s0;
	s8 =	sshrl.u32 s8, $0x3  }
0xa: {  	s0 =	sadd.s32 s8, s0;
	s8 =	sadd.s32 s9, s1;
	s2 =	sadd.s32 s5, s2  }
0xb: {  	_ =	strace $0x8000004D;
	s9 =	sadd.s32 $0x1000, s8;
	[dreg:$0xc] =	wrdreg s2  }
0xc: {  	s16 =	sadd.s32 $0x2000, s8;
	[dreg:$0x3] =	wrdreg s9  }
0xd: {  	s17 =	sadd.s32 $0x3000, s8;
	[dreg:$0x4] =	wrdreg s16  }
0xe: {  	s18 =	sadd.s32 $0x4000, s8;
	[dreg:$0x5] =	wrdreg s17  }
0xf: {  	s20 =	sadd.s32 $0x5000, s8;
	[dreg:$0x6] =	wrdreg s18  }
0x10: {  	s15 =	sshrl.u32 s10, $0x1;
	s21 =	sadd.s32 $0x6000, s8;
	[dreg:$0x7] =	wrdreg s20  }
0x11: {  	s23 =	sshrl.u32 s19, $0x3;
	s22 =	sadd.s32 $0x7000, s8;
	[dreg:$0x8] =	wrdreg s21  }
0x12: {  	s10 =	ssub.s32 s10, s15;
	s13 =	sadd.s32 s6, s23;
	[dreg:$0x9] =	wrdreg s22  }
0x13: {  	s12 =	sadd.s32 $0x50, s19;
	s11 =	sadd.s32 s7, s23;
	[dreg:$0xa] =	wrdreg s13  }
0x14: {  	s24 =	sshrl.u32 s12, $0x3;
	s0 =	sadd.s32 $0x3D000, s0;
	[dreg:$0xb] =	wrdreg s11  }
0x15: {  	s26 =	sshll.u32 s12, $0x4;
	s12 =	smax.u32 s10, $0x1;
	[dreg:$0x10] =	wrdreg s0  }
0x16: {  	s14 =	sadd.s32 $0x9000, s8;
	[dreg:$0x11] =	wrdreg s12  }
0x17: {  	s15 =	sadd.s32 $0xA000, s8;
	[dreg:$0x13] =	wrdreg s14  }
0x18: {  	s25 =	sadd.s32 s6, s24;
	[dreg:$0x14] =	wrdreg s15  }
0x19: {  	s11 =	sadd.s32 s7, s24;
	[dreg:$0xd] =	wrdreg s25  }
0x1a: {  	s2 =	sadd.s32 s5, s26;
	[dreg:$0xe] =	wrdreg s11  }
0x1b: {  	s13 =	sadd.s32 $0x8000, s8;
	[dreg:$0xf] =	wrdreg s2  }
0x1c: {  	s28 =	simm.s32 $0x1BA00;
	s16 =	sadd.s32 $0xB000, s8;
	[dreg:$0x12] =	wrdreg s13  }
0x1d: {  	s29 =	simm.s32 $0x16A00;
	s17 =	sadd.s32 $0xC000, s8;
	[dreg:$0x15] =	wrdreg s16  }
0x1e: {  	s23 =	sadd.s32 $0xF0, s19;
	s18 =	sadd.s32 $0xD000, s8;
	[dreg:$0x16] =	wrdreg s17  }
0x1f: {  	s22 =	sadd.s32 $0xA0, s19;
	s19 =	sadd.s32 $0xE000, s8;
	[dreg:$0x17] =	wrdreg s18  }
0x20: {  	s30 =	simm.s32 $0x2;
	s20 =	sadd.s32 $0xF000, s8;
	[dreg:$0x18] =	wrdreg s19  }
0x21: {  	s31 =	simm.s32 $0x4;
	s21 =	sadd.s32 $0x10000, s8;
	[dreg:$0x19] =	wrdreg s20  }
0x22: {  	s10 =	simm.s32 $0x14200;
	s24 =	sadd.s32 $0x11000, s8;
	[dreg:$0x1a] =	wrdreg s21  }
0x23: {  	s26 =	sadd.s32 $0x13000, s8;
	s14 =	simm.s32 $0x1E200;
	[dreg:$0x1b] =	wrdreg s24  }
0x24: {  	s15 =	simm.s32 $0x5;
	s25 =	sadd.s32 $0x12000, s8;
	[dreg:$0x1d] =	wrdreg s26  }
0x25: {  	s16 =	simm.s32 $0x14000;
	s17 =	simm.s32 $0x14100;
	s18 =	simm.s32 $0x19200  }
0x26: {  	s19 =	simm.s32 $0x50;
	s21 =	simm.s32 $0x1;
	s24 =	simm.s32 $0x3  }
0x27: {  	v0 =	vimm.f32 $0.0e+00;
	s26 =	simm.s32 $0x14180;
	[dreg:$0x1c] =	wrdreg s25;
	s25 =	simm.s32 $0x14080  }
.LBB2_1:
0x28: {  	s0 =	simm.s32 $0x0;
	s2 =	simm.s32 $0x200  }
.LBB2_2:
0x29: {  	p0 =	sne.s32 s2, $0x3E00;
	[tilespmem:s0+$0x1E270] =	vst v0  }
0x2a: {  	[tilespmem:s0+$0x1E200] =	vst v0  }
0x2b: {  	[tilespmem:s0+$0x1E210] =	vst v0  }
.Ltmp0:
0x2c: {  	[tilespmem:s0+$0x1E220] =	vst v0;
	(pc) =	sbr.rel @p0 .LBB2_2-.Ltmp0, $4  }
0x2d: {  	[tilespmem:s0+$0x1E230] =	vst v0  }
0x2e: {  	[tilespmem:s0+$0x1E240] =	vst v0  }
0x2f: {  	[tilespmem:s0+$0x1E250] =	vst v0  }
0x30: {  	[tilespmem:s0+$0x1E260] =	vst v0;
	s0 =	sshra.s32 s2, $0x2;
	s2 =	sadd.s32 $0x200, s2  }
0x31: {  	[tilespmem:s0+$0x1E270] =	vst v0  }
0x32: {  	[tilespmem:s0+$0x1E200] =	vst v0  }
0x33: {  	[tilespmem:s0+$0x1E210] =	vst v0  }
0x34: {  	[tilespmem:s0+$0x1E220] =	vst v0  }
0x35: {  	[tilespmem:s0+$0x1E230] =	vst v0  }
0x36: {  	[tilespmem:s0+$0x1E240] =	vst v0  }
0x37: {  	[tilespmem:s0+$0x1E250] =	vst v0  }
0x38: {  	[tilespmem:s0+$0x1E260] =	vst v0  }
0x39: {  	[spmem:s8] =	stream.linear.scatter [tilespmem:s14], [sflag:$0x5], $0x1000, $0x38;
	[tilespmem:$0x1F200] =	vst v63  }
0x3a: {  	_ =	swait.ge [sflag:s15], $0x1000  }
0x3b: {  	[sflag:s15] =	ssyncset.done $0x0  }
0x3c: {  	s11 =	rddreg [dreg:$0x3];
	[sflag:s15] =	ssyncadd.s32 $0xFFFFF000  }
0x3d: {  	[spmem:s11] =	stream.linear.scatter [tilespmem:s14], [sflag:$0x5], $0x1000, $0x38;
	[tilespmem:$0x1F200] =	vst v63  }
0x3e: {  	_ =	swait.ge [sflag:s15], $0x1000  }
0x3f: {  	[sflag:s15] =	ssyncset.done $0x0  }
0x40: {  	s12 =	rddreg [dreg:$0x4];
	[sflag:s15] =	ssyncadd.s32 $0xFFFFF000  }
0x41: {  	[spmem:s12] =	stream.linear.scatter [tilespmem:s14], [sflag:$0x5], $0x1000, $0x38;
	[tilespmem:$0x1F200] =	vst v63  }
0x42: {  	_ =	swait.ge [sflag:s15], $0x1000  }
0x43: {  	[sflag:s15] =	ssyncset.done $0x0  }
0x44: {  	s13 =	rddreg [dreg:$0x5];
	[sflag:s15] =	ssyncadd.s32 $0xFFFFF000  }
0x45: {  	[spmem:s13] =	stream.linear.scatter [tilespmem:s14], [sflag:$0x5], $0x1000, $0x38;
	[tilespmem:$0x1F200] =	vst v63  }
0x46: {  	_ =	swait.ge [sflag:s15], $0x1000  }
0x47: {  	[sflag:s15] =	ssyncset.done $0x0  }
0x48: {  	s20 =	rddreg [dreg:$0x6];
	[sflag:s15] =	ssyncadd.s32 $0xFFFFF000  }
0x49: {  	[spmem:s20] =	stream.linear.scatter [tilespmem:s14], [sflag:$0x5], $0x1000, $0x38;
	[tilespmem:$0x1F200] =	vst v63  }
0x4a: {  	_ =	swait.ge [sflag:s15], $0x1000  }
0x4b: {  	[sflag:s15] =	ssyncset.done $0x0  }
0x4c: {  	s2 =	rddreg [dreg:$0x7];
	[sflag:s15] =	ssyncadd.s32 $0xFFFFF000  }
0x4d: {  	[spmem:s2] =	stream.linear.scatter [tilespmem:s14], [sflag:$0x5], $0x1000, $0x38;
	[tilespmem:$0x1F200] =	vst v63  }
0x4e: {  	_ =	swait.ge [sflag:s15], $0x1000  }
0x4f: {  	[sflag:s15] =	ssyncset.done $0x0  }
0x50: {  	s9 =	rddreg [dreg:$0x8];
	[sflag:s15] =	ssyncadd.s32 $0xFFFFF000  }
0x51: {  	[spmem:s9] =	stream.linear.scatter [tilespmem:s14], [sflag:$0x5], $0x1000, $0x38;
	[tilespmem:$0x1F200] =	vst v63  }
0x52: {  	_ =	swait.ge [sflag:s15], $0x1000  }
0x53: {  	[sflag:s15] =	ssyncset.done $0x0  }
0x54: {  	s11 =	rddreg [dreg:$0x9];
	[sflag:s15] =	ssyncadd.s32 $0xFFFFF000  }
0x55: {  	[spmem:s11] =	stream.linear.scatter [tilespmem:s14], [sflag:$0x5], $0x1000, $0x38;
	[tilespmem:$0x1F200] =	vst v63  }
0x56: {  	_ =	swait.ge [sflag:s15], $0x1000  }
0x57: {  	[sflag:s15] =	ssyncset.done $0x0  }
0x58: {  	s12 =	rddreg [dreg:$0x12];
	[sflag:s15] =	ssyncadd.s32 $0xFFFFF000  }
0x59: {  	[spmem:s12] =	stream.linear.scatter [tilespmem:s14], [sflag:$0x5], $0x1000, $0x38;
	[tilespmem:$0x1F200] =	vst v63  }
0x5a: {  	_ =	swait.ge [sflag:s15], $0x1000  }
0x5b: {  	[sflag:s15] =	ssyncset.done $0x0  }
0x5c: {  	s13 =	rddreg [dreg:$0x13];
	[sflag:s15] =	ssyncadd.s32 $0xFFFFF000  }
0x5d: {  	[spmem:s13] =	stream.linear.scatter [tilespmem:s14], [sflag:$0x5], $0x1000, $0x38;
	[tilespmem:$0x1F200] =	vst v63  }
0x5e: {  	_ =	swait.ge [sflag:s15], $0x1000  }
0x5f: {  	[sflag:s15] =	ssyncset.done $0x0  }
0x60: {  	s20 =	rddreg [dreg:$0x14];
	[sflag:s15] =	ssyncadd.s32 $0xFFFFF000  }
0x61: {  	[spmem:s20] =	stream.linear.scatter [tilespmem:s14], [sflag:$0x5], $0x1000, $0x38;
	[tilespmem:$0x1F200] =	vst v63  }
0x62: {  	_ =	swait.ge [sflag:s15], $0x1000  }
0x63: {  	[sflag:s15] =	ssyncset.done $0x0  }
0x64: {  	s2 =	rddreg [dreg:$0x15];
	[sflag:s15] =	ssyncadd.s32 $0xFFFFF000  }
0x65: {  	[spmem:s2] =	stream.linear.scatter [tilespmem:s14], [sflag:$0x5], $0x1000, $0x38;
	[tilespmem:$0x1F200] =	vst v63  }
0x66: {  	_ =	swait.ge [sflag:s15], $0x1000  }
0x67: {  	[sflag:s15] =	ssyncset.done $0x0  }
0x68: {  	s9 =	rddreg [dreg:$0x16];
	[sflag:s15] =	ssyncadd.s32 $0xFFFFF000  }
0x69: {  	[spmem:s9] =	stream.linear.scatter [tilespmem:s14], [sflag:$0x5], $0x1000, $0x38;
	[tilespmem:$0x1F200] =	vst v63  }
0x6a: {  	_ =	swait.ge [sflag:s15], $0x1000  }
0x6b: {  	[sflag:s15] =	ssyncset.done $0x0  }
0x6c: {  	s11 =	rddreg [dreg:$0x17];
	[sflag:s15] =	ssyncadd.s32 $0xFFFFF000  }
0x6d: {  	[spmem:s11] =	stream.linear.scatter [tilespmem:s14], [sflag:$0x5], $0x1000, $0x38;
	[tilespmem:$0x1F200] =	vst v63  }
0x6e: {  	_ =	swait.ge [sflag:s15], $0x1000  }
0x6f: {  	[sflag:s15] =	ssyncset.done $0x0  }
0x70: {  	s12 =	rddreg [dreg:$0x18];
	[sflag:s15] =	ssyncadd.s32 $0xFFFFF000  }
0x71: {  	[spmem:s12] =	stream.linear.scatter [tilespmem:s14], [sflag:$0x5], $0x1000, $0x38;
	[tilespmem:$0x1F200] =	vst v63  }
0x72: {  	_ =	swait.ge [sflag:s15], $0x1000  }
0x73: {  	[sflag:s15] =	ssyncset.done $0x0  }
0x74: {  	s13 =	rddreg [dreg:$0x19];
	[sflag:s15] =	ssyncadd.s32 $0xFFFFF000  }
0x75: {  	[spmem:s13] =	stream.linear.scatter [tilespmem:s14], [sflag:$0x5], $0x1000, $0x38;
	[tilespmem:$0x1F200] =	vst v63  }
0x76: {  	_ =	swait.ge [sflag:s15], $0x1000  }
0x77: {  	[sflag:s15] =	ssyncset.done $0x0  }
0x78: {  	s20 =	rddreg [dreg:$0x1a];
	[sflag:s15] =	ssyncadd.s32 $0xFFFFF000  }
0x79: {  	[spmem:s20] =	stream.linear.scatter [tilespmem:s14], [sflag:$0x5], $0x1000, $0x38;
	[tilespmem:$0x1F200] =	vst v63  }
0x7a: {  	_ =	swait.ge [sflag:s15], $0x1000  }
0x7b: {  	[sflag:s15] =	ssyncset.done $0x0  }
0x7c: {  	s2 =	rddreg [dreg:$0x1b];
	[sflag:s15] =	ssyncadd.s32 $0xFFFFF000  }
0x7d: {  	[spmem:s2] =	stream.linear.scatter [tilespmem:s14], [sflag:$0x5], $0x1000, $0x38;
	[tilespmem:$0x1F200] =	vst v63  }
0x7e: {  	_ =	swait.ge [sflag:s15], $0x1000  }
0x7f: {  	[sflag:s15] =	ssyncset.done $0x0  }
0x80: {  	s9 =	rddreg [dreg:$0x1c];
	[sflag:s15] =	ssyncadd.s32 $0xFFFFF000  }
0x81: {  	[spmem:s9] =	stream.linear.scatter [tilespmem:s14], [sflag:$0x5], $0x1000, $0x38;
	[tilespmem:$0x1F200] =	vst v63  }
0x82: {  	_ =	swait.ge [sflag:s15], $0x1000  }
0x83: {  	[sflag:s15] =	ssyncset.done $0x0  }
0x84: {  	s11 =	rddreg [dreg:$0x1d];
	[sflag:s15] =	ssyncadd.s32 $0xFFFFF000  }
0x85: {  	[spmem:s11] =	stream.linear.scatter [tilespmem:s14], [sflag:$0x5], $0x1000, $0x38;
	[tilespmem:$0x1F200] =	vst v63  }
0x86: {  	_ =	swait.ge [sflag:s15], $0x1000  }
0x87: {  	[sflag:s15] =	ssyncset.done $0x0  }
0x88: {  	[sflag:s15] =	ssyncadd.s32 $0xFFFFF000  }
0x89: {  	[bflag:$0x0] =	sbarrier.arrive $0xFFFF  }
0x8a: {  	s12 =	simm.s32 $0x0;
	s2 =	rddreg [dreg:$0xa]  }
0x8b: {  	[tilespmem:s16], [sflag:$0x5] =	stream.linear.gather [hbm4b:s2+s12], $0x50, $0x38;
	[tilespmem:$0x1F200] =	vst v63  }
0x8c: {  	_ =	swait.ge [sflag:s15], $0x50  }
0x8d: {  	[sflag:s15] =	ssyncset.done $0x0  }
0x8e: {  	s13 =	rddreg [dreg:$0xb];
	[sflag:s15] =	ssyncadd.s32 $0xFFFFFFB0  }
0x8f: {  	[tilespmem:s17], [sflag:$0x5] =	stream.linear.gather [hbm4b:s13+s12], $0x50, $0x38;
	[tilespmem:$0x1F200] =	vst v63  }
0x90: {  	_ =	swait.ge [sflag:s15], $0x50  }
0x91: {  	[sflag:s15] =	ssyncset.done $0x0  }
0x92: {  	s20 =	rddreg [dreg:$0xc];
	[sflag:s15] =	ssyncadd.s32 $0xFFFFFFB0  }
0x93: {  	[tilespmem:s18], [sflag:$0x1] =	stream.linear.gather [hbm4b:s20+s12], $0x2800, $0x38;
	[tilespmem:$0x1F200] =	vst v63  }
0x94: {  	_ = 	snop  }
0x95: {  	[tilespmem:s10], [sflag:$0x3] =	stream.indirect.gather [hbm4b:s4+s19], $0x80, s16, s19, $0xb8;
	[tilespmem:$0x1F200] =	vst v63  }
0x96: {  	_ =	swait.ge [sflag:s21], $0x2800  }
0x97: {  	[sflag:s21] =	ssyncset.done $0x0  }
0x98: {  	[sflag:s21] =	ssyncadd.s32 $0xFFFFD800  }
0x99: {  	_ =	swait.ge [sflag:s24], $0x2800  }
0x9a: {  	[sflag:s24] =	ssyncset.done $0x0  }
0x9b: {  	s0 =	simm.s32 $0x0;
	[sflag:s24] =	ssyncadd.s32 $0xFFFFD800  }
0x9c: {  	v7 =	vld [tilespmem:s0+$0x14200]  }
0x9d: {  	v12 =	vld [tilespmem:s0+$0x14210]  }
0x9e: {  	v6 =	vld [tilespmem:s0+$0x14220]  }
0x9f: {  	v5 =	vld [tilespmem:s0+$0x14230]  }
0xa0: {  	v4 =	vld [tilespmem:s0+$0x14240]  }
0xa1: {  	v3 =	vld [tilespmem:s0+$0x14250]  }
0xa2: {  	v2 =	vld [tilespmem:s0+$0x14260]  }
0xa3: {  	v1 =	vld [tilespmem:s0+$0x14270]  }
0xa4: {  	v13 =	vld [tilespmem:s0+$0x19200]  }
0xa5: {  	v14 =	vld [tilespmem:s0+$0x19210]  }
0xa6: {  	v11 =	vld [tilespmem:s0+$0x19220]  }
0xa7: {  	v10 =	vld [tilespmem:s0+$0x19230]  }
0xa8: {  	v9 =	vld [tilespmem:s0+$0x19240]  }
0xa9: {  	v8 =	vld [tilespmem:s0+$0x19250];
	v13 =	vadd.f32 v13, v7  }
0xaa: {  	s2 =	simm.s32 $0x200;
	v12 =	vadd.f32 v14, v12;
	v7 =	vld [tilespmem:s0+$0x19260]  }
.LBB2_4:
0xab: {  	s9 =	sshra.s32 s2, $0x2;
	p0 =	sne.s32 s2, $0x9E00;
	v13 =	vmax.f32 v13, $0.0e+00;
	v6 =	vadd.f32 v11, v6;
	v11 =	vld [tilespmem:s0+$0x19270]  }
0xac: {  	v14 =	vld [tilespmem:s9+$0x14200];
	[tilespmem:s0+$0x19200] =	vst v13;
	v12 =	vmax.f32 v12, $0.0e+00;
	v5 =	vadd.f32 v10, v5  }
0xad: {  	v15 =	vld [tilespmem:s9+$0x14210];
	[tilespmem:s0+$0x19210] =	vst v12;
	v10 =	vmax.f32 v6, $0.0e+00;
	v4 =	vadd.f32 v9, v4  }
0xae: {  	v6 =	vld [tilespmem:s9+$0x14220];
	[tilespmem:s0+$0x19220] =	vst v10;
	v9 =	vmax.f32 v5, $0.0e+00;
	v3 =	vadd.f32 v8, v3  }
0xaf: {  	v5 =	vld [tilespmem:s9+$0x14230];
	[tilespmem:s0+$0x19230] =	vst v9;
	v8 =	vmax.f32 v4, $0.0e+00;
	v2 =	vadd.f32 v7, v2  }
0xb0: {  	v4 =	vld [tilespmem:s9+$0x14240];
	[tilespmem:s0+$0x19240] =	vst v8;
	v7 =	vmax.f32 v3, $0.0e+00;
	v1 =	vadd.f32 v11, v1  }
0xb1: {  	v3 =	vld [tilespmem:s9+$0x14250];
	[tilespmem:s0+$0x19250] =	vst v7;
	v7 =	vmax.f32 v2, $0.0e+00  }
0xb2: {  	v2 =	vld [tilespmem:s9+$0x14260];
	[tilespmem:s0+$0x19260] =	vst v7;
	v7 =	vmax.f32 v1, $0.0e+00  }
0xb3: {  	v1 =	vld [tilespmem:s9+$0x14270];
	[tilespmem:s0+$0x19270] =	vst v7;
	s0 =	smov.u32 s9  }
0xb4: {  	v7 =	vld [tilespmem:s0+$0x19200]  }
0xb5: {  	v12 =	vld [tilespmem:s0+$0x19210]  }
.Ltmp1:
0xb6: {  	v11 =	vld [tilespmem:s0+$0x19220];
	(pc) =	sbr.rel @p0 .LBB2_4-.Ltmp1, $4  }
0xb7: {  	v10 =	vld [tilespmem:s0+$0x19230]  }
0xb8: {  	v9 =	vld [tilespmem:s0+$0x19240]  }
0xb9: {  	v13 =	vadd.f32 v7, v14;
	v8 =	vld [tilespmem:s0+$0x19250]  }
0xba: {  	s2 =	sadd.s32 $0x200, s2;
	v12 =	vadd.f32 v12, v15;
	v7 =	vld [tilespmem:s0+$0x19260]  }
0xbb: {  	v13 =	vmax.f32 v13, $0.0e+00;
	v6 =	vadd.f32 v11, v6;
	v63 =	vld [tilespmem:s0+$0x19270]  }
0xbc: {  	[tilespmem:s0+$0x19200] =	vst v13;
	v12 =	vmax.f32 v12, $0.0e+00;
	v5 =	vadd.f32 v10, v5  }
0xbd: {  	[tilespmem:s0+$0x19210] =	vst v12;
	v6 =	vmax.f32 v6, $0.0e+00;
	v4 =	vadd.f32 v9, v4  }
0xbe: {  	[tilespmem:s0+$0x19220] =	vst v6;
	v5 =	vmax.f32 v5, $0.0e+00;
	v3 =	vadd.f32 v8, v3  }
0xbf: {  	[tilespmem:s0+$0x19230] =	vst v5;
	v4 =	vmax.f32 v4, $0.0e+00;
	v2 =	vadd.f32 v7, v2  }
0xc0: {  	[tilespmem:s0+$0x19240] =	vst v4;
	v3 =	vmax.f32 v3, $0.0e+00;
	v1 =	vadd.f32 v63, v1  }
0xc1: {  	[tilespmem:s0+$0x19250] =	vst v3;
	v2 =	vmax.f32 v2, $0.0e+00  }
0xc2: {  	[tilespmem:s0+$0x19260] =	vst v2;
	v1 =	vmax.f32 v1, $0.0e+00  }
0xc3: {  	[tilespmem:s0+$0x19270] =	vst v1  }
0xc4: {  	[spmem:s1] =	stream.indirect.scatter.add.f32 [tilespmem:s18], [sflag:$0x5], $0x80, s17, s19, $0xb8;
	[tilespmem:$0x1F200] =	vst v63  }
0xc5: {  	_ =	swait.ge [sflag:s15], $0x2800  }
0xc6: {  	[sflag:s15] =	ssyncset.done $0x0  }
0xc7: {  	s0 =	simm.s32 $0x0;
	s2 =	rddreg [dreg:$0xd];
	[sflag:s15] =	ssyncadd.s32 $0xFFFFD800  }
0xc8: {  	[tilespmem:s16], [sflag:$0x5] =	stream.linear.gather [hbm4b:s2+s0], $0x50, $0x38;
	[tilespmem:$0x1F200] =	vst v63  }
0xc9: {  	_ =	swait.ge [sflag:s15], $0x50  }
0xca: {  	[sflag:s15] =	ssyncset.done $0x0  }
0xcb: {  	s13 =	rddreg [dreg:$0xe];
	[sflag:s15] =	ssyncadd.s32 $0xFFFFFFB0  }
0xcc: {  	[tilespmem:s17], [sflag:$0x5] =	stream.linear.gather [hbm4b:s13+s0], $0x50, $0x38;
	[tilespmem:$0x1F200] =	vst v63  }
0xcd: {  	_ =	swait.ge [sflag:s15], $0x50  }
0xce: {  	[sflag:s15] =	ssyncset.done $0x0  }
0xcf: {  	s20 =	rddreg [dreg:$0xf];
	[sflag:s15] =	ssyncadd.s32 $0xFFFFFFB0  }
0xd0: {  	[tilespmem:s18], [sflag:$0x1] =	stream.linear.gather [hbm4b:s20+s0], $0x2800, $0x38;
	[tilespmem:$0x1F200] =	vst v63  }
0xd1: {  	s2 =	simm.s32 $0x0  }
0xd2: {  	[tilespmem:s10], [sflag:$0x3] =	stream.indirect.gather [hbm4b:s4+s19], $0x80, s16, s19, $0xb8;
	[tilespmem:$0x1F200] =	vst v63  }
.LBB2_6:
0xd3: {  	s9 =	smul.u32 $0xA0, s2;
	_ =	sdelay $0x1  }
0xd4: {  	s10 =	sadd.s32 s9, s22  }
0xd5: {  	s11 =	sshrl.u32 s10, $0x3  }
0xd6: {  	s20 =	sadd.s32 s6, s11  }
0xd7: {  	[tilespmem:s25], [sflag:$0x5] =	stream.linear.gather [hbm4b:s20+s0], $0x50, $0x38;
	[tilespmem:$0x1F200] =	vst v63  }
0xd8: {  	_ =	swait.ge [sflag:s15], $0x50  }
0xd9: {  	[sflag:s15] =	ssyncset.done $0x0  }
0xda: {  	s11 =	sadd.s32 s7, s11;
	[sflag:s15] =	ssyncadd.s32 $0xFFFFFFB0  }
0xdb: {  	[tilespmem:s26], [sflag:$0x5] =	stream.linear.gather [hbm4b:s11+s0], $0x50, $0x38;
	[tilespmem:$0x1F200] =	vst v63  }
0xdc: {  	_ =	swait.ge [sflag:s15], $0x50  }
0xdd: {  	s10 =	sshll.u32 s10, $0x4;
	[sflag:s15] =	ssyncset.done $0x0  }
0xde: {  	s10 =	sadd.s32 s5, s10;
	[sflag:s15] =	ssyncadd.s32 $0xFFFFFFB0  }
0xdf: {  	[tilespmem:s28], [sflag:$0x2] =	stream.linear.gather [hbm4b:s10+s0], $0x2800, $0x38;
	[tilespmem:$0x1F200] =	vst v63  }
0xe0: {  	_ = 	snop  }
0xe1: {  	[tilespmem:s29], [sflag:$0x4] =	stream.indirect.gather [hbm4b:s4+s19], $0x80, s25, s19, $0xb8;
	[tilespmem:$0x1F200] =	vst v63  }
0xe2: {  	_ =	swait.ge [sflag:s21], $0x2800  }
0xe3: {  	[sflag:s21] =	ssyncset.done $0x0  }
0xe4: {  	[sflag:s21] =	ssyncadd.s32 $0xFFFFD800  }
0xe5: {  	_ =	swait.ge [sflag:s24], $0x2800  }
0xe6: {  	[sflag:s24] =	ssyncset.done $0x0  }
0xe7: {  	s10 =	simm.s32 $0x0;
	[sflag:s24] =	ssyncadd.s32 $0xFFFFD800  }
0xe8: {  	v7 =	vld [tilespmem:s10+$0x14200]  }
0xe9: {  	v12 =	vld [tilespmem:s10+$0x14210]  }
0xea: {  	v6 =	vld [tilespmem:s10+$0x14220]  }
0xeb: {  	v5 =	vld [tilespmem:s10+$0x14230]  }
0xec: {  	v4 =	vld [tilespmem:s10+$0x14240]  }
0xed: {  	v3 =	vld [tilespmem:s10+$0x14250]  }
0xee: {  	v2 =	vld [tilespmem:s10+$0x14260]  }
0xef: {  	v1 =	vld [tilespmem:s10+$0x14270]  }
0xf0: {  	v13 =	vld [tilespmem:s10+$0x19200]  }
0xf1: {  	v14 =	vld [tilespmem:s10+$0x19210]  }
0xf2: {  	v11 =	vld [tilespmem:s10+$0x19220]  }
0xf3: {  	v10 =	vld [tilespmem:s10+$0x19230]  }
0xf4: {  	v9 =	vld [tilespmem:s10+$0x19240]  }
0xf5: {  	v8 =	vld [tilespmem:s10+$0x19250];
	v13 =	vadd.f32 v13, v7  }
0xf6: {  	s11 =	simm.s32 $0x200;
	v12 =	vadd.f32 v14, v12;
	v7 =	vld [tilespmem:s10+$0x19260]  }
.LBB2_7:
0xf7: {  	s20 =	sshra.s32 s11, $0x2;
	p0 =	sne.s32 s11, $0x9E00;
	v13 =	vmax.f32 v13, $0.0e+00;
	v6 =	vadd.f32 v11, v6;
	v11 =	vld [tilespmem:s10+$0x19270]  }
0xf8: {  	v14 =	vld [tilespmem:s20+$0x14200];
	[tilespmem:s10+$0x19200] =	vst v13;
	v12 =	vmax.f32 v12, $0.0e+00;
	v5 =	vadd.f32 v10, v5  }
0xf9: {  	v15 =	vld [tilespmem:s20+$0x14210];
	[tilespmem:s10+$0x19210] =	vst v12;
	v10 =	vmax.f32 v6, $0.0e+00;
	v4 =	vadd.f32 v9, v4  }
0xfa: {  	v6 =	vld [tilespmem:s20+$0x14220];
	[tilespmem:s10+$0x19220] =	vst v10;
	v9 =	vmax.f32 v5, $0.0e+00;
	v3 =	vadd.f32 v8, v3  }
0xfb: {  	v5 =	vld [tilespmem:s20+$0x14230];
	[tilespmem:s10+$0x19230] =	vst v9;
	v8 =	vmax.f32 v4, $0.0e+00;
	v2 =	vadd.f32 v7, v2  }
0xfc: {  	v4 =	vld [tilespmem:s20+$0x14240];
	[tilespmem:s10+$0x19240] =	vst v8;
	v7 =	vmax.f32 v3, $0.0e+00;
	v1 =	vadd.f32 v11, v1  }
0xfd: {  	v3 =	vld [tilespmem:s20+$0x14250];
	[tilespmem:s10+$0x19250] =	vst v7;
	v7 =	vmax.f32 v2, $0.0e+00  }
0xfe: {  	v2 =	vld [tilespmem:s20+$0x14260];
	[tilespmem:s10+$0x19260] =	vst v7;
	v7 =	vmax.f32 v1, $0.0e+00  }
0xff: {  	v1 =	vld [tilespmem:s20+$0x14270];
	[tilespmem:s10+$0x19270] =	vst v7;
	s10 =	smov.u32 s20  }
0x100: {  	v7 =	vld [tilespmem:s10+$0x19200]  }
0x101: {  	v12 =	vld [tilespmem:s10+$0x19210]  }
.Ltmp2:
0x102: {  	v11 =	vld [tilespmem:s10+$0x19220];
	(pc) =	sbr.rel @p0 .LBB2_7-.Ltmp2, $4  }
0x103: {  	v10 =	vld [tilespmem:s10+$0x19230]  }
0x104: {  	v9 =	vld [tilespmem:s10+$0x19240]  }
0x105: {  	v13 =	vadd.f32 v7, v14;
	v8 =	vld [tilespmem:s10+$0x19250]  }
0x106: {  	s11 =	sadd.s32 $0x200, s11;
	v12 =	vadd.f32 v12, v15;
	v7 =	vld [tilespmem:s10+$0x19260]  }
0x107: {  	v13 =	vmax.f32 v13, $0.0e+00;
	v6 =	vadd.f32 v11, v6;
	v11 =	vld [tilespmem:s10+$0x19270]  }
0x108: {  	[tilespmem:s10+$0x19200] =	vst v13;
	v12 =	vmax.f32 v12, $0.0e+00;
	v5 =	vadd.f32 v10, v5  }
0x109: {  	[tilespmem:s10+$0x19210] =	vst v12;
	v6 =	vmax.f32 v6, $0.0e+00;
	v4 =	vadd.f32 v9, v4  }
0x10a: {  	[tilespmem:s10+$0x19220] =	vst v6;
	v5 =	vmax.f32 v5, $0.0e+00;
	v3 =	vadd.f32 v8, v3  }
0x10b: {  	[tilespmem:s10+$0x19230] =	vst v5;
	v4 =	vmax.f32 v4, $0.0e+00;
	v2 =	vadd.f32 v7, v2  }
0x10c: {  	[tilespmem:s10+$0x19240] =	vst v4;
	v3 =	vmax.f32 v3, $0.0e+00;
	v1 =	vadd.f32 v11, v1  }
0x10d: {  	[tilespmem:s10+$0x19250] =	vst v3;
	v2 =	vmax.f32 v2, $0.0e+00  }
0x10e: {  	[tilespmem:s10+$0x19260] =	vst v2;
	v1 =	vmax.f32 v1, $0.0e+00  }
0x10f: {  	p0 =	seq.s32 s2, $0x3D;
	[tilespmem:s10+$0x19270] =	vst v1  }
0x110: {  	[spmem:s1] =	stream.indirect.scatter.add.f32 [tilespmem:s18], [sflag:$0x5], $0x80, s17, s19, $0xb8;
	[tilespmem:$0x1F200] =	vst v63  }
0x111: {  	s9 =	sadd.s32 @!p0 s9, s23;
	_ =	swait.ge [sflag:s15], $0x2800  }
0x112: {  	s20 =	simm.s32 @!p0 $0x0;
	s10 =	sshrl.u32 @!p0 s9, $0x3;
	[sflag:s15] =	ssyncset.done $0x0  }
0x113: {  	s12 =	simm.s32 @!p0 $0x14000;
	s11 =	sadd.s32 @!p0 s6, s10;
	[sflag:s15] =	ssyncadd.s32 $0xFFFFD800  }
0x114: {  	[tilespmem:s12], [sflag:$0x5] =	stream.linear.gather @!p0 [hbm4b:s11+s20], $0x50, $0x38;
	[tilespmem:$0x1F200] =	vst v63  }
0x115: {  	s11 =	simm.s32 @!p0 $0x5  }
0x116: {  	_ =	swait.ge @!p0 [sflag:s11], $0x50  }
0x117: {  	[sflag:s11] =	ssyncset.done @!p0 $0x0  }
0x118: {  	s13 =	simm.s32 @!p0 $0x14100;
	s10 =	sadd.s32 @!p0 s7, s10;
	[sflag:s11] =	ssyncadd.s32 @!p0 $0xFFFFFFB0  }
0x119: {  	[tilespmem:s13], [sflag:$0x5] =	stream.linear.gather @!p0 [hbm4b:s10+s20], $0x50, $0x38;
	[tilespmem:$0x1F200] =	vst v63  }
0x11a: {  	_ =	swait.ge @!p0 [sflag:s11], $0x50  }
0x11b: {  	s9 =	sshll.u32 @!p0 s9, $0x4;
	[sflag:s11] =	ssyncset.done @!p0 $0x0  }
0x11c: {  	s9 =	sadd.s32 @!p0 s5, s9;
	s10 =	simm.s32 @!p0 $0x19200;
	[sflag:s11] =	ssyncadd.s32 @!p0 $0xFFFFFFB0  }
0x11d: {  	[tilespmem:s10], [sflag:$0x1] =	stream.linear.gather @!p0 [hbm4b:s9+s20], $0x2800, $0x38;
	[tilespmem:$0x1F200] =	vst v63  }
0x11e: {  	s9 =	simm.s32 @!p0 $0x50;
	s10 =	simm.s32 @!p0 $0x14200  }
0x11f: {  	[tilespmem:s10], [sflag:$0x3] =	stream.indirect.gather @!p0 [hbm4b:s4+s9], $0x80, s12, s9, $0xb8;
	[tilespmem:$0x1F200] =	vst v63  }
0x120: {  	_ =	swait.ge [sflag:s30], $0x2800  }
0x121: {  	[sflag:s30] =	ssyncset.done $0x0  }
0x122: {  	[sflag:s30] =	ssyncadd.s32 $0xFFFFD800  }
0x123: {  	_ =	swait.ge [sflag:s31], $0x2800  }
0x124: {  	[sflag:s31] =	ssyncset.done $0x0  }
0x125: {  	s9 =	simm.s32 $0x0;
	[sflag:s31] =	ssyncadd.s32 $0xFFFFD800  }
0x126: {  	v7 =	vld [tilespmem:s9+$0x16A00]  }
0x127: {  	v12 =	vld [tilespmem:s9+$0x16A10]  }
0x128: {  	v6 =	vld [tilespmem:s9+$0x16A20]  }
0x129: {  	v5 =	vld [tilespmem:s9+$0x16A30]  }
0x12a: {  	v4 =	vld [tilespmem:s9+$0x16A40]  }
0x12b: {  	v3 =	vld [tilespmem:s9+$0x16A50]  }
0x12c: {  	v2 =	vld [tilespmem:s9+$0x16A60]  }
0x12d: {  	v1 =	vld [tilespmem:s9+$0x16A70]  }
0x12e: {  	v13 =	vld [tilespmem:s9+$0x1BA00]  }
0x12f: {  	v14 =	vld [tilespmem:s9+$0x1BA10]  }
0x130: {  	v11 =	vld [tilespmem:s9+$0x1BA20]  }
0x131: {  	v10 =	vld [tilespmem:s9+$0x1BA30]  }
0x132: {  	v9 =	vld [tilespmem:s9+$0x1BA40]  }
0x133: {  	v8 =	vld [tilespmem:s9+$0x1BA50];
	v13 =	vadd.f32 v13, v7  }
0x134: {  	s10 =	simm.s32 $0x200;
	v12 =	vadd.f32 v14, v12;
	v7 =	vld [tilespmem:s9+$0x1BA60]  }
.LBB2_9:
0x135: {  	s11 =	sshra.s32 s10, $0x2;
	p0 =	sne.s32 s10, $0x9E00;
	v13 =	vmax.f32 v13, $0.0e+00;
	v6 =	vadd.f32 v11, v6;
	v11 =	vld [tilespmem:s9+$0x1BA70]  }
0x136: {  	v14 =	vld [tilespmem:s11+$0x16A00];
	[tilespmem:s9+$0x1BA00] =	vst v13;
	v12 =	vmax.f32 v12, $0.0e+00;
	v5 =	vadd.f32 v10, v5  }
0x137: {  	v15 =	vld [tilespmem:s11+$0x16A10];
	[tilespmem:s9+$0x1BA10] =	vst v12;
	v10 =	vmax.f32 v6, $0.0e+00;
	v4 =	vadd.f32 v9, v4  }
0x138: {  	v6 =	vld [tilespmem:s11+$0x16A20];
	[tilespmem:s9+$0x1BA20] =	vst v10;
	v9 =	vmax.f32 v5, $0.0e+00;
	v3 =	vadd.f32 v8, v3  }
0x139: {  	v5 =	vld [tilespmem:s11+$0x16A30];
	[tilespmem:s9+$0x1BA30] =	vst v9;
	v8 =	vmax.f32 v4, $0.0e+00;
	v2 =	vadd.f32 v7, v2  }
0x13a: {  	v4 =	vld [tilespmem:s11+$0x16A40];
	[tilespmem:s9+$0x1BA40] =	vst v8;
	v7 =	vmax.f32 v3, $0.0e+00;
	v1 =	vadd.f32 v11, v1  }
0x13b: {  	v3 =	vld [tilespmem:s11+$0x16A50];
	[tilespmem:s9+$0x1BA50] =	vst v7;
	v7 =	vmax.f32 v2, $0.0e+00  }
0x13c: {  	v2 =	vld [tilespmem:s11+$0x16A60];
	[tilespmem:s9+$0x1BA60] =	vst v7;
	v7 =	vmax.f32 v1, $0.0e+00  }
0x13d: {  	v1 =	vld [tilespmem:s11+$0x16A70];
	[tilespmem:s9+$0x1BA70] =	vst v7;
	s9 =	smov.u32 s11  }
0x13e: {  	v7 =	vld [tilespmem:s9+$0x1BA00]  }
0x13f: {  	v12 =	vld [tilespmem:s9+$0x1BA10]  }
.Ltmp3:
0x140: {  	v11 =	vld [tilespmem:s9+$0x1BA20];
	(pc) =	sbr.rel @p0 .LBB2_9-.Ltmp3, $4  }
0x141: {  	v10 =	vld [tilespmem:s9+$0x1BA30]  }
0x142: {  	v9 =	vld [tilespmem:s9+$0x1BA40]  }
0x143: {  	v13 =	vadd.f32 v7, v14;
	v8 =	vld [tilespmem:s9+$0x1BA50]  }
0x144: {  	s10 =	sadd.s32 $0x200, s10;
	v12 =	vadd.f32 v12, v15;
	v7 =	vld [tilespmem:s9+$0x1BA60]  }
0x145: {  	v13 =	vmax.f32 v13, $0.0e+00;
	v6 =	vadd.f32 v11, v6;
	v63 =	vld [tilespmem:s9+$0x1BA70]  }
0x146: {  	[tilespmem:s9+$0x1BA00] =	vst v13;
	v12 =	vmax.f32 v12, $0.0e+00;
	v5 =	vadd.f32 v10, v5  }
0x147: {  	[tilespmem:s9+$0x1BA10] =	vst v12;
	v6 =	vmax.f32 v6, $0.0e+00;
	v4 =	vadd.f32 v9, v4  }
0x148: {  	[tilespmem:s9+$0x1BA20] =	vst v6;
	v5 =	vmax.f32 v5, $0.0e+00;
	v3 =	vadd.f32 v8, v3  }
0x149: {  	[tilespmem:s9+$0x1BA30] =	vst v5;
	v4 =	vmax.f32 v4, $0.0e+00;
	v2 =	vadd.f32 v7, v2  }
0x14a: {  	[tilespmem:s9+$0x1BA40] =	vst v4;
	v3 =	vmax.f32 v3, $0.0e+00;
	v1 =	vadd.f32 v63, v1  }
0x14b: {  	s2 =	sadd.s32 $0x1, s2;
	[tilespmem:s9+$0x1BA50] =	vst v3;
	v2 =	vmax.f32 v2, $0.0e+00  }
0x14c: {  	p0 =	sne.s32 s2, $0x3E;
	[tilespmem:s9+$0x1BA60] =	vst v2;
	v1 =	vmax.f32 v1, $0.0e+00  }
.Ltmp4:
0x14d: {  	[tilespmem:s9+$0x1BA70] =	vst v1;
	(pc) =	sbr.rel @p0 .LBB2_6-.Ltmp4, $4  }
0x14e: {  	[spmem:s1] =	stream.indirect.scatter.add.f32 [tilespmem:s28], [sflag:$0x5], $0x80, s26, s19, $0xb8;
	[tilespmem:$0x1F200] =	vst v63  }
0x14f: {  	_ =	swait.ge [sflag:s15], $0x2800  }
0x150: {  	[sflag:s15] =	ssyncset.done $0x0  }
0x151: {  	[sflag:s15] =	ssyncadd.s32 $0xFFFFD800  }
0x152: {  	s0 =	stileid.u32  }
0x153: {  	[bflag:$0x0] =	sbarrier.arrive $0xFFFF;
	s0 =	sshll.u32 s0, $0x6  }
0x154: {  	s2 =	sshrl.u32 s8, $0x3;
	s9 =	rddreg [dreg:$0x10];
	s0 =	sor.u32 $0x1C05, s0  }
0x155: {  	[hbm:s9], [sflag:s0] =	dma.local [spmem:s2], $0x2800  }
0x156: {  	_ =	swait.ge [sflag:s15], $0x2800  }
0x157: {  	s3 =	sadd.s32 $0x1, s3;
	s20 =	rddreg [dreg:$0x11]  }
0x158: {  	p0 =	sne.s32 s3, s20  }
.Ltmp5:
0x159: {  	_ = 	snop;
	(pc) =	sbr.rel @p0 .LBB2_1-.Ltmp5, $3  }
0x15a: {  	_ =	sdelay $0x1  }
0x15b: {  	[sflag:s15] =	ssyncset.done $0x0  }
0x15c: {  	s10 =	simm.s32 $0x14200;
	[sflag:s15] =	ssyncadd.s32 $0xFFFFD800  }
0x15d: {  	_ =	sfence.sel $0x180000  }
0x15e: {  	[bflag:$0x0] =	sbarrier.arrive $0xFFFF  }
0x15f: {  	_ =	strace $0x9000004D  }
0x160: {  	s0 =	stileid.u32;
	[bflag:$0x2] =	sbarrier.arrive $0xFFFF  }
0x161: {  	p0 =	sne.s32 s0, $0x0;
	s0 =	rddreg [dreg:$0x2]  }
0x162: {  	s0 =	sadd.s32 @!p0 $0x100000, s0  }
0x163: {  	[sflag:s0] =	ssyncadd.tile.s32 @!p0 $0x1;
	_ =	shalt  }
.Lfunc_end2:
_tile_overlayer_lowered:
.L_overlay_start_2:
0x164: {  	(tag) =	ssettag $0x2  }
0x165: {  	s0 =	rddreg [dreg:$0x0];
	s2 =	stileid.u32  }
0x166: {  	s1 =	rddreg [dreg:$0x1];
	p0 =	sne.s32 s2, $0x0  }
0x167: {  	s3 =	rddreg [dreg:$0x2];
	[bflag:$0x3] =	sbarrier.arrive $0xFFFF;
	s2 =	simm.s32 @!p0 $0x1C05  }
0x168: {  	[timem:s3], [sflag:s2] =	dma.local @!p0 [hbm:s0], s1  }
0x169: {  	s0 =	simm.s32 @!p0 $0x5  }
0x16a: {  	_ =	swait.ge @!p0 [sflag:s0], s1  }
0x16b: {  	s1 =	ssub.s32 @!p0 $0x0, s1;
	[sflag:s0] =	ssyncset.done @!p0 $0x0  }
0x16c: {  	[sflag:s0] =	ssyncadd.s32 @!p0 s1  }
0x16d: {  	[bflag:$0x3] =	sbarrier.arrive $0xFFFF  }
0x16e: {  	_ =	shalt  }

// kernel: kernel.8.cloned.1.call-start
scs
__scs_entry_jumppad:
0x0: {  	(pc) =	sbr.rel $0x88, $3  }
0x1: {  	(tag) =	ssettag $0x0;
	lr =	simm.s32 $0x1  }
0x2: {  	[smem:$0x3F8B] =	sst lr;
	_ =	strace $0xD0000000  }
0x3: {  	_ = 	snop  }
0x4: {  	_ = 	snop  }
0x5: {  	_ = 	snop  }
0x6: {  	_ = 	snop  }
0x7: {  	_ = 	snop  }
__scs_overlays_trampoline_lowered:
0x8: {  	[smem:$0x3F9A] =	sst s0  }
0x9: {  	[smem:$0x3F9B] =	sst s1  }
0xa: {  	[smem:$0x3F9C] =	sst s2  }
0xb: {  	[smem:$0x3F9D] =	sst s3  }
0xc: {  	[smem:$0x3F9E] =	sst s4  }
0xd: {  	[smem:$0x3F9F] =	sst s5  }
0xe: {  	[smem:$0x3FA0] =	sst s6  }
0xf: {  	[smem:$0x3FA1] =	sst s7  }
0x10: {  	[smem:$0x3FA2] =	sst s8  }
0x11: {  	[smem:$0x3FA3] =	sst s9;
	s0 =	simm.s32 @!p0 $0x0  }
0x12: {  	s1 =	sld [smem:$0x3F89];
	s0 =	simm.s32 @p0 $0x1  }
0x13: {  	[smem:$0x3FA4] =	sst s0;
	s0 =	simm.s32 @!p1 $0x0  }
0x14: {  	s2 =	sld [smem:$0x3F88];
	s0 =	simm.s32 @p1 $0x1  }
0x15: {  	[smem:$0x3FA5] =	sst s0;
	s0 =	simm.s32 @!p2 $0x0  }
0x16: {  	s3 =	sld [smem:$0x3FDB];
	s0 =	simm.s32 @p2 $0x1  }
0x17: {  	s4 =	simm.s32 $0x1BF5;
	[smem:$0x3FA7] =	sst s0  }
0x18: {  	s0 =	sld [smem:$0x3F8A];
	_ =	swait.ge [sflag:s4], $0x0  }
0x19: {  	s7 =	sld [smem:$0x3F8B]  }
0x1a: {  	s8 =	sadd.s32 $0xFFFFE003, lr  }
0x1b: {  	s9 =	sadd.s32 $0xFFFFFEF7, lr;
	s5 =	simm.s32 $0xFFFFFFFF;
	p2 =	slt.u32 s8, $0xFFFFF086  }
0x1c: {  	p1 =	slt.u32 s9, $0xF7A;
	s5 =	simm.s32 @!p2 $0x0  }
0x1d: {  	s5 =	simm.s32 @p1 $0x1;
	p0 =	seq.s32 s7, s2  }
0x1e: {  	s7 =	smul.u32 @!p0 $0xF7A, s2;
	p2 =	seq.s32 @!p0 s5, $0x0  }
0x1f: {  	s9 =	smul.u32 $0xF7A, s1;
	s8 =	simm.s32 @!p0 $0x1BF5;
	p2 =	por !p2, p0  }
0x20: {  	[sflag:s8] =	ssyncset.s32 @!p0 $0xFFFFF086;
	s6 =	sadd.s32 @!p0 s3, s7;
	s7 =	simm.s32 @!p0 $0x108  }
0x21: {  	s3 =	sadd.s32 s3, s9;
	s6 =	sadd.s32 @!p0 $0x88, s6;
	s7 =	simm.s32 @p2 $0x1082  }
0x22: {  	[simem:s7], [sflag:s8] =	dma.local @!p0 [hbm:s6], $0xF7A  }
0x23: {  	s9 =	sor.u32 $0xD0000000, s2;
	s6 =	simm.s32 $0x108;
	_ =	swait.ge @!p0 [sflag:s8], $0x0  }
0x24: {  	s3 =	sadd.s32 $0x88, s3;
	s6 =	simm.s32 @!p1 $0x1082;
	[sflag:s4] =	ssyncset.s32 $0xFFFFF086  }
0x25: {  	[simem:s6], [sflag:s4] =	dma.local [hbm:s3], $0xF7A  }
0x26: {  	[smem:$0x3F8B] =	sst s1;
	(tag) =	ssettag s2;
	_ =	strace s9  }
0x27: {  	s1 =	sld [smem:$0x3F9B]  }
0x28: {  	s2 =	sld [smem:$0x3F9C]  }
0x29: {  	s4 =	sld [smem:$0x3F9E]  }
0x2a: {  	p0 =	seq.s32 s5, $0x0;
	s5 =	sld [smem:$0x3F9F]  }
0x2b: {  	s6 =	sld [smem:$0x3FA0]  }
0x2c: {  	s7 =	sld [smem:$0x3FA1]  }
0x2d: {  	s3 =	simm.s32 $0x108;
	s8 =	sld [smem:$0x3FA2]  }
0x2e: {  	s3 =	simm.s32 @!p0 $0x1082;
	s9 =	sld [smem:$0x3FA3]  }
0x2f: {  	lr =	sadd.s32 s0, s3;
	s0 =	sld [smem:$0x3F9A]  }
0x30: {  	s3 =	sld [smem:$0x3F9D]  }
0x31: {  	[smem:$0x3FA6] =	sst s10  }
0x32: {  	s10 =	sld [smem:$0x3FA4];
	_ =	sdelay $0x3  }
0x33: {  	p0 =	seq.s32 s10, $0x1;
	s10 =	sld [smem:$0x3FA6];
	_ =	sdelay $0x3  }
0x34: {  	[smem:$0x3FA6] =	sst s10  }
0x35: {  	s10 =	sld [smem:$0x3FA5];
	_ =	sdelay $0x3  }
0x36: {  	p1 =	seq.s32 s10, $0x1;
	s10 =	sld [smem:$0x3FA6];
	_ =	sdelay $0x3  }
0x37: {  	[smem:$0x3FA6] =	sst s10  }
0x38: {  	s10 =	sld [smem:$0x3FA7]  }
0x39: {  	_ = 	snop;
	(pc) =	sbr.ind lr, $3  }
0x3a: {  	_ = 	snop  }
0x3b: {  	_ = 	snop  }
0x3c: {  	p2 =	seq.s32 s10, $0x1;
	s10 =	sld [smem:$0x3FA6]  }
0x3d: {  	_ =	shalt  }
0x3e: {  	_ =	shalt  }
0x3f: {  	_ =	shalt  }
0x40: {  	_ =	shalt  }
0x41: {  	_ =	shalt  }
0x42: {  	_ =	shalt  }
0x43: {  	_ =	shalt  }
0x44: {  	_ =	shalt  }
0x45: {  	_ =	shalt  }
0x46: {  	_ =	shalt  }
0x47: {  	_ =	shalt  }
0x48: {  	_ =	shalt  }
0x49: {  	_ =	shalt  }
0x4a: {  	_ =	shalt  }
0x4b: {  	_ =	shalt  }
0x4c: {  	_ =	shalt  }
0x4d: {  	_ =	shalt  }
0x4e: {  	_ =	shalt  }
0x4f: {  	_ =	shalt  }
0x50: {  	_ =	shalt  }
0x51: {  	_ =	shalt  }
0x52: {  	_ =	shalt  }
0x53: {  	_ =	shalt  }
0x54: {  	_ =	shalt  }
0x55: {  	_ =	shalt  }
0x56: {  	_ =	shalt  }
0x57: {  	_ =	shalt  }
0x58: {  	_ =	shalt  }
0x59: {  	_ =	shalt  }
0x5a: {  	_ =	shalt  }
0x5b: {  	_ =	shalt  }
0x5c: {  	_ =	shalt  }
0x5d: {  	_ =	shalt  }
0x5e: {  	_ =	shalt  }
0x5f: {  	_ =	shalt  }
0x60: {  	_ =	shalt  }
0x61: {  	_ =	shalt  }
0x62: {  	_ =	shalt  }
0x63: {  	_ =	shalt  }
0x64: {  	_ =	shalt  }
0x65: {  	_ =	shalt  }
0x66: {  	_ =	shalt  }
0x67: {  	_ =	shalt  }
0x68: {  	_ =	shalt  }
0x69: {  	_ =	shalt  }
0x6a: {  	_ =	shalt  }
0x6b: {  	_ =	shalt  }
0x6c: {  	_ =	shalt  }
0x6d: {  	_ =	shalt  }
0x6e: {  	_ =	shalt  }
0x6f: {  	_ =	shalt  }
0x70: {  	_ =	shalt  }
0x71: {  	_ =	shalt  }
0x72: {  	_ =	shalt  }
0x73: {  	_ =	shalt  }
0x74: {  	_ =	shalt  }
0x75: {  	_ =	shalt  }
0x76: {  	_ =	shalt  }
0x77: {  	_ =	shalt  }
0x78: {  	_ =	shalt  }
0x79: {  	_ =	shalt  }
0x7a: {  	_ =	shalt  }
0x7b: {  	_ =	shalt  }
0x7c: {  	_ =	shalt  }
0x7d: {  	_ =	shalt  }
0x7e: {  	_ =	shalt  }
0x7f: {  	_ =	shalt  }
0x80: {  	_ =	shalt  }
0x81: {  	_ =	shalt  }
0x82: {  	_ =	shalt  }
0x83: {  	_ =	shalt  }
0x84: {  	_ =	shalt  }
0x85: {  	_ =	shalt  }
0x86: {  	_ =	shalt  }
0x87: {  	_ =	shalt  }
.Lfunc_end0:
.L_simem_size_0:
called_computation.1_lowered:
.L_overlay_start_0:
0x88: {  	s2 =	sld [smem:$0x3FD9]  }
0x89: {  	s3 =	sld [smem:$0x3FFE];
	_ =	sdelay $0x1  }
0x8a: {  	s1 =	srdreg.scid  }
0x8b: {  	s0 =	sand.u32 $0x1, s1  }
0x8c: {  	s17 =	sshll.u32 s0, $0xA;
	s2 =	sadd.s32 s3, s2  }
0x8d: {  	s2 =	sadd.s32 s2, s17  }
0x8e: {  	[smem:$0x3FB2] =	sst s2  }
0x8f: {  	_ = 	snop  }
0x90: {  	s2 =	sld [smem:$0x3FC9];
	(tm) =	ssettm $0x1  }
0x91: {  	s18 =	sld [smem:$0x3FFB];
	_ =	sdelay $0x3  }
0x92: {  	_ =	strace s18  }
0x93: {  	s3 =	sld [smem:$0x3FFC];
	_ =	sdelay $0x3  }
0x94: {  	_ =	strace s3  }
0x95: {  	s3 =	sld [smem:$0x3FFD];
	_ =	sdelay $0x3  }
0x96: {  	_ =	strace s3  }
0x97: {  	_ =	strace $0x8FFFFFFF  }
0x98: {  	s19 =	sld [smem:$0x3FDB];
	_ =	sdelay $0x1  }
0x99: {  	s4 =	simm.s32 $_scs_section_size  }
0x9a: {  	s5 =	simm.s32 $_size__tile_overlayer_lowered;
	s6 =	simm.s32 $_tile_overlayer_lowered  }
0x9b: {  	s22 =	simm.s32 $0x1BFF;
	s21 =	sshll.u32 s6, $0x1;
	s3 =	sadd.s32 s4, s19  }
0x9c: {  	s7 =	simm.s32 $0x0;
	s20 =	sshll.u32 s5, $0x1;
	s5 =	sadd.s32 s21, s3  }
0x9d: {  	[timem:s7], [sflag:s22] =	dma.local [hbm:s5], s20  }
0x9e: {  	_ =	swait.ge [sflag:s22], s20  }
0x9f: {  	s4 =	ssub.s32 $0x0, s20;
	[sflag:s22] =	ssyncset.done $0x0  }
0xa0: {  	[sflag:s22] =	ssyncadd.s32 s4;
	_ =	sdelay $0x1  }
0xa1: {  	s23 =	simm.s32 $0x1B8B  }
0xa2: {  	_ =	swait.ge [sflag:s23], $0x1  }
0xa3: {  	[sflag:s23] =	ssyncset.done $0x0  }
0xa4: {  	s25 =	simm.s32 $0x1B8E;
	s24 =	sld [smem:$0x3FFE];
	[sflag:s23] =	ssyncadd.s32 $0xFFFFFFFF  }
0xa5: {  	s26 =	simm.s32 $execute0_lowered;
	[smem:$0x3FD2] =	sst s25  }
0xa6: {  	s5 =	sshll.u32 s26, $0x1;
	_ =	strace $0x80000046;
	[dreg:$0x1] =	wrdreg $0xFFFFFFFF  }
0xa7: {  	s28 =	simm.s32 $_size_execute0_lowered;
	s3 =	sadd.s32 s3, s5;
	[dreg:$0x0] =	wrdreg $0x0  }
0xa8: {  	s5 =	sshll.u32 s28, $0x1;
	[dreg:$0x2] =	wrdreg s3  }
0xa9: {  	[dreg:$0x3] =	wrdreg s5  }
0xaa: {  	[dreg:$0x4] =	wrdreg $0xC0  }
0xab: {  	_ =	task [dreg:s7], $0x5FFFF  }
0xac: {  	[dreg:$0x1] =	wrdreg $0xFFFFFFFF  }
0xad: {  	[dreg:$0x0] =	wrdreg $0x60  }
0xae: {  	[dreg:$0x2] =	wrdreg s2  }
0xaf: {  	[dreg:$0x3] =	wrdreg s24  }
0xb0: {  	[dreg:$0x4] =	wrdreg $0x9  }
0xb1: {  	_ =	task.clear_ibuf [dreg:s7], $0x5FFFF;
	_ =	strace $0x90000046  }
0xb2: {  	s29 =	simm.s32 $0x9;
	_ =	strace $0x80000048  }
0xb3: {  	_ =	swait.ge [sflag:s29], $0x1  }
0xb4: {  	[sflag:s29] =	ssyncadd.s32 $0xFFFFFFFF  }
0xb5: {  	_ =	strace $0x90000048  }
0xb6: {  	_ =	sfence  }
0xb7: {  	s30 =	sld [smem:$0x0];
	_ =	sdelay $0x2  }
0xb8: {  	s31 =	sshll.u32 s1, $0xD;
	s1 =	sshrl.u32 s1, $0x2  }
0xb9: {  	s3 =	sand.u32 $0x4000, s31;
	s1 =	sadd.s32 s1, s30  }
0xba: {  	s0 =	sor.u32 s3, s0;
	s1 =	sshll.u32 s1, $0x11  }
0xbb: {  	s0 =	sor.u32 s1, s0  }
0xbc: {  	s0 =	sadd.s32 $0x8F2B, s0  }
0xbd: {  	[sflag:s0] =	ssyncadd.remote.s32 $0x1  }
0xbe: {  	_ =	sfence.sel $0xFFFF  }
0xbf: {  	[dreg:$0x0] =	wrdreg $0xFFFFFFFF;
	(pc) =	sbr.abs _section_cstart, $3  }
0xc0: {  	[dreg:$0x1] =	wrdreg $0xFFFFFFFF  }
0xc1: {  	_ =	task.clear_ibuf [dreg:s7], $0x2FFFF;
	_ =	strace $0x9FFFFFFF  }
0xc2: {  	(tm) =	ssettm $0x7FFFFFFF  }
0xc3: {  	_ =	shalt  }
tec
execute0_lowered:
.L_overlay_start_1:
0x0: {  	(tag) =	ssettag $0x1  }
0x1: {  	s1 =	rddreg [dreg:$0x0]  }
0x2: {  	s0 =	rddreg [dreg:$0x1];
	s2 =	srdreg.scid  }
0x3: {  	s3 =	simm.s32 $0x0;
	s5 =	stileid.u32;
	s16 =	simm.s32 $0x5  }
0x4: {  	s17 =	simm.s32 $0x5100;
	s18 =	simm.s32 $0x50;
	s19 =	simm.s32 $0x100  }
0x5: {  	s20 =	simm.s32 $0x1;
	s21 =	simm.s32 $0x3;
	s22 =	simm.s32 $0x80  }
0x6: {  	s23 =	simm.s32 $0x7900;
	s24 =	simm.s32 $0x2900;
	s2 =	sand.u32 $0x1, s2  }
0x7: {  	s28 =	simm.s32 $0x0;
	s29 =	simm.s32 $0x0;
	s4 =	sshll.u32 s2, $0x4  }
0x8: {  	[smem:$0x7FF] =	sst s3;
	s6 =	sadd.s32 $0x9D9E00, s0;
	s7 =	sor.u32 s5, s4  }
0x9: {  	_ =	strace $0x80000047;
	s25 =	ssub.s32 $0x2, s2;
	s14 =	smul.u32 $0x2710, s7  }
0xa: {  	s4 =	sadd.s32 $0x4F7E00, s0;
	s2 =	sshrl.u32 s25, $0x1;
	s7 =	smul.u32 $0x27100, s7  }
0xb: {  	s5 =	sadd.s32 $0xC000, s0;
	s0 =	ssub.s32 s25, s2;
	s25 =	simm.s32 $0x2  }
0xc: {  	s15 =	smax.u32 s0, $0x1;
	s8 =	sshrl.u32 s14, $0x3;
	s30 =	sadd.s32 s4, s7  }
0xd: {  	s10 =	sadd.s32 s6, s7;
	s13 =	sadd.s32 $0xA0, s14;
	s26 =	sadd.s32 s5, s8  }
0xe: {  	s8 =	sadd.s32 $0x50, s14;
	[dreg:$0x4] =	wrdreg s30;
	s14 =	sadd.s32 $0xF0, s14  }
0xf: {  	[dreg:$0x3] =	wrdreg s26;
	s31 =	sshrl.u32 s8, $0x3;
	s12 =	sshll.u32 s8, $0x4  }
0x10: {  	s26 =	simm.s32 $0x4;
	s11 =	sadd.s32 s5, s31;
	s12 =	sadd.s32 s4, s12  }
.LBB2_1:
0x11: {  	s0 =	rddreg [dreg:$0x3]  }
0x12: {  	[tilespmem:s3], [sflag:$0x5] =	stream.linear.gather [hbm4b:s0+s3], $0x50, $0x38;
	[tilespmem:$0xA100] =	vst v63  }
0x13: {  	_ =	swait.ge [sflag:s16], $0x50  }
0x14: {  	[sflag:s16] =	ssyncset.done $0x0  }
0x15: {  	s31 =	rddreg [dreg:$0x4];
	[sflag:s16] =	ssyncadd.s32 $0xFFFFFFB0  }
0x16: {  	[tilespmem:s17], [sflag:$0x1] =	stream.linear.gather [hbm4b:s31+s3], $0x2800, $0x38;
	[tilespmem:$0xA100] =	vst v63  }
0x17: {  	_ = 	snop  }
0x18: {  	[tilespmem:s19], [sflag:$0x3] =	stream.indirect.gather [hbm4b:s1+s18], $0x80, s3, s18, $0xb8;
	[tilespmem:$0xA100] =	vst v63  }
0x19: {  	_ =	swait.ge [sflag:s20], $0x2800  }
0x1a: {  	[sflag:s20] =	ssyncset.done $0x0  }
0x1b: {  	[sflag:s20] =	ssyncadd.s32 $0xFFFFD800  }
0x1c: {  	_ =	swait.ge [sflag:s21], $0x2800  }
0x1d: {  	[sflag:s21] =	ssyncset.done $0x0  }
0x1e: {  	s0 =	simm.s32 $0x0;
	[sflag:s21] =	ssyncadd.s32 $0xFFFFD800  }
0x1f: {  	v6 =	vld [tilespmem:s0+$0x100]  }
0x20: {  	v11 =	vld [tilespmem:s0+$0x110]  }
0x21: {  	v5 =	vld [tilespmem:s0+$0x120]  }
0x22: {  	v4 =	vld [tilespmem:s0+$0x130]  }
0x23: {  	v3 =	vld [tilespmem:s0+$0x140]  }
0x24: {  	v2 =	vld [tilespmem:s0+$0x150]  }
0x25: {  	v1 =	vld [tilespmem:s0+$0x160]  }
0x26: {  	v0 =	vld [tilespmem:s0+$0x170]  }
0x27: {  	v12 =	vld [tilespmem:s0+$0x5100]  }
0x28: {  	v13 =	vld [tilespmem:s0+$0x5110]  }
0x29: {  	v10 =	vld [tilespmem:s0+$0x5120]  }
0x2a: {  	v9 =	vld [tilespmem:s0+$0x5130]  }
0x2b: {  	v8 =	vld [tilespmem:s0+$0x5140]  }
0x2c: {  	v7 =	vld [tilespmem:s0+$0x5150];
	v12 =	vadd.f32 v12, v6  }
0x2d: {  	s2 =	simm.s32 $0x200;
	v11 =	vadd.f32 v13, v11;
	v6 =	vld [tilespmem:s0+$0x5160]  }
.LBB2_2:
0x2e: {  	s7 =	sshra.s32 s2, $0x2;
	p0 =	sne.s32 s2, $0x9E00;
	v12 =	vmax.f32 v12, $0.0e+00;
	v5 =	vadd.f32 v10, v5;
	v10 =	vld [tilespmem:s0+$0x5170]  }
0x2f: {  	v13 =	vld [tilespmem:s7+$0x100];
	[tilespmem:s0+$0x5100] =	vst v12;
	v11 =	vmax.f32 v11, $0.0e+00;
	v4 =	vadd.f32 v9, v4  }
0x30: {  	v14 =	vld [tilespmem:s7+$0x110];
	[tilespmem:s0+$0x5110] =	vst v11;
	v9 =	vmax.f32 v5, $0.0e+00;
	v3 =	vadd.f32 v8, v3  }
0x31: {  	v5 =	vld [tilespmem:s7+$0x120];
	[tilespmem:s0+$0x5120] =	vst v9;
	v8 =	vmax.f32 v4, $0.0e+00;
	v2 =	vadd.f32 v7, v2  }
0x32: {  	v4 =	vld [tilespmem:s7+$0x130];
	[tilespmem:s0+$0x5130] =	vst v8;
	v7 =	vmax.f32 v3, $0.0e+00;
	v1 =	vadd.f32 v6, v1  }
0x33: {  	v3 =	vld [tilespmem:s7+$0x140];
	[tilespmem:s0+$0x5140] =	vst v7;
	v6 =	vmax.f32 v2, $0.0e+00;
	v0 =	vadd.f32 v10, v0  }
0x34: {  	v2 =	vld [tilespmem:s7+$0x150];
	[tilespmem:s0+$0x5150] =	vst v6;
	v6 =	vmax.f32 v1, $0.0e+00  }
0x35: {  	v1 =	vld [tilespmem:s7+$0x160];
	[tilespmem:s0+$0x5160] =	vst v6;
	v6 =	vmax.f32 v0, $0.0e+00  }
0x36: {  	v0 =	vld [tilespmem:s7+$0x170];
	[tilespmem:s0+$0x5170] =	vst v6;
	s0 =	smov.u32 s7  }
0x37: {  	v6 =	vld [tilespmem:s0+$0x5100]  }
0x38: {  	v11 =	vld [tilespmem:s0+$0x5110]  }
.Ltmp0:
0x39: {  	v10 =	vld [tilespmem:s0+$0x5120];
	(pc) =	sbr.rel @p0 .LBB2_2-.Ltmp0, $4  }
0x3a: {  	v9 =	vld [tilespmem:s0+$0x5130]  }
0x3b: {  	v8 =	vld [tilespmem:s0+$0x5140]  }
0x3c: {  	v12 =	vadd.f32 v6, v13;
	v7 =	vld [tilespmem:s0+$0x5150]  }
0x3d: {  	s2 =	sadd.s32 $0x200, s2;
	v11 =	vadd.f32 v11, v14;
	v6 =	vld [tilespmem:s0+$0x5160]  }
0x3e: {  	v12 =	vmax.f32 v12, $0.0e+00;
	v5 =	vadd.f32 v10, v5;
	v63 =	vld [tilespmem:s0+$0x5170]  }
0x3f: {  	[tilespmem:s0+$0x5100] =	vst v12;
	v11 =	vmax.f32 v11, $0.0e+00;
	v4 =	vadd.f32 v9, v4  }
0x40: {  	[tilespmem:s0+$0x5110] =	vst v11;
	v5 =	vmax.f32 v5, $0.0e+00;
	v3 =	vadd.f32 v8, v3  }
0x41: {  	[tilespmem:s0+$0x5120] =	vst v5;
	v4 =	vmax.f32 v4, $0.0e+00;
	v2 =	vadd.f32 v7, v2  }
0x42: {  	[tilespmem:s0+$0x5130] =	vst v4;
	v3 =	vmax.f32 v3, $0.0e+00;
	v1 =	vadd.f32 v6, v1  }
0x43: {  	[tilespmem:s0+$0x5140] =	vst v3;
	v2 =	vmax.f32 v2, $0.0e+00;
	v0 =	vadd.f32 v63, v0  }
0x44: {  	[tilespmem:s0+$0x5150] =	vst v2;
	v1 =	vmax.f32 v1, $0.0e+00  }
0x45: {  	[tilespmem:s0+$0x5160] =	vst v1;
	v0 =	vmax.f32 v0, $0.0e+00  }
0x46: {  	[tilespmem:s0+$0x5170] =	vst v0  }
0x47: {  	[hbm4b:s10+s29] =	stream.linear.scatter [tilespmem:s17], [sflag:$0x5], $0x2800, $0x38;
	[tilespmem:$0xA100] =	vst v63  }
0x48: {  	_ =	swait.ge [sflag:s16], $0x2800  }
0x49: {  	[sflag:s16] =	ssyncset.done $0x0  }
0x4a: {  	[sflag:s16] =	ssyncadd.s32 $0xFFFFD800  }
0x4b: {  	[tilespmem:s29], [sflag:$0x5] =	stream.linear.gather [hbm4b:s11+s29], $0x50, $0x38;
	[tilespmem:$0xA100] =	vst v63  }
0x4c: {  	_ =	swait.ge [sflag:s16], $0x50  }
0x4d: {  	[sflag:s16] =	ssyncset.done $0x0  }
0x4e: {  	[sflag:s16] =	ssyncadd.s32 $0xFFFFFFB0  }
0x4f: {  	[tilespmem:s17], [sflag:$0x1] =	stream.linear.gather [hbm4b:s12+s29], $0x2800, $0x38;
	[tilespmem:$0xA100] =	vst v63  }
0x50: {  	s30 =	simm.s32 $0x0  }
0x51: {  	[tilespmem:s19], [sflag:$0x3] =	stream.indirect.gather [hbm4b:s1+s18], $0x80, s29, s18, $0xb8;
	[tilespmem:$0xA100] =	vst v63  }
.LBB2_4:
0x52: {  	s0 =	smul.u32 $0xA0, s30;
	_ =	sdelay $0x1  }
0x53: {  	s2 =	sadd.s32 s0, s13  }
0x54: {  	s7 =	sshrl.u32 s2, $0x3  }
0x55: {  	s7 =	sadd.s32 s5, s7  }
0x56: {  	[tilespmem:s22], [sflag:$0x5] =	stream.linear.gather [hbm4b:s7+s29], $0x50, $0x38;
	[tilespmem:$0xA100] =	vst v63  }
0x57: {  	_ =	swait.ge [sflag:s16], $0x50  }
0x58: {  	s31 =	sshll.u32 s2, $0x4;
	[sflag:s16] =	ssyncset.done $0x0  }
0x59: {  	s2 =	sadd.s32 s4, s31;
	[sflag:s16] =	ssyncadd.s32 $0xFFFFFFB0  }
0x5a: {  	[tilespmem:s23], [sflag:$0x2] =	stream.linear.gather [hbm4b:s2+s29], $0x2800, $0x38;
	[tilespmem:$0xA100] =	vst v63  }
0x5b: {  	_ = 	snop  }
0x5c: {  	[tilespmem:s24], [sflag:$0x4] =	stream.indirect.gather [hbm4b:s1+s18], $0x80, s22, s18, $0xb8;
	[tilespmem:$0xA100] =	vst v63  }
0x5d: {  	_ =	swait.ge [sflag:s20], $0x2800  }
0x5e: {  	[sflag:s20] =	ssyncset.done $0x0  }
0x5f: {  	[sflag:s20] =	ssyncadd.s32 $0xFFFFD800  }
0x60: {  	_ =	swait.ge [sflag:s21], $0x2800  }
0x61: {  	[sflag:s21] =	ssyncset.done $0x0  }
0x62: {  	s2 =	simm.s32 $0x0;
	[sflag:s21] =	ssyncadd.s32 $0xFFFFD800  }
0x63: {  	v6 =	vld [tilespmem:s2+$0x100]  }
0x64: {  	v11 =	vld [tilespmem:s2+$0x110]  }
0x65: {  	v5 =	vld [tilespmem:s2+$0x120]  }
0x66: {  	v4 =	vld [tilespmem:s2+$0x130]  }
0x67: {  	v3 =	vld [tilespmem:s2+$0x140]  }
0x68: {  	v2 =	vld [tilespmem:s2+$0x150]  }
0x69: {  	v1 =	vld [tilespmem:s2+$0x160]  }
0x6a: {  	v0 =	vld [tilespmem:s2+$0x170]  }
0x6b: {  	v12 =	vld [tilespmem:s2+$0x5100]  }
0x6c: {  	v13 =	vld [tilespmem:s2+$0x5110]  }
0x6d: {  	v10 =	vld [tilespmem:s2+$0x5120]  }
0x6e: {  	v9 =	vld [tilespmem:s2+$0x5130]  }
0x6f: {  	v8 =	vld [tilespmem:s2+$0x5140]  }
0x70: {  	v7 =	vld [tilespmem:s2+$0x5150];
	v12 =	vadd.f32 v12, v6  }
0x71: {  	s7 =	simm.s32 $0x200;
	v11 =	vadd.f32 v13, v11;
	v6 =	vld [tilespmem:s2+$0x5160]  }
.LBB2_5:
0x72: {  	s9 =	sshra.s32 s7, $0x2;
	p0 =	sne.s32 s7, $0x9E00;
	v12 =	vmax.f32 v12, $0.0e+00;
	v5 =	vadd.f32 v10, v5;
	v10 =	vld [tilespmem:s2+$0x5170]  }
0x73: {  	v13 =	vld [tilespmem:s9+$0x100];
	[tilespmem:s2+$0x5100] =	vst v12;
	v11 =	vmax.f32 v11, $0.0e+00;
	v4 =	vadd.f32 v9, v4  }
0x74: {  	v14 =	vld [tilespmem:s9+$0x110];
	[tilespmem:s2+$0x5110] =	vst v11;
	v9 =	vmax.f32 v5, $0.0e+00;
	v3 =	vadd.f32 v8, v3  }
0x75: {  	v5 =	vld [tilespmem:s9+$0x120];
	[tilespmem:s2+$0x5120] =	vst v9;
	v8 =	vmax.f32 v4, $0.0e+00;
	v2 =	vadd.f32 v7, v2  }
0x76: {  	v4 =	vld [tilespmem:s9+$0x130];
	[tilespmem:s2+$0x5130] =	vst v8;
	v7 =	vmax.f32 v3, $0.0e+00;
	v1 =	vadd.f32 v6, v1  }
0x77: {  	v3 =	vld [tilespmem:s9+$0x140];
	[tilespmem:s2+$0x5140] =	vst v7;
	v6 =	vmax.f32 v2, $0.0e+00;
	v0 =	vadd.f32 v10, v0  }
0x78: {  	v2 =	vld [tilespmem:s9+$0x150];
	[tilespmem:s2+$0x5150] =	vst v6;
	v6 =	vmax.f32 v1, $0.0e+00  }
0x79: {  	v1 =	vld [tilespmem:s9+$0x160];
	[tilespmem:s2+$0x5160] =	vst v6;
	v6 =	vmax.f32 v0, $0.0e+00  }
0x7a: {  	v0 =	vld [tilespmem:s9+$0x170];
	[tilespmem:s2+$0x5170] =	vst v6;
	s2 =	smov.u32 s9  }
0x7b: {  	v6 =	vld [tilespmem:s2+$0x5100]  }
0x7c: {  	v11 =	vld [tilespmem:s2+$0x5110]  }
.Ltmp1:
0x7d: {  	v10 =	vld [tilespmem:s2+$0x5120];
	(pc) =	sbr.rel @p0 .LBB2_5-.Ltmp1, $4  }
0x7e: {  	v9 =	vld [tilespmem:s2+$0x5130]  }
0x7f: {  	v8 =	vld [tilespmem:s2+$0x5140]  }
0x80: {  	v12 =	vadd.f32 v6, v13;
	v7 =	vld [tilespmem:s2+$0x5150]  }
0x81: {  	s7 =	sadd.s32 $0x200, s7;
	v11 =	vadd.f32 v11, v14;
	v6 =	vld [tilespmem:s2+$0x5160]  }
0x82: {  	v12 =	vmax.f32 v12, $0.0e+00;
	v5 =	vadd.f32 v10, v5;
	v10 =	vld [tilespmem:s2+$0x5170]  }
0x83: {  	[tilespmem:s2+$0x5100] =	vst v12;
	v11 =	vmax.f32 v11, $0.0e+00;
	v4 =	vadd.f32 v9, v4  }
0x84: {  	[tilespmem:s2+$0x5110] =	vst v11;
	v5 =	vmax.f32 v5, $0.0e+00;
	v3 =	vadd.f32 v8, v3  }
0x85: {  	[tilespmem:s2+$0x5120] =	vst v5;
	v4 =	vmax.f32 v4, $0.0e+00;
	v2 =	vadd.f32 v7, v2  }
0x86: {  	[tilespmem:s2+$0x5130] =	vst v4;
	v3 =	vmax.f32 v3, $0.0e+00;
	v1 =	vadd.f32 v6, v1  }
0x87: {  	[tilespmem:s2+$0x5140] =	vst v3;
	v2 =	vmax.f32 v2, $0.0e+00;
	v0 =	vadd.f32 v10, v0  }
0x88: {  	s7 =	sadd.s32 s0, s8;
	[tilespmem:s2+$0x5150] =	vst v2;
	v1 =	vmax.f32 v1, $0.0e+00  }
0x89: {  	s7 =	sshll.u32 s7, $0x4;
	[tilespmem:s2+$0x5160] =	vst v1;
	v0 =	vmax.f32 v0, $0.0e+00  }
0x8a: {  	p0 =	seq.s32 s30, $0x3D;
	s9 =	sadd.s32 s6, s7;
	[tilespmem:s2+$0x5170] =	vst v0  }
0x8b: {  	[hbm4b:s9+s3] =	stream.linear.scatter [tilespmem:s17], [sflag:$0x5], $0x2800, $0x38;
	[tilespmem:$0xA100] =	vst v63  }
0x8c: {  	s0 =	sadd.s32 @!p0 s0, s14;
	_ =	swait.ge [sflag:s16], $0x2800  }
0x8d: {  	s2 =	sshrl.u32 @!p0 s0, $0x3;
	[sflag:s16] =	ssyncset.done $0x0  }
0x8e: {  	s7 =	simm.s32 @!p0 $0x0;
	s2 =	sadd.s32 @!p0 s5, s2;
	[sflag:s16] =	ssyncadd.s32 $0xFFFFD800  }
0x8f: {  	[tilespmem:s7], [sflag:$0x5] =	stream.linear.gather @!p0 [hbm4b:s2+s7], $0x50, $0x38;
	[tilespmem:$0xA100] =	vst v63  }
0x90: {  	s2 =	simm.s32 @!p0 $0x5  }
0x91: {  	_ =	swait.ge @!p0 [sflag:s2], $0x50  }
0x92: {  	s0 =	sshll.u32 @!p0 s0, $0x4;
	[sflag:s2] =	ssyncset.done @!p0 $0x0  }
0x93: {  	s0 =	sadd.s32 @!p0 s4, s0;
	[sflag:s2] =	ssyncadd.s32 @!p0 $0xFFFFFFB0;
	s2 =	simm.s32 @!p0 $0x5100  }
0x94: {  	[tilespmem:s2], [sflag:$0x1] =	stream.linear.gather @!p0 [hbm4b:s0+s7], $0x2800, $0x38;
	[tilespmem:$0xA100] =	vst v63  }
0x95: {  	s0 =	simm.s32 @!p0 $0x50;
	s2 =	simm.s32 @!p0 $0x100  }
0x96: {  	[tilespmem:s2], [sflag:$0x3] =	stream.indirect.gather @!p0 [hbm4b:s1+s0], $0x80, s7, s0, $0xb8;
	[tilespmem:$0xA100] =	vst v63  }
0x97: {  	_ =	swait.ge [sflag:s25], $0x2800  }
0x98: {  	[sflag:s25] =	ssyncset.done $0x0  }
0x99: {  	[sflag:s25] =	ssyncadd.s32 $0xFFFFD800  }
0x9a: {  	_ =	swait.ge [sflag:s26], $0x2800  }
0x9b: {  	[sflag:s26] =	ssyncset.done $0x0  }
0x9c: {  	s0 =	simm.s32 $0x0;
	[sflag:s26] =	ssyncadd.s32 $0xFFFFD800  }
0x9d: {  	v6 =	vld [tilespmem:s0+$0x2900]  }
0x9e: {  	v11 =	vld [tilespmem:s0+$0x2910]  }
0x9f: {  	v5 =	vld [tilespmem:s0+$0x2920]  }
0xa0: {  	v4 =	vld [tilespmem:s0+$0x2930]  }
0xa1: {  	v3 =	vld [tilespmem:s0+$0x2940]  }
0xa2: {  	v2 =	vld [tilespmem:s0+$0x2950]  }
0xa3: {  	v1 =	vld [tilespmem:s0+$0x2960]  }
0xa4: {  	v0 =	vld [tilespmem:s0+$0x2970]  }
0xa5: {  	v12 =	vld [tilespmem:s0+$0x7900]  }
0xa6: {  	v13 =	vld [tilespmem:s0+$0x7910]  }
0xa7: {  	v10 =	vld [tilespmem:s0+$0x7920]  }
0xa8: {  	v9 =	vld [tilespmem:s0+$0x7930]  }
0xa9: {  	v8 =	vld [tilespmem:s0+$0x7940]  }
0xaa: {  	v7 =	vld [tilespmem:s0+$0x7950];
	v12 =	vadd.f32 v12, v6  }
0xab: {  	s2 =	simm.s32 $0x200;
	v11 =	vadd.f32 v13, v11;
	v6 =	vld [tilespmem:s0+$0x7960]  }
.LBB2_7:
0xac: {  	s7 =	sshra.s32 s2, $0x2;
	p0 =	sne.s32 s2, $0x9E00;
	v12 =	vmax.f32 v12, $0.0e+00;
	v5 =	vadd.f32 v10, v5;
	v10 =	vld [tilespmem:s0+$0x7970]  }
0xad: {  	v13 =	vld [tilespmem:s7+$0x2900];
	[tilespmem:s0+$0x7900] =	vst v12;
	v11 =	vmax.f32 v11, $0.0e+00;
	v4 =	vadd.f32 v9, v4  }
0xae: {  	v14 =	vld [tilespmem:s7+$0x2910];
	[tilespmem:s0+$0x7910] =	vst v11;
	v9 =	vmax.f32 v5, $0.0e+00;
	v3 =	vadd.f32 v8, v3  }
0xaf: {  	v5 =	vld [tilespmem:s7+$0x2920];
	[tilespmem:s0+$0x7920] =	vst v9;
	v8 =	vmax.f32 v4, $0.0e+00;
	v2 =	vadd.f32 v7, v2  }
0xb0: {  	v4 =	vld [tilespmem:s7+$0x2930];
	[tilespmem:s0+$0x7930] =	vst v8;
	v7 =	vmax.f32 v3, $0.0e+00;
	v1 =	vadd.f32 v6, v1  }
0xb1: {  	v3 =	vld [tilespmem:s7+$0x2940];
	[tilespmem:s0+$0x7940] =	vst v7;
	v6 =	vmax.f32 v2, $0.0e+00;
	v0 =	vadd.f32 v10, v0  }
0xb2: {  	v2 =	vld [tilespmem:s7+$0x2950];
	[tilespmem:s0+$0x7950] =	vst v6;
	v6 =	vmax.f32 v1, $0.0e+00  }
0xb3: {  	v1 =	vld [tilespmem:s7+$0x2960];
	[tilespmem:s0+$0x7960] =	vst v6;
	v6 =	vmax.f32 v0, $0.0e+00  }
0xb4: {  	v0 =	vld [tilespmem:s7+$0x2970];
	[tilespmem:s0+$0x7970] =	vst v6;
	s0 =	smov.u32 s7  }
0xb5: {  	v6 =	vld [tilespmem:s0+$0x7900]  }
0xb6: {  	v11 =	vld [tilespmem:s0+$0x7910]  }
.Ltmp2:
0xb7: {  	v10 =	vld [tilespmem:s0+$0x7920];
	(pc) =	sbr.rel @p0 .LBB2_7-.Ltmp2, $4  }
0xb8: {  	v9 =	vld [tilespmem:s0+$0x7930]  }
0xb9: {  	v8 =	vld [tilespmem:s0+$0x7940]  }
0xba: {  	v12 =	vadd.f32 v6, v13;
	v7 =	vld [tilespmem:s0+$0x7950]  }
0xbb: {  	s2 =	sadd.s32 $0x200, s2;
	v11 =	vadd.f32 v11, v14;
	v6 =	vld [tilespmem:s0+$0x7960]  }
0xbc: {  	v12 =	vmax.f32 v12, $0.0e+00;
	v5 =	vadd.f32 v10, v5;
	v63 =	vld [tilespmem:s0+$0x7970]  }
0xbd: {  	[tilespmem:s0+$0x7900] =	vst v12;
	v11 =	vmax.f32 v11, $0.0e+00;
	v4 =	vadd.f32 v9, v4  }
0xbe: {  	[tilespmem:s0+$0x7910] =	vst v11;
	v5 =	vmax.f32 v5, $0.0e+00;
	v3 =	vadd.f32 v8, v3  }
0xbf: {  	[tilespmem:s0+$0x7920] =	vst v5;
	v4 =	vmax.f32 v4, $0.0e+00;
	v2 =	vadd.f32 v7, v2  }
0xc0: {  	[tilespmem:s0+$0x7930] =	vst v4;
	v3 =	vmax.f32 v3, $0.0e+00;
	v1 =	vadd.f32 v6, v1  }
0xc1: {  	[tilespmem:s0+$0x7940] =	vst v3;
	v2 =	vmax.f32 v2, $0.0e+00;
	v0 =	vadd.f32 v63, v0  }
0xc2: {  	s30 =	sadd.s32 $0x1, s30;
	[tilespmem:s0+$0x7950] =	vst v2;
	v1 =	vmax.f32 v1, $0.0e+00  }
0xc3: {  	p0 =	sne.s32 s30, $0x3E;
	[tilespmem:s0+$0x7960] =	vst v1;
	v0 =	vmax.f32 v0, $0.0e+00  }
.Ltmp3:
0xc4: {  	s31 =	sadd.s32 s6, s31;
	[tilespmem:s0+$0x7970] =	vst v0;
	(pc) =	sbr.rel @p0 .LBB2_4-.Ltmp3, $4  }
0xc5: {  	[hbm4b:s31+s3] =	stream.linear.scatter [tilespmem:s23], [sflag:$0x5], $0x2800, $0x38;
	[tilespmem:$0xA100] =	vst v63  }
0xc6: {  	_ =	swait.ge [sflag:s16], $0x2800  }
0xc7: {  	[sflag:s16] =	ssyncset.done $0x0  }
0xc8: {  	[sflag:s16] =	ssyncadd.s32 $0xFFFFD800  }
0xc9: {  	s28 =	sadd.s32 $0x1, s28  }
0xca: {  	p0 =	sne.s32 s28, s15  }
.Ltmp4:
0xcb: {  	_ = 	snop;
	(pc) =	sbr.rel @p0 .LBB2_1-.Ltmp4, $1  }
0xcc: {  	_ =	sdelay $0x3  }
0xcd: {  	_ =	sfence.sel $0x180000  }
0xce: {  	[bflag:$0x0] =	sbarrier.arrive $0xFFFF  }
0xcf: {  	_ =	strace $0x90000047  }
0xd0: {  	s0 =	stileid.u32;
	[bflag:$0x2] =	sbarrier.arrive $0xFFFF  }
0xd1: {  	p0 =	sne.s32 s0, $0x0;
	s0 =	rddreg [dreg:$0x2]  }
0xd2: {  	s0 =	sadd.s32 @!p0 $0x100000, s0  }
0xd3: {  	[sflag:s0] =	ssyncadd.tile.s32 @!p0 $0x1;
	_ =	shalt  }
.Lfunc_end2:
_tile_overlayer_lowered:
.L_overlay_start_2:
0xd4: {  	(tag) =	ssettag $0x2  }
0xd5: {  	s0 =	rddreg [dreg:$0x0];
	s2 =	stileid.u32  }
0xd6: {  	s1 =	rddreg [dreg:$0x1];
	p0 =	sne.s32 s2, $0x0  }
0xd7: {  	s3 =	rddreg [dreg:$0x2];
	[bflag:$0x3] =	sbarrier.arrive $0xFFFF;
	s2 =	simm.s32 @!p0 $0x1C05  }
0xd8: {  	[timem:s3], [sflag:s2] =	dma.local @!p0 [hbm:s0], s1  }
0xd9: {  	s0 =	simm.s32 @!p0 $0x5  }
0xda: {  	_ =	swait.ge @!p0 [sflag:s0], s1  }
0xdb: {  	s1 =	ssub.s32 @!p0 $0x0, s1;
	[sflag:s0] =	ssyncset.done @!p0 $0x0  }
0xdc: {  	[sflag:s0] =	ssyncadd.s32 @!p0 s1  }
0xdd: {  	[bflag:$0x3] =	sbarrier.arrive $0xFFFF  }
0xde: {  	_ =	shalt  }

// kernel: scatter_offload_async_start
scs
__scs_entry_jumppad:
0x0: {  	(pc) =	sbr.rel $0x88, $3  }
0x1: {  	(tag) =	ssettag $0x0;
	lr =	simm.s32 $0x1  }
0x2: {  	[smem:$0x3F8B] =	sst lr;
	_ =	strace $0xD0000000  }
0x3: {  	_ = 	snop  }
0x4: {  	_ = 	snop  }
0x5: {  	_ = 	snop  }
0x6: {  	_ = 	snop  }
0x7: {  	_ = 	snop  }
__scs_overlays_trampoline_lowered:
0x8: {  	[smem:$0x3F9A] =	sst s0  }
0x9: {  	[smem:$0x3F9B] =	sst s1  }
0xa: {  	[smem:$0x3F9C] =	sst s2  }
0xb: {  	[smem:$0x3F9D] =	sst s3  }
0xc: {  	[smem:$0x3F9E] =	sst s4  }
0xd: {  	[smem:$0x3F9F] =	sst s5  }
0xe: {  	[smem:$0x3FA0] =	sst s6  }
0xf: {  	[smem:$0x3FA1] =	sst s7  }
0x10: {  	[smem:$0x3FA2] =	sst s8  }
0x11: {  	[smem:$0x3FA3] =	sst s9;
	s0 =	simm.s32 @!p0 $0x0  }
0x12: {  	s1 =	sld [smem:$0x3F89];
	s0 =	simm.s32 @p0 $0x1  }
0x13: {  	[smem:$0x3FA4] =	sst s0;
	s0 =	simm.s32 @!p1 $0x0  }
0x14: {  	s2 =	sld [smem:$0x3F88];
	s0 =	simm.s32 @p1 $0x1  }
0x15: {  	[smem:$0x3FA5] =	sst s0;
	s0 =	simm.s32 @!p2 $0x0  }
0x16: {  	s3 =	sld [smem:$0x3FDB];
	s0 =	simm.s32 @p2 $0x1  }
0x17: {  	s4 =	simm.s32 $0x1BF5;
	[smem:$0x3FA7] =	sst s0  }
0x18: {  	s0 =	sld [smem:$0x3F8A];
	_ =	swait.ge [sflag:s4], $0x0  }
0x19: {  	s7 =	sld [smem:$0x3F8B]  }
0x1a: {  	s8 =	sadd.s32 $0xFFFFE003, lr  }
0x1b: {  	s9 =	sadd.s32 $0xFFFFFEF7, lr;
	s5 =	simm.s32 $0xFFFFFFFF;
	p2 =	slt.u32 s8, $0xFFFFF086  }
0x1c: {  	p1 =	slt.u32 s9, $0xF7A;
	s5 =	simm.s32 @!p2 $0x0  }
0x1d: {  	s5 =	simm.s32 @p1 $0x1;
	p0 =	seq.s32 s7, s2  }
0x1e: {  	s7 =	smul.u32 @!p0 $0xF7A, s2;
	p2 =	seq.s32 @!p0 s5, $0x0  }
0x1f: {  	s9 =	smul.u32 $0xF7A, s1;
	s8 =	simm.s32 @!p0 $0x1BF5;
	p2 =	por !p2, p0  }
0x20: {  	[sflag:s8] =	ssyncset.s32 @!p0 $0xFFFFF086;
	s6 =	sadd.s32 @!p0 s3, s7;
	s7 =	simm.s32 @!p0 $0x108  }
0x21: {  	s3 =	sadd.s32 s3, s9;
	s6 =	sadd.s32 @!p0 $0x88, s6;
	s7 =	simm.s32 @p2 $0x1082  }
0x22: {  	[simem:s7], [sflag:s8] =	dma.local @!p0 [hbm:s6], $0xF7A  }
0x23: {  	s9 =	sor.u32 $0xD0000000, s2;
	s6 =	simm.s32 $0x108;
	_ =	swait.ge @!p0 [sflag:s8], $0x0  }
0x24: {  	s3 =	sadd.s32 $0x88, s3;
	s6 =	simm.s32 @!p1 $0x1082;
	[sflag:s4] =	ssyncset.s32 $0xFFFFF086  }
0x25: {  	[simem:s6], [sflag:s4] =	dma.local [hbm:s3], $0xF7A  }
0x26: {  	[smem:$0x3F8B] =	sst s1;
	(tag) =	ssettag s2;
	_ =	strace s9  }
0x27: {  	s1 =	sld [smem:$0x3F9B]  }
0x28: {  	s2 =	sld [smem:$0x3F9C]  }
0x29: {  	s4 =	sld [smem:$0x3F9E]  }
0x2a: {  	p0 =	seq.s32 s5, $0x0;
	s5 =	sld [smem:$0x3F9F]  }
0x2b: {  	s6 =	sld [smem:$0x3FA0]  }
0x2c: {  	s7 =	sld [smem:$0x3FA1]  }
0x2d: {  	s3 =	simm.s32 $0x108;
	s8 =	sld [smem:$0x3FA2]  }
0x2e: {  	s3 =	simm.s32 @!p0 $0x1082;
	s9 =	sld [smem:$0x3FA3]  }
0x2f: {  	lr =	sadd.s32 s0, s3;
	s0 =	sld [smem:$0x3F9A]  }
0x30: {  	s3 =	sld [smem:$0x3F9D]  }
0x31: {  	[smem:$0x3FA6] =	sst s10  }
0x32: {  	s10 =	sld [smem:$0x3FA4];
	_ =	sdelay $0x3  }
0x33: {  	p0 =	seq.s32 s10, $0x1;
	s10 =	sld [smem:$0x3FA6];
	_ =	sdelay $0x3  }
0x34: {  	[smem:$0x3FA6] =	sst s10  }
0x35: {  	s10 =	sld [smem:$0x3FA5];
	_ =	sdelay $0x3  }
0x36: {  	p1 =	seq.s32 s10, $0x1;
	s10 =	sld [smem:$0x3FA6];
	_ =	sdelay $0x3  }
0x37: {  	[smem:$0x3FA6] =	sst s10  }
0x38: {  	s10 =	sld [smem:$0x3FA7]  }
0x39: {  	_ = 	snop;
	(pc) =	sbr.ind lr, $3  }
0x3a: {  	_ = 	snop  }
0x3b: {  	_ = 	snop  }
0x3c: {  	p2 =	seq.s32 s10, $0x1;
	s10 =	sld [smem:$0x3FA6]  }
0x3d: {  	_ =	shalt  }
0x3e: {  	_ =	shalt  }
0x3f: {  	_ =	shalt  }
0x40: {  	_ =	shalt  }
0x41: {  	_ =	shalt  }
0x42: {  	_ =	shalt  }
0x43: {  	_ =	shalt  }
0x44: {  	_ =	shalt  }
0x45: {  	_ =	shalt  }
0x46: {  	_ =	shalt  }
0x47: {  	_ =	shalt  }
0x48: {  	_ =	shalt  }
0x49: {  	_ =	shalt  }
0x4a: {  	_ =	shalt  }
0x4b: {  	_ =	shalt  }
0x4c: {  	_ =	shalt  }
0x4d: {  	_ =	shalt  }
0x4e: {  	_ =	shalt  }
0x4f: {  	_ =	shalt  }
0x50: {  	_ =	shalt  }
0x51: {  	_ =	shalt  }
0x52: {  	_ =	shalt  }
0x53: {  	_ =	shalt  }
0x54: {  	_ =	shalt  }
0x55: {  	_ =	shalt  }
0x56: {  	_ =	shalt  }
0x57: {  	_ =	shalt  }
0x58: {  	_ =	shalt  }
0x59: {  	_ =	shalt  }
0x5a: {  	_ =	shalt  }
0x5b: {  	_ =	shalt  }
0x5c: {  	_ =	shalt  }
0x5d: {  	_ =	shalt  }
0x5e: {  	_ =	shalt  }
0x5f: {  	_ =	shalt  }
0x60: {  	_ =	shalt  }
0x61: {  	_ =	shalt  }
0x62: {  	_ =	shalt  }
0x63: {  	_ =	shalt  }
0x64: {  	_ =	shalt  }
0x65: {  	_ =	shalt  }
0x66: {  	_ =	shalt  }
0x67: {  	_ =	shalt  }
0x68: {  	_ =	shalt  }
0x69: {  	_ =	shalt  }
0x6a: {  	_ =	shalt  }
0x6b: {  	_ =	shalt  }
0x6c: {  	_ =	shalt  }
0x6d: {  	_ =	shalt  }
0x6e: {  	_ =	shalt  }
0x6f: {  	_ =	shalt  }
0x70: {  	_ =	shalt  }
0x71: {  	_ =	shalt  }
0x72: {  	_ =	shalt  }
0x73: {  	_ =	shalt  }
0x74: {  	_ =	shalt  }
0x75: {  	_ =	shalt  }
0x76: {  	_ =	shalt  }
0x77: {  	_ =	shalt  }
0x78: {  	_ =	shalt  }
0x79: {  	_ =	shalt  }
0x7a: {  	_ =	shalt  }
0x7b: {  	_ =	shalt  }
0x7c: {  	_ =	shalt  }
0x7d: {  	_ =	shalt  }
0x7e: {  	_ =	shalt  }
0x7f: {  	_ =	shalt  }
0x80: {  	_ =	shalt  }
0x81: {  	_ =	shalt  }
0x82: {  	_ =	shalt  }
0x83: {  	_ =	shalt  }
0x84: {  	_ =	shalt  }
0x85: {  	_ =	shalt  }
0x86: {  	_ =	shalt  }
0x87: {  	_ =	shalt  }
.Lfunc_end0:
.L_simem_size_0:
called_computation_lowered:
.L_overlay_start_0:
0x88: {  	s2 =	sld [smem:$0x3FD9]  }
0x89: {  	s3 =	sld [smem:$0x3FFE];
	_ =	sdelay $0x1  }
0x8a: {  	s1 =	srdreg.scid  }
0x8b: {  	s0 =	sand.u32 $0x1, s1  }
0x8c: {  	s15 =	sshll.u32 s0, $0xA;
	s2 =	sadd.s32 s3, s2  }
0x8d: {  	s2 =	sadd.s32 s2, s15  }
0x8e: {  	[smem:$0x3FB2] =	sst s2  }
0x8f: {  	_ = 	snop  }
0x90: {  	(tm) =	ssettm $0x1  }
0x91: {  	s16 =	sld [smem:$0x3FFB];
	_ =	sdelay $0x3  }
0x92: {  	_ =	strace s16  }
0x93: {  	s2 =	sld [smem:$0x3FFC];
	_ =	sdelay $0x3  }
0x94: {  	_ =	strace s2  }
0x95: {  	s2 =	sld [smem:$0x3FFD];
	_ =	sdelay $0x3  }
0x96: {  	_ =	strace s2  }
0x97: {  	_ =	strace $0x8FFFFFFF  }
0x98: {  	s17 =	sld [smem:$0x3FDB];
	_ =	sdelay $0x1  }
0x99: {  	s18 =	simm.s32 $_scs_section_size  }
0x9a: {  	s4 =	simm.s32 $_size__tile_overlayer_lowered;
	s5 =	simm.s32 $_tile_overlayer_lowered  }
0x9b: {  	s21 =	simm.s32 $0x1BFF;
	s20 =	sshll.u32 s5, $0x1;
	s2 =	sadd.s32 s18, s17  }
0x9c: {  	s6 =	simm.s32 $0x0;
	s19 =	sshll.u32 s4, $0x1;
	s4 =	sadd.s32 s20, s2  }
0x9d: {  	[timem:s6], [sflag:s21] =	dma.local [hbm:s4], s19  }
0x9e: {  	_ =	swait.ge [sflag:s21], s19  }
0x9f: {  	s3 =	ssub.s32 $0x0, s19;
	[sflag:s21] =	ssyncset.done $0x0  }
0xa0: {  	[sflag:s21] =	ssyncadd.s32 s3;
	_ =	sdelay $0x1  }
0xa1: {  	s22 =	simm.s32 $0x1B8B  }
0xa2: {  	_ =	swait.ge [sflag:s22], $0x1  }
0xa3: {  	[sflag:s22] =	ssyncset.done $0x0  }
0xa4: {  	s23 =	sld [smem:$0x3FFE];
	[sflag:s22] =	ssyncadd.s32 $0xFFFFFFFF  }
0xa5: {  	s25 =	simm.s32 $0x1B8E;
	s24 =	sld [smem:$0x0]  }
0xa6: {  	s26 =	simm.s32 $execute0_lowered;
	[smem:$0x3FD2] =	sst s25  }
0xa7: {  	s5 =	sshll.u32 s26, $0x1;
	_ =	strace $0x80000049;
	[dreg:$0x1] =	wrdreg $0xFFFFFFFF  }
0xa8: {  	s28 =	simm.s32 $_size_execute0_lowered;
	s2 =	sadd.s32 s2, s5;
	[dreg:$0x0] =	wrdreg $0x0  }
0xa9: {  	s5 =	sshll.u32 s28, $0x1;
	[dreg:$0x2] =	wrdreg s2  }
0xaa: {  	[dreg:$0x3] =	wrdreg s5  }
0xab: {  	[dreg:$0x4] =	wrdreg $0xC0  }
0xac: {  	_ =	task [dreg:s6], $0x5FFFF  }
0xad: {  	[dreg:$0x1] =	wrdreg $0xFFFFFFFF  }
0xae: {  	[dreg:$0x0] =	wrdreg $0x60  }
0xaf: {  	[dreg:$0x2] =	wrdreg s23  }
0xb0: {  	[dreg:$0x3] =	wrdreg s1  }
0xb1: {  	[dreg:$0x4] =	wrdreg s24  }
0xb2: {  	[dreg:$0x5] =	wrdreg $0x9  }
0xb3: {  	_ =	task.clear_ibuf [dreg:s6], $0x6FFFF;
	_ =	strace $0x90000049  }
0xb4: {  	s29 =	simm.s32 $0x9;
	_ =	strace $0x8000004B  }
0xb5: {  	_ =	swait.ge [sflag:s29], $0x1  }
0xb6: {  	[sflag:s29] =	ssyncadd.s32 $0xFFFFFFFF  }
0xb7: {  	_ =	strace $0x9000004B  }
0xb8: {  	_ =	sfence  }
0xb9: {  	s30 =	sld [smem:$0x0];
	_ =	sdelay $0x2  }
0xba: {  	s31 =	sshll.u32 s1, $0xD;
	s1 =	sshrl.u32 s1, $0x2  }
0xbb: {  	s3 =	sand.u32 $0x4000, s31;
	s1 =	sadd.s32 s1, s30  }
0xbc: {  	s0 =	sor.u32 s3, s0;
	s1 =	sshll.u32 s1, $0x11  }
0xbd: {  	s0 =	sor.u32 s1, s0  }
0xbe: {  	s0 =	sadd.s32 $0x8F2B, s0  }
0xbf: {  	[sflag:s0] =	ssyncadd.remote.s32 $0x1  }
0xc0: {  	_ =	sfence.sel $0xFFFF  }
0xc1: {  	[dreg:$0x0] =	wrdreg $0xFFFFFFFF;
	(pc) =	sbr.abs _section_cstart, $3  }
0xc2: {  	[dreg:$0x1] =	wrdreg $0xFFFFFFFF  }
0xc3: {  	_ =	task.clear_ibuf [dreg:s6], $0x2FFFF;
	_ =	strace $0x9FFFFFFF  }
0xc4: {  	(tm) =	ssettm $0x7FFFFFFF  }
0xc5: {  	_ =	shalt  }
tec
execute0_lowered:
.L_overlay_start_1:
0x0: {  	(tag) =	ssettag $0x1  }
0x1: {  	s2 =	rddreg [dreg:$0x0]  }
0x2: {  	s3 =	rddreg [dreg:$0x1];
	_ =	strace $0x8000004A;
	s0 =	simm.s32 $0x1  }
0x3: {  	v0 =	vimm.s32 $0x0;
	[sflag:s0] =	ssyncpa.u1 $0x0;
	s0 =	simm.s32 $0x108  }
0x4: {  	[tilespmem:s0+$0x70] =	vst v0  }
0x5: {  	[tilespmem:s0+$0x60] =	vst v0  }
0x6: {  	[tilespmem:s0+$0x50] =	vst v0  }
0x7: {  	[tilespmem:s0+$0x40] =	vst v0  }
0x8: {  	s1 =	sadd.s32 $0x4F7E00, s2;
	[tilespmem:s0+$0x30] =	vst v0  }
0x9: {  	s15 =	sadd.s32 $0xEBBE00, s2;
	s6 =	sadd.s32 $0x9D9E00, s2;
	[tilespmem:s0+$0x20] =	vst v0  }
0xa: {  	s14 =	sadd.s32 $0xEC5C00, s2;
	s5 =	sand.u32 $0x1, s3;
	s3 =	simm.s32 $0x40;
	[tilespmem:s0+$0x10] =	vst v0  }
.LBB2_1:
0xb: {  	s3 =	sadd.s32 $0x40, s3;
	[tilespmem:s0+$0x0] =	vst v0;
	s0 =	sadd.s32 $0x80, s0  }
0xc: {  	p0 =	slt.u32 s3, $0x3C40;
	[tilespmem:s0+$0x70] =	vst v0  }
0xd: {  	[tilespmem:s0+$0x60] =	vst v0  }
.Ltmp0:
0xe: {  	[tilespmem:s0+$0x50] =	vst v0;
	(pc) =	sbr.rel @p0 .LBB2_1-.Ltmp0, $4  }
0xf: {  	[tilespmem:s0+$0x40] =	vst v0  }
0x10: {  	[tilespmem:s0+$0x30] =	vst v0  }
0x11: {  	[tilespmem:s0+$0x20] =	vst v0  }
0x12: {  	[tilespmem:s0+$0x10] =	vst v0  }
0x13: {  	s9 =	stileid.u32  }
0x14: {  	s2 =	smul.u32 $0x29, s9  }
0x15: {  	s3 =	smin.u32 s9, $0xB  }
0x16: {  	s2 =	sadd.s32 s3, s2  }
0x17: {  	p0 =	slt.u32 s9, $0xB;
	s7 =	smul.u32 $0xF0, s2;
	s2 =	simm.s32 $0x2760  }
0x18: {  	s2 =	simm.s32 @!p0 $0x2670  }
0x19: {  	s2 =	sadd.s32 s2, s7  }
0x1a: {  	s8 =	smin.u32 s2, $0x27100  }
0x1b: {  	s2 =	ssub.s32 s8, s7  }
0x1c: {  	p0 =	sgt.s32 s2, $0x0  }
0x1d: {  	s29 =	simm.s32 $0x2;
	s10 =	simm.s32 $0x9;
	s2 =	simm.s32 @!p0 $0x0  }
0x1e: {  	s4 =	simm.s32 $0xA;
	s11 =	simm.s32 $0xB;
	s28 =	smulhi.u32 $0x88888889, s2  }
0x1f: {  	[dreg:$0x4] =	wrdreg s5;
	s31 =	smul.u32 $0x4E20, s5;
	s12 =	simm.s32 $0x1  }
0x20: {  	s22 =	simm.s32 $0x0;
	s18 =	simm.s32 $0xC;
	s30 =	sshrl.u32 s28, $0x7  }
0x21: {  	s20 =	simm.s32 $0x0;
	s21 =	simm.s32 $0x0;
	s3 =	smul.u32 $0xF0, s30  }
.Ltmp1:
0x22: {  	[tilespmem:s0+$0x0] =	vst v0;
	v0 =	vimm.s32 $0xFFFFFFFF;
	[sflag:s29] =	ssyncpa.u1 $0x0;
	s16 =	sshll.u32 s9, $0x8;
	(pc) =	sbr.rel .LBB2_3-.Ltmp1, $4  }
0x23: {  	[tilespmem:$0xF208] =	vst v0;
	[sflag:s10] =	ssyncpa.u1 $0x0;
	p0 =	sne.s32 s2, s3;
	s2 =	simm.s32 $0x1  }
0x24: {  	s14 =	sadd.s32 s31, s14;
	[sflag:s4] =	ssyncpa.u1 $0x0;
	s2 =	simm.s32 @!p0 $0x0  }
0x25: {  	s15 =	sadd.s32 s31, s15;
	[sflag:s11] =	ssyncpa.u1 $0x0;
	s13 =	sadd.s32 s2, s30  }
0x26: {  	v0 =	vlaneseq.u32;
	s19 =	smov.u32 s7;
	p0 =	por $0x0, $0x0;
	s17 =	sadd.s32 $0x1, s13  }
.LBB2_18:
0x27: {  	s0 =	sshrl.u32 s31, $0x2  }
.LBB2_20:
0x28: {  	_ =	swait.ge [sflag:s18], s0  }
0x29: {  	s31 =	ssub.s32 $0x0, s0;
	v1 =	vmov s24;
	vm0 =	veq.s32 v0, $0x0;
	[sflag:s18] =	ssyncset.done $0x0  }
0x2a: {  	vm15 =	veq.s32 v0, $0x2;
	v1 =	vsel vm0, s30, v1;
	[sflag:s18] =	ssyncadd.s32 s31  }
0x2b: {  	v1 =	vsel vm15, s22, v1;
	[sflag:s18] =	ssyncpa.u1 $0x1  }
0x2c: {  	[tilespmem:$0xF208] =	vst v1  }
.LBB2_21:
0x2d: {  	s0 =	sadd.s32 $0xF0, s19  }
0x2e: {  	s2 =	smov.u32 s7;
	p1 =	slt.s32 s0, s8  }
0x2f: {  	s2 =	smov.u32 @p1 s0;
	p1 =	sne.s32 s21, s17  }
.Ltmp2:
0x30: {  	_ = 	snop;
	(pc) =	sbr.rel @!p1 .LBB2_22-.Ltmp2, $3  }
0x31: {  	_ =	sdelay $0x1  }
0x32: {  	s22 =	smov.u32 s20;
	s31 =	sadd.s32 $0x1, s21;
	s20 =	smov.u32 s19  }
0x33: {  	p0 =	por !p0, !p0;
	s21 =	smov.u32 s31;
	s19 =	smov.u32 s2  }
.LBB2_3:
0x34: {  	p1 =	sge.u32 s21, s13  }
0x35: {  	s0 =	smulhi.u32 @!p1 $0xAAAAAAAB, s21  }
0x36: {  	s2 =	smov.u32 s19;
	p2 =	sgt.s32 @!p1 s19, $0x27010  }
0x37: {  	s3 =	sshra.s32 @!p1 s19, $0x1F;
	p2 =	por !p2, p1;
	s0 =	sshrl.u32 @!p1 s0, $0x1  }
0x38: {  	s3 =	sand.u32 @!p1 s3, s19;
	s2 =	simm.s32 @p2 $0x27010;
	s0 =	smul.u32 @!p1 $0x3, s0  }
0x39: {  	s2 =	ssub.s32 @!p1 s2, s3  }
0x3a: {  	s2 =	sadd.s32 @!p1 $0xFFFD8FF0, s2;
	s0 =	ssub.s32 @!p1 s21, s0  }
0x3b: {  	s3 =	sshll.u32 @!p1 s2, $0x2;
	p2 =	sgt.s32 @!p1 s2, $0xEF;
	s0 =	smul.u32 @!p1 $0x3C0, s0  }
0x3c: {  	s4 =	sand.u32 @!p1 $0x7, s19;
	s2 =	ssub.s32 @!p1 $0x3C0, s3;
	p2 =	por !p2, p1  }
0x3d: {  	s3 =	sshrl.u32 @!p1 s19, $0x3;
	s2 =	sshrl.u32 @!p1 s2, $0x2;
	s0 =	sshrl.u32 @!p1 s0, $0x2  }
0x3e: {  	s3 =	sadd.s32 @!p1 s3, s14;
	s2 =	simm.s32 @!p2 $0x0;
	s0 =	sadd.s32 @!p1 $0x10248, s0  }
0x3f: {  	[tilespmem:s0], [sflag:$0xA] =	stream.linear.gather @!p1 [hbm4b:s3+s4], s2, $0x38;
	[tilespmem:$0x1F6F8] =	vst v63  }
0x40: {  	s0 =	sadd.s32 $0xFFFFFFFF, s21  }
0x41: {  	p1 =	sge.u32 s0, s13  }
0x42: {  	p2 =	sgt.s32 @!p1 s20, $0x27010  }
0x43: {  	s2 =	smov.u32 s20;
	s3 =	sshra.s32 @!p1 s20, $0x1F;
	p2 =	por !p2, p1  }
0x44: {  	s3 =	sand.u32 @!p1 s3, s20;
	s2 =	simm.s32 @p2 $0x27010  }
0x45: {  	s2 =	ssub.s32 @!p1 s2, s3  }
0x46: {  	s2 =	sadd.s32 @!p1 $0xFFFD8FF0, s2  }
0x47: {  	s4 =	sand.u32 @!p1 $0x1, s0;
	s3 =	sshll.u32 @!p1 s2, $0x2  }
0x48: {  	p2 =	sgt.s32 @!p1 s2, $0xEF;
	s2 =	ssub.s32 @!p1 $0x3C0, s3;
	s3 =	smulhi.u32 @!p1 $0xAAAAAAAB, s0  }
0x49: {  	s23 =	smul.u32 @!p1 $0x3C0, s4;
	p2 =	por !p2, p1;
	s2 =	sshrl.u32 @!p1 s2, $0x2  }
0x4a: {  	s5 =	simm.s32 @!p1 $0xA;
	s2 =	simm.s32 @!p2 $0x0;
	s3 =	sshrl.u32 @!p1 s3, $0x1  }
0x4b: {  	s23 =	sshrl.u32 @!p1 s23, $0x2;
	_ =	swait.ge @!p1 [sflag:s5], s2;
	s3 =	smul.u32 @!p1 $0x3, s3  }
0x4c: {  	s23 =	sadd.s32 @!p1 $0x10518, s23;
	s24 =	ssub.s32 @!p1 $0x0, s2;
	[sflag:s5] =	ssyncset.done @!p1 $0x0  }
0x4d: {  	[sflag:s5] =	ssyncadd.s32 @!p1 s24;
	s5 =	sshrl.u32 @!p1 s20, $0x3;
	s0 =	ssub.s32 @!p1 s0, s3  }
0x4e: {  	s24 =	sand.u32 @!p1 $0x7, s20;
	s5 =	sadd.s32 @!p1 s5, s15;
	s0 =	smul.u32 @!p1 $0x3C0, s0  }
0x4f: {  	[tilespmem:s23], [sflag:$0xB] =	stream.linear.gather @!p1 [hbm4b:s5+s24], s2, $0x38;
	[tilespmem:$0x1F6F8] =	vst v63  }
0x50: {  	s3 =	ssub.s32 @!p1 $0x27100, s20;
	s2 =	smul.u32 @!p1 $0x1E000, s4  }
0x51: {  	p2 =	slt.s32 @!p1 s3, $0xF0  }
0x52: {  	p2 =	por !p2, p1;
	s0 =	sshrl.u32 @!p1 s0, $0x2;
	s2 =	sshrl.u32 @!p1 s2, $0x2  }
0x53: {  	s3 =	simm.s32 @p2 $0xF0;
	s0 =	sadd.s32 @!p1 $0x10248, s0;
	s2 =	sor.u32 @!p1 $0x106F8, s2  }
0x54: {  	[tilespmem:s2], [sflag:$0x9] =	stream.indirect.gather @!p1 [hbm4b:s6+s3], $0x80, s0, s3, $0xb8;
	[tilespmem:$0x1F6F8] =	vst v63  }
0x55: {  	p1 =	slt.u32 s21, $0x2  }
.Ltmp3:
0x56: {  	_ = 	snop;
	(pc) =	sbr.rel @p1 .LBB2_21-.Ltmp3, $1  }
0x57: {  	_ =	sdelay $0x3  }
0x58: {  	p1 =	sgt.s32 s22, $0x27010  }
0x59: {  	s0 =	smov.u32 s22;
	s2 =	sshra.s32 s22, $0x1F;
	s3 =	ssub.s32 $0x27100, s22  }
0x5a: {  	s0 =	simm.s32 @!p1 $0x27010;
	s2 =	sand.u32 s2, s22;
	p1 =	slt.s32 s3, $0xF0  }
0x5b: {  	s0 =	ssub.s32 s0, s2;
	s3 =	simm.s32 @!p1 $0xF0  }
0x5c: {  	s0 =	sadd.s32 $0xFFFD8FF0, s0;
	s25 =	sshll.u32 s3, $0x7  }
0x5d: {  	s26 =	sshll.u32 s0, $0x2;
	s2 =	sand.u32 $0x3FFFFF80, s25  }
0x5e: {  	p1 =	sgt.s32 s0, $0xEF;
	s29 =	ssub.s32 $0x3C0, s26;
	_ =	swait.ge [sflag:s10], s2  }
0x5f: {  	s2 =	ssub.s32 $0x0, s2;
	[sflag:s10] =	ssyncset.done $0x0;
	s0 =	sshrl.u32 s29, $0x2  }
0x60: {  	[sflag:s10] =	ssyncadd.s32 s2;
	s0 =	simm.s32 @p1 $0x0  }
0x61: {  	_ =	swait.ge [sflag:s11], s0  }
0x62: {  	s0 =	ssub.s32 $0x0, s0;
	[sflag:s11] =	ssyncset.done $0x0  }
0x63: {  	[sflag:s11] =	ssyncadd.s32 s0  }
0x64: {  	v1 =	vld [tilespmem:$0xF208];
	_ =	sdelay $0x4  }
0x65: {  	(v2sf) =	vpush v1, $0x0  }
0x66: {  	(v2sf) =	vpush v1, $0x1  }
0x67: {  	(v2sf) =	vpush v1, $0x2;
	_ =	sdelay $0x3  }
0x68: {  	s0 =	sadd.s32 $0xF0, s22  }
0x69: {  	s2 =	ssub.s32 $0x4E200, s22;
	p1 =	slt.s32 s8, s0  }
0x6a: {  	s0 =	smov.u32 @p1 s8;
	p1 =	sgt.s32 s2, $0x0  }
0x6b: {  	s26 =	ssub.s32 s0, s22;
	s2 =	simm.s32 @!p1 $0x0  }
0x6c: {  	p1 =	slt.s32 s2, s26  }
0x6d: {  	s26 =	smov.u32 @p1 s2  }
0x6e: {  	s25 =	simm.s32 $0x1;
	p1 =	slt.s32 s26, $0x1  }
.Ltmp4:
0x6f: {  	s25 =	simm.s32 @!p0 $0x0;
	(pc) =	sbr.rel @p1 .LBB2_8-.Ltmp4, $4  }
0x70: {  	s31 =	smul.u32 $0x3C0, s25  }
0x71: {  	s28 =	spop (v2sf)  }
0x72: {  	s0 =	sshrl.u32 s31, $0x2;
	s30 =	spop (v2sf)  }
0x73: {  	s23 =	sadd.s32 $0x10518, s0;
	s22 =	spop (v2sf)  }
0x74: {  	s0 =	smin.u32 s26, $0x10  }
0x75: {  	v1 =	vmov s0  }
0x76: {  	p2 =	sgt.s32 s26, $0x10;
	vm1 =	vgt.u32 v1, v0  }
.Ltmp5:
0x77: {  	_ = 	snop;
	(pc) =	sbr.rel @!p2 .LBB2_7-.Ltmp5, $2  }
0x78: {  	_ =	sdelay $0x2  }
0x79: {  	s4 =	simm.s32 $0x10;
	s24 =	sadd.s32 $0xFFFFFFF0, s26;
	s0 =	smov.u32 s23;
	vm0 =	vmmov vm1  }
.LBB2_6:
0x7a: {  	s2 =	smin.u32 s24, $0x10;
	s4 =	sadd.s32 $0x10, s4;
	v1 =	vld.msk [tilespmem:s0+$0x0 ss:$0x1], vm1  }
0x7b: {  	v2 =	vmov s2;
	p2 =	slt.s32 s4, s26  }
0x7c: {  	vm1 =	vgt.u32 v2, v0  }
.Ltmp6:
0x7d: {  	(pc) =	sbr.rel @p2 .LBB2_6-.Ltmp6, $3  }
0x7e: {  	_ =	sdelay $0x1  }
0x7f: {  	v1 =	vshll.u32 v1, $0x4  }
0x80: {  	s24 =	sadd.s32 $0xFFFFFFF0, s24;
	[tilespmem:s0+$0x0] =	vst.msk vm0, v1;
	s0 =	sadd.s32 $0x10, s0;
	vm0 =	vmmov vm1  }
.LBB2_7:
0x81: {  	_ =	sdelay $0x4  }
0x82: {  	v1 =	vld.msk [tilespmem:s0+$0x0 ss:$0x1], vm1;
	_ =	sdelay $0x4  }
0x83: {  	v1 =	vshll.u32 v1, $0x4  }
0x84: {  	[tilespmem:s0+$0x0] =	vst.msk vm0, v1  }
.LBB2_8:
0x85: {  	s0 =	sand.u32 $0x1, s21  }
0x86: {  	s0 =	smul.u32 $0xF0, s0  }
0x87: {  	p2 =	sne.s32 s30, $0xFFFFFFFF  }
0x88: {  	v1 =	vld.msk @!p2 [tilespmem:s0+$0x10518], $0x1;
	_ =	sdelay $0x4  }
0x89: {  	(v2sf) =	vpush @!p2 v1, $0x0;
	_ =	sdelay $0xc  }
.Ltmp7:
0x8a: {  	_ = 	snop;
	(pc) =	sbr.rel @p1 .LBB2_19-.Ltmp7, $4  }
0x8b: {  	_ = 	snop  }
0x8c: {  	s29 =	spop @!p2 (v2sf)  }
0x8d: {  	s22 =	simm.s32 @!p2 $0x0;
	s24 =	smov.u32 s29  }
0x8e: {  	[sflag:s18] =	ssyncpa.u1 $0x0;
	s29 =	smov.u32 @p2 s28;
	s24 =	smov.u32 @p2 s30  }
0x8f: {  	v1 =	vld.msk [tilespmem:s23+$0x0], $0x1;
	_ =	sdelay $0x4  }
0x90: {  	(v2sf) =	vpush v1, $0x0;
	_ =	sdelay $0xe  }
0x91: {  	s2 =	smul.u32 $0x1E000, s25;
	s0 =	spop (v2sf)  }
0x92: {  	s26 =	ssub.s32 $0x0, s26;
	p1 =	seq.s32 s29, s0  }
0x93: {  	s30 =	sadd.s32 $0x1, s26;
	s2 =	sshrl.u32 s2, $0x2;
	p2 =	sgt.s32 @!p1 s29, $0x0  }
0x94: {  	s25 =	sor.u32 $0x10738, s2;
	s2 =	smov.u32 s29;
	p2 =	por !p2, p1  }
0x95: {  	s2 =	simm.s32 @p2 $0x0;
	p2 =	seq.s32 s30, $0x0  }
.Ltmp8:
0x96: {  	_ = 	snop;
	(pc) =	sbr.rel @p2 .LBB2_11-.Ltmp8, $4  }
0x97: {  	_ = 	snop  }
0x98: {  	s28 =	simm.s32 $0x0;
	s31 =	sadd.s32 $0x1, s23;
	s2 =	smin.u32 @!p1 s2, $0x270F0  }
0x99: {  	s4 =	simm.s32 @!p1 $0x1;
	s5 =	simm.s32 @!p1 $0x7988;
	s3 =	sand.u32 @!p1 $0x3FFF8, s2  }
0x9a: {  	s4 =	smov.u32 @p1 s28;
	s2 =	sand.u32 @!p1 $0x7, s2;
	s3 =	sadd.s32 @!p1 s1, s3  }
.LBB2_10:
0x9b: {  	s9 =	smov.u32 s4  }
0x9c: {  	[tilespmem:s5], [sflag:$0x2] =	stream.linear.gather @!p1 [hbm4b:s3+s2], $0x80, $0x38;
	[tilespmem:$0x1F6F8] =	vst v63  }
0x9d: {  	s30 =	sadd.s32 $0x1, s30;
	s2 =	smov.u32 s0;
	v1 =	vld.msk [tilespmem:s31+$0x0], $0x1  }
0x9e: {  	p2 =	seq.s32 s30, $0x0;
	_ =	sdelay $0x3  }
0x9f: {  	(v2sf) =	vpush v1, $0x0;
	_ =	sdelay $0xe  }
0xa0: {  	s0 =	spop (v2sf)  }
0xa1: {  	p1 =	seq.s32 s2, s0  }
0xa2: {  	p3 =	sgt.s32 @!p1 s2, $0x0;
	s3 =	sshll.u32 @!p1 s4, $0x9;
	s4 =	sadd.s32 @!p1 $0x1, s4  }
.Ltmp9:
0xa3: {  	p3 =	por !p3, p1;
	s3 =	sshra.s32 @!p1 s3, $0x2;
	(pc) =	sbr.rel @!p2 .LBB2_10-.Ltmp9, $4  }
0xa4: {  	s4 =	smov.u32 @p1 s9;
	s2 =	simm.s32 @p3 $0x0;
	s5 =	sadd.s32 @!p1 $0x7988, s3  }
0xa5: {  	s2 =	smin.u32 @!p1 s2, $0x270F0  }
0xa6: {  	s3 =	sand.u32 @!p1 $0x3FFF8, s2;
	s2 =	sand.u32 @!p1 $0x7, s2  }
0xa7: {  	s31 =	sadd.s32 $0x1, s31;
	s3 =	sadd.s32 @!p1 s1, s3  }
.LBB2_11:
0xa8: {  	[tilespmem:s5], [sflag:$0x2] =	stream.linear.gather @!p1 [hbm4b:s3+s2], $0x80, $0x38;
	[tilespmem:$0x1F6F8] =	vst v63  }
.Ltmp10:
0xa9: {  	s0 =	sshll.u32 s4, $0x7;
	(pc) =	sbr.rel .LBB2_12-.Ltmp10, $4  }
0xaa: {  	s30 =	simm.s32 $0x2;
	s0 =	sand.u32 $0x3FFFFF80, s0  }
0xab: {  	_ =	swait.ge [sflag:s30], s0  }
0xac: {  	s0 =	ssub.s32 $0x0, s0;
	[sflag:s30] =	ssyncset.done $0x0  }
0xad: {  	s31 =	simm.s32 $0x0;
	[sflag:s30] =	ssyncadd.s32 s0  }
.LBB2_13:
0xae: {  	v1 =	vld [tilespmem:s25+$0xFFFFFFC0];
	_ =	sdelay $0x3  }
0xaf: {  	s0 =	sshra.s32 s0, $0x2  }
0xb0: {  	[tilespmem:s0+$0x108] =	vst.add.f32.msk $0xffff, v1  }
0xb1: {  	v1 =	vld [tilespmem:s25+$0xFFFFFFD0];
	_ =	sdelay $0x4  }
0xb2: {  	[tilespmem:s0+$0x118] =	vst.add.f32.msk $0xffff, v1  }
0xb3: {  	v1 =	vld [tilespmem:s25+$0xFFFFFFE0];
	_ =	sdelay $0x4  }
0xb4: {  	[tilespmem:s0+$0x128] =	vst.add.f32.msk $0xffff, v1  }
0xb5: {  	v1 =	vld [tilespmem:s25+$0xFFFFFFF0];
	_ =	sdelay $0x4  }
0xb6: {  	[tilespmem:s0+$0x138] =	vst.add.f32.msk $0xffff, v1  }
0xb7: {  	v1 =	vld [tilespmem:s25+$0x0];
	_ =	sdelay $0x4  }
0xb8: {  	[tilespmem:s0+$0x148] =	vst.add.f32.msk $0xffff, v1  }
0xb9: {  	v1 =	vld [tilespmem:s25+$0x10];
	_ =	sdelay $0x4  }
0xba: {  	[tilespmem:s0+$0x158] =	vst.add.f32.msk $0xffff, v1  }
0xbb: {  	v1 =	vld [tilespmem:s25+$0x20];
	_ =	sdelay $0x4  }
0xbc: {  	[tilespmem:s0+$0x168] =	vst.add.f32.msk $0xffff, v1  }
0xbd: {  	v1 =	vld [tilespmem:s25+$0x30];
	_ =	sdelay $0x4  }
0xbe: {  	[tilespmem:s0+$0x178] =	vst.add.f32.msk $0xffff, v1  }
.LBB2_17:
0xbf: {  	s26 =	sadd.s32 $0x1, s26  }
0xc0: {  	p1 =	seq.s32 s26, $0x0  }
.Ltmp11:
0xc1: {  	_ = 	snop;
	(pc) =	sbr.rel @p1 .LBB2_18-.Ltmp11, $2  }
0xc2: {  	_ =	sdelay $0x2  }
0xc3: {  	s23 =	sadd.s32 $0x1, s23;
	s25 =	sadd.s32 $0x80, s25;
	s29 =	smov.u32 s30  }
.LBB2_12:
0xc4: {  	v1 =	vld.msk [tilespmem:s23+$0x0], $0x1;
	_ =	sdelay $0x4  }
0xc5: {  	(v2sf) =	vpush v1, $0x0;
	_ =	sdelay $0xe  }
0xc6: {  	s30 =	spop (v2sf)  }
0xc7: {  	p1 =	sne.s32 s29, s30  }
.Ltmp12:
0xc8: {  	_ = 	snop;
	(pc) =	sbr.rel @!p1 .LBB2_13-.Ltmp12, $2  }
0xc9: {  	_ =	sdelay $0x2  }
0xca: {  	s0 =	sshll.u32 s22, $0x9  }
0xcb: {  	p1 =	seq.s32 s29, s24  }
.Ltmp13:
0xcc: {  	_ = 	snop;
	(pc) =	sbr.rel @!p1 .LBB2_15-.Ltmp13, $1  }
0xcd: {  	_ =	sdelay $0x3  }
0xce: {  	s0 =	sshra.s32 s0, $0x2  }
.Ltmp14:
0xcf: {  	s0 =	sadd.s32 $0x108, s0;
	(pc) =	sbr.rel .LBB2_16-.Ltmp14, $4  }
0xd0: {  	[spmem:s16] =	stream.linear.scatter [tilespmem:s0], [sflag:$0x1], $0x80, $0x38;
	[tilespmem:$0x1F6F8] =	vst v63  }
0xd1: {  	_ =	swait.ge [sflag:s12], $0x80  }
0xd2: {  	[sflag:s12] =	ssyncset.done $0x0  }
0xd3: {  	[sflag:s12] =	ssyncadd.s32 $0xFFFFFF80  }
.LBB2_15:
0xd4: {  	s2 =	sshll.u32 s28, $0x9  }
0xd5: {  	s2 =	sshra.s32 s2, $0x2  }
0xd6: {  	v1 =	vld [tilespmem:s2+$0x7988];
	_ =	sdelay $0x3  }
0xd7: {  	s0 =	sshra.s32 s0, $0x2  }
0xd8: {  	[tilespmem:s0+$0x108] =	vst.add.f32.msk $0xffff, v1  }
0xd9: {  	v1 =	vld [tilespmem:s2+$0x7998];
	_ =	sdelay $0x4  }
0xda: {  	[tilespmem:s0+$0x118] =	vst.add.f32.msk $0xffff, v1  }
0xdb: {  	v1 =	vld [tilespmem:s2+$0x79A8];
	_ =	sdelay $0x4  }
0xdc: {  	[tilespmem:s0+$0x128] =	vst.add.f32.msk $0xffff, v1  }
0xdd: {  	v1 =	vld [tilespmem:s2+$0x79B8];
	_ =	sdelay $0x4  }
0xde: {  	[tilespmem:s0+$0x138] =	vst.add.f32.msk $0xffff, v1  }
0xdf: {  	v1 =	vld [tilespmem:s2+$0x79C8];
	_ =	sdelay $0x4  }
0xe0: {  	[tilespmem:s0+$0x148] =	vst.add.f32.msk $0xffff, v1  }
0xe1: {  	v1 =	vld [tilespmem:s2+$0x79D8];
	_ =	sdelay $0x4  }
0xe2: {  	[tilespmem:s0+$0x158] =	vst.add.f32.msk $0xffff, v1  }
0xe3: {  	v1 =	vld [tilespmem:s2+$0x79E8];
	_ =	sdelay $0x4  }
0xe4: {  	[tilespmem:s0+$0x168] =	vst.add.f32.msk $0xffff, v1  }
0xe5: {  	v1 =	vld [tilespmem:s2+$0x79F8];
	_ =	sdelay $0x2  }
0xe6: {  	p1 =	sgt.u32 s29, $0x270F0  }
0xe7: {  	s2 =	sand.u32 @!p1 $0x3FFF8, s29  }
0xe8: {  	s3 =	sadd.s32 $0x108, s0;
	[tilespmem:s0+$0x178] =	vst.add.f32.msk $0xffff, v1;
	s0 =	sadd.s32 @!p1 s1, s2;
	s2 =	sand.u32 @!p1 $0x7, s29  }
0xe9: {  	[hbm4b:s0+s2] =	stream.linear.scatter @!p1 [tilespmem:s3], [sflag:$0xC], $0x80, $0x38;
	[tilespmem:$0x1F6F8] =	vst v63  }
0xea: {  	s0 =	simm.s32 $0x0  }
0xeb: {  	s0 =	simm.s32 @!p1 $0x200  }
0xec: {  	s31 =	sadd.s32 s0, s31  }
.LBB2_16:
0xed: {  	s0 =	sadd.s32 $0x1, s22  }
0xee: {  	s2 =	smulhi.u32 $0x88888889, s0;
	_ =	sdelay $0x1  }
0xef: {  	v1 =	vld [tilespmem:s25+$0xFFFFFFC0];
	s2 =	sshrl.u32 s2, $0x7  }
0xf0: {  	s2 =	smul.u32 $0xF0, s2;
	_ =	sdelay $0x1  }
0xf1: {  	s22 =	ssub.s32 s0, s2  }
0xf2: {  	s0 =	sshll.u32 s22, $0x7  }
0xf3: {  	[tilespmem:s0+$0x108] =	vst v1  }
0xf4: {  	v1 =	vld [tilespmem:s25+$0xFFFFFFD0];
	_ =	sdelay $0x4  }
0xf5: {  	[tilespmem:s0+$0x118] =	vst v1  }
0xf6: {  	v1 =	vld [tilespmem:s25+$0xFFFFFFE0];
	_ =	sdelay $0x4  }
0xf7: {  	[tilespmem:s0+$0x128] =	vst v1  }
0xf8: {  	v1 =	vld [tilespmem:s25+$0xFFFFFFF0];
	_ =	sdelay $0x4  }
0xf9: {  	[tilespmem:s0+$0x138] =	vst v1  }
0xfa: {  	v1 =	vld [tilespmem:s25+$0x0];
	_ =	sdelay $0x4  }
0xfb: {  	[tilespmem:s0+$0x148] =	vst v1  }
0xfc: {  	v1 =	vld [tilespmem:s25+$0x10];
	_ =	sdelay $0x4  }
0xfd: {  	[tilespmem:s0+$0x158] =	vst v1  }
0xfe: {  	v1 =	vld [tilespmem:s25+$0x20];
	_ =	sdelay $0x4  }
0xff: {  	[tilespmem:s0+$0x168] =	vst v1  }
0x100: {  	v1 =	vld [tilespmem:s25+$0x30]  }
.Ltmp15:
0x101: {  	_ = 	snop;
	(pc) =	sbr.rel .LBB2_17-.Ltmp15, $2  }
0x102: {  	_ =	sdelay $0x2  }
0x103: {  	s28 =	sadd.s32 $0x1, s28;
	[tilespmem:s0+$0x178] =	vst v1  }
.LBB2_19:
.Ltmp16:
0x104: {  	(pc) =	sbr.rel .LBB2_20-.Ltmp16, $4  }
0x105: {  	_ = 	snop  }
0x106: {  	s0 =	simm.s32 $0x2  }
0x107: {  	_ =	swait.ge [sflag:s0], $0x0  }
0x108: {  	s30 =	smov.u32 s29;
	[sflag:s0] =	ssyncset.done $0x0;
	s0 =	simm.s32 $0x0  }
.LBB2_22:
0x109: {  	_ =	sfence.sel $0x180000  }
0x10a: {  	s0 =	simm.s32 $0x9;
	[bflag:$0x0] =	sbarrier.arrive $0xFFFF  }
0x10b: {  	s24 =	simm.s32 $0xA;
	[sflag:s0] =	ssyncpa.u1 $0x1  }
0x10c: {  	s25 =	simm.s32 $0xB;
	[sflag:s24] =	ssyncpa.u1 $0x1  }
0x10d: {  	s26 =	simm.s32 $0x2;
	[sflag:s25] =	ssyncpa.u1 $0x1  }
0x10e: {  	[sflag:s26] =	ssyncpa.u1 $0x1  }
0x10f: {  	v0 =	vld [tilespmem:$0xF208];
	_ =	sdelay $0x4  }
0x110: {  	(v2sf) =	vpush v0, $0x0  }
0x111: {  	(v2sf) =	vpush v0, $0x1;
	_ =	sdelay $0x1  }
0x112: {  	(v2sf) =	vpush v0, $0x2;
	_ =	sdelay $0xb  }
0x113: {  	s0 =	spop (v2sf)  }
0x114: {  	s2 =	spop (v2sf)  }
0x115: {  	s3 =	smov.u32 s0;
	p0 =	sne.s32 s0, s2  }
0x116: {  	s4 =	spop (v2sf);
	s3 =	simm.s32 @!p0 $0xFFFFFFFF  }
0x117: {  	v2 =	vimm.s32 $0x1;
	v3 =	vlaneseq.u32;
	p0 =	seq.s32 s4, $0xFFFFFFFF;
	v1 =	vmov s3  }
0x118: {  	s16 =	stileid.u32;
	v0 =	vperm.xlane v0, v2;
	p1 =	sne.s32 @!p0 s0, s2;
	v1 =	vperm.xlane v1, v3  }
0x119: {  	vm0 =	vcmask $0x3F04;
	s6 =	simm.s32 $0xF208;
	s0 =	simm.s32 @!p0 $0x1;
	p1 =	por !p1, p0  }
0x11a: {  	s3 =	sshll.u32 s16, $0x1;
	s2 =	sshll.u32 @!p0 s4, $0x9;
	s0 =	simm.s32 @p1 $0x0;
	v0 =	vsel vm0, v1, v0  }
0x11b: {  	s5 =	sor.u32 $0x1000, s3;
	s2 =	sshra.s32 @!p0 s2, $0x2;
	s0 =	sor.u32 @!p0 s0, s3;
	[tilespmem:$0xF208] =	vst v0  }
0x11c: {  	[spmem:s5] =	stream.linear.scatter [tilespmem:s6], [sflag:$0x1], $0x2, $0x38;
	[tilespmem:$0x1F6F8] =	vst v63  }
0x11d: {  	s2 =	sadd.s32 @!p0 $0x108, s2;
	s0 =	sshll.u32 @!p0 s0, $0x7  }
0x11e: {  	[spmem:s0] =	stream.linear.scatter @!p0 [tilespmem:s2], [sflag:$0x1], $0x80, $0x38;
	[tilespmem:$0x1F6F8] =	vst v63  }
0x11f: {  	s0 =	simm.s32 @!p0 $0x82  }
0x120: {  	s28 =	simm.s32 $0x1;
	s0 =	simm.s32 @p0 $0x2  }
0x121: {  	_ =	swait.ge [sflag:s28], s0  }
0x122: {  	s0 =	ssub.s32 $0x0, s0;
	[sflag:s28] =	ssyncset.done $0x0  }
0x123: {  	p0 =	sne.s32 s16, $0x0;
	[sflag:s28] =	ssyncadd.s32 s0  }
.Ltmp17:
0x124: {  	_ =	sfence.stream.spmem;
	(pc) =	sbr.rel @p0 .LBB2_39-.Ltmp17, $4  }
0x125: {  	s29 =	simm.s32 $0x3;
	[bflag:$0x0] =	sbarrier.arrive $0xFFFF  }
0x126: {  	s30 =	simm.s32 $0x4;
	[sflag:s29] =	ssyncpa.u1 $0x1  }
0x127: {  	s31 =	simm.s32 $0x3C;
	[sflag:s30] =	ssyncpa.u1 $0x1  }
0x128: {  	s15 =	rddreg [dreg:$0x4];
	[sflag:s31] =	ssyncpa.u1 $0x1  }
0x129: {  	_ =	sfence.stream.spmem;
	s0 =	simm.s32 $0x5  }
0x12a: {  	s2 =	simm.s32 $0x1000;
	s3 =	simm.s32 $0xF218;
	[sflag:s0] =	ssyncpa.u1 $0x0  }
0x12b: {  	[tilespmem:s3], [sflag:$0x5] =	stream.linear.gather [spmem:s2], $0x20, $0x38;
	[tilespmem:$0x1F6F8] =	vst v63  }
0x12c: {  	s26 =	simm.s32 $0x0;
	s28 =	simm.s32 $0xF238  }
0x12d: {  	[tilespmem:s28], [sflag:$0x5] =	stream.linear.gather [spmem:s26], $0x1000, $0x38;
	[tilespmem:$0x1F6F8] =	vst v63  }
0x12e: {  	_ =	swait.ge [sflag:s0], $0x1020  }
0x12f: {  	[sflag:s0] =	ssyncset.done $0x0  }
0x130: {  	s29 =	simm.s32 $0x0;
	[sflag:s0] =	ssyncadd.s32 $0xFFFFEFE0  }
0x131: {  	v0 =	vld.msk [tilespmem:s29+$0xF218], $0x1;
	_ =	sdelay $0x1  }
0x132: {  	s30 =	simm.s32 $0x1  }
0x133: {  	v1 =	vld.msk [tilespmem:s30+$0xF218], $0x1;
	_ =	sdelay $0x1  }
0x134: {  	(v2sf) =	vpush v0, $0x0;
	_ =	sdelay $0x2  }
0x135: {  	(v2sf) =	vpush v1, $0x0;
	_ =	sdelay $0x2  }
0x136: {  	s31 =	simm.s32 $0x2  }
0x137: {  	v0 =	vld.msk [tilespmem:s31+$0xF218], $0x1;
	_ =	sdelay $0x2  }
0x138: {  	s4 =	simm.s32 $0xFFFFFFFF;
	s5 =	simm.s32 $0xFFFFFFFF;
	s0 =	simm.s32 $0xC  }
.LBB2_24:
0x139: {  	s2 =	smov.u32 s5;
	s3 =	smov.u32 s4  }
0x13a: {  	s4 =	sshra.s32 s0, $0x2;
	p1 =	sne.s32 s0, $0x7C;
	s0 =	sadd.s32 $0x4, s0;
	(v2sf) =	vpush v0, $0x0  }
0x13b: {  	v0 =	vld.msk [tilespmem:s4+$0xF218], $0x1  }
.Ltmp18:
0x13c: {  	(pc) =	sbr.rel @p1 .LBB2_24-.Ltmp18, $4  }
0x13d: {  	s5 =	spop (v2sf)  }
0x13e: {  	p2 =	sne.s32 s3, $0xFFFFFFFF;
	s4 =	smov.u32 s5  }
0x13f: {  	p3 =	seq.s32 s5, $0xFFFFFFFF;
	s4 =	smov.u32 @p2 s3  }
0x140: {  	s5 =	smov.u32 @p3 s2;
	s4 =	smov.u32 @p3 s3  }
0x141: {  	(v2sf) =	vpush v0, $0x0;
	_ =	sdelay $0x8  }
0x142: {  	s0 =	spop (v2sf)  }
0x143: {  	p1 =	sne.s32 s4, $0xFFFFFFFF;
	s2 =	smov.u32 s0  }
0x144: {  	s9 =	simm.s32 $0x6;
	p2 =	seq.s32 s0, $0xFFFFFFFF;
	s2 =	smov.u32 @p1 s4  }
0x145: {  	s6 =	simm.s32 $0x0;
	s2 =	smov.u32 @p2 s4;
	s3 =	spop (v2sf)  }
0x146: {  	s0 =	smov.u32 @p2 s5;
	p1 =	sne.s32 s2, $0xFFFFFFFF;
	s4 =	smov.u32 s3  }
.Ltmp19:
0x147: {  	p2 =	seq.s32 s3, $0xFFFFFFFF;
	s4 =	smov.u32 @p1 s2;
	(pc) =	sbr.rel .LBB2_26-.Ltmp19, $4  }
0x148: {  	s10 =	simm.s32 $0xF188;
	s4 =	smov.u32 @p2 s2;
	s7 =	spop (v2sf)  }
0x149: {  	s11 =	simm.s32 $0x0;
	p1 =	sne.s32 s4, $0xFFFFFFFF;
	s8 =	smov.u32 s7  }
0x14a: {  	s3 =	smov.u32 @p2 s0;
	p2 =	seq.s32 s7, $0xFFFFFFFF;
	s8 =	smov.u32 @p1 s4  }
0x14b: {  	[sflag:s9] =	ssyncpa.u1 $0x0;
	s7 =	smov.u32 @p2 s3;
	s8 =	smov.u32 @p2 s4  }
.LBB2_32:
0x14c: {  	p1 =	sgt.u32 s12, $0x270F0  }
0x14d: {  	p2 =	seq.s32 @!p1 s12, s8  }
0x14e: {  	p1 =	por p1, p2  }
0x14f: {  	p2 =	sne.s32 @!p1 s12, s7  }
0x150: {  	p1 =	por p1, !p2  }
0x151: {  	s0 =	sshll.u32 @p1 s11, $0x9  }
0x152: {  	s0 =	sand.u32 @!p1 $0x3FFF8, s12  }
0x153: {  	s2 =	sand.u32 @!p1 $0x7, s12;
	s0 =	sadd.s32 @!p1 s1, s0  }
0x154: {  	[tilespmem:s10], [sflag:$0x6] =	stream.linear.gather @!p1 [hbm4b:s0+s2], $0x80, $0x38;
	[tilespmem:$0x1F6F8] =	vst v63  }
0x155: {  	_ =	swait.ge @!p1 [sflag:s9], $0x80  }
0x156: {  	[sflag:s9] =	ssyncset.done @!p1 $0x0  }
0x157: {  	[sflag:s9] =	ssyncadd.s32 @!p1 $0xFFFFFF80  }
0x158: {  	v1 =	vld @!p1 [tilespmem:$0xF188];
	_ =	sdelay $0x2  }
0x159: {  	s0 =	sshll.u32 @!p1 s11, $0x9  }
0x15a: {  	s2 =	sshrl.u32 @!p1 s0, $0x2  }
0x15b: {  	[tilespmem:s2+$0xF238] =	vst.add.f32.msk @!p1 $0xffff, v1  }
0x15c: {  	v1 =	vld @!p1 [tilespmem:$0xF198];
	_ =	sdelay $0x4  }
0x15d: {  	[tilespmem:s2+$0xF248] =	vst.add.f32.msk @!p1 $0xffff, v1  }
0x15e: {  	v1 =	vld @!p1 [tilespmem:$0xF1A8];
	_ =	sdelay $0x4  }
0x15f: {  	[tilespmem:s2+$0xF258] =	vst.add.f32.msk @!p1 $0xffff, v1  }
0x160: {  	v1 =	vld @!p1 [tilespmem:$0xF1B8];
	_ =	sdelay $0x4  }
0x161: {  	[tilespmem:s2+$0xF268] =	vst.add.f32.msk @!p1 $0xffff, v1  }
0x162: {  	v1 =	vld @!p1 [tilespmem:$0xF1C8];
	_ =	sdelay $0x4  }
0x163: {  	[tilespmem:s2+$0xF278] =	vst.add.f32.msk @!p1 $0xffff, v1  }
0x164: {  	v1 =	vld @!p1 [tilespmem:$0xF1D8];
	_ =	sdelay $0x4  }
0x165: {  	[tilespmem:s2+$0xF288] =	vst.add.f32.msk @!p1 $0xffff, v1  }
0x166: {  	v1 =	vld @!p1 [tilespmem:$0xF1E8];
	_ =	sdelay $0x4  }
0x167: {  	[tilespmem:s2+$0xF298] =	vst.add.f32.msk @!p1 $0xffff, v1  }
0x168: {  	v1 =	vld @!p1 [tilespmem:$0xF1F8];
	_ =	sdelay $0x4  }
0x169: {  	[tilespmem:s2+$0xF2A8] =	vst.add.f32.msk @!p1 $0xffff, v1  }
0x16a: {  	s0 =	sshrl.u32 s0, $0x2;
	[tilespmem:s6+$0xF218] =	vst.msk $0x1, v0  }
0x16b: {  	v0 =	vld [tilespmem:s0+$0xF238];
	_ =	sdelay $0x2  }
0x16c: {  	s31 =	sshll.u32 s6, $0x9  }
0x16d: {  	s2 =	sshra.s32 s31, $0x2  }
0x16e: {  	[tilespmem:s2+$0xF238] =	vst v0  }
0x16f: {  	v0 =	vld [tilespmem:s0+$0xF248];
	_ =	sdelay $0x4  }
0x170: {  	[tilespmem:s2+$0xF248] =	vst v0  }
0x171: {  	v0 =	vld [tilespmem:s0+$0xF258];
	_ =	sdelay $0x4  }
0x172: {  	[tilespmem:s2+$0xF258] =	vst v0  }
0x173: {  	v0 =	vld [tilespmem:s0+$0xF268];
	_ =	sdelay $0x4  }
0x174: {  	[tilespmem:s2+$0xF268] =	vst v0  }
0x175: {  	v0 =	vld [tilespmem:s0+$0xF278];
	_ =	sdelay $0x4  }
0x176: {  	[tilespmem:s2+$0xF278] =	vst v0  }
0x177: {  	v0 =	vld [tilespmem:s0+$0xF288];
	_ =	sdelay $0x4  }
0x178: {  	[tilespmem:s2+$0xF288] =	vst v0  }
0x179: {  	v0 =	vld [tilespmem:s0+$0xF298];
	_ =	sdelay $0x4  }
0x17a: {  	[tilespmem:s2+$0xF298] =	vst v0  }
0x17b: {  	v0 =	vld [tilespmem:s0+$0xF2A8];
	_ =	sdelay $0x4  }
0x17c: {  	s6 =	sadd.s32 $0x1, s6;
	[tilespmem:s2+$0xF2A8] =	vst v0  }
.LBB2_33:
0x17d: {  	s11 =	sadd.s32 $0x1, s11  }
0x17e: {  	p1 =	sne.s32 s11, $0x20  }
.Ltmp20:
0x17f: {  	_ = 	snop;
	(pc) =	sbr.rel @!p1 .LBB2_34-.Ltmp20, $1  }
0x180: {  	_ =	sdelay $0x3  }
.LBB2_26:
0x181: {  	v0 =	vld.msk [tilespmem:s11+$0xF218], $0x1;
	_ =	sdelay $0x4  }
0x182: {  	(v2sf) =	vpush v0, $0x0;
	_ =	sdelay $0xe  }
0x183: {  	s12 =	spop (v2sf)  }
0x184: {  	p1 =	seq.s32 s12, $0xFFFFFFFF  }
.Ltmp21:
0x185: {  	_ = 	snop;
	(pc) =	sbr.rel @p1 .LBB2_33-.Ltmp21, $1  }
0x186: {  	_ =	sdelay $0x3  }
0x187: {  	p1 =	slt.s32 s6, $0x1  }
.Ltmp22:
0x188: {  	_ = 	snop;
	(pc) =	sbr.rel @p1 .LBB2_32-.Ltmp22, $1  }
0x189: {  	_ =	sdelay $0x3  }
0x18a: {  	s13 =	simm.s32 $0xF218;
	p1 =	por $0x0, $0x0  }
0x18b: {  	v1 =	vld.msk @!p1 [tilespmem:s13+$0x0], $0x1;
	_ =	sdelay $0x4  }
0x18c: {  	(v2sf) =	vpush @!p1 v1, $0x0;
	_ =	sdelay $0xd  }
0x18d: {  	p3 =	sne.s32 s6, $0x1  }
.Ltmp23:
0x18e: {  	s0 =	spop @!p1 (v2sf);
	(pc) =	sbr.rel @!p3 .LBB2_30-.Ltmp23, $4  }
0x18f: {  	p2 =	seq.s32 @!p1 s12, s0  }
0x190: {  	s14 =	simm.s32 $0x0;
	p2 =	por !p2, p1  }
0x191: {  	s2 =	simm.s32 $0xFFFFFFFF;
	s14 =	simm.s32 @p2 $0xFFFFFFFF  }
0x192: {  	s0 =	simm.s32 $0x1;
	s14 =	smov.u32 @p1 s2  }
.LBB2_29:
0x193: {  	s2 =	smov.u32 s14;
	p1 =	sne.s32 s14, $0xFFFFFFFF  }
0x194: {  	s13 =	sadd.s32 $0x1, s13;
	s14 =	smov.u32 s0;
	s0 =	sadd.s32 $0x1, s0  }
0x195: {  	p2 =	sne.s32 s6, s0;
	v1 =	vld.msk @!p1 [tilespmem:s13+$0x0], $0x1;
	_ =	sdelay $0x4  }
0x196: {  	(v2sf) =	vpush @!p1 v1, $0x0;
	_ =	sdelay $0xe  }
.Ltmp24:
0x197: {  	s3 =	spop @!p1 (v2sf);
	(pc) =	sbr.rel @p2 .LBB2_29-.Ltmp24, $4  }
0x198: {  	p3 =	seq.s32 @!p1 s12, s3  }
0x199: {  	p3 =	por !p3, p1  }
0x19a: {  	s14 =	simm.s32 @p3 $0xFFFFFFFF  }
0x19b: {  	s14 =	smov.u32 @p1 s2  }
.LBB2_30:
0x19c: {  	p1 =	seq.s32 s14, $0xFFFFFFFF  }
.Ltmp25:
0x19d: {  	_ = 	snop;
	(pc) =	sbr.rel @p1 .LBB2_32-.Ltmp25, $1  }
0x19e: {  	_ =	sdelay $0x3  }
0x19f: {  	s0 =	sshll.u32 s11, $0x7  }
0x1a0: {  	s0 =	sand.u32 $0x3FFFFF80, s0  }
0x1a1: {  	v0 =	vld [tilespmem:s0+$0xF238];
	_ =	sdelay $0x2  }
0x1a2: {  	s2 =	sshll.u32 s14, $0x9  }
0x1a3: {  	s2 =	sshra.s32 s2, $0x2  }
0x1a4: {  	[tilespmem:s2+$0xF238] =	vst.add.f32.msk $0xffff, v0  }
0x1a5: {  	v0 =	vld [tilespmem:s0+$0xF248];
	_ =	sdelay $0x4  }
0x1a6: {  	[tilespmem:s2+$0xF248] =	vst.add.f32.msk $0xffff, v0  }
0x1a7: {  	v0 =	vld [tilespmem:s0+$0xF258];
	_ =	sdelay $0x4  }
0x1a8: {  	[tilespmem:s2+$0xF258] =	vst.add.f32.msk $0xffff, v0  }
0x1a9: {  	v0 =	vld [tilespmem:s0+$0xF268];
	_ =	sdelay $0x4  }
0x1aa: {  	[tilespmem:s2+$0xF268] =	vst.add.f32.msk $0xffff, v0  }
0x1ab: {  	v0 =	vld [tilespmem:s0+$0xF278];
	_ =	sdelay $0x4  }
0x1ac: {  	[tilespmem:s2+$0xF278] =	vst.add.f32.msk $0xffff, v0  }
0x1ad: {  	v0 =	vld [tilespmem:s0+$0xF288];
	_ =	sdelay $0x4  }
0x1ae: {  	[tilespmem:s2+$0xF288] =	vst.add.f32.msk $0xffff, v0  }
0x1af: {  	v0 =	vld [tilespmem:s0+$0xF298];
	_ =	sdelay $0x4  }
0x1b0: {  	[tilespmem:s2+$0xF298] =	vst.add.f32.msk $0xffff, v0  }
0x1b1: {  	v0 =	vld [tilespmem:s0+$0xF2A8]  }
.Ltmp26:
0x1b2: {  	_ = 	snop;
	(pc) =	sbr.rel .LBB2_33-.Ltmp26, $2  }
0x1b3: {  	_ =	sdelay $0x2  }
0x1b4: {  	[tilespmem:s2+$0xF2A8] =	vst.add.f32.msk $0xffff, v0  }
.LBB2_34:
0x1b5: {  	s0 =	simm.s32 $0x6;
	p1 =	seq.s32 s6, $0x0  }
0x1b6: {  	[sflag:s0] =	ssyncpa.u1 $0x1;
	v0 =	vimm.s32 @p1 $0xFFFFFFFF  }
0x1b7: {  	s9 =	sadd.s32 $0xFFFFFFFF, s6;
	[tilespmem:$0x10238] =	vst @p1 v0  }
0x1b8: {  	v0 =	vld.msk @!p1 [tilespmem:s9+$0xF218], $0x1;
	_ =	sdelay $0x1  }
0x1b9: {  	v1 =	vld.msk @!p1 [tilespmem:$0xF218], $0x1;
	_ =	sdelay $0x2  }
0x1ba: {  	p2 =	seq.s32 @!p1 s9, $0x0;
	v0 =	vbroadcast @!p1 v0, $0x0  }
0x1bb: {  	vm0 =	vmmov @!p1 $0x1;
	p2 =	por !p2, p1  }
0x1bc: {  	v1 =	vnsel @!p1 vm0, $0xFFFFFFFF, v1;
	vm0 =	vcmask @!p1 $0x308;
	v0 =	vpsel !p2, $0xFFFFFFFF, v0  }
0x1bd: {  	p2 =	sne.s32 @!p1 s8, s7;
	v0 =	vsel @!p1 vm0, v1, v0  }
0x1be: {  	s0 =	simm.s32 @!p1 $0xF238;
	s2 =	simm.s32 @!p1 $0x0;
	p3 =	por !p2, p1;
	[tilespmem:$0x10238] =	vst @!p1 v0  }
0x1bf: {  	[spmem:s2] =	stream.linear.scatter @!p1 [tilespmem:s0], [sflag:$0x1], $0x80, $0x38;
	[tilespmem:$0x1F6F8] =	vst v63  }
0x1c0: {  	s0 =	sshll.u32 @!p3 s9, $0x9  }
0x1c1: {  	s0 =	sshra.s32 @!p3 s0, $0x2  }
0x1c2: {  	s2 =	simm.s32 @!p3 $0x80;
	s0 =	sadd.s32 @!p3 $0xF238, s0  }
0x1c3: {  	[spmem:s2] =	stream.linear.scatter @!p3 [tilespmem:s0], [sflag:$0x1], $0x80, $0x38;
	[tilespmem:$0x1F6F8] =	vst v63  }
0x1c4: {  	s0 =	simm.s32 @!p3 $0x1  }
0x1c5: {  	_ =	swait.ge @!p3 [sflag:s0], $0x100  }
0x1c6: {  	p1 =	por p2, p1;
	[sflag:s0] =	ssyncset.done @!p3 $0x0  }
0x1c7: {  	[sflag:s0] =	ssyncadd.s32 @!p3 $0xFFFFFF00;
	s0 =	simm.s32 @!p1 $0x1  }
0x1c8: {  	_ =	swait.ge @!p1 [sflag:s0], $0x80  }
0x1c9: {  	s29 =	simm.s32 $0x10238;
	[sflag:s0] =	ssyncset.done @!p1 $0x0  }
0x1ca: {  	s30 =	simm.s32 $0x1000;
	s31 =	simm.s32 $0x1;
	[sflag:s0] =	ssyncadd.s32 @!p1 $0xFFFFFF80  }
0x1cb: {  	[spmem:s30] =	stream.linear.scatter [tilespmem:s29], [sflag:$0x1], $0x10, $0x38;
	[tilespmem:$0x1F6F8] =	vst v63  }
0x1cc: {  	_ =	swait.ge [sflag:s31], $0x10  }
0x1cd: {  	[sflag:s31] =	ssyncset.done $0x0  }
0x1ce: {  	p1 =	seq.s32 s15, $0x0;
	s8 =	rddreg [dreg:$0x1];
	[sflag:s31] =	ssyncadd.s32 $0xFFFFFFF0  }
0x1cf: {  	s2 =	sshll.u32 @p1 s8, $0xE;
	s7 =	rddreg [dreg:$0x2]  }
0x1d0: {  	s0 =	sadd.s32 @p1 $0x15C3C, s2;
	s2 =	sshll.u32 @p1 s7, $0x11  }
0x1d1: {  	_ =	sfence.stream.spmem;
	s0 =	sor.u32 @p1 s2, s0  }
0x1d2: {  	[sflag:s0] =	ssyncadd.remote.s32 @p1 $0x1;
	s0 =	simm.s32 @p1 $0x4  }
0x1d3: {  	s3 =	simm.s32 @!p1 $0x3C;
	s2 =	sand.u32 $0xFFFFFFFE, s8;
	_ =	swait.ge @p1 [sflag:s0], $0x22  }
0x1d4: {  	s4 =	simm.s32 @!p1 $0x0;
	s2 =	sadd.s32 @!p1 $0x4, s2;
	[sflag:s0] =	ssyncset.done @p1 $0x0  }
0x1d5: {  	s5 =	simm.s32 @!p1 $0x100;
	[sflag:s0] =	ssyncadd.s32 @p1 $0xFFFFFFDE;
	s0 =	sshll.u32 @!p1 s2, $0x1A  }
0x1d6: {  	s2 =	sshll.u32 @!p1 s2, $0xD;
	s0 =	sor.u32 @!p1 s0, s7;
	_ =	swait.eq @!p1 [sflag:s3], $0x1  }
0x1d7: {  	s2 =	sor.u32 @!p1 $0x1C04, s2;
	s3 =	simm.s32 @!p1 $0x1C03;
	s0 =	sor.u32 @!p1 $0x80004000, s0  }
0x1d8: {  	[spmem:s5], [sflag:s2] =	dma.general @!p1 [spmem:s4], [sflag:s3], length:$0x20, [dreg:$0x0], stride_count:$0x0, ici_dest:s0, dma_misc:DstOpCode:WRITE  }
0x1d9: {  	p2 =	slt.s32 s9, $0x2;
	s4 =	simm.s32 @!p1 $0x200;
	s5 =	simm.s32 @!p1 $0x202  }
0x1da: {  	[spmem:s5], [sflag:s2] =	dma.general @!p1 [spmem:s4], [sflag:s3], length:$0x2, [dreg:$0x0], stride_count:$0x0, ici_dest:s0, dma_misc:DstOpCode:WRITE  }
.Ltmp27:
0x1db: {  	s0 =	simm.s32 @!p1 $0x3;
	(pc) =	sbr.rel @p2 .LBB2_38-.Ltmp27, $4  }
0x1dc: {  	s2 =	sshll.u32 @!p1 s8, $0xE;
	_ =	swait.ge @!p1 [sflag:s0], $0x22  }
0x1dd: {  	s3 =	sshll.u32 @!p1 s7, $0x11;
	s2 =	sadd.s32 @!p1 $0x11C3C, s2;
	[sflag:s0] =	ssyncset.done @!p1 $0x0  }
0x1de: {  	[sflag:s0] =	ssyncadd.s32 @!p1 $0xFFFFFFDE;
	s0 =	sor.u32 @!p1 s3, s2  }
0x1df: {  	[sflag:s0] =	ssyncadd.remote.s32 @!p1 $0xFFFFFFFF;
	s0 =	simm.s32 $0x0  }
0x1e0: {  	s0 =	simm.s32 $0xF219  }
0x1e1: {  	v0 =	vld.msk [tilespmem:s0+$0x0], $0x1;
	_ =	sdelay $0x4  }
0x1e2: {  	(v2sf) =	vpush v0, $0x0;
	_ =	sdelay $0xb  }
0x1e3: {  	s31 =	sadd.s32 $0xFFFFFFFE, s6  }
0x1e4: {  	s0 =	sadd.s32 $0xFFFFFFFF, s31  }
0x1e5: {  	p2 =	sne.s32 s0, $0x0  }
.Ltmp28:
0x1e6: {  	s2 =	spop (v2sf);
	(pc) =	sbr.rel @!p2 .LBB2_37-.Ltmp28, $4  }
0x1e7: {  	s4 =	simm.s32 $0xF2B8;
	s7 =	simm.s32 $0x0;
	p1 =	sgt.u32 s2, $0x270F0  }
0x1e8: {  	s5 =	simm.s32 $0x0;
	s6 =	simm.s32 $0xF21A;
	s3 =	sand.u32 @!p1 $0x3FFF8, s2  }
0x1e9: {  	s2 =	sand.u32 @!p1 $0x7, s2;
	s7 =	simm.s32 @!p1 $0x200;
	s3 =	sadd.s32 @!p1 s1, s3  }
0x1ea: {  	[hbm4b:s3+s2] =	stream.linear.scatter @!p1 [tilespmem:s4], [sflag:$0x5], $0x80, $0x38;
	[tilespmem:$0x1F6F8] =	vst v63  }
.LBB2_36:
0x1eb: {  	v0 =	vld.msk [tilespmem:s6+$0x0], $0x1;
	s0 =	sadd.s32 $0xFFFFFFFF, s0;
	s5 =	sadd.s32 s5, s7  }
0x1ec: {  	p1 =	sne.s32 s0, $0x0;
	_ =	sdelay $0x3  }
0x1ed: {  	(v2sf) =	vpush v0, $0x0;
	_ =	sdelay $0xe  }
.Ltmp29:
0x1ee: {  	s2 =	spop (v2sf);
	(pc) =	sbr.rel @p1 .LBB2_36-.Ltmp29, $4  }
0x1ef: {  	s7 =	simm.s32 $0x0;
	p2 =	sgt.u32 s2, $0x270F0  }
0x1f0: {  	s4 =	sadd.s32 $0x80, s4;
	s7 =	simm.s32 @!p2 $0x200;
	s3 =	sand.u32 @!p2 $0x3FFF8, s2  }
0x1f1: {  	s6 =	sadd.s32 $0x1, s6;
	s2 =	sand.u32 @!p2 $0x7, s2;
	s3 =	sadd.s32 @!p2 s1, s3  }
0x1f2: {  	[hbm4b:s3+s2] =	stream.linear.scatter @!p2 [tilespmem:s4], [sflag:$0x5], $0x80, $0x38;
	[tilespmem:$0x1F6F8] =	vst v63  }
.LBB2_37:
0x1f3: {  	s0 =	sadd.s32 s5, s7  }
0x1f4: {  	s0 =	sshrl.u32 s0, $0x2  }
.LBB2_38:
0x1f5: {  	s2 =	simm.s32 $0x5  }
0x1f6: {  	_ =	swait.ge [sflag:s2], s0  }
0x1f7: {  	s31 =	ssub.s32 $0x0, s0;
	[sflag:s2] =	ssyncset.done $0x0  }
0x1f8: {  	[sflag:s2] =	ssyncadd.s32 s31  }
0x1f9: {  	[sflag:s2] =	ssyncpa.u1 $0x1  }
.LBB2_39:
0x1fa: {  	s0 =	sor.u32 s15, s16  }
0x1fb: {  	p1 =	sne.s32 s0, $0x0  }
.Ltmp30:
0x1fc: {  	_ = 	snop;
	(pc) =	sbr.rel @p1 .LBB2_54-.Ltmp30, $3  }
0x1fd: {  	_ =	sdelay $0x1  }
0x1fe: {  	[bflag:$0x0] =	sbarrier.arrive $0xFFFF  }
0x1ff: {  	_ =	sfence  }
0x200: {  	s0 =	simm.s32 $0x7  }
0x201: {  	s2 =	simm.s32 $0x1000;
	s3 =	simm.s32 $0xF218;
	[sflag:s0] =	ssyncpa.u1 $0x0  }
0x202: {  	[tilespmem:s3], [sflag:$0x7] =	stream.linear.gather [spmem:s2], $0x20, $0x38;
	[tilespmem:$0x1F6F8] =	vst v63  }
0x203: {  	s30 =	simm.s32 $0xF238;
	s2 =	simm.s32 $0x0  }
0x204: {  	[tilespmem:s30], [sflag:$0x7] =	stream.linear.gather [spmem:s2], $0x1000, $0x38;
	[tilespmem:$0x1F6F8] =	vst v63  }
.Ltmp31:
0x205: {  	_ = 	snop;
	(pc) =	sbr.rel .LBB2_41-.Ltmp31, $4  }
0x206: {  	_ =	swait.ge [sflag:s0], $0x1020  }
0x207: {  	[sflag:s0] =	ssyncset.done $0x0  }
0x208: {  	s31 =	simm.s32 $0x8;
	[sflag:s0] =	ssyncadd.s32 $0xFFFFEFE0  }
0x209: {  	s3 =	simm.s32 $0x0;
	[sflag:s31] =	ssyncpa.u1 $0x0  }
.LBB2_47:
0x20a: {  	p1 =	slt.u32 s4, $0x270F1  }
0x20b: {  	s0 =	sand.u32 @p1 $0x3FFF8, s4  }
0x20c: {  	s4 =	sand.u32 @p1 $0x7, s4;
	s5 =	simm.s32 @p1 $0xF188;
	s0 =	sadd.s32 @p1 s1, s0  }
0x20d: {  	[tilespmem:s5], [sflag:$0x8] =	stream.linear.gather @p1 [hbm4b:s0+s4], $0x80, $0x38;
	[tilespmem:$0x1F6F8] =	vst v63  }
0x20e: {  	s0 =	simm.s32 @p1 $0x8  }
0x20f: {  	_ =	swait.ge @p1 [sflag:s0], $0x80  }
0x210: {  	[sflag:s0] =	ssyncset.done @p1 $0x0  }
0x211: {  	[sflag:s0] =	ssyncadd.s32 @p1 $0xFFFFFF80  }
0x212: {  	v1 =	vld @p1 [tilespmem:$0xF188];
	_ =	sdelay $0x2  }
0x213: {  	s0 =	sshll.u32 @p1 s3, $0x9  }
0x214: {  	s4 =	sshrl.u32 @p1 s0, $0x2  }
0x215: {  	[tilespmem:s4+$0xF238] =	vst.add.f32.msk @p1 $0xffff, v1  }
0x216: {  	v1 =	vld @p1 [tilespmem:$0xF198];
	_ =	sdelay $0x4  }
0x217: {  	[tilespmem:s4+$0xF248] =	vst.add.f32.msk @p1 $0xffff, v1  }
0x218: {  	v1 =	vld @p1 [tilespmem:$0xF1A8];
	_ =	sdelay $0x4  }
0x219: {  	[tilespmem:s4+$0xF258] =	vst.add.f32.msk @p1 $0xffff, v1  }
0x21a: {  	v1 =	vld @p1 [tilespmem:$0xF1B8];
	_ =	sdelay $0x4  }
0x21b: {  	[tilespmem:s4+$0xF268] =	vst.add.f32.msk @p1 $0xffff, v1  }
0x21c: {  	v1 =	vld @p1 [tilespmem:$0xF1C8];
	_ =	sdelay $0x4  }
0x21d: {  	[tilespmem:s4+$0xF278] =	vst.add.f32.msk @p1 $0xffff, v1  }
0x21e: {  	v1 =	vld @p1 [tilespmem:$0xF1D8];
	_ =	sdelay $0x4  }
0x21f: {  	[tilespmem:s4+$0xF288] =	vst.add.f32.msk @p1 $0xffff, v1  }
0x220: {  	v1 =	vld @p1 [tilespmem:$0xF1E8];
	_ =	sdelay $0x4  }
0x221: {  	[tilespmem:s4+$0xF298] =	vst.add.f32.msk @p1 $0xffff, v1  }
0x222: {  	v1 =	vld @p1 [tilespmem:$0xF1F8];
	_ =	sdelay $0x3  }
0x223: {  	s5 =	sshll.u32 @!p1 s3, $0x9  }
0x224: {  	s5 =	smov.u32 @p1 s0;
	[tilespmem:s4+$0xF2A8] =	vst.add.f32.msk @p1 $0xffff, v1  }
0x225: {  	s0 =	sshrl.u32 s5, $0x2;
	[tilespmem:s2+$0xF218] =	vst.msk $0x1, v0  }
0x226: {  	v0 =	vld [tilespmem:s0+$0xF238];
	_ =	sdelay $0x2  }
0x227: {  	s31 =	sshll.u32 s2, $0x9  }
0x228: {  	s4 =	sshra.s32 s31, $0x2  }
0x229: {  	[tilespmem:s4+$0xF238] =	vst v0  }
0x22a: {  	v0 =	vld [tilespmem:s0+$0xF248];
	_ =	sdelay $0x4  }
0x22b: {  	[tilespmem:s4+$0xF248] =	vst v0  }
0x22c: {  	v0 =	vld [tilespmem:s0+$0xF258];
	_ =	sdelay $0x4  }
0x22d: {  	[tilespmem:s4+$0xF258] =	vst v0  }
0x22e: {  	v0 =	vld [tilespmem:s0+$0xF268];
	_ =	sdelay $0x4  }
0x22f: {  	[tilespmem:s4+$0xF268] =	vst v0  }
0x230: {  	v0 =	vld [tilespmem:s0+$0xF278];
	_ =	sdelay $0x4  }
0x231: {  	[tilespmem:s4+$0xF278] =	vst v0  }
0x232: {  	v0 =	vld [tilespmem:s0+$0xF288];
	_ =	sdelay $0x4  }
0x233: {  	[tilespmem:s4+$0xF288] =	vst v0  }
0x234: {  	v0 =	vld [tilespmem:s0+$0xF298];
	_ =	sdelay $0x4  }
0x235: {  	[tilespmem:s4+$0xF298] =	vst v0  }
0x236: {  	v0 =	vld [tilespmem:s0+$0xF2A8];
	_ =	sdelay $0x4  }
0x237: {  	s2 =	sadd.s32 $0x1, s2;
	[tilespmem:s4+$0xF2A8] =	vst v0  }
.LBB2_48:
0x238: {  	s3 =	sadd.s32 $0x1, s3  }
0x239: {  	p1 =	sne.s32 s3, $0x20  }
.Ltmp32:
0x23a: {  	_ = 	snop;
	(pc) =	sbr.rel @!p1 .LBB2_49-.Ltmp32, $1  }
0x23b: {  	_ =	sdelay $0x3  }
.LBB2_41:
0x23c: {  	v0 =	vld.msk [tilespmem:s3+$0xF218], $0x1;
	_ =	sdelay $0x4  }
0x23d: {  	(v2sf) =	vpush v0, $0x0;
	_ =	sdelay $0xe  }
0x23e: {  	s4 =	spop (v2sf)  }
0x23f: {  	p1 =	seq.s32 s4, $0xFFFFFFFF  }
.Ltmp33:
0x240: {  	_ = 	snop;
	(pc) =	sbr.rel @p1 .LBB2_48-.Ltmp33, $1  }
0x241: {  	_ =	sdelay $0x3  }
0x242: {  	p1 =	slt.s32 s2, $0x1  }
.Ltmp34:
0x243: {  	_ = 	snop;
	(pc) =	sbr.rel @p1 .LBB2_47-.Ltmp34, $1  }
0x244: {  	_ =	sdelay $0x3  }
0x245: {  	s5 =	simm.s32 $0xF218;
	p1 =	por $0x0, $0x0  }
0x246: {  	v1 =	vld.msk @!p1 [tilespmem:s5+$0x0], $0x1;
	_ =	sdelay $0x4  }
0x247: {  	(v2sf) =	vpush @!p1 v1, $0x0;
	_ =	sdelay $0xd  }
0x248: {  	p3 =	sne.s32 s2, $0x1  }
.Ltmp35:
0x249: {  	s0 =	spop @!p1 (v2sf);
	(pc) =	sbr.rel @!p3 .LBB2_45-.Ltmp35, $4  }
0x24a: {  	p2 =	seq.s32 @!p1 s4, s0  }
0x24b: {  	s6 =	simm.s32 $0x0;
	p2 =	por !p2, p1  }
0x24c: {  	s7 =	simm.s32 $0xFFFFFFFF;
	s6 =	simm.s32 @p2 $0xFFFFFFFF  }
0x24d: {  	s0 =	simm.s32 $0x1;
	s6 =	smov.u32 @p1 s7  }
.LBB2_44:
0x24e: {  	s7 =	smov.u32 s6;
	p1 =	sne.s32 s6, $0xFFFFFFFF  }
0x24f: {  	s5 =	sadd.s32 $0x1, s5;
	s6 =	smov.u32 s0;
	s0 =	sadd.s32 $0x1, s0  }
0x250: {  	p2 =	sne.s32 s2, s0;
	v1 =	vld.msk @!p1 [tilespmem:s5+$0x0], $0x1;
	_ =	sdelay $0x4  }
0x251: {  	(v2sf) =	vpush @!p1 v1, $0x0;
	_ =	sdelay $0xe  }
.Ltmp36:
0x252: {  	s8 =	spop @!p1 (v2sf);
	(pc) =	sbr.rel @p2 .LBB2_44-.Ltmp36, $4  }
0x253: {  	p3 =	seq.s32 @!p1 s4, s8  }
0x254: {  	p3 =	por !p3, p1  }
0x255: {  	s6 =	simm.s32 @p3 $0xFFFFFFFF  }
0x256: {  	s6 =	smov.u32 @p1 s7  }
.LBB2_45:
0x257: {  	p1 =	seq.s32 s6, $0xFFFFFFFF  }
.Ltmp37:
0x258: {  	_ = 	snop;
	(pc) =	sbr.rel @p1 .LBB2_47-.Ltmp37, $1  }
0x259: {  	_ =	sdelay $0x3  }
0x25a: {  	s0 =	sshll.u32 s3, $0x7  }
0x25b: {  	s0 =	sand.u32 $0x3FFFFF80, s0  }
0x25c: {  	v0 =	vld [tilespmem:s0+$0xF238];
	_ =	sdelay $0x2  }
0x25d: {  	s4 =	sshll.u32 s6, $0x9  }
0x25e: {  	s4 =	sshra.s32 s4, $0x2  }
0x25f: {  	[tilespmem:s4+$0xF238] =	vst.add.f32.msk $0xffff, v0  }
0x260: {  	v0 =	vld [tilespmem:s0+$0xF248];
	_ =	sdelay $0x4  }
0x261: {  	[tilespmem:s4+$0xF248] =	vst.add.f32.msk $0xffff, v0  }
0x262: {  	v0 =	vld [tilespmem:s0+$0xF258];
	_ =	sdelay $0x4  }
0x263: {  	[tilespmem:s4+$0xF258] =	vst.add.f32.msk $0xffff, v0  }
0x264: {  	v0 =	vld [tilespmem:s0+$0xF268];
	_ =	sdelay $0x4  }
0x265: {  	[tilespmem:s4+$0xF268] =	vst.add.f32.msk $0xffff, v0  }
0x266: {  	v0 =	vld [tilespmem:s0+$0xF278];
	_ =	sdelay $0x4  }
0x267: {  	[tilespmem:s4+$0xF278] =	vst.add.f32.msk $0xffff, v0  }
0x268: {  	v0 =	vld [tilespmem:s0+$0xF288];
	_ =	sdelay $0x4  }
0x269: {  	[tilespmem:s4+$0xF288] =	vst.add.f32.msk $0xffff, v0  }
0x26a: {  	v0 =	vld [tilespmem:s0+$0xF298];
	_ =	sdelay $0x4  }
0x26b: {  	[tilespmem:s4+$0xF298] =	vst.add.f32.msk $0xffff, v0  }
0x26c: {  	v0 =	vld [tilespmem:s0+$0xF2A8]  }
.Ltmp38:
0x26d: {  	_ = 	snop;
	(pc) =	sbr.rel .LBB2_48-.Ltmp38, $2  }
0x26e: {  	_ =	sdelay $0x2  }
0x26f: {  	[tilespmem:s4+$0xF2A8] =	vst.add.f32.msk $0xffff, v0  }
.LBB2_49:
0x270: {  	p1 =	slt.s32 s2, $0x1  }
.Ltmp39:
0x271: {  	_ = 	snop;
	(pc) =	sbr.rel @p1 .LBB2_53-.Ltmp39, $3  }
0x272: {  	_ =	sdelay $0x1  }
0x273: {  	s0 =	simm.s32 $0x8  }
0x274: {  	s3 =	simm.s32 $0x0;
	[sflag:s0] =	ssyncpa.u1 $0x1  }
0x275: {  	s0 =	simm.s32 $0xF218  }
0x276: {  	v0 =	vld.msk [tilespmem:s0+$0x0], $0x1;
	_ =	sdelay $0x4  }
0x277: {  	(v2sf) =	vpush v0, $0x0;
	_ =	sdelay $0xe  }
0x278: {  	s0 =	sadd.s32 $0xFFFFFFFF, s2;
	s5 =	spop (v2sf)  }
0x279: {  	p2 =	sne.s32 s0, $0x0;
	p1 =	sgt.u32 s5, $0x270F0  }
.Ltmp40:
0x27a: {  	s6 =	sand.u32 @!p1 $0x3FFF8, s5;
	(pc) =	sbr.rel @!p2 .LBB2_52-.Ltmp40, $4  }
0x27b: {  	s4 =	simm.s32 $0xF238;
	s5 =	sand.u32 @!p1 $0x7, s5;
	s2 =	sadd.s32 @!p1 s1, s6  }
0x27c: {  	[hbm4b:s2+s5] =	stream.linear.scatter @!p1 [tilespmem:s4], [sflag:$0x7], $0x80, $0x38;
	[tilespmem:$0x1F6F8] =	vst v63  }
0x27d: {  	s5 =	simm.s32 $0x0  }
0x27e: {  	s2 =	simm.s32 $0xF219;
	s5 =	simm.s32 @!p1 $0x200  }
.LBB2_51:
0x27f: {  	v0 =	vld.msk [tilespmem:s2+$0x0], $0x1;
	s0 =	sadd.s32 $0xFFFFFFFF, s0;
	s3 =	sadd.s32 s3, s5  }
0x280: {  	p1 =	sne.s32 s0, $0x0;
	_ =	sdelay $0x3  }
0x281: {  	(v2sf) =	vpush v0, $0x0;
	_ =	sdelay $0xe  }
.Ltmp41:
0x282: {  	s6 =	spop (v2sf);
	(pc) =	sbr.rel @p1 .LBB2_51-.Ltmp41, $4  }
0x283: {  	s5 =	simm.s32 $0x0;
	p2 =	sgt.u32 s6, $0x270F0  }
0x284: {  	s4 =	sadd.s32 $0x80, s4;
	s5 =	simm.s32 @!p2 $0x200;
	s7 =	sand.u32 @!p2 $0x3FFF8, s6  }
0x285: {  	s2 =	sadd.s32 $0x1, s2;
	s6 =	sand.u32 @!p2 $0x7, s6;
	s7 =	sadd.s32 @!p2 s1, s7  }
0x286: {  	[hbm4b:s7+s6] =	stream.linear.scatter @!p2 [tilespmem:s4], [sflag:$0x7], $0x80, $0x38;
	[tilespmem:$0x1F6F8] =	vst v63  }
.LBB2_52:
0x287: {  	s0 =	sadd.s32 s3, s5  }
0x288: {  	s3 =	sshrl.u32 s0, $0x2  }
.LBB2_53:
0x289: {  	s0 =	simm.s32 $0x7  }
0x28a: {  	_ =	swait.ge [sflag:s0], s3  }
0x28b: {  	s1 =	ssub.s32 $0x0, s3;
	[sflag:s0] =	ssyncset.done $0x0  }
0x28c: {  	[sflag:s0] =	ssyncadd.s32 s1  }
0x28d: {  	[sflag:s0] =	ssyncpa.u1 $0x1  }
.LBB2_54:
0x28e: {  	_ =	sfence;
	s0 =	simm.s32 $0x1  }
0x28f: {  	[sflag:s0] =	ssyncpa.u1 $0x1  }
0x290: {  	_ =	strace $0x9000004A  }
0x291: {  	[bflag:$0x2] =	sbarrier.arrive $0xFFFF  }
0x292: {  	s0 =	rddreg [dreg:$0x3]  }
0x293: {  	s0 =	sadd.s32 @!p0 $0x100000, s0  }
0x294: {  	[sflag:s0] =	ssyncadd.tile.s32 @!p0 $0x1;
	_ =	shalt  }
.Lfunc_end2:
_tile_overlayer_lowered:
.L_overlay_start_2:
0x295: {  	(tag) =	ssettag $0x2  }
0x296: {  	s0 =	rddreg [dreg:$0x0];
	s2 =	stileid.u32  }
0x297: {  	s1 =	rddreg [dreg:$0x1];
	p0 =	sne.s32 s2, $0x0  }
0x298: {  	s3 =	rddreg [dreg:$0x2];
	[bflag:$0x3] =	sbarrier.arrive $0xFFFF;
	s2 =	simm.s32 @!p0 $0x1C01  }
0x299: {  	[timem:s3], [sflag:s2] =	dma.local @!p0 [hbm:s0], s1  }
0x29a: {  	s0 =	simm.s32 @!p0 $0x1  }
0x29b: {  	_ =	swait.ge @!p0 [sflag:s0], s1  }
0x29c: {  	s1 =	ssub.s32 @!p0 $0x0, s1;
	[sflag:s0] =	ssyncset.done @!p0 $0x0  }
0x29d: {  	[sflag:s0] =	ssyncadd.s32 @!p0 s1  }
0x29e: {  	[bflag:$0x3] =	sbarrier.arrive $0xFFFF  }
0x29f: {  	_ =	shalt  }

</sc_bundles>
